<compile_context>
chip_gen: v7x
topology: tpu7x:2x2x1
jax: 0.10.2.dev20260603
libtpu: 0.0.44.dev20260713+nightly
codegen_flags: <defaults>
</compile_context>

<pallas_src>
import functools

import jax
import jax.numpy as jnp
from jax import lax
from jax.experimental import pallas as pl
from jax.experimental.pallas import tpu as pltpu
from jax.experimental.pallas import tpu_sc as plsc

NQ = 10000
NS = 10000
K = 3
ND = 128
ED = 16
HID = 128
PPAD = 128

_pallas_call = pl.pallas_call

QB_KNN = 400


def _knn_body(qp_ref, spt_ref, idx_ref, dsel_ref):
    qp = qp_ref[...]
    spt = spt_ref[...]
    qb = qp.astype(jnp.bfloat16)
    sbt = spt.astype(jnp.bfloat16)
    sumq = jnp.sum(qp * qp, axis=1, keepdims=True)
    sums = jnp.sum(spt * spt, axis=0, keepdims=True)
    dot = lax.dot_general(qb, sbt, (((1,), (0,)), ((), ())),
                          preferred_element_type=jnp.float32)
    d2 = (sumq + sums) - 2.0 * dot
    iota = lax.broadcasted_iota(jnp.int32, d2.shape, 1)
    dw = jnp.maximum(d2, 1e-12)
    for k in range(K):
        m = jnp.min(dw, axis=1, keepdims=True)
        i = jnp.min(jnp.where(dw == m, iota, jnp.int32(2 ** 30)),
                    axis=1, keepdims=True)
        idx_ref[:, k:k + 1] = i
        dsel_ref[:, k:k + 1] = jnp.sqrt(m)
        if k < K - 1:
            dw = jnp.where(iota == i, jnp.float32(jnp.inf), dw)


def _knn(qpos, spos):
    grid = (NQ // QB_KNN,)
    idx, dsel = _pallas_call(
        _knn_body,
        grid=grid,
        in_specs=[
            pl.BlockSpec((QB_KNN, 3), lambda i: (i, 0)),
            pl.BlockSpec((3, NS), lambda i: (0, 0)),
        ],
        out_specs=[
            pl.BlockSpec((QB_KNN, K), lambda i: (i, 0)),
            pl.BlockSpec((QB_KNN, K), lambda i: (i, 0)),
        ],
        out_shape=[
            jax.ShapeDtypeStruct((NQ, K), jnp.int32),
            jax.ShapeDtypeStruct((NQ, K), jnp.float32),
        ],
    )(qpos, spos.T)
    return idx, dsel


BPAD = 30720
CHUNK = 120


def _gather_rows(table, idx2d):
    info = plsc.get_sparse_core_info()
    nc, nsub = info.num_cores, info.num_subcores
    nw = nc * nsub
    cpw = BPAD // nw // CHUNK
    mesh = plsc.VectorSubcoreMesh(core_axis_name="c", subcore_axis_name="s")

    @functools.partial(
        pl.kernel, mesh=mesh,
        out_type=jax.ShapeDtypeStruct((BPAD, ND), jnp.float32),
        scratch_types=[
            pltpu.VMEM((cpw, CHUNK), jnp.int32),
            pltpu.VMEM((cpw, CHUNK, ND), jnp.float32),
            pltpu.SemaphoreType.DMA,
            pltpu.SemaphoreType.DMA,
        ],
    )
    def gk(table_hbm, idx_hbm, out_hbm, idx_v, rows_v, sem_g, sem_o):
        wid = lax.axis_index("s") * nc + lax.axis_index("c")
        rowbase = wid * cpw
        pltpu.sync_copy(idx_hbm.at[pl.ds(rowbase, cpw)], idx_v)
        gets = [pltpu.async_copy(table_hbm.at[idx_v.at[j]], rows_v.at[j],
                                 sem_g) for j in range(cpw)]
        for c in gets:
            c.wait()
        puts = [pltpu.async_copy(rows_v.at[j],
                                 out_hbm.at[pl.ds((rowbase + j) * CHUNK,
                                                  CHUNK)],
                                 sem_o) for j in range(cpw)]
        for c in puts:
            c.wait()

    return gk(table, idx2d)


QB = 1000


_SQRT_HALF = 0.7071067811865476


def _gelu(x):
    return 0.5 * x * (1.0 + lax.erf(x * _SQRT_HALF))


def _init_enc_body(g_ref, d_ref, wbar_ref, b1_ref, w2_ref, b2_ref,
                   pn_ref, e_ref):
    g = g_ref[...]
    pn_ref[...] = ((g[0] + g[1]) + g[2]) / 3.0
    wbar = wbar_ref[...]
    b1 = b1_ref[...]
    w2 = w2_ref[...]
    b2 = b2_ref[...]
    for k in range(K):
        dk = d_ref[k]
        h = _gelu(dk * wbar + b1)
        e_ref[k] = jnp.dot(h, w2, preferred_element_type=jnp.float32) + b2


def _init_enc(g, dsel_t, wbar, b1, w2, b2):
    grid = (NQ // QB,)
    pn, e = _pallas_call(
        _init_enc_body,
        grid=grid,
        in_specs=[
            pl.BlockSpec((K, QB, ND), lambda i: (0, i, 0)),
            pl.BlockSpec((K, QB, 1), lambda i: (0, i, 0)),
            pl.BlockSpec((1, HID), lambda i: (0, 0)),
            pl.BlockSpec((1, HID), lambda i: (0, 0)),
            pl.BlockSpec((HID, ED), lambda i: (0, 0)),
            pl.BlockSpec((1, ED), lambda i: (0, 0)),
        ],
        out_specs=[
            pl.BlockSpec((QB, ND), lambda i: (i, 0)),
            pl.BlockSpec((K, QB, ED), lambda i: (0, i, 0)),
        ],
        out_shape=[
            jax.ShapeDtypeStruct((NQ, ND), jnp.float32),
            jax.ShapeDtypeStruct((K, NQ, ED), jnp.float32),
        ],
    )(g, dsel_t, wbar, b1, w2, b2)
    return pn, e


def _layer_body(pn_ref, sf_ref, e_ref, w1s_ref, w1r_ref, w1e_ref, b1_ref,
                w2_ref, b2_ref, wn1p_ref, wn1a_ref, bn1_ref, wn2_ref, bn2_ref,
                pno_ref, eo_ref):
    pn = pn_ref[...]
    rterm = (jnp.dot(pn, w1r_ref[...], preferred_element_type=jnp.float32)
             + b1_ref[...])
    en = []
    for k in range(K):
        h = _gelu(jnp.dot(sf_ref[k], w1s_ref[...],
                          preferred_element_type=jnp.float32)
                  + jnp.dot(e_ref[k], w1e_ref[...],
                            preferred_element_type=jnp.float32)
                  + rterm)
        enk = (jnp.dot(h, w2_ref[...], preferred_element_type=jnp.float32)
               + b2_ref[...])
        en.append(enk)
        eo_ref[k] = e_ref[k] + enk
    agg = (en[0] + en[1]) + en[2]
    hn = _gelu(jnp.dot(pn, wn1p_ref[...], preferred_element_type=jnp.float32)
               + jnp.dot(agg, wn1a_ref[...], preferred_element_type=jnp.float32)
               + bn1_ref[...])
    pno_ref[...] = pn + (jnp.dot(hn, wn2_ref[...],
                                 preferred_element_type=jnp.float32)
                         + bn2_ref[...])


def _layer(pn, sf, e, lw):
    grid = (NQ // QB,)
    wspecs = [pl.BlockSpec(w.shape, lambda i: tuple(0 for _ in w.shape))
              for w in lw]
    pno, eo = _pallas_call(
        _layer_body,
        grid=grid,
        in_specs=[
            pl.BlockSpec((QB, ND), lambda i: (i, 0)),
            pl.BlockSpec((K, QB, ND), lambda i: (0, i, 0)),
            pl.BlockSpec((K, QB, ED), lambda i: (0, i, 0)),
        ] + wspecs,
        out_specs=[
            pl.BlockSpec((QB, ND), lambda i: (i, 0)),
            pl.BlockSpec((K, QB, ED), lambda i: (0, i, 0)),
        ],
        out_shape=[
            jax.ShapeDtypeStruct((NQ, ND), jnp.float32),
            jax.ShapeDtypeStruct((K, NQ, ED), jnp.float32),
        ],
    )(pn, sf, e, *lw)
    return pno, eo


def _layer2_out_body(pn_ref, sf_ref, e_ref, w1s_ref, w1r_ref, w1e_ref,
                     b1_ref, w2_ref, b2_ref, wn1p_ref, wn1a_ref, bn1_ref,
                     wn2_ref, bn2_ref, wo1_ref, bo1_ref, wo2_ref, bo2_ref,
                     wo3_ref, bo3_ref, out_ref):
    pn = pn_ref[...]
    rterm = (jnp.dot(pn, w1r_ref[...], preferred_element_type=jnp.float32)
             + b1_ref[...])
    en = []
    for k in range(K):
        h = _gelu(jnp.dot(sf_ref[k], w1s_ref[...],
                          preferred_element_type=jnp.float32)
                  + jnp.dot(e_ref[k], w1e_ref[...],
                            preferred_element_type=jnp.float32)
                  + rterm)
        en.append(jnp.dot(h, w2_ref[...], preferred_element_type=jnp.float32)
                  + b2_ref[...])
    agg = (en[0] + en[1]) + en[2]
    hn = _gelu(jnp.dot(pn, wn1p_ref[...], preferred_element_type=jnp.float32)
               + jnp.dot(agg, wn1a_ref[...], preferred_element_type=jnp.float32)
               + bn1_ref[...])
    po = pn + (jnp.dot(hn, wn2_ref[...], preferred_element_type=jnp.float32)
               + bn2_ref[...])
    h1 = _gelu(jnp.dot(po, wo1_ref[...], preferred_element_type=jnp.float32)
               + bo1_ref[...])
    h2 = _gelu(jnp.dot(h1, wo2_ref[...], preferred_element_type=jnp.float32)
               + bo2_ref[...])
    out_ref[...] = (jnp.dot(h2, wo3_ref[...],
                            preferred_element_type=jnp.float32) + bo3_ref[...])


def _layer2_out(pn, sf, e, lw):
    grid = (NQ // QB,)
    wspecs = [pl.BlockSpec(w.shape, lambda i: tuple(0 for _ in w.shape))
              for w in lw]
    out = _pallas_call(
        _layer2_out_body,
        grid=grid,
        in_specs=[
            pl.BlockSpec((QB, ND), lambda i: (i, 0)),
            pl.BlockSpec((K, QB, ND), lambda i: (0, i, 0)),
            pl.BlockSpec((K, QB, ED), lambda i: (0, i, 0)),
        ] + wspecs,
        out_specs=pl.BlockSpec((QB, 3), lambda i: (i, 0)),
        out_shape=jax.ShapeDtypeStruct((NQ, 3), jnp.float32),
    )(pn, sf, e, *lw)
    return out


def kernel(nodes, positions, query_positions, params):
    idx, dsel = _knn(query_positions, positions)

    senders = idx.T.reshape(-1)
    sz = jnp.zeros((BPAD - K * NQ,), jnp.int32)
    idx2d = jnp.concatenate([senders, sz]).reshape(BPAD // CHUNK, CHUNK)
    dsel_t = dsel.T.reshape(K, NQ, 1)

    r2 = lambda b: b.reshape(1, -1)

    g = _gather_rows(nodes, idx2d)[:K * NQ].reshape(K, NQ, ND)
    wbar = jnp.sum(params["enc_W"][0], axis=0, keepdims=True)
    pn, e = _init_enc(g, dsel_t, wbar, r2(params["enc_b"][0]),
                      params["enc_W"][1], r2(params["enc_b"][1]))

    lws = []
    for lp in params["layers"]:
        w1 = lp["eW"][0]
        wn1 = lp["nW"][0]
        lws.append([w1[:ND], w1[ND:2 * ND], w1[2 * ND:], r2(lp["eb"][0]),
                    lp["eW"][1], r2(lp["eb"][1]),
                    wn1[:ND], wn1[ND:], r2(lp["nb"][0]),
                    lp["nW"][1], r2(lp["nb"][1])])

    sf = _gather_rows(pn, idx2d)[:K * NQ].reshape(K, NQ, ND)
    pn, e = _layer(pn, sf, e, lws[0])

    sf = _gather_rows(pn, idx2d)[:K * NQ].reshape(K, NQ, ND)
    ow = [params["out_W"][0], r2(params["out_b"][0]),
          params["out_W"][1], r2(params["out_b"][1]),
          params["out_W"][2], r2(params["out_b"][2])]
    return _layer2_out(pn, sf, e, lws[1] + ow)

# --- scband reference (transcript-rebuilt; emitter-appended) ---
"""Pipeline reference for scband-probe-decoder-16320875725328 (READ-ONLY COPY).

The authoritative reference and input builder live on the scoring server;
editing this copy changes nothing except your own understanding.
"""

import jax, jax.numpy as jnp
import numpy as np

NODE_DIM = 128
EDGE_DIM = 16
OUT_DIM = 3
HIDDEN = 128
K = 3
N_LAYERS = 2
N_SRC = 10000
N_QRY = 10000
POS_DIM = 3


def _lin_init(key, fan_in, fan_out):
    k1, k2 = jax.random.split(key)
    bound = 1.0 / np.sqrt(fan_in)
    W = jax.random.uniform(k1, (fan_in, fan_out), jnp.float32, -bound, bound)
    b = jax.random.uniform(k2, (fan_out,), jnp.float32, -bound, bound)
    return W, b


def _mlp_params(key, dims):
    Ws, bs = [], []
    for i in range(len(dims) - 1):
        key, sub = jax.random.split(key)
        W, b = _lin_init(sub, dims[i], dims[i + 1])
        Ws.append(W)
        bs.append(b)
    return Ws, bs


def setup_inputs(seed: int = 0) -> dict:
    key = jax.random.key(seed)
    ks = jax.random.split(key, 8)
    nodes = jax.random.normal(ks[0], (N_SRC, NODE_DIM), jnp.float32)
    positions = jax.random.uniform(ks[1], (N_SRC, POS_DIM), jnp.float32)
    query_positions = jax.random.uniform(ks[2], (N_QRY, POS_DIM), jnp.float32)
    params = {}
    eW, eb = _mlp_params(ks[3], [K, HIDDEN, EDGE_DIM])
    params["enc_W"], params["enc_b"] = eW, eb
    layers = []
    for i in range(N_LAYERS):
        kk = jax.random.fold_in(ks[4], i)
        k1, k2 = jax.random.split(kk)
        emW, emb = _mlp_params(k1, [2 * NODE_DIM + EDGE_DIM, HIDDEN, EDGE_DIM])
        nmW, nmb = _mlp_params(k2, [NODE_DIM + EDGE_DIM, HIDDEN, NODE_DIM])
        layers.append({"eW": emW, "eb": emb, "nW": nmW, "nb": nmb})
    params["layers"] = layers
    oW, ob = _mlp_params(ks[5], [NODE_DIM, HIDDEN, HIDDEN, OUT_DIM])
    params["out_W"], params["out_b"] = oW, ob
    return {"nodes": nodes, "positions": positions, "query_positions": query_positions, "params": params}


def _mlp_apply(x, Ws, bs):
    n = len(Ws)
    for i in range(n):
        x = x @ Ws[i] + bs[i]
        if i < n - 1:
            x = jax.nn.gelu(x, approximate=False)
    return x


def reference(nodes, positions, query_positions, params):
    nq = query_positions.shape[0]
    # cdist (Euclidean)
    d2 = (jnp.sum(query_positions ** 2, axis=1)[:, None]
          + jnp.sum(positions ** 2, axis=1)[None, :]
          - 2.0 * (query_positions @ positions.T))
    dist = jnp.sqrt(jnp.maximum(d2, 1e-12))
    # k nearest (smallest distances)
    _, nearest_idx = jax.lax.top_k(-dist, K)
    receivers = jnp.repeat(jnp.arange(nq), K)
    senders = nearest_idx.reshape(-1)
    nearest_d = jnp.take_along_axis(dist, nearest_idx, axis=1)  # [nq, K]
    # rbf encoding: each edge row is its own distance repeated K times
    edge_feats = jnp.broadcast_to(nearest_d.reshape(-1, 1), (nq * K, K))
    edges = _mlp_apply(edge_feats, params["enc_W"], params["enc_b"])
    # initialize probe nodes by mean-aggregating source features of k-NN
    probe_nodes = jnp.zeros((nq, nodes.shape[1]), nodes.dtype).at[receivers].add(nodes[senders])
    counts = jnp.zeros((nq,), jnp.float32).at[receivers].add(jnp.ones((nq * K,), jnp.float32))
    probe_nodes = probe_nodes / (counts[:, None] + 1e-8)
    pn = probe_nodes
    for lp in params["layers"]:
        # NOTE: faithful to original: senders index into probe-graph nodes
        sf = pn[senders]
        rf = pn[receivers]
        ein = jnp.concatenate([sf, rf, edges], axis=-1)
        new_edges = _mlp_apply(ein, lp["eW"], lp["eb"])
        agg = jnp.zeros((pn.shape[0], new_edges.shape[1]), pn.dtype).at[receivers].add(new_edges)
        nin = jnp.concatenate([pn, agg], axis=-1)
        new_nodes = _mlp_apply(nin, lp["nW"], lp["nb"])
        pn = pn + new_nodes
        edges = edges + new_edges
    return _mlp_apply(pn, params["out_W"], params["out_b"])

if __name__ == "__main__":
    import jax
    _d = setup_inputs()
    print(jax.jit(kernel)(*tuple(_d.values())))

</pallas_src>

<mosaic_0001>
#map = affine_map<(d0, d1) -> (0, 0)>
module attributes {stable_mosaic.version = 14 : i64} {
  func.func @gk(%arg0: i32, %arg1: i32, %arg2: memref<10000x128xf32, #tpu.memory_space<hbm>>, %arg3: memref<256x120xi32, #tpu.memory_space<hbm>>, %arg4: memref<30720x128xf32, #tpu.memory_space<hbm>>, %arg5: memref<8x120xi32, #tpu.memory_space<vmem>>, %arg6: memref<8x120x128xf32, #tpu.memory_space<vmem>>, %arg7: memref<!tpu.dma_semaphore, #tpu.memory_space<semaphore_mem>>, %arg8: memref<!tpu.dma_semaphore, #tpu.memory_space<semaphore_mem>>) attributes {dimension_semantics = [#tpu.dimension_semantics<core_parallel>, #tpu.dimension_semantics<subcore_parallel>], iteration_bounds = array<i64: 2, 16>, scalar_prefetch = 0 : i64, scratch_operands = 4 : i64, tpu.core_type = #tpu.core_type<sc_vector_subcore>, window_params = [{transform_indices = #map}, {transform_indices = #map}, {transform_indices = #map}]} {
    %mul3A = arith.constant 2 : i32
    %mul3A_0 = arith.muli %arg1, %mul3A : i32
    %add3A = arith.addi %mul3A_0, %arg0 : i32
    %mul3A_1 = arith.constant 8 : i32
    %mul3A_2 = arith.muli %add3A, %mul3A_1 : i32
    "tpu.region"() ({
      %run_scoped3A = tpu.sem_alloc : memref<!tpu.dma_semaphore, #tpu.memory_space<semaphore_mem>>
      %dma_start3A_433 = arith.constant 0 : i32
      %dma_start3A_434 = tpu.memref_slice %arg3[%mul3A_2, %dma_start3A_433] : memref<256x120xi32, #tpu.memory_space<hbm>> -> memref<8x120xi32, #tpu.memory_space<hbm>>
      %dma_start3A_435 = arith.constant 0 : i32
      %dma_start3A_436 = tpu.memref_slice %arg3[%mul3A_2, %dma_start3A_435] : memref<256x120xi32, #tpu.memory_space<hbm>> -> memref<8x120xi32, #tpu.memory_space<hbm>>
      tpu.enqueue_dma source(%dma_start3A_436 : memref<8x120xi32, #tpu.memory_space<hbm>>) target(%arg5 : memref<8x120xi32, #tpu.memory_space<vmem>>) target_semaphore(%run_scoped3A : memref<!tpu.dma_semaphore, #tpu.memory_space<semaphore_mem>>)
      %dma_wait3A_437 = arith.constant 0 : i32
      %dma_wait3A_438 = tpu.memref_slice %arg3[%mul3A_2, %dma_wait3A_437] : memref<256x120xi32, #tpu.memory_space<hbm>> -> memref<8x120xi32, #tpu.memory_space<hbm>>
      %dma_wait3A_439 = arith.constant 0 : i32
      %dma_wait3A_440 = tpu.memref_slice %arg3[%mul3A_2, %dma_wait3A_439] : memref<256x120xi32, #tpu.memory_space<hbm>> -> memref<8x120xi32, #tpu.memory_space<hbm>>
      tpu.wait_dma2 semaphore(%run_scoped3A : memref<!tpu.dma_semaphore, #tpu.memory_space<semaphore_mem>>) src(%dma_wait3A_440 : memref<8x120xi32, #tpu.memory_space<hbm>>) dst(%arg5 : memref<8x120xi32, #tpu.memory_space<vmem>>)
      tpu.yield
    }) : () -> ()
    %dma_start3A = arith.constant 0 : i32
    %dma_start3A_3 = arith.constant 0 : i32
    %dma_start3A_4 = arith.constant 0 : i32
    %dma_start3A_5 = arith.constant 0 : i32
    %dma_start3A_6 = tpu.memref_slice %arg6[%dma_start3A_3, %dma_start3A_4, %dma_start3A_5] : memref<8x120x128xf32, #tpu.memory_space<vmem>> -> memref<1x120x128xf32, #tpu.memory_space<vmem>>
    %dma_start3A_7 = tpu.memref_squeeze %dma_start3A_6 : memref<1x120x128xf32, #tpu.memory_space<vmem>> -> memref<120x128xf32, #tpu.memory_space<vmem>>
    %dma_start3A_8 = arith.constant 0 : i32
    %dma_start3A_9 = tpu.memref_slice %arg5[%dma_start3A, %dma_start3A_8] : memref<8x120xi32, #tpu.memory_space<vmem>> -> memref<1x120xi32, #tpu.memory_space<vmem>>
    %dma_start3A_10 = tpu.memref_squeeze %dma_start3A_9 : memref<1x120xi32, #tpu.memory_space<vmem>> -> memref<120xi32, #tpu.memory_space<vmem>>
    %dma_start3A_11 = arith.constant 0 : i32
    %dma_start3A_12 = arith.constant 0 : i32
    %dma_start3A_13 = tpu.memref_slice %arg2[%dma_start3A_11, %dma_start3A_12] : memref<10000x128xf32, #tpu.memory_space<hbm>> -> memref<10000x128xf32, #tpu.memory_space<hbm>>
    tpu.enqueue_indirect_dma source(%dma_start3A_13 : memref<10000x128xf32, #tpu.memory_space<hbm>>) target(%dma_start3A_7 : memref<120x128xf32, #tpu.memory_space<vmem>>) offsets(%dma_start3A_10 : memref<120xi32, #tpu.memory_space<vmem>>) semaphore(%arg7 : memref<!tpu.dma_semaphore, #tpu.memory_space<semaphore_mem>>)
    %dma_start3A_14 = arith.constant 1 : i32
    %dma_start3A_15 = arith.constant 1 : i32
    %dma_start3A_16 = arith.constant 0 : i32
    %dma_start3A_17 = arith.constant 0 : i32
    %dma_start3A_18 = tpu.memref_slice %arg6[%dma_start3A_15, %dma_start3A_16, %dma_start3A_17] : memref<8x120x128xf32, #tpu.memory_space<vmem>> -> memref<1x120x128xf32, #tpu.memory_space<vmem>>
    %dma_start3A_19 = tpu.memref_squeeze %dma_start3A_18 : memref<1x120x128xf32, #tpu.memory_space<vmem>> -> memref<120x128xf32, #tpu.memory_space<vmem>>
    %dma_start3A_20 = arith.constant 0 : i32
    %dma_start3A_21 = tpu.memref_slice %arg5[%dma_start3A_14, %dma_start3A_20] : memref<8x120xi32, #tpu.memory_space<vmem>> -> memref<1x120xi32, #tpu.memory_space<vmem>>
    %dma_start3A_22 = tpu.memref_squeeze %dma_start3A_21 : memref<1x120xi32, #tpu.memory_space<vmem>> -> memref<120xi32, #tpu.memory_space<vmem>>
    %dma_start3A_23 = arith.constant 0 : i32
    %dma_start3A_24 = arith.constant 0 : i32
    %dma_start3A_25 = tpu.memref_slice %arg2[%dma_start3A_23, %dma_start3A_24] : memref<10000x128xf32, #tpu.memory_space<hbm>> -> memref<10000x128xf32, #tpu.memory_space<hbm>>
    tpu.enqueue_indirect_dma source(%dma_start3A_25 : memref<10000x128xf32, #tpu.memory_space<hbm>>) target(%dma_start3A_19 : memref<120x128xf32, #tpu.memory_space<vmem>>) offsets(%dma_start3A_22 : memref<120xi32, #tpu.memory_space<vmem>>) semaphore(%arg7 : memref<!tpu.dma_semaphore, #tpu.memory_space<semaphore_mem>>)
    %dma_start3A_26 = arith.constant 2 : i32
    %dma_start3A_27 = arith.constant 2 : i32
    %dma_start3A_28 = arith.constant 0 : i32
    %dma_start3A_29 = arith.constant 0 : i32
    %dma_start3A_30 = tpu.memref_slice %arg6[%dma_start3A_27, %dma_start3A_28, %dma_start3A_29] : memref<8x120x128xf32, #tpu.memory_space<vmem>> -> memref<1x120x128xf32, #tpu.memory_space<vmem>>
    %dma_start3A_31 = tpu.memref_squeeze %dma_start3A_30 : memref<1x120x128xf32, #tpu.memory_space<vmem>> -> memref<120x128xf32, #tpu.memory_space<vmem>>
    %dma_start3A_32 = arith.constant 0 : i32
    %dma_start3A_33 = tpu.memref_slice %arg5[%dma_start3A_26, %dma_start3A_32] : memref<8x120xi32, #tpu.memory_space<vmem>> -> memref<1x120xi32, #tpu.memory_space<vmem>>
    %dma_start3A_34 = tpu.memref_squeeze %dma_start3A_33 : memref<1x120xi32, #tpu.memory_space<vmem>> -> memref<120xi32, #tpu.memory_space<vmem>>
    %dma_start3A_35 = arith.constant 0 : i32
    %dma_start3A_36 = arith.constant 0 : i32
    %dma_start3A_37 = tpu.memref_slice %arg2[%dma_start3A_35, %dma_start3A_36] : memref<10000x128xf32, #tpu.memory_space<hbm>> -> memref<10000x128xf32, #tpu.memory_space<hbm>>
    tpu.enqueue_indirect_dma source(%dma_start3A_37 : memref<10000x128xf32, #tpu.memory_space<hbm>>) target(%dma_start3A_31 : memref<120x128xf32, #tpu.memory_space<vmem>>) offsets(%dma_start3A_34 : memref<120xi32, #tpu.memory_space<vmem>>) semaphore(%arg7 : memref<!tpu.dma_semaphore, #tpu.memory_space<semaphore_mem>>)
    %dma_start3A_38 = arith.constant 3 : i32
    %dma_start3A_39 = arith.constant 3 : i32
    %dma_start3A_40 = arith.constant 0 : i32
    %dma_start3A_41 = arith.constant 0 : i32
    %dma_start3A_42 = tpu.memref_slice %arg6[%dma_start3A_39, %dma_start3A_40, %dma_start3A_41] : memref<8x120x128xf32, #tpu.memory_space<vmem>> -> memref<1x120x128xf32, #tpu.memory_space<vmem>>
    %dma_start3A_43 = tpu.memref_squeeze %dma_start3A_42 : memref<1x120x128xf32, #tpu.memory_space<vmem>> -> memref<120x128xf32, #tpu.memory_space<vmem>>
    %dma_start3A_44 = arith.constant 0 : i32
    %dma_start3A_45 = tpu.memref_slice %arg5[%dma_start3A_38, %dma_start3A_44] : memref<8x120xi32, #tpu.memory_space<vmem>> -> memref<1x120xi32, #tpu.memory_space<vmem>>
    %dma_start3A_46 = tpu.memref_squeeze %dma_start3A_45 : memref<1x120xi32, #tpu.memory_space<vmem>> -> memref<120xi32, #tpu.memory_space<vmem>>
    %dma_start3A_47 = arith.constant 0 : i32
    %dma_start3A_48 = arith.constant 0 : i32
    %dma_start3A_49 = tpu.memref_slice %arg2[%dma_start3A_47, %dma_start3A_48] : memref<10000x128xf32, #tpu.memory_space<hbm>> -> memref<10000x128xf32, #tpu.memory_space<hbm>>
    tpu.enqueue_indirect_dma source(%dma_start3A_49 : memref<10000x128xf32, #tpu.memory_space<hbm>>) target(%dma_start3A_43 : memref<120x128xf32, #tpu.memory_space<vmem>>) offsets(%dma_start3A_46 : memref<120xi32, #tpu.memory_space<vmem>>) semaphore(%arg7 : memref<!tpu.dma_semaphore, #tpu.memory_space<semaphore_mem>>)
    %dma_start3A_50 = arith.constant 4 : i32
    %dma_start3A_51 = arith.constant 4 : i32
    %dma_start3A_52 = arith.constant 0 : i32
    %dma_start3A_53 = arith.constant 0 : i32
    %dma_start3A_54 = tpu.memref_slice %arg6[%dma_start3A_51, %dma_start3A_52, %dma_start3A_53] : memref<8x120x128xf32, #tpu.memory_space<vmem>> -> memref<1x120x128xf32, #tpu.memory_space<vmem>>
    %dma_start3A_55 = tpu.memref_squeeze %dma_start3A_54 : memref<1x120x128xf32, #tpu.memory_space<vmem>> -> memref<120x128xf32, #tpu.memory_space<vmem>>
    %dma_start3A_56 = arith.constant 0 : i32
    %dma_start3A_57 = tpu.memref_slice %arg5[%dma_start3A_50, %dma_start3A_56] : memref<8x120xi32, #tpu.memory_space<vmem>> -> memref<1x120xi32, #tpu.memory_space<vmem>>
    %dma_start3A_58 = tpu.memref_squeeze %dma_start3A_57 : memref<1x120xi32, #tpu.memory_space<vmem>> -> memref<120xi32, #tpu.memory_space<vmem>>
    %dma_start3A_59 = arith.constant 0 : i32
    %dma_start3A_60 = arith.constant 0 : i32
    %dma_start3A_61 = tpu.memref_slice %arg2[%dma_start3A_59, %dma_start3A_60] : memref<10000x128xf32, #tpu.memory_space<hbm>> -> memref<10000x128xf32, #tpu.memory_space<hbm>>
    tpu.enqueue_indirect_dma source(%dma_start3A_61 : memref<10000x128xf32, #tpu.memory_space<hbm>>) target(%dma_start3A_55 : memref<120x128xf32, #tpu.memory_space<vmem>>) offsets(%dma_start3A_58 : memref<120xi32, #tpu.memory_space<vmem>>) semaphore(%arg7 : memref<!tpu.dma_semaphore, #tpu.memory_space<semaphore_mem>>)
    %dma_start3A_62 = arith.constant 5 : i32
    %dma_start3A_63 = arith.constant 5 : i32
    %dma_start3A_64 = arith.constant 0 : i32
    %dma_start3A_65 = arith.constant 0 : i32
    %dma_start3A_66 = tpu.memref_slice %arg6[%dma_start3A_63, %dma_start3A_64, %dma_start3A_65] : memref<8x120x128xf32, #tpu.memory_space<vmem>> -> memref<1x120x128xf32, #tpu.memory_space<vmem>>
    %dma_start3A_67 = tpu.memref_squeeze %dma_start3A_66 : memref<1x120x128xf32, #tpu.memory_space<vmem>> -> memref<120x128xf32, #tpu.memory_space<vmem>>
    %dma_start3A_68 = arith.constant 0 : i32
    %dma_start3A_69 = tpu.memref_slice %arg5[%dma_start3A_62, %dma_start3A_68] : memref<8x120xi32, #tpu.memory_space<vmem>> -> memref<1x120xi32, #tpu.memory_space<vmem>>
    %dma_start3A_70 = tpu.memref_squeeze %dma_start3A_69 : memref<1x120xi32, #tpu.memory_space<vmem>> -> memref<120xi32, #tpu.memory_space<vmem>>
    %dma_start3A_71 = arith.constant 0 : i32
    %dma_start3A_72 = arith.constant 0 : i32
    %dma_start3A_73 = tpu.memref_slice %arg2[%dma_start3A_71, %dma_start3A_72] : memref<10000x128xf32, #tpu.memory_space<hbm>> -> memref<10000x128xf32, #tpu.memory_space<hbm>>
    tpu.enqueue_indirect_dma source(%dma_start3A_73 : memref<10000x128xf32, #tpu.memory_space<hbm>>) target(%dma_start3A_67 : memref<120x128xf32, #tpu.memory_space<vmem>>) offsets(%dma_start3A_70 : memref<120xi32, #tpu.memory_space<vmem>>) semaphore(%arg7 : memref<!tpu.dma_semaphore, #tpu.memory_space<semaphore_mem>>)
    %dma_start3A_74 = arith.constant 6 : i32
    %dma_start3A_75 = arith.constant 6 : i32
    %dma_start3A_76 = arith.constant 0 : i32
    %dma_start3A_77 = arith.constant 0 : i32
    %dma_start3A_78 = tpu.memref_slice %arg6[%dma_start3A_75, %dma_start3A_76, %dma_start3A_77] : memref<8x120x128xf32, #tpu.memory_space<vmem>> -> memref<1x120x128xf32, #tpu.memory_space<vmem>>
    %dma_start3A_79 = tpu.memref_squeeze %dma_start3A_78 : memref<1x120x128xf32, #tpu.memory_space<vmem>> -> memref<120x128xf32, #tpu.memory_space<vmem>>
    %dma_start3A_80 = arith.constant 0 : i32
    %dma_start3A_81 = tpu.memref_slice %arg5[%dma_start3A_74, %dma_start3A_80] : memref<8x120xi32, #tpu.memory_space<vmem>> -> memref<1x120xi32, #tpu.memory_space<vmem>>
    %dma_start3A_82 = tpu.memref_squeeze %dma_start3A_81 : memref<1x120xi32, #tpu.memory_space<vmem>> -> memref<120xi32, #tpu.memory_space<vmem>>
    %dma_start3A_83 = arith.constant 0 : i32
    %dma_start3A_84 = arith.constant 0 : i32
    %dma_start3A_85 = tpu.memref_slice %arg2[%dma_start3A_83, %dma_start3A_84] : memref<10000x128xf32, #tpu.memory_space<hbm>> -> memref<10000x128xf32, #tpu.memory_space<hbm>>
    tpu.enqueue_indirect_dma source(%dma_start3A_85 : memref<10000x128xf32, #tpu.memory_space<hbm>>) target(%dma_start3A_79 : memref<120x128xf32, #tpu.memory_space<vmem>>) offsets(%dma_start3A_82 : memref<120xi32, #tpu.memory_space<vmem>>) semaphore(%arg7 : memref<!tpu.dma_semaphore, #tpu.memory_space<semaphore_mem>>)
    %dma_start3A_86 = arith.constant 7 : i32
    %dma_start3A_87 = arith.constant 7 : i32
    %dma_start3A_88 = arith.constant 0 : i32
    %dma_start3A_89 = arith.constant 0 : i32
    %dma_start3A_90 = tpu.memref_slice %arg6[%dma_start3A_87, %dma_start3A_88, %dma_start3A_89] : memref<8x120x128xf32, #tpu.memory_space<vmem>> -> memref<1x120x128xf32, #tpu.memory_space<vmem>>
    %dma_start3A_91 = tpu.memref_squeeze %dma_start3A_90 : memref<1x120x128xf32, #tpu.memory_space<vmem>> -> memref<120x128xf32, #tpu.memory_space<vmem>>
    %dma_start3A_92 = arith.constant 0 : i32
    %dma_start3A_93 = tpu.memref_slice %arg5[%dma_start3A_86, %dma_start3A_92] : memref<8x120xi32, #tpu.memory_space<vmem>> -> memref<1x120xi32, #tpu.memory_space<vmem>>
    %dma_start3A_94 = tpu.memref_squeeze %dma_start3A_93 : memref<1x120xi32, #tpu.memory_space<vmem>> -> memref<120xi32, #tpu.memory_space<vmem>>
    %dma_start3A_95 = arith.constant 0 : i32
    %dma_start3A_96 = arith.constant 0 : i32
    %dma_start3A_97 = tpu.memref_slice %arg2[%dma_start3A_95, %dma_start3A_96] : memref<10000x128xf32, #tpu.memory_space<hbm>> -> memref<10000x128xf32, #tpu.memory_space<hbm>>
    tpu.enqueue_indirect_dma source(%dma_start3A_97 : memref<10000x128xf32, #tpu.memory_space<hbm>>) target(%dma_start3A_91 : memref<120x128xf32, #tpu.memory_space<vmem>>) offsets(%dma_start3A_94 : memref<120xi32, #tpu.memory_space<vmem>>) semaphore(%arg7 : memref<!tpu.dma_semaphore, #tpu.memory_space<semaphore_mem>>)
    %dma_wait3A = arith.constant 0 : i32
    %dma_wait3A_98 = arith.constant 0 : i32
    %dma_wait3A_99 = arith.constant 0 : i32
    %dma_wait3A_100 = arith.constant 0 : i32
    %dma_wait3A_101 = tpu.memref_slice %arg6[%dma_wait3A_98, %dma_wait3A_99, %dma_wait3A_100] : memref<8x120x128xf32, #tpu.memory_space<vmem>> -> memref<1x120x128xf32, #tpu.memory_space<vmem>>
    %dma_wait3A_102 = tpu.memref_squeeze %dma_wait3A_101 : memref<1x120x128xf32, #tpu.memory_space<vmem>> -> memref<120x128xf32, #tpu.memory_space<vmem>>
    %dma_wait3A_103 = arith.constant 0 : i32
    %dma_wait3A_104 = tpu.memref_slice %arg5[%dma_wait3A, %dma_wait3A_103] : memref<8x120xi32, #tpu.memory_space<vmem>> -> memref<1x120xi32, #tpu.memory_space<vmem>>
    %dma_wait3A_105 = tpu.memref_squeeze %dma_wait3A_104 : memref<1x120xi32, #tpu.memory_space<vmem>> -> memref<120xi32, #tpu.memory_space<vmem>>
    %dma_wait3A_106 = arith.constant 0 : i32
    %dma_wait3A_107 = arith.constant 0 : i32
    %dma_wait3A_108 = tpu.memref_slice %arg2[%dma_wait3A_106, %dma_wait3A_107] : memref<10000x128xf32, #tpu.memory_space<hbm>> -> memref<10000x128xf32, #tpu.memory_space<hbm>>
    tpu.wait_indirect_dma semaphore(%arg7 : memref<!tpu.dma_semaphore, #tpu.memory_space<semaphore_mem>>) src(%dma_wait3A_108 : memref<10000x128xf32, #tpu.memory_space<hbm>>) dst(%dma_wait3A_102 : memref<120x128xf32, #tpu.memory_space<vmem>>)
    %dma_wait3A_109 = arith.constant 1 : i32
    %dma_wait3A_110 = arith.constant 1 : i32
    %dma_wait3A_111 = arith.constant 0 : i32
    %dma_wait3A_112 = arith.constant 0 : i32
    %dma_wait3A_113 = tpu.memref_slice %arg6[%dma_wait3A_110, %dma_wait3A_111, %dma_wait3A_112] : memref<8x120x128xf32, #tpu.memory_space<vmem>> -> memref<1x120x128xf32, #tpu.memory_space<vmem>>
    %dma_wait3A_114 = tpu.memref_squeeze %dma_wait3A_113 : memref<1x120x128xf32, #tpu.memory_space<vmem>> -> memref<120x128xf32, #tpu.memory_space<vmem>>
    %dma_wait3A_115 = arith.constant 0 : i32
    %dma_wait3A_116 = tpu.memref_slice %arg5[%dma_wait3A_109, %dma_wait3A_115] : memref<8x120xi32, #tpu.memory_space<vmem>> -> memref<1x120xi32, #tpu.memory_space<vmem>>
    %dma_wait3A_117 = tpu.memref_squeeze %dma_wait3A_116 : memref<1x120xi32, #tpu.memory_space<vmem>> -> memref<120xi32, #tpu.memory_space<vmem>>
    %dma_wait3A_118 = arith.constant 0 : i32
    %dma_wait3A_119 = arith.constant 0 : i32
    %dma_wait3A_120 = tpu.memref_slice %arg2[%dma_wait3A_118, %dma_wait3A_119] : memref<10000x128xf32, #tpu.memory_space<hbm>> -> memref<10000x128xf32, #tpu.memory_space<hbm>>
    tpu.wait_indirect_dma semaphore(%arg7 : memref<!tpu.dma_semaphore, #tpu.memory_space<semaphore_mem>>) src(%dma_wait3A_120 : memref<10000x128xf32, #tpu.memory_space<hbm>>) dst(%dma_wait3A_114 : memref<120x128xf32, #tpu.memory_space<vmem>>)
    %dma_wait3A_121 = arith.constant 2 : i32
    %dma_wait3A_122 = arith.constant 2 : i32
    %dma_wait3A_123 = arith.constant 0 : i32
    %dma_wait3A_124 = arith.constant 0 : i32
    %dma_wait3A_125 = tpu.memref_slice %arg6[%dma_wait3A_122, %dma_wait3A_123, %dma_wait3A_124] : memref<8x120x128xf32, #tpu.memory_space<vmem>> -> memref<1x120x128xf32, #tpu.memory_space<vmem>>
    %dma_wait3A_126 = tpu.memref_squeeze %dma_wait3A_125 : memref<1x120x128xf32, #tpu.memory_space<vmem>> -> memref<120x128xf32, #tpu.memory_space<vmem>>
    %dma_wait3A_127 = arith.constant 0 : i32
    %dma_wait3A_128 = tpu.memref_slice %arg5[%dma_wait3A_121, %dma_wait3A_127] : memref<8x120xi32, #tpu.memory_space<vmem>> -> memref<1x120xi32, #tpu.memory_space<vmem>>
    %dma_wait3A_129 = tpu.memref_squeeze %dma_wait3A_128 : memref<1x120xi32, #tpu.memory_space<vmem>> -> memref<120xi32, #tpu.memory_space<vmem>>
    %dma_wait3A_130 = arith.constant 0 : i32
    %dma_wait3A_131 = arith.constant 0 : i32
    %dma_wait3A_132 = tpu.memref_slice %arg2[%dma_wait3A_130, %dma_wait3A_131] : memref<10000x128xf32, #tpu.memory_space<hbm>> -> memref<10000x128xf32, #tpu.memory_space<hbm>>
    tpu.wait_indirect_dma semaphore(%arg7 : memref<!tpu.dma_semaphore, #tpu.memory_space<semaphore_mem>>) src(%dma_wait3A_132 : memref<10000x128xf32, #tpu.memory_space<hbm>>) dst(%dma_wait3A_126 : memref<120x128xf32, #tpu.memory_space<vmem>>)
    %dma_wait3A_133 = arith.constant 3 : i32
    %dma_wait3A_134 = arith.constant 3 : i32
    %dma_wait3A_135 = arith.constant 0 : i32
    %dma_wait3A_136 = arith.constant 0 : i32
    %dma_wait3A_137 = tpu.memref_slice %arg6[%dma_wait3A_134, %dma_wait3A_135, %dma_wait3A_136] : memref<8x120x128xf32, #tpu.memory_space<vmem>> -> memref<1x120x128xf32, #tpu.memory_space<vmem>>
    %dma_wait3A_138 = tpu.memref_squeeze %dma_wait3A_137 : memref<1x120x128xf32, #tpu.memory_space<vmem>> -> memref<120x128xf32, #tpu.memory_space<vmem>>
    %dma_wait3A_139 = arith.constant 0 : i32
    %dma_wait3A_140 = tpu.memref_slice %arg5[%dma_wait3A_133, %dma_wait3A_139] : memref<8x120xi32, #tpu.memory_space<vmem>> -> memref<1x120xi32, #tpu.memory_space<vmem>>
    %dma_wait3A_141 = tpu.memref_squeeze %dma_wait3A_140 : memref<1x120xi32, #tpu.memory_space<vmem>> -> memref<120xi32, #tpu.memory_space<vmem>>
    %dma_wait3A_142 = arith.constant 0 : i32
    %dma_wait3A_143 = arith.constant 0 : i32
    %dma_wait3A_144 = tpu.memref_slice %arg2[%dma_wait3A_142, %dma_wait3A_143] : memref<10000x128xf32, #tpu.memory_space<hbm>> -> memref<10000x128xf32, #tpu.memory_space<hbm>>
    tpu.wait_indirect_dma semaphore(%arg7 : memref<!tpu.dma_semaphore, #tpu.memory_space<semaphore_mem>>) src(%dma_wait3A_144 : memref<10000x128xf32, #tpu.memory_space<hbm>>) dst(%dma_wait3A_138 : memref<120x128xf32, #tpu.memory_space<vmem>>)
    %dma_wait3A_145 = arith.constant 4 : i32
    %dma_wait3A_146 = arith.constant 4 : i32
    %dma_wait3A_147 = arith.constant 0 : i32
    %dma_wait3A_148 = arith.constant 0 : i32
    %dma_wait3A_149 = tpu.memref_slice %arg6[%dma_wait3A_146, %dma_wait3A_147, %dma_wait3A_148] : memref<8x120x128xf32, #tpu.memory_space<vmem>> -> memref<1x120x128xf32, #tpu.memory_space<vmem>>
    %dma_wait3A_150 = tpu.memref_squeeze %dma_wait3A_149 : memref<1x120x128xf32, #tpu.memory_space<vmem>> -> memref<120x128xf32, #tpu.memory_space<vmem>>
    %dma_wait3A_151 = arith.constant 0 : i32
    %dma_wait3A_152 = tpu.memref_slice %arg5[%dma_wait3A_145, %dma_wait3A_151] : memref<8x120xi32, #tpu.memory_space<vmem>> -> memref<1x120xi32, #tpu.memory_space<vmem>>
    %dma_wait3A_153 = tpu.memref_squeeze %dma_wait3A_152 : memref<1x120xi32, #tpu.memory_space<vmem>> -> memref<120xi32, #tpu.memory_space<vmem>>
    %dma_wait3A_154 = arith.constant 0 : i32
    %dma_wait3A_155 = arith.constant 0 : i32
    %dma_wait3A_156 = tpu.memref_slice %arg2[%dma_wait3A_154, %dma_wait3A_155] : memref<10000x128xf32, #tpu.memory_space<hbm>> -> memref<10000x128xf32, #tpu.memory_space<hbm>>
    tpu.wait_indirect_dma semaphore(%arg7 : memref<!tpu.dma_semaphore, #tpu.memory_space<semaphore_mem>>) src(%dma_wait3A_156 : memref<10000x128xf32, #tpu.memory_space<hbm>>) dst(%dma_wait3A_150 : memref<120x128xf32, #tpu.memory_space<vmem>>)
    %dma_wait3A_157 = arith.constant 5 : i32
    %dma_wait3A_158 = arith.constant 5 : i32
    %dma_wait3A_159 = arith.constant 0 : i32
    %dma_wait3A_160 = arith.constant 0 : i32
    %dma_wait3A_161 = tpu.memref_slice %arg6[%dma_wait3A_158, %dma_wait3A_159, %dma_wait3A_160] : memref<8x120x128xf32, #tpu.memory_space<vmem>> -> memref<1x120x128xf32, #tpu.memory_space<vmem>>
    %dma_wait3A_162 = tpu.memref_squeeze %dma_wait3A_161 : memref<1x120x128xf32, #tpu.memory_space<vmem>> -> memref<120x128xf32, #tpu.memory_space<vmem>>
    %dma_wait3A_163 = arith.constant 0 : i32
    %dma_wait3A_164 = tpu.memref_slice %arg5[%dma_wait3A_157, %dma_wait3A_163] : memref<8x120xi32, #tpu.memory_space<vmem>> -> memref<1x120xi32, #tpu.memory_space<vmem>>
    %dma_wait3A_165 = tpu.memref_squeeze %dma_wait3A_164 : memref<1x120xi32, #tpu.memory_space<vmem>> -> memref<120xi32, #tpu.memory_space<vmem>>
    %dma_wait3A_166 = arith.constant 0 : i32
    %dma_wait3A_167 = arith.constant 0 : i32
    %dma_wait3A_168 = tpu.memref_slice %arg2[%dma_wait3A_166, %dma_wait3A_167] : memref<10000x128xf32, #tpu.memory_space<hbm>> -> memref<10000x128xf32, #tpu.memory_space<hbm>>
    tpu.wait_indirect_dma semaphore(%arg7 : memref<!tpu.dma_semaphore, #tpu.memory_space<semaphore_mem>>) src(%dma_wait3A_168 : memref<10000x128xf32, #tpu.memory_space<hbm>>) dst(%dma_wait3A_162 : memref<120x128xf32, #tpu.memory_space<vmem>>)
    %dma_wait3A_169 = arith.constant 6 : i32
    %dma_wait3A_170 = arith.constant 6 : i32
    %dma_wait3A_171 = arith.constant 0 : i32
    %dma_wait3A_172 = arith.constant 0 : i32
    %dma_wait3A_173 = tpu.memref_slice %arg6[%dma_wait3A_170, %dma_wait3A_171, %dma_wait3A_172] : memref<8x120x128xf32, #tpu.memory_space<vmem>> -> memref<1x120x128xf32, #tpu.memory_space<vmem>>
    %dma_wait3A_174 = tpu.memref_squeeze %dma_wait3A_173 : memref<1x120x128xf32, #tpu.memory_space<vmem>> -> memref<120x128xf32, #tpu.memory_space<vmem>>
    %dma_wait3A_175 = arith.constant 0 : i32
    %dma_wait3A_176 = tpu.memref_slice %arg5[%dma_wait3A_169, %dma_wait3A_175] : memref<8x120xi32, #tpu.memory_space<vmem>> -> memref<1x120xi32, #tpu.memory_space<vmem>>
    %dma_wait3A_177 = tpu.memref_squeeze %dma_wait3A_176 : memref<1x120xi32, #tpu.memory_space<vmem>> -> memref<120xi32, #tpu.memory_space<vmem>>
    %dma_wait3A_178 = arith.constant 0 : i32
    %dma_wait3A_179 = arith.constant 0 : i32
    %dma_wait3A_180 = tpu.memref_slice %arg2[%dma_wait3A_178, %dma_wait3A_179] : memref<10000x128xf32, #tpu.memory_space<hbm>> -> memref<10000x128xf32, #tpu.memory_space<hbm>>
    tpu.wait_indirect_dma semaphore(%arg7 : memref<!tpu.dma_semaphore, #tpu.memory_space<semaphore_mem>>) src(%dma_wait3A_180 : memref<10000x128xf32, #tpu.memory_space<hbm>>) dst(%dma_wait3A_174 : memref<120x128xf32, #tpu.memory_space<vmem>>)
    %dma_wait3A_181 = arith.constant 7 : i32
    %dma_wait3A_182 = arith.constant 7 : i32
    %dma_wait3A_183 = arith.constant 0 : i32
    %dma_wait3A_184 = arith.constant 0 : i32
    %dma_wait3A_185 = tpu.memref_slice %arg6[%dma_wait3A_182, %dma_wait3A_183, %dma_wait3A_184] : memref<8x120x128xf32, #tpu.memory_space<vmem>> -> memref<1x120x128xf32, #tpu.memory_space<vmem>>
    %dma_wait3A_186 = tpu.memref_squeeze %dma_wait3A_185 : memref<1x120x128xf32, #tpu.memory_space<vmem>> -> memref<120x128xf32, #tpu.memory_space<vmem>>
    %dma_wait3A_187 = arith.constant 0 : i32
    %dma_wait3A_188 = tpu.memref_slice %arg5[%dma_wait3A_181, %dma_wait3A_187] : memref<8x120xi32, #tpu.memory_space<vmem>> -> memref<1x120xi32, #tpu.memory_space<vmem>>
    %dma_wait3A_189 = tpu.memref_squeeze %dma_wait3A_188 : memref<1x120xi32, #tpu.memory_space<vmem>> -> memref<120xi32, #tpu.memory_space<vmem>>
    %dma_wait3A_190 = arith.constant 0 : i32
    %dma_wait3A_191 = arith.constant 0 : i32
    %dma_wait3A_192 = tpu.memref_slice %arg2[%dma_wait3A_190, %dma_wait3A_191] : memref<10000x128xf32, #tpu.memory_space<hbm>> -> memref<10000x128xf32, #tpu.memory_space<hbm>>
    tpu.wait_indirect_dma semaphore(%arg7 : memref<!tpu.dma_semaphore, #tpu.memory_space<semaphore_mem>>) src(%dma_wait3A_192 : memref<10000x128xf32, #tpu.memory_space<hbm>>) dst(%dma_wait3A_186 : memref<120x128xf32, #tpu.memory_space<vmem>>)
    %add3A_193 = arith.constant 0 : i32
    %add3A_194 = arith.addi %mul3A_2, %add3A_193 : i32
    %mul3A_195 = arith.constant 120 : i32
    %mul3A_196 = arith.muli %add3A_194, %mul3A_195 : i32
    %dma_start3A_197 = arith.constant 0 : i32
    %dma_start3A_198 = arith.constant 0 : i32
    %dma_start3A_199 = arith.constant 0 : i32
    %dma_start3A_200 = tpu.memref_slice %arg6[%dma_start3A_197, %dma_start3A_198, %dma_start3A_199] : memref<8x120x128xf32, #tpu.memory_space<vmem>> -> memref<1x120x128xf32, #tpu.memory_space<vmem>>
    %dma_start3A_201 = tpu.memref_squeeze %dma_start3A_200 : memref<1x120x128xf32, #tpu.memory_space<vmem>> -> memref<120x128xf32, #tpu.memory_space<vmem>>
    %dma_start3A_202 = arith.constant 0 : i32
    %dma_start3A_203 = tpu.memref_slice %arg4[%mul3A_196, %dma_start3A_202] : memref<30720x128xf32, #tpu.memory_space<hbm>> -> memref<120x128xf32, #tpu.memory_space<hbm>>
    %dma_start3A_204 = arith.constant 0 : i32
    %dma_start3A_205 = tpu.memref_slice %arg4[%mul3A_196, %dma_start3A_204] : memref<30720x128xf32, #tpu.memory_space<hbm>> -> memref<120x128xf32, #tpu.memory_space<hbm>>
    %dma_start3A_206 = arith.constant 0 : i32
    %dma_start3A_207 = arith.constant 0 : i32
    %dma_start3A_208 = tpu.memref_slice %arg6[%dma_start3A_197, %dma_start3A_206, %dma_start3A_207] : memref<8x120x128xf32, #tpu.memory_space<vmem>> -> memref<1x120x128xf32, #tpu.memory_space<vmem>>
    %dma_start3A_209 = tpu.memref_squeeze %dma_start3A_208 : memref<1x120x128xf32, #tpu.memory_space<vmem>> -> memref<120x128xf32, #tpu.memory_space<vmem>>
    tpu.enqueue_dma source(%dma_start3A_209 : memref<120x128xf32, #tpu.memory_space<vmem>>) target(%dma_start3A_205 : memref<120x128xf32, #tpu.memory_space<hbm>>) target_semaphore(%arg8 : memref<!tpu.dma_semaphore, #tpu.memory_space<semaphore_mem>>)
    %add3A_210 = arith.constant 1 : i32
    %add3A_211 = arith.addi %mul3A_2, %add3A_210 : i32
    %mul3A_212 = arith.constant 120 : i32
    %mul3A_213 = arith.muli %add3A_211, %mul3A_212 : i32
    %dma_start3A_214 = arith.constant 1 : i32
    %dma_start3A_215 = arith.constant 0 : i32
    %dma_start3A_216 = arith.constant 0 : i32
    %dma_start3A_217 = tpu.memref_slice %arg6[%dma_start3A_214, %dma_start3A_215, %dma_start3A_216] : memref<8x120x128xf32, #tpu.memory_space<vmem>> -> memref<1x120x128xf32, #tpu.memory_space<vmem>>
    %dma_start3A_218 = tpu.memref_squeeze %dma_start3A_217 : memref<1x120x128xf32, #tpu.memory_space<vmem>> -> memref<120x128xf32, #tpu.memory_space<vmem>>
    %dma_start3A_219 = arith.constant 0 : i32
    %dma_start3A_220 = tpu.memref_slice %arg4[%mul3A_213, %dma_start3A_219] : memref<30720x128xf32, #tpu.memory_space<hbm>> -> memref<120x128xf32, #tpu.memory_space<hbm>>
    %dma_start3A_221 = arith.constant 0 : i32
    %dma_start3A_222 = tpu.memref_slice %arg4[%mul3A_213, %dma_start3A_221] : memref<30720x128xf32, #tpu.memory_space<hbm>> -> memref<120x128xf32, #tpu.memory_space<hbm>>
    %dma_start3A_223 = arith.constant 0 : i32
    %dma_start3A_224 = arith.constant 0 : i32
    %dma_start3A_225 = tpu.memref_slice %arg6[%dma_start3A_214, %dma_start3A_223, %dma_start3A_224] : memref<8x120x128xf32, #tpu.memory_space<vmem>> -> memref<1x120x128xf32, #tpu.memory_space<vmem>>
    %dma_start3A_226 = tpu.memref_squeeze %dma_start3A_225 : memref<1x120x128xf32, #tpu.memory_space<vmem>> -> memref<120x128xf32, #tpu.memory_space<vmem>>
    tpu.enqueue_dma source(%dma_start3A_226 : memref<120x128xf32, #tpu.memory_space<vmem>>) target(%dma_start3A_222 : memref<120x128xf32, #tpu.memory_space<hbm>>) target_semaphore(%arg8 : memref<!tpu.dma_semaphore, #tpu.memory_space<semaphore_mem>>)
    %add3A_227 = arith.constant 2 : i32
    %add3A_228 = arith.addi %mul3A_2, %add3A_227 : i32
    %mul3A_229 = arith.constant 120 : i32
    %mul3A_230 = arith.muli %add3A_228, %mul3A_229 : i32
    %dma_start3A_231 = arith.constant 2 : i32
    %dma_start3A_232 = arith.constant 0 : i32
    %dma_start3A_233 = arith.constant 0 : i32
    %dma_start3A_234 = tpu.memref_slice %arg6[%dma_start3A_231, %dma_start3A_232, %dma_start3A_233] : memref<8x120x128xf32, #tpu.memory_space<vmem>> -> memref<1x120x128xf32, #tpu.memory_space<vmem>>
    %dma_start3A_235 = tpu.memref_squeeze %dma_start3A_234 : memref<1x120x128xf32, #tpu.memory_space<vmem>> -> memref<120x128xf32, #tpu.memory_space<vmem>>
    %dma_start3A_236 = arith.constant 0 : i32
    %dma_start3A_237 = tpu.memref_slice %arg4[%mul3A_230, %dma_start3A_236] : memref<30720x128xf32, #tpu.memory_space<hbm>> -> memref<120x128xf32, #tpu.memory_space<hbm>>
    %dma_start3A_238 = arith.constant 0 : i32
    %dma_start3A_239 = tpu.memref_slice %arg4[%mul3A_230, %dma_start3A_238] : memref<30720x128xf32, #tpu.memory_space<hbm>> -> memref<120x128xf32, #tpu.memory_space<hbm>>
    %dma_start3A_240 = arith.constant 0 : i32
    %dma_start3A_241 = arith.constant 0 : i32
    %dma_start3A_242 = tpu.memref_slice %arg6[%dma_start3A_231, %dma_start3A_240, %dma_start3A_241] : memref<8x120x128xf32, #tpu.memory_space<vmem>> -> memref<1x120x128xf32, #tpu.memory_space<vmem>>
    %dma_start3A_243 = tpu.memref_squeeze %dma_start3A_242 : memref<1x120x128xf32, #tpu.memory_space<vmem>> -> memref<120x128xf32, #tpu.memory_space<vmem>>
    tpu.enqueue_dma source(%dma_start3A_243 : memref<120x128xf32, #tpu.memory_space<vmem>>) target(%dma_start3A_239 : memref<120x128xf32, #tpu.memory_space<hbm>>) target_semaphore(%arg8 : memref<!tpu.dma_semaphore, #tpu.memory_space<semaphore_mem>>)
    %add3A_244 = arith.constant 3 : i32
    %add3A_245 = arith.addi %mul3A_2, %add3A_244 : i32
    %mul3A_246 = arith.constant 120 : i32
    %mul3A_247 = arith.muli %add3A_245, %mul3A_246 : i32
    %dma_start3A_248 = arith.constant 3 : i32
    %dma_start3A_249 = arith.constant 0 : i32
    %dma_start3A_250 = arith.constant 0 : i32
    %dma_start3A_251 = tpu.memref_slice %arg6[%dma_start3A_248, %dma_start3A_249, %dma_start3A_250] : memref<8x120x128xf32, #tpu.memory_space<vmem>> -> memref<1x120x128xf32, #tpu.memory_space<vmem>>
    %dma_start3A_252 = tpu.memref_squeeze %dma_start3A_251 : memref<1x120x128xf32, #tpu.memory_space<vmem>> -> memref<120x128xf32, #tpu.memory_space<vmem>>
    %dma_start3A_253 = arith.constant 0 : i32
    %dma_start3A_254 = tpu.memref_slice %arg4[%mul3A_247, %dma_start3A_253] : memref<30720x128xf32, #tpu.memory_space<hbm>> -> memref<120x128xf32, #tpu.memory_space<hbm>>
    %dma_start3A_255 = arith.constant 0 : i32
    %dma_start3A_256 = tpu.memref_slice %arg4[%mul3A_247, %dma_start3A_255] : memref<30720x128xf32, #tpu.memory_space<hbm>> -> memref<120x128xf32, #tpu.memory_space<hbm>>
    %dma_start3A_257 = arith.constant 0 : i32
    %dma_start3A_258 = arith.constant 0 : i32
    %dma_start3A_259 = tpu.memref_slice %arg6[%dma_start3A_248, %dma_start3A_257, %dma_start3A_258] : memref<8x120x128xf32, #tpu.memory_space<vmem>> -> memref<1x120x128xf32, #tpu.memory_space<vmem>>
    %dma_start3A_260 = tpu.memref_squeeze %dma_start3A_259 : memref<1x120x128xf32, #tpu.memory_space<vmem>> -> memref<120x128xf32, #tpu.memory_space<vmem>>
    tpu.enqueue_dma source(%dma_start3A_260 : memref<120x128xf32, #tpu.memory_space<vmem>>) target(%dma_start3A_256 : memref<120x128xf32, #tpu.memory_space<hbm>>) target_semaphore(%arg8 : memref<!tpu.dma_semaphore, #tpu.memory_space<semaphore_mem>>)
    %add3A_261 = arith.constant 4 : i32
    %add3A_262 = arith.addi %mul3A_2, %add3A_261 : i32
    %mul3A_263 = arith.constant 120 : i32
    %mul3A_264 = arith.muli %add3A_262, %mul3A_263 : i32
    %dma_start3A_265 = arith.constant 4 : i32
    %dma_start3A_266 = arith.constant 0 : i32
    %dma_start3A_267 = arith.constant 0 : i32
    %dma_start3A_268 = tpu.memref_slice %arg6[%dma_start3A_265, %dma_start3A_266, %dma_start3A_267] : memref<8x120x128xf32, #tpu.memory_space<vmem>> -> memref<1x120x128xf32, #tpu.memory_space<vmem>>
    %dma_start3A_269 = tpu.memref_squeeze %dma_start3A_268 : memref<1x120x128xf32, #tpu.memory_space<vmem>> -> memref<120x128xf32, #tpu.memory_space<vmem>>
    %dma_start3A_270 = arith.constant 0 : i32
    %dma_start3A_271 = tpu.memref_slice %arg4[%mul3A_264, %dma_start3A_270] : memref<30720x128xf32, #tpu.memory_space<hbm>> -> memref<120x128xf32, #tpu.memory_space<hbm>>
    %dma_start3A_272 = arith.constant 0 : i32
    %dma_start3A_273 = tpu.memref_slice %arg4[%mul3A_264, %dma_start3A_272] : memref<30720x128xf32, #tpu.memory_space<hbm>> -> memref<120x128xf32, #tpu.memory_space<hbm>>
    %dma_start3A_274 = arith.constant 0 : i32
    %dma_start3A_275 = arith.constant 0 : i32
    %dma_start3A_276 = tpu.memref_slice %arg6[%dma_start3A_265, %dma_start3A_274, %dma_start3A_275] : memref<8x120x128xf32, #tpu.memory_space<vmem>> -> memref<1x120x128xf32, #tpu.memory_space<vmem>>
    %dma_start3A_277 = tpu.memref_squeeze %dma_start3A_276 : memref<1x120x128xf32, #tpu.memory_space<vmem>> -> memref<120x128xf32, #tpu.memory_space<vmem>>
    tpu.enqueue_dma source(%dma_start3A_277 : memref<120x128xf32, #tpu.memory_space<vmem>>) target(%dma_start3A_273 : memref<120x128xf32, #tpu.memory_space<hbm>>) target_semaphore(%arg8 : memref<!tpu.dma_semaphore, #tpu.memory_space<semaphore_mem>>)
    %add3A_278 = arith.constant 5 : i32
    %add3A_279 = arith.addi %mul3A_2, %add3A_278 : i32
    %mul3A_280 = arith.constant 120 : i32
    %mul3A_281 = arith.muli %add3A_279, %mul3A_280 : i32
    %dma_start3A_282 = arith.constant 5 : i32
    %dma_start3A_283 = arith.constant 0 : i32
    %dma_start3A_284 = arith.constant 0 : i32
    %dma_start3A_285 = tpu.memref_slice %arg6[%dma_start3A_282, %dma_start3A_283, %dma_start3A_284] : memref<8x120x128xf32, #tpu.memory_space<vmem>> -> memref<1x120x128xf32, #tpu.memory_space<vmem>>
    %dma_start3A_286 = tpu.memref_squeeze %dma_start3A_285 : memref<1x120x128xf32, #tpu.memory_space<vmem>> -> memref<120x128xf32, #tpu.memory_space<vmem>>
    %dma_start3A_287 = arith.constant 0 : i32
    %dma_start3A_288 = tpu.memref_slice %arg4[%mul3A_281, %dma_start3A_287] : memref<30720x128xf32, #tpu.memory_space<hbm>> -> memref<120x128xf32, #tpu.memory_space<hbm>>
    %dma_start3A_289 = arith.constant 0 : i32
    %dma_start3A_290 = tpu.memref_slice %arg4[%mul3A_281, %dma_start3A_289] : memref<30720x128xf32, #tpu.memory_space<hbm>> -> memref<120x128xf32, #tpu.memory_space<hbm>>
    %dma_start3A_291 = arith.constant 0 : i32
    %dma_start3A_292 = arith.constant 0 : i32
    %dma_start3A_293 = tpu.memref_slice %arg6[%dma_start3A_282, %dma_start3A_291, %dma_start3A_292] : memref<8x120x128xf32, #tpu.memory_space<vmem>> -> memref<1x120x128xf32, #tpu.memory_space<vmem>>
    %dma_start3A_294 = tpu.memref_squeeze %dma_start3A_293 : memref<1x120x128xf32, #tpu.memory_space<vmem>> -> memref<120x128xf32, #tpu.memory_space<vmem>>
    tpu.enqueue_dma source(%dma_start3A_294 : memref<120x128xf32, #tpu.memory_space<vmem>>) target(%dma_start3A_290 : memref<120x128xf32, #tpu.memory_space<hbm>>) target_semaphore(%arg8 : memref<!tpu.dma_semaphore, #tpu.memory_space<semaphore_mem>>)
    %add3A_295 = arith.constant 6 : i32
    %add3A_296 = arith.addi %mul3A_2, %add3A_295 : i32
    %mul3A_297 = arith.constant 120 : i32
    %mul3A_298 = arith.muli %add3A_296, %mul3A_297 : i32
    %dma_start3A_299 = arith.constant 6 : i32
    %dma_start3A_300 = arith.constant 0 : i32
    %dma_start3A_301 = arith.constant 0 : i32
    %dma_start3A_302 = tpu.memref_slice %arg6[%dma_start3A_299, %dma_start3A_300, %dma_start3A_301] : memref<8x120x128xf32, #tpu.memory_space<vmem>> -> memref<1x120x128xf32, #tpu.memory_space<vmem>>
    %dma_start3A_303 = tpu.memref_squeeze %dma_start3A_302 : memref<1x120x128xf32, #tpu.memory_space<vmem>> -> memref<120x128xf32, #tpu.memory_space<vmem>>
    %dma_start3A_304 = arith.constant 0 : i32
    %dma_start3A_305 = tpu.memref_slice %arg4[%mul3A_298, %dma_start3A_304] : memref<30720x128xf32, #tpu.memory_space<hbm>> -> memref<120x128xf32, #tpu.memory_space<hbm>>
    %dma_start3A_306 = arith.constant 0 : i32
    %dma_start3A_307 = tpu.memref_slice %arg4[%mul3A_298, %dma_start3A_306] : memref<30720x128xf32, #tpu.memory_space<hbm>> -> memref<120x128xf32, #tpu.memory_space<hbm>>
    %dma_start3A_308 = arith.constant 0 : i32
    %dma_start3A_309 = arith.constant 0 : i32
    %dma_start3A_310 = tpu.memref_slice %arg6[%dma_start3A_299, %dma_start3A_308, %dma_start3A_309] : memref<8x120x128xf32, #tpu.memory_space<vmem>> -> memref<1x120x128xf32, #tpu.memory_space<vmem>>
    %dma_start3A_311 = tpu.memref_squeeze %dma_start3A_310 : memref<1x120x128xf32, #tpu.memory_space<vmem>> -> memref<120x128xf32, #tpu.memory_space<vmem>>
    tpu.enqueue_dma source(%dma_start3A_311 : memref<120x128xf32, #tpu.memory_space<vmem>>) target(%dma_start3A_307 : memref<120x128xf32, #tpu.memory_space<hbm>>) target_semaphore(%arg8 : memref<!tpu.dma_semaphore, #tpu.memory_space<semaphore_mem>>)
    %add3A_312 = arith.constant 7 : i32
    %add3A_313 = arith.addi %mul3A_2, %add3A_312 : i32
    %mul3A_314 = arith.constant 120 : i32
    %mul3A_315 = arith.muli %add3A_313, %mul3A_314 : i32
    %dma_start3A_316 = arith.constant 7 : i32
    %dma_start3A_317 = arith.constant 0 : i32
    %dma_start3A_318 = arith.constant 0 : i32
    %dma_start3A_319 = tpu.memref_slice %arg6[%dma_start3A_316, %dma_start3A_317, %dma_start3A_318] : memref<8x120x128xf32, #tpu.memory_space<vmem>> -> memref<1x120x128xf32, #tpu.memory_space<vmem>>
    %dma_start3A_320 = tpu.memref_squeeze %dma_start3A_319 : memref<1x120x128xf32, #tpu.memory_space<vmem>> -> memref<120x128xf32, #tpu.memory_space<vmem>>
    %dma_start3A_321 = arith.constant 0 : i32
    %dma_start3A_322 = tpu.memref_slice %arg4[%mul3A_315, %dma_start3A_321] : memref<30720x128xf32, #tpu.memory_space<hbm>> -> memref<120x128xf32, #tpu.memory_space<hbm>>
    %dma_start3A_323 = arith.constant 0 : i32
    %dma_start3A_324 = tpu.memref_slice %arg4[%mul3A_315, %dma_start3A_323] : memref<30720x128xf32, #tpu.memory_space<hbm>> -> memref<120x128xf32, #tpu.memory_space<hbm>>
    %dma_start3A_325 = arith.constant 0 : i32
    %dma_start3A_326 = arith.constant 0 : i32
    %dma_start3A_327 = tpu.memref_slice %arg6[%dma_start3A_316, %dma_start3A_325, %dma_start3A_326] : memref<8x120x128xf32, #tpu.memory_space<vmem>> -> memref<1x120x128xf32, #tpu.memory_space<vmem>>
    %dma_start3A_328 = tpu.memref_squeeze %dma_start3A_327 : memref<1x120x128xf32, #tpu.memory_space<vmem>> -> memref<120x128xf32, #tpu.memory_space<vmem>>
    tpu.enqueue_dma source(%dma_start3A_328 : memref<120x128xf32, #tpu.memory_space<vmem>>) target(%dma_start3A_324 : memref<120x128xf32, #tpu.memory_space<hbm>>) target_semaphore(%arg8 : memref<!tpu.dma_semaphore, #tpu.memory_space<semaphore_mem>>)
    %dma_wait3A_329 = arith.constant 0 : i32
    %dma_wait3A_330 = arith.constant 0 : i32
    %dma_wait3A_331 = arith.constant 0 : i32
    %dma_wait3A_332 = tpu.memref_slice %arg6[%dma_wait3A_329, %dma_wait3A_330, %dma_wait3A_331] : memref<8x120x128xf32, #tpu.memory_space<vmem>> -> memref<1x120x128xf32, #tpu.memory_space<vmem>>
    %dma_wait3A_333 = tpu.memref_squeeze %dma_wait3A_332 : memref<1x120x128xf32, #tpu.memory_space<vmem>> -> memref<120x128xf32, #tpu.memory_space<vmem>>
    %dma_wait3A_334 = arith.constant 0 : i32
    %dma_wait3A_335 = tpu.memref_slice %arg4[%mul3A_196, %dma_wait3A_334] : memref<30720x128xf32, #tpu.memory_space<hbm>> -> memref<120x128xf32, #tpu.memory_space<hbm>>
    %dma_wait3A_336 = arith.constant 0 : i32
    %dma_wait3A_337 = tpu.memref_slice %arg4[%mul3A_196, %dma_wait3A_336] : memref<30720x128xf32, #tpu.memory_space<hbm>> -> memref<120x128xf32, #tpu.memory_space<hbm>>
    %dma_wait3A_338 = arith.constant 0 : i32
    %dma_wait3A_339 = arith.constant 0 : i32
    %dma_wait3A_340 = tpu.memref_slice %arg6[%dma_wait3A_329, %dma_wait3A_338, %dma_wait3A_339] : memref<8x120x128xf32, #tpu.memory_space<vmem>> -> memref<1x120x128xf32, #tpu.memory_space<vmem>>
    %dma_wait3A_341 = tpu.memref_squeeze %dma_wait3A_340 : memref<1x120x128xf32, #tpu.memory_space<vmem>> -> memref<120x128xf32, #tpu.memory_space<vmem>>
    tpu.wait_dma2 semaphore(%arg8 : memref<!tpu.dma_semaphore, #tpu.memory_space<semaphore_mem>>) src(%dma_wait3A_341 : memref<120x128xf32, #tpu.memory_space<vmem>>) dst(%dma_wait3A_337 : memref<120x128xf32, #tpu.memory_space<hbm>>)
    %dma_wait3A_342 = arith.constant 1 : i32
    %dma_wait3A_343 = arith.constant 0 : i32
    %dma_wait3A_344 = arith.constant 0 : i32
    %dma_wait3A_345 = tpu.memref_slice %arg6[%dma_wait3A_342, %dma_wait3A_343, %dma_wait3A_344] : memref<8x120x128xf32, #tpu.memory_space<vmem>> -> memref<1x120x128xf32, #tpu.memory_space<vmem>>
    %dma_wait3A_346 = tpu.memref_squeeze %dma_wait3A_345 : memref<1x120x128xf32, #tpu.memory_space<vmem>> -> memref<120x128xf32, #tpu.memory_space<vmem>>
    %dma_wait3A_347 = arith.constant 0 : i32
    %dma_wait3A_348 = tpu.memref_slice %arg4[%mul3A_213, %dma_wait3A_347] : memref<30720x128xf32, #tpu.memory_space<hbm>> -> memref<120x128xf32, #tpu.memory_space<hbm>>
    %dma_wait3A_349 = arith.constant 0 : i32
    %dma_wait3A_350 = tpu.memref_slice %arg4[%mul3A_213, %dma_wait3A_349] : memref<30720x128xf32, #tpu.memory_space<hbm>> -> memref<120x128xf32, #tpu.memory_space<hbm>>
    %dma_wait3A_351 = arith.constant 0 : i32
    %dma_wait3A_352 = arith.constant 0 : i32
    %dma_wait3A_353 = tpu.memref_slice %arg6[%dma_wait3A_342, %dma_wait3A_351, %dma_wait3A_352] : memref<8x120x128xf32, #tpu.memory_space<vmem>> -> memref<1x120x128xf32, #tpu.memory_space<vmem>>
    %dma_wait3A_354 = tpu.memref_squeeze %dma_wait3A_353 : memref<1x120x128xf32, #tpu.memory_space<vmem>> -> memref<120x128xf32, #tpu.memory_space<vmem>>
    tpu.wait_dma2 semaphore(%arg8 : memref<!tpu.dma_semaphore, #tpu.memory_space<semaphore_mem>>) src(%dma_wait3A_354 : memref<120x128xf32, #tpu.memory_space<vmem>>) dst(%dma_wait3A_350 : memref<120x128xf32, #tpu.memory_space<hbm>>)
    %dma_wait3A_355 = arith.constant 2 : i32
    %dma_wait3A_356 = arith.constant 0 : i32
    %dma_wait3A_357 = arith.constant 0 : i32
    %dma_wait3A_358 = tpu.memref_slice %arg6[%dma_wait3A_355, %dma_wait3A_356, %dma_wait3A_357] : memref<8x120x128xf32, #tpu.memory_space<vmem>> -> memref<1x120x128xf32, #tpu.memory_space<vmem>>
    %dma_wait3A_359 = tpu.memref_squeeze %dma_wait3A_358 : memref<1x120x128xf32, #tpu.memory_space<vmem>> -> memref<120x128xf32, #tpu.memory_space<vmem>>
    %dma_wait3A_360 = arith.constant 0 : i32
    %dma_wait3A_361 = tpu.memref_slice %arg4[%mul3A_230, %dma_wait3A_360] : memref<30720x128xf32, #tpu.memory_space<hbm>> -> memref<120x128xf32, #tpu.memory_space<hbm>>
    %dma_wait3A_362 = arith.constant 0 : i32
    %dma_wait3A_363 = tpu.memref_slice %arg4[%mul3A_230, %dma_wait3A_362] : memref<30720x128xf32, #tpu.memory_space<hbm>> -> memref<120x128xf32, #tpu.memory_space<hbm>>
    %dma_wait3A_364 = arith.constant 0 : i32
    %dma_wait3A_365 = arith.constant 0 : i32
    %dma_wait3A_366 = tpu.memref_slice %arg6[%dma_wait3A_355, %dma_wait3A_364, %dma_wait3A_365] : memref<8x120x128xf32, #tpu.memory_space<vmem>> -> memref<1x120x128xf32, #tpu.memory_space<vmem>>
    %dma_wait3A_367 = tpu.memref_squeeze %dma_wait3A_366 : memref<1x120x128xf32, #tpu.memory_space<vmem>> -> memref<120x128xf32, #tpu.memory_space<vmem>>
    tpu.wait_dma2 semaphore(%arg8 : memref<!tpu.dma_semaphore, #tpu.memory_space<semaphore_mem>>) src(%dma_wait3A_367 : memref<120x128xf32, #tpu.memory_space<vmem>>) dst(%dma_wait3A_363 : memref<120x128xf32, #tpu.memory_space<hbm>>)
    %dma_wait3A_368 = arith.constant 3 : i32
    %dma_wait3A_369 = arith.constant 0 : i32
    %dma_wait3A_370 = arith.constant 0 : i32
    %dma_wait3A_371 = tpu.memref_slice %arg6[%dma_wait3A_368, %dma_wait3A_369, %dma_wait3A_370] : memref<8x120x128xf32, #tpu.memory_space<vmem>> -> memref<1x120x128xf32, #tpu.memory_space<vmem>>
    %dma_wait3A_372 = tpu.memref_squeeze %dma_wait3A_371 : memref<1x120x128xf32, #tpu.memory_space<vmem>> -> memref<120x128xf32, #tpu.memory_space<vmem>>
    %dma_wait3A_373 = arith.constant 0 : i32
    %dma_wait3A_374 = tpu.memref_slice %arg4[%mul3A_247, %dma_wait3A_373] : memref<30720x128xf32, #tpu.memory_space<hbm>> -> memref<120x128xf32, #tpu.memory_space<hbm>>
    %dma_wait3A_375 = arith.constant 0 : i32
    %dma_wait3A_376 = tpu.memref_slice %arg4[%mul3A_247, %dma_wait3A_375] : memref<30720x128xf32, #tpu.memory_space<hbm>> -> memref<120x128xf32, #tpu.memory_space<hbm>>
    %dma_wait3A_377 = arith.constant 0 : i32
    %dma_wait3A_378 = arith.constant 0 : i32
    %dma_wait3A_379 = tpu.memref_slice %arg6[%dma_wait3A_368, %dma_wait3A_377, %dma_wait3A_378] : memref<8x120x128xf32, #tpu.memory_space<vmem>> -> memref<1x120x128xf32, #tpu.memory_space<vmem>>
    %dma_wait3A_380 = tpu.memref_squeeze %dma_wait3A_379 : memref<1x120x128xf32, #tpu.memory_space<vmem>> -> memref<120x128xf32, #tpu.memory_space<vmem>>
    tpu.wait_dma2 semaphore(%arg8 : memref<!tpu.dma_semaphore, #tpu.memory_space<semaphore_mem>>) src(%dma_wait3A_380 : memref<120x128xf32, #tpu.memory_space<vmem>>) dst(%dma_wait3A_376 : memref<120x128xf32, #tpu.memory_space<hbm>>)
    %dma_wait3A_381 = arith.constant 4 : i32
    %dma_wait3A_382 = arith.constant 0 : i32
    %dma_wait3A_383 = arith.constant 0 : i32
    %dma_wait3A_384 = tpu.memref_slice %arg6[%dma_wait3A_381, %dma_wait3A_382, %dma_wait3A_383] : memref<8x120x128xf32, #tpu.memory_space<vmem>> -> memref<1x120x128xf32, #tpu.memory_space<vmem>>
    %dma_wait3A_385 = tpu.memref_squeeze %dma_wait3A_384 : memref<1x120x128xf32, #tpu.memory_space<vmem>> -> memref<120x128xf32, #tpu.memory_space<vmem>>
    %dma_wait3A_386 = arith.constant 0 : i32
    %dma_wait3A_387 = tpu.memref_slice %arg4[%mul3A_264, %dma_wait3A_386] : memref<30720x128xf32, #tpu.memory_space<hbm>> -> memref<120x128xf32, #tpu.memory_space<hbm>>
    %dma_wait3A_388 = arith.constant 0 : i32
    %dma_wait3A_389 = tpu.memref_slice %arg4[%mul3A_264, %dma_wait3A_388] : memref<30720x128xf32, #tpu.memory_space<hbm>> -> memref<120x128xf32, #tpu.memory_space<hbm>>
    %dma_wait3A_390 = arith.constant 0 : i32
    %dma_wait3A_391 = arith.constant 0 : i32
    %dma_wait3A_392 = tpu.memref_slice %arg6[%dma_wait3A_381, %dma_wait3A_390, %dma_wait3A_391] : memref<8x120x128xf32, #tpu.memory_space<vmem>> -> memref<1x120x128xf32, #tpu.memory_space<vmem>>
    %dma_wait3A_393 = tpu.memref_squeeze %dma_wait3A_392 : memref<1x120x128xf32, #tpu.memory_space<vmem>> -> memref<120x128xf32, #tpu.memory_space<vmem>>
    tpu.wait_dma2 semaphore(%arg8 : memref<!tpu.dma_semaphore, #tpu.memory_space<semaphore_mem>>) src(%dma_wait3A_393 : memref<120x128xf32, #tpu.memory_space<vmem>>) dst(%dma_wait3A_389 : memref<120x128xf32, #tpu.memory_space<hbm>>)
    %dma_wait3A_394 = arith.constant 5 : i32
    %dma_wait3A_395 = arith.constant 0 : i32
    %dma_wait3A_396 = arith.constant 0 : i32
    %dma_wait3A_397 = tpu.memref_slice %arg6[%dma_wait3A_394, %dma_wait3A_395, %dma_wait3A_396] : memref<8x120x128xf32, #tpu.memory_space<vmem>> -> memref<1x120x128xf32, #tpu.memory_space<vmem>>
    %dma_wait3A_398 = tpu.memref_squeeze %dma_wait3A_397 : memref<1x120x128xf32, #tpu.memory_space<vmem>> -> memref<120x128xf32, #tpu.memory_space<vmem>>
    %dma_wait3A_399 = arith.constant 0 : i32
    %dma_wait3A_400 = tpu.memref_slice %arg4[%mul3A_281, %dma_wait3A_399] : memref<30720x128xf32, #tpu.memory_space<hbm>> -> memref<120x128xf32, #tpu.memory_space<hbm>>
    %dma_wait3A_401 = arith.constant 0 : i32
    %dma_wait3A_402 = tpu.memref_slice %arg4[%mul3A_281, %dma_wait3A_401] : memref<30720x128xf32, #tpu.memory_space<hbm>> -> memref<120x128xf32, #tpu.memory_space<hbm>>
    %dma_wait3A_403 = arith.constant 0 : i32
    %dma_wait3A_404 = arith.constant 0 : i32
    %dma_wait3A_405 = tpu.memref_slice %arg6[%dma_wait3A_394, %dma_wait3A_403, %dma_wait3A_404] : memref<8x120x128xf32, #tpu.memory_space<vmem>> -> memref<1x120x128xf32, #tpu.memory_space<vmem>>
    %dma_wait3A_406 = tpu.memref_squeeze %dma_wait3A_405 : memref<1x120x128xf32, #tpu.memory_space<vmem>> -> memref<120x128xf32, #tpu.memory_space<vmem>>
    tpu.wait_dma2 semaphore(%arg8 : memref<!tpu.dma_semaphore, #tpu.memory_space<semaphore_mem>>) src(%dma_wait3A_406 : memref<120x128xf32, #tpu.memory_space<vmem>>) dst(%dma_wait3A_402 : memref<120x128xf32, #tpu.memory_space<hbm>>)
    %dma_wait3A_407 = arith.constant 6 : i32
    %dma_wait3A_408 = arith.constant 0 : i32
    %dma_wait3A_409 = arith.constant 0 : i32
    %dma_wait3A_410 = tpu.memref_slice %arg6[%dma_wait3A_407, %dma_wait3A_408, %dma_wait3A_409] : memref<8x120x128xf32, #tpu.memory_space<vmem>> -> memref<1x120x128xf32, #tpu.memory_space<vmem>>
    %dma_wait3A_411 = tpu.memref_squeeze %dma_wait3A_410 : memref<1x120x128xf32, #tpu.memory_space<vmem>> -> memref<120x128xf32, #tpu.memory_space<vmem>>
    %dma_wait3A_412 = arith.constant 0 : i32
    %dma_wait3A_413 = tpu.memref_slice %arg4[%mul3A_298, %dma_wait3A_412] : memref<30720x128xf32, #tpu.memory_space<hbm>> -> memref<120x128xf32, #tpu.memory_space<hbm>>
    %dma_wait3A_414 = arith.constant 0 : i32
    %dma_wait3A_415 = tpu.memref_slice %arg4[%mul3A_298, %dma_wait3A_414] : memref<30720x128xf32, #tpu.memory_space<hbm>> -> memref<120x128xf32, #tpu.memory_space<hbm>>
    %dma_wait3A_416 = arith.constant 0 : i32
    %dma_wait3A_417 = arith.constant 0 : i32
    %dma_wait3A_418 = tpu.memref_slice %arg6[%dma_wait3A_407, %dma_wait3A_416, %dma_wait3A_417] : memref<8x120x128xf32, #tpu.memory_space<vmem>> -> memref<1x120x128xf32, #tpu.memory_space<vmem>>
    %dma_wait3A_419 = tpu.memref_squeeze %dma_wait3A_418 : memref<1x120x128xf32, #tpu.memory_space<vmem>> -> memref<120x128xf32, #tpu.memory_space<vmem>>
    tpu.wait_dma2 semaphore(%arg8 : memref<!tpu.dma_semaphore, #tpu.memory_space<semaphore_mem>>) src(%dma_wait3A_419 : memref<120x128xf32, #tpu.memory_space<vmem>>) dst(%dma_wait3A_415 : memref<120x128xf32, #tpu.memory_space<hbm>>)
    %dma_wait3A_420 = arith.constant 7 : i32
    %dma_wait3A_421 = arith.constant 0 : i32
    %dma_wait3A_422 = arith.constant 0 : i32
    %dma_wait3A_423 = tpu.memref_slice %arg6[%dma_wait3A_420, %dma_wait3A_421, %dma_wait3A_422] : memref<8x120x128xf32, #tpu.memory_space<vmem>> -> memref<1x120x128xf32, #tpu.memory_space<vmem>>
    %dma_wait3A_424 = tpu.memref_squeeze %dma_wait3A_423 : memref<1x120x128xf32, #tpu.memory_space<vmem>> -> memref<120x128xf32, #tpu.memory_space<vmem>>
    %dma_wait3A_425 = arith.constant 0 : i32
    %dma_wait3A_426 = tpu.memref_slice %arg4[%mul3A_315, %dma_wait3A_425] : memref<30720x128xf32, #tpu.memory_space<hbm>> -> memref<120x128xf32, #tpu.memory_space<hbm>>
    %dma_wait3A_427 = arith.constant 0 : i32
    %dma_wait3A_428 = tpu.memref_slice %arg4[%mul3A_315, %dma_wait3A_427] : memref<30720x128xf32, #tpu.memory_space<hbm>> -> memref<120x128xf32, #tpu.memory_space<hbm>>
    %dma_wait3A_429 = arith.constant 0 : i32
    %dma_wait3A_430 = arith.constant 0 : i32
    %dma_wait3A_431 = tpu.memref_slice %arg6[%dma_wait3A_420, %dma_wait3A_429, %dma_wait3A_430] : memref<8x120x128xf32, #tpu.memory_space<vmem>> -> memref<1x120x128xf32, #tpu.memory_space<vmem>>
    %dma_wait3A_432 = tpu.memref_squeeze %dma_wait3A_431 : memref<1x120x128xf32, #tpu.memory_space<vmem>> -> memref<120x128xf32, #tpu.memory_space<vmem>>
    tpu.wait_dma2 semaphore(%arg8 : memref<!tpu.dma_semaphore, #tpu.memory_space<semaphore_mem>>) src(%dma_wait3A_432 : memref<120x128xf32, #tpu.memory_space<vmem>>) dst(%dma_wait3A_428 : memref<120x128xf32, #tpu.memory_space<hbm>>)
    return
  }
}

#map = affine_map<(d0, d1) -> (0, 0)>
module attributes {stable_mosaic.version = 14 : i64} {
  func.func @gk(%arg0: i32, %arg1: i32, %arg2: memref<10000x128xf32, #tpu.memory_space<hbm>>, %arg3: memref<256x120xi32, #tpu.memory_space<hbm>>, %arg4: memref<30720x128xf32, #tpu.memory_space<hbm>>, %arg5: memref<8x120xi32, #tpu.memory_space<vmem>>, %arg6: memref<8x120x128xf32, #tpu.memory_space<vmem>>, %arg7: memref<!tpu.dma_semaphore, #tpu.memory_space<semaphore_mem>>, %arg8: memref<!tpu.dma_semaphore, #tpu.memory_space<semaphore_mem>>) attributes {dimension_semantics = [#tpu.dimension_semantics<core_parallel>, #tpu.dimension_semantics<subcore_parallel>], iteration_bounds = array<i64: 2, 16>, scalar_prefetch = 0 : i64, scratch_operands = 4 : i64, tpu.core_type = #tpu.core_type<sc_vector_subcore>, window_params = [{transform_indices = #map}, {transform_indices = #map}, {transform_indices = #map}]} {
    %mul3A = arith.constant 2 : i32
    %mul3A_0 = arith.muli %arg1, %mul3A : i32
    %add3A = arith.addi %mul3A_0, %arg0 : i32
    %mul3A_1 = arith.constant 8 : i32
    %mul3A_2 = arith.muli %add3A, %mul3A_1 : i32
    "tpu.region"() ({
      %run_scoped3A = tpu.sem_alloc : memref<!tpu.dma_semaphore, #tpu.memory_space<semaphore_mem>>
      %dma_start3A_433 = arith.constant 0 : i32
      %dma_start3A_434 = tpu.memref_slice %arg3[%mul3A_2, %dma_start3A_433] : memref<256x120xi32, #tpu.memory_space<hbm>> -> memref<8x120xi32, #tpu.memory_space<hbm>>
      %dma_start3A_435 = arith.constant 0 : i32
      %dma_start3A_436 = tpu.memref_slice %arg3[%mul3A_2, %dma_start3A_435] : memref<256x120xi32, #tpu.memory_space<hbm>> -> memref<8x120xi32, #tpu.memory_space<hbm>>
      tpu.enqueue_dma source(%dma_start3A_436 : memref<8x120xi32, #tpu.memory_space<hbm>>) target(%arg5 : memref<8x120xi32, #tpu.memory_space<vmem>>) target_semaphore(%run_scoped3A : memref<!tpu.dma_semaphore, #tpu.memory_space<semaphore_mem>>)
      %dma_wait3A_437 = arith.constant 0 : i32
      %dma_wait3A_438 = tpu.memref_slice %arg3[%mul3A_2, %dma_wait3A_437] : memref<256x120xi32, #tpu.memory_space<hbm>> -> memref<8x120xi32, #tpu.memory_space<hbm>>
      %dma_wait3A_439 = arith.constant 0 : i32
      %dma_wait3A_440 = tpu.memref_slice %arg3[%mul3A_2, %dma_wait3A_439] : memref<256x120xi32, #tpu.memory_space<hbm>> -> memref<8x120xi32, #tpu.memory_space<hbm>>
      tpu.wait_dma2 semaphore(%run_scoped3A : memref<!tpu.dma_semaphore, #tpu.memory_space<semaphore_mem>>) src(%dma_wait3A_440 : memref<8x120xi32, #tpu.memory_space<hbm>>) dst(%arg5 : memref<8x120xi32, #tpu.memory_space<vmem>>)
      tpu.yield
    }) : () -> ()
    %dma_start3A = arith.constant 0 : i32
    %dma_start3A_3 = arith.constant 0 : i32
    %dma_start3A_4 = arith.constant 0 : i32
    %dma_start3A_5 = arith.constant 0 : i32
    %dma_start3A_6 = tpu.memref_slice %arg6[%dma_start3A_3, %dma_start3A_4, %dma_start3A_5] : memref<8x120x128xf32, #tpu.memory_space<vmem>> -> memref<1x120x128xf32, #tpu.memory_space<vmem>>
    %dma_start3A_7 = tpu.memref_squeeze %dma_start3A_6 : memref<1x120x128xf32, #tpu.memory_space<vmem>> -> memref<120x128xf32, #tpu.memory_space<vmem>>
    %dma_start3A_8 = arith.constant 0 : i32
    %dma_start3A_9 = tpu.memref_slice %arg5[%dma_start3A, %dma_start3A_8] : memref<8x120xi32, #tpu.memory_space<vmem>> -> memref<1x120xi32, #tpu.memory_space<vmem>>
    %dma_start3A_10 = tpu.memref_squeeze %dma_start3A_9 : memref<1x120xi32, #tpu.memory_space<vmem>> -> memref<120xi32, #tpu.memory_space<vmem>>
    %dma_start3A_11 = arith.constant 0 : i32
    %dma_start3A_12 = arith.constant 0 : i32
    %dma_start3A_13 = tpu.memref_slice %arg2[%dma_start3A_11, %dma_start3A_12] : memref<10000x128xf32, #tpu.memory_space<hbm>> -> memref<10000x128xf32, #tpu.memory_space<hbm>>
    tpu.enqueue_indirect_dma source(%dma_start3A_13 : memref<10000x128xf32, #tpu.memory_space<hbm>>) target(%dma_start3A_7 : memref<120x128xf32, #tpu.memory_space<vmem>>) offsets(%dma_start3A_10 : memref<120xi32, #tpu.memory_space<vmem>>) semaphore(%arg7 : memref<!tpu.dma_semaphore, #tpu.memory_space<semaphore_mem>>)
    %dma_start3A_14 = arith.constant 1 : i32
    %dma_start3A_15 = arith.constant 1 : i32
    %dma_start3A_16 = arith.constant 0 : i32
    %dma_start3A_17 = arith.constant 0 : i32
    %dma_start3A_18 = tpu.memref_slice %arg6[%dma_start3A_15, %dma_start3A_16, %dma_start3A_17] : memref<8x120x128xf32, #tpu.memory_space<vmem>> -> memref<1x120x128xf32, #tpu.memory_space<vmem>>
    %dma_start3A_19 = tpu.memref_squeeze %dma_start3A_18 : memref<1x120x128xf32, #tpu.memory_space<vmem>> -> memref<120x128xf32, #tpu.memory_space<vmem>>
    %dma_start3A_20 = arith.constant 0 : i32
    %dma_start3A_21 = tpu.memref_slice %arg5[%dma_start3A_14, %dma_start3A_20] : memref<8x120xi32, #tpu.memory_space<vmem>> -> memref<1x120xi32, #tpu.memory_space<vmem>>
    %dma_start3A_22 = tpu.memref_squeeze %dma_start3A_21 : memref<1x120xi32, #tpu.memory_space<vmem>> -> memref<120xi32, #tpu.memory_space<vmem>>
    %dma_start3A_23 = arith.constant 0 : i32
    %dma_start3A_24 = arith.constant 0 : i32
    %dma_start3A_25 = tpu.memref_slice %arg2[%dma_start3A_23, %dma_start3A_24] : memref<10000x128xf32, #tpu.memory_space<hbm>> -> memref<10000x128xf32, #tpu.memory_space<hbm>>
    tpu.enqueue_indirect_dma source(%dma_start3A_25 : memref<10000x128xf32, #tpu.memory_space<hbm>>) target(%dma_start3A_19 : memref<120x128xf32, #tpu.memory_space<vmem>>) offsets(%dma_start3A_22 : memref<120xi32, #tpu.memory_space<vmem>>) semaphore(%arg7 : memref<!tpu.dma_semaphore, #tpu.memory_space<semaphore_mem>>)
    %dma_start3A_26 = arith.constant 2 : i32
    %dma_start3A_27 = arith.constant 2 : i32
    %dma_start3A_28 = arith.constant 0 : i32
    %dma_start3A_29 = arith.constant 0 : i32
    %dma_start3A_30 = tpu.memref_slice %arg6[%dma_start3A_27, %dma_start3A_28, %dma_start3A_29] : memref<8x120x128xf32, #tpu.memory_space<vmem>> -> memref<1x120x128xf32, #tpu.memory_space<vmem>>
    %dma_start3A_31 = tpu.memref_squeeze %dma_start3A_30 : memref<1x120x128xf32, #tpu.memory_space<vmem>> -> memref<120x128xf32, #tpu.memory_space<vmem>>
    %dma_start3A_32 = arith.constant 0 : i32
    %dma_start3A_33 = tpu.memref_slice %arg5[%dma_start3A_26, %dma_start3A_32] : memref<8x120xi32, #tpu.memory_space<vmem>> -> memref<1x120xi32, #tpu.memory_space<vmem>>
    %dma_start3A_34 = tpu.memref_squeeze %dma_start3A_33 : memref<1x120xi32, #tpu.memory_space<vmem>> -> memref<120xi32, #tpu.memory_space<vmem>>
    %dma_start3A_35 = arith.constant 0 : i32
    %dma_start3A_36 = arith.constant 0 : i32
    %dma_start3A_37 = tpu.memref_slice %arg2[%dma_start3A_35, %dma_start3A_36] : memref<10000x128xf32, #tpu.memory_space<hbm>> -> memref<10000x128xf32, #tpu.memory_space<hbm>>
    tpu.enqueue_indirect_dma source(%dma_start3A_37 : memref<10000x128xf32, #tpu.memory_space<hbm>>) target(%dma_start3A_31 : memref<120x128xf32, #tpu.memory_space<vmem>>) offsets(%dma_start3A_34 : memref<120xi32, #tpu.memory_space<vmem>>) semaphore(%arg7 : memref<!tpu.dma_semaphore, #tpu.memory_space<semaphore_mem>>)
    %dma_start3A_38 = arith.constant 3 : i32
    %dma_start3A_39 = arith.constant 3 : i32
    %dma_start3A_40 = arith.constant 0 : i32
    %dma_start3A_41 = arith.constant 0 : i32
    %dma_start3A_42 = tpu.memref_slice %arg6[%dma_start3A_39, %dma_start3A_40, %dma_start3A_41] : memref<8x120x128xf32, #tpu.memory_space<vmem>> -> memref<1x120x128xf32, #tpu.memory_space<vmem>>
    %dma_start3A_43 = tpu.memref_squeeze %dma_start3A_42 : memref<1x120x128xf32, #tpu.memory_space<vmem>> -> memref<120x128xf32, #tpu.memory_space<vmem>>
    %dma_start3A_44 = arith.constant 0 : i32
    %dma_start3A_45 = tpu.memref_slice %arg5[%dma_start3A_38, %dma_start3A_44] : memref<8x120xi32, #tpu.memory_space<vmem>> -> memref<1x120xi32, #tpu.memory_space<vmem>>
    %dma_start3A_46 = tpu.memref_squeeze %dma_start3A_45 : memref<1x120xi32, #tpu.memory_space<vmem>> -> memref<120xi32, #tpu.memory_space<vmem>>
    %dma_start3A_47 = arith.constant 0 : i32
    %dma_start3A_48 = arith.constant 0 : i32
    %dma_start3A_49 = tpu.memref_slice %arg2[%dma_start3A_47, %dma_start3A_48] : memref<10000x128xf32, #tpu.memory_space<hbm>> -> memref<10000x128xf32, #tpu.memory_space<hbm>>
    tpu.enqueue_indirect_dma source(%dma_start3A_49 : memref<10000x128xf32, #tpu.memory_space<hbm>>) target(%dma_start3A_43 : memref<120x128xf32, #tpu.memory_space<vmem>>) offsets(%dma_start3A_46 : memref<120xi32, #tpu.memory_space<vmem>>) semaphore(%arg7 : memref<!tpu.dma_semaphore, #tpu.memory_space<semaphore_mem>>)
    %dma_start3A_50 = arith.constant 4 : i32
    %dma_start3A_51 = arith.constant 4 : i32
    %dma_start3A_52 = arith.constant 0 : i32
    %dma_start3A_53 = arith.constant 0 : i32
    %dma_start3A_54 = tpu.memref_slice %arg6[%dma_start3A_51, %dma_start3A_52, %dma_start3A_53] : memref<8x120x128xf32, #tpu.memory_space<vmem>> -> memref<1x120x128xf32, #tpu.memory_space<vmem>>
    %dma_start3A_55 = tpu.memref_squeeze %dma_start3A_54 : memref<1x120x128xf32, #tpu.memory_space<vmem>> -> memref<120x128xf32, #tpu.memory_space<vmem>>
    %dma_start3A_56 = arith.constant 0 : i32
    %dma_start3A_57 = tpu.memref_slice %arg5[%dma_start3A_50, %dma_start3A_56] : memref<8x120xi32, #tpu.memory_space<vmem>> -> memref<1x120xi32, #tpu.memory_space<vmem>>
    %dma_start3A_58 = tpu.memref_squeeze %dma_start3A_57 : memref<1x120xi32, #tpu.memory_space<vmem>> -> memref<120xi32, #tpu.memory_space<vmem>>
    %dma_start3A_59 = arith.constant 0 : i32
    %dma_start3A_60 = arith.constant 0 : i32
    %dma_start3A_61 = tpu.memref_slice %arg2[%dma_start3A_59, %dma_start3A_60] : memref<10000x128xf32, #tpu.memory_space<hbm>> -> memref<10000x128xf32, #tpu.memory_space<hbm>>
    tpu.enqueue_indirect_dma source(%dma_start3A_61 : memref<10000x128xf32, #tpu.memory_space<hbm>>) target(%dma_start3A_55 : memref<120x128xf32, #tpu.memory_space<vmem>>) offsets(%dma_start3A_58 : memref<120xi32, #tpu.memory_space<vmem>>) semaphore(%arg7 : memref<!tpu.dma_semaphore, #tpu.memory_space<semaphore_mem>>)
    %dma_start3A_62 = arith.constant 5 : i32
    %dma_start3A_63 = arith.constant 5 : i32
    %dma_start3A_64 = arith.constant 0 : i32
    %dma_start3A_65 = arith.constant 0 : i32
    %dma_start3A_66 = tpu.memref_slice %arg6[%dma_start3A_63, %dma_start3A_64, %dma_start3A_65] : memref<8x120x128xf32, #tpu.memory_space<vmem>> -> memref<1x120x128xf32, #tpu.memory_space<vmem>>
    %dma_start3A_67 = tpu.memref_squeeze %dma_start3A_66 : memref<1x120x128xf32, #tpu.memory_space<vmem>> -> memref<120x128xf32, #tpu.memory_space<vmem>>
    %dma_start3A_68 = arith.constant 0 : i32
    %dma_start3A_69 = tpu.memref_slice %arg5[%dma_start3A_62, %dma_start3A_68] : memref<8x120xi32, #tpu.memory_space<vmem>> -> memref<1x120xi32, #tpu.memory_space<vmem>>
    %dma_start3A_70 = tpu.memref_squeeze %dma_start3A_69 : memref<1x120xi32, #tpu.memory_space<vmem>> -> memref<120xi32, #tpu.memory_space<vmem>>
    %dma_start3A_71 = arith.constant 0 : i32
    %dma_start3A_72 = arith.constant 0 : i32
    %dma_start3A_73 = tpu.memref_slice %arg2[%dma_start3A_71, %dma_start3A_72] : memref<10000x128xf32, #tpu.memory_space<hbm>> -> memref<10000x128xf32, #tpu.memory_space<hbm>>
    tpu.enqueue_indirect_dma source(%dma_start3A_73 : memref<10000x128xf32, #tpu.memory_space<hbm>>) target(%dma_start3A_67 : memref<120x128xf32, #tpu.memory_space<vmem>>) offsets(%dma_start3A_70 : memref<120xi32, #tpu.memory_space<vmem>>) semaphore(%arg7 : memref<!tpu.dma_semaphore, #tpu.memory_space<semaphore_mem>>)
    %dma_start3A_74 = arith.constant 6 : i32
    %dma_start3A_75 = arith.constant 6 : i32
    %dma_start3A_76 = arith.constant 0 : i32
    %dma_start3A_77 = arith.constant 0 : i32
    %dma_start3A_78 = tpu.memref_slice %arg6[%dma_start3A_75, %dma_start3A_76, %dma_start3A_77] : memref<8x120x128xf32, #tpu.memory_space<vmem>> -> memref<1x120x128xf32, #tpu.memory_space<vmem>>
    %dma_start3A_79 = tpu.memref_squeeze %dma_start3A_78 : memref<1x120x128xf32, #tpu.memory_space<vmem>> -> memref<120x128xf32, #tpu.memory_space<vmem>>
    %dma_start3A_80 = arith.constant 0 : i32
    %dma_start3A_81 = tpu.memref_slice %arg5[%dma_start3A_74, %dma_start3A_80] : memref<8x120xi32, #tpu.memory_space<vmem>> -> memref<1x120xi32, #tpu.memory_space<vmem>>
    %dma_start3A_82 = tpu.memref_squeeze %dma_start3A_81 : memref<1x120xi32, #tpu.memory_space<vmem>> -> memref<120xi32, #tpu.memory_space<vmem>>
    %dma_start3A_83 = arith.constant 0 : i32
    %dma_start3A_84 = arith.constant 0 : i32
    %dma_start3A_85 = tpu.memref_slice %arg2[%dma_start3A_83, %dma_start3A_84] : memref<10000x128xf32, #tpu.memory_space<hbm>> -> memref<10000x128xf32, #tpu.memory_space<hbm>>
    tpu.enqueue_indirect_dma source(%dma_start3A_85 : memref<10000x128xf32, #tpu.memory_space<hbm>>) target(%dma_start3A_79 : memref<120x128xf32, #tpu.memory_space<vmem>>) offsets(%dma_start3A_82 : memref<120xi32, #tpu.memory_space<vmem>>) semaphore(%arg7 : memref<!tpu.dma_semaphore, #tpu.memory_space<semaphore_mem>>)
    %dma_start3A_86 = arith.constant 7 : i32
    %dma_start3A_87 = arith.constant 7 : i32
    %dma_start3A_88 = arith.constant 0 : i32
    %dma_start3A_89 = arith.constant 0 : i32
    %dma_start3A_90 = tpu.memref_slice %arg6[%dma_start3A_87, %dma_start3A_88, %dma_start3A_89] : memref<8x120x128xf32, #tpu.memory_space<vmem>> -> memref<1x120x128xf32, #tpu.memory_space<vmem>>
    %dma_start3A_91 = tpu.memref_squeeze %dma_start3A_90 : memref<1x120x128xf32, #tpu.memory_space<vmem>> -> memref<120x128xf32, #tpu.memory_space<vmem>>
    %dma_start3A_92 = arith.constant 0 : i32
    %dma_start3A_93 = tpu.memref_slice %arg5[%dma_start3A_86, %dma_start3A_92] : memref<8x120xi32, #tpu.memory_space<vmem>> -> memref<1x120xi32, #tpu.memory_space<vmem>>
    %dma_start3A_94 = tpu.memref_squeeze %dma_start3A_93 : memref<1x120xi32, #tpu.memory_space<vmem>> -> memref<120xi32, #tpu.memory_space<vmem>>
    %dma_start3A_95 = arith.constant 0 : i32
    %dma_start3A_96 = arith.constant 0 : i32
    %dma_start3A_97 = tpu.memref_slice %arg2[%dma_start3A_95, %dma_start3A_96] : memref<10000x128xf32, #tpu.memory_space<hbm>> -> memref<10000x128xf32, #tpu.memory_space<hbm>>
    tpu.enqueue_indirect_dma source(%dma_start3A_97 : memref<10000x128xf32, #tpu.memory_space<hbm>>) target(%dma_start3A_91 : memref<120x128xf32, #tpu.memory_space<vmem>>) offsets(%dma_start3A_94 : memref<120xi32, #tpu.memory_space<vmem>>) semaphore(%arg7 : memref<!tpu.dma_semaphore, #tpu.memory_space<semaphore_mem>>)
    %dma_wait3A = arith.constant 0 : i32
    %dma_wait3A_98 = arith.constant 0 : i32
    %dma_wait3A_99 = arith.constant 0 : i32
    %dma_wait3A_100 = arith.constant 0 : i32
    %dma_wait3A_101 = tpu.memref_slice %arg6[%dma_wait3A_98, %dma_wait3A_99, %dma_wait3A_100] : memref<8x120x128xf32, #tpu.memory_space<vmem>> -> memref<1x120x128xf32, #tpu.memory_space<vmem>>
    %dma_wait3A_102 = tpu.memref_squeeze %dma_wait3A_101 : memref<1x120x128xf32, #tpu.memory_space<vmem>> -> memref<120x128xf32, #tpu.memory_space<vmem>>
    %dma_wait3A_103 = arith.constant 0 : i32
    %dma_wait3A_104 = tpu.memref_slice %arg5[%dma_wait3A, %dma_wait3A_103] : memref<8x120xi32, #tpu.memory_space<vmem>> -> memref<1x120xi32, #tpu.memory_space<vmem>>
    %dma_wait3A_105 = tpu.memref_squeeze %dma_wait3A_104 : memref<1x120xi32, #tpu.memory_space<vmem>> -> memref<120xi32, #tpu.memory_space<vmem>>
    %dma_wait3A_106 = arith.constant 0 : i32
    %dma_wait3A_107 = arith.constant 0 : i32
    %dma_wait3A_108 = tpu.memref_slice %arg2[%dma_wait3A_106, %dma_wait3A_107] : memref<10000x128xf32, #tpu.memory_space<hbm>> -> memref<10000x128xf32, #tpu.memory_space<hbm>>
    tpu.wait_indirect_dma semaphore(%arg7 : memref<!tpu.dma_semaphore, #tpu.memory_space<semaphore_mem>>) src(%dma_wait3A_108 : memref<10000x128xf32, #tpu.memory_space<hbm>>) dst(%dma_wait3A_102 : memref<120x128xf32, #tpu.memory_space<vmem>>)
    %dma_wait3A_109 = arith.constant 1 : i32
    %dma_wait3A_110 = arith.constant 1 : i32
    %dma_wait3A_111 = arith.constant 0 : i32
    %dma_wait3A_112 = arith.constant 0 : i32
    %dma_wait3A_113 = tpu.memref_slice %arg6[%dma_wait3A_110, %dma_wait3A_111, %dma_wait3A_112] : memref<8x120x128xf32, #tpu.memory_space<vmem>> -> memref<1x120x128xf32, #tpu.memory_space<vmem>>
    %dma_wait3A_114 = tpu.memref_squeeze %dma_wait3A_113 : memref<1x120x128xf32, #tpu.memory_space<vmem>> -> memref<120x128xf32, #tpu.memory_space<vmem>>
    %dma_wait3A_115 = arith.constant 0 : i32
    %dma_wait3A_116 = tpu.memref_slice %arg5[%dma_wait3A_109, %dma_wait3A_115] : memref<8x120xi32, #tpu.memory_space<vmem>> -> memref<1x120xi32, #tpu.memory_space<vmem>>
    %dma_wait3A_117 = tpu.memref_squeeze %dma_wait3A_116 : memref<1x120xi32, #tpu.memory_space<vmem>> -> memref<120xi32, #tpu.memory_space<vmem>>
    %dma_wait3A_118 = arith.constant 0 : i32
    %dma_wait3A_119 = arith.constant 0 : i32
    %dma_wait3A_120 = tpu.memref_slice %arg2[%dma_wait3A_118, %dma_wait3A_119] : memref<10000x128xf32, #tpu.memory_space<hbm>> -> memref<10000x128xf32, #tpu.memory_space<hbm>>
    tpu.wait_indirect_dma semaphore(%arg7 : memref<!tpu.dma_semaphore, #tpu.memory_space<semaphore_mem>>) src(%dma_wait3A_120 : memref<10000x128xf32, #tpu.memory_space<hbm>>) dst(%dma_wait3A_114 : memref<120x128xf32, #tpu.memory_space<vmem>>)
    %dma_wait3A_121 = arith.constant 2 : i32
    %dma_wait3A_122 = arith.constant 2 : i32
    %dma_wait3A_123 = arith.constant 0 : i32
    %dma_wait3A_124 = arith.constant 0 : i32
    %dma_wait3A_125 = tpu.memref_slice %arg6[%dma_wait3A_122, %dma_wait3A_123, %dma_wait3A_124] : memref<8x120x128xf32, #tpu.memory_space<vmem>> -> memref<1x120x128xf32, #tpu.memory_space<vmem>>
    %dma_wait3A_126 = tpu.memref_squeeze %dma_wait3A_125 : memref<1x120x128xf32, #tpu.memory_space<vmem>> -> memref<120x128xf32, #tpu.memory_space<vmem>>
    %dma_wait3A_127 = arith.constant 0 : i32
    %dma_wait3A_128 = tpu.memref_slice %arg5[%dma_wait3A_121, %dma_wait3A_127] : memref<8x120xi32, #tpu.memory_space<vmem>> -> memref<1x120xi32, #tpu.memory_space<vmem>>
    %dma_wait3A_129 = tpu.memref_squeeze %dma_wait3A_128 : memref<1x120xi32, #tpu.memory_space<vmem>> -> memref<120xi32, #tpu.memory_space<vmem>>
    %dma_wait3A_130 = arith.constant 0 : i32
    %dma_wait3A_131 = arith.constant 0 : i32
    %dma_wait3A_132 = tpu.memref_slice %arg2[%dma_wait3A_130, %dma_wait3A_131] : memref<10000x128xf32, #tpu.memory_space<hbm>> -> memref<10000x128xf32, #tpu.memory_space<hbm>>
    tpu.wait_indirect_dma semaphore(%arg7 : memref<!tpu.dma_semaphore, #tpu.memory_space<semaphore_mem>>) src(%dma_wait3A_132 : memref<10000x128xf32, #tpu.memory_space<hbm>>) dst(%dma_wait3A_126 : memref<120x128xf32, #tpu.memory_space<vmem>>)
    %dma_wait3A_133 = arith.constant 3 : i32
    %dma_wait3A_134 = arith.constant 3 : i32
    %dma_wait3A_135 = arith.constant 0 : i32
    %dma_wait3A_136 = arith.constant 0 : i32
    %dma_wait3A_137 = tpu.memref_slice %arg6[%dma_wait3A_134, %dma_wait3A_135, %dma_wait3A_136] : memref<8x120x128xf32, #tpu.memory_space<vmem>> -> memref<1x120x128xf32, #tpu.memory_space<vmem>>
    %dma_wait3A_138 = tpu.memref_squeeze %dma_wait3A_137 : memref<1x120x128xf32, #tpu.memory_space<vmem>> -> memref<120x128xf32, #tpu.memory_space<vmem>>
    %dma_wait3A_139 = arith.constant 0 : i32
    %dma_wait3A_140 = tpu.memref_slice %arg5[%dma_wait3A_133, %dma_wait3A_139] : memref<8x120xi32, #tpu.memory_space<vmem>> -> memref<1x120xi32, #tpu.memory_space<vmem>>
    %dma_wait3A_141 = tpu.memref_squeeze %dma_wait3A_140 : memref<1x120xi32, #tpu.memory_space<vmem>> -> memref<120xi32, #tpu.memory_space<vmem>>
    %dma_wait3A_142 = arith.constant 0 : i32
    %dma_wait3A_143 = arith.constant 0 : i32
    %dma_wait3A_144 = tpu.memref_slice %arg2[%dma_wait3A_142, %dma_wait3A_143] : memref<10000x128xf32, #tpu.memory_space<hbm>> -> memref<10000x128xf32, #tpu.memory_space<hbm>>
    tpu.wait_indirect_dma semaphore(%arg7 : memref<!tpu.dma_semaphore, #tpu.memory_space<semaphore_mem>>) src(%dma_wait3A_144 : memref<10000x128xf32, #tpu.memory_space<hbm>>) dst(%dma_wait3A_138 : memref<120x128xf32, #tpu.memory_space<vmem>>)
    %dma_wait3A_145 = arith.constant 4 : i32
    %dma_wait3A_146 = arith.constant 4 : i32
    %dma_wait3A_147 = arith.constant 0 : i32
    %dma_wait3A_148 = arith.constant 0 : i32
    %dma_wait3A_149 = tpu.memref_slice %arg6[%dma_wait3A_146, %dma_wait3A_147, %dma_wait3A_148] : memref<8x120x128xf32, #tpu.memory_space<vmem>> -> memref<1x120x128xf32, #tpu.memory_space<vmem>>
    %dma_wait3A_150 = tpu.memref_squeeze %dma_wait3A_149 : memref<1x120x128xf32, #tpu.memory_space<vmem>> -> memref<120x128xf32, #tpu.memory_space<vmem>>
    %dma_wait3A_151 = arith.constant 0 : i32
    %dma_wait3A_152 = tpu.memref_slice %arg5[%dma_wait3A_145, %dma_wait3A_151] : memref<8x120xi32, #tpu.memory_space<vmem>> -> memref<1x120xi32, #tpu.memory_space<vmem>>
    %dma_wait3A_153 = tpu.memref_squeeze %dma_wait3A_152 : memref<1x120xi32, #tpu.memory_space<vmem>> -> memref<120xi32, #tpu.memory_space<vmem>>
    %dma_wait3A_154 = arith.constant 0 : i32
    %dma_wait3A_155 = arith.constant 0 : i32
    %dma_wait3A_156 = tpu.memref_slice %arg2[%dma_wait3A_154, %dma_wait3A_155] : memref<10000x128xf32, #tpu.memory_space<hbm>> -> memref<10000x128xf32, #tpu.memory_space<hbm>>
    tpu.wait_indirect_dma semaphore(%arg7 : memref<!tpu.dma_semaphore, #tpu.memory_space<semaphore_mem>>) src(%dma_wait3A_156 : memref<10000x128xf32, #tpu.memory_space<hbm>>) dst(%dma_wait3A_150 : memref<120x128xf32, #tpu.memory_space<vmem>>)
    %dma_wait3A_157 = arith.constant 5 : i32
    %dma_wait3A_158 = arith.constant 5 : i32
    %dma_wait3A_159 = arith.constant 0 : i32
    %dma_wait3A_160 = arith.constant 0 : i32
    %dma_wait3A_161 = tpu.memref_slice %arg6[%dma_wait3A_158, %dma_wait3A_159, %dma_wait3A_160] : memref<8x120x128xf32, #tpu.memory_space<vmem>> -> memref<1x120x128xf32, #tpu.memory_space<vmem>>
    %dma_wait3A_162 = tpu.memref_squeeze %dma_wait3A_161 : memref<1x120x128xf32, #tpu.memory_space<vmem>> -> memref<120x128xf32, #tpu.memory_space<vmem>>
    %dma_wait3A_163 = arith.constant 0 : i32
    %dma_wait3A_164 = tpu.memref_slice %arg5[%dma_wait3A_157, %dma_wait3A_163] : memref<8x120xi32, #tpu.memory_space<vmem>> -> memref<1x120xi32, #tpu.memory_space<vmem>>
    %dma_wait3A_165 = tpu.memref_squeeze %dma_wait3A_164 : memref<1x120xi32, #tpu.memory_space<vmem>> -> memref<120xi32, #tpu.memory_space<vmem>>
    %dma_wait3A_166 = arith.constant 0 : i32
    %dma_wait3A_167 = arith.constant 0 : i32
    %dma_wait3A_168 = tpu.memref_slice %arg2[%dma_wait3A_166, %dma_wait3A_167] : memref<10000x128xf32, #tpu.memory_space<hbm>> -> memref<10000x128xf32, #tpu.memory_space<hbm>>
    tpu.wait_indirect_dma semaphore(%arg7 : memref<!tpu.dma_semaphore, #tpu.memory_space<semaphore_mem>>) src(%dma_wait3A_168 : memref<10000x128xf32, #tpu.memory_space<hbm>>) dst(%dma_wait3A_162 : memref<120x128xf32, #tpu.memory_space<vmem>>)
    %dma_wait3A_169 = arith.constant 6 : i32
    %dma_wait3A_170 = arith.constant 6 : i32
    %dma_wait3A_171 = arith.constant 0 : i32
    %dma_wait3A_172 = arith.constant 0 : i32
    %dma_wait3A_173 = tpu.memref_slice %arg6[%dma_wait3A_170, %dma_wait3A_171, %dma_wait3A_172] : memref<8x120x128xf32, #tpu.memory_space<vmem>> -> memref<1x120x128xf32, #tpu.memory_space<vmem>>
    %dma_wait3A_174 = tpu.memref_squeeze %dma_wait3A_173 : memref<1x120x128xf32, #tpu.memory_space<vmem>> -> memref<120x128xf32, #tpu.memory_space<vmem>>
    %dma_wait3A_175 = arith.constant 0 : i32
    %dma_wait3A_176 = tpu.memref_slice %arg5[%dma_wait3A_169, %dma_wait3A_175] : memref<8x120xi32, #tpu.memory_space<vmem>> -> memref<1x120xi32, #tpu.memory_space<vmem>>
    %dma_wait3A_177 = tpu.memref_squeeze %dma_wait3A_176 : memref<1x120xi32, #tpu.memory_space<vmem>> -> memref<120xi32, #tpu.memory_space<vmem>>
    %dma_wait3A_178 = arith.constant 0 : i32
    %dma_wait3A_179 = arith.constant 0 : i32
    %dma_wait3A_180 = tpu.memref_slice %arg2[%dma_wait3A_178, %dma_wait3A_179] : memref<10000x128xf32, #tpu.memory_space<hbm>> -> memref<10000x128xf32, #tpu.memory_space<hbm>>
    tpu.wait_indirect_dma semaphore(%arg7 : memref<!tpu.dma_semaphore, #tpu.memory_space<semaphore_mem>>) src(%dma_wait3A_180 : memref<10000x128xf32, #tpu.memory_space<hbm>>) dst(%dma_wait3A_174 : memref<120x128xf32, #tpu.memory_space<vmem>>)
    %dma_wait3A_181 = arith.constant 7 : i32
    %dma_wait3A_182 = arith.constant 7 : i32
    %dma_wait3A_183 = arith.constant 0 : i32
    %dma_wait3A_184 = arith.constant 0 : i32
    %dma_wait3A_185 = tpu.memref_slice %arg6[%dma_wait3A_182, %dma_wait3A_183, %dma_wait3A_184] : memref<8x120x128xf32, #tpu.memory_space<vmem>> -> memref<1x120x128xf32, #tpu.memory_space<vmem>>
    %dma_wait3A_186 = tpu.memref_squeeze %dma_wait3A_185 : memref<1x120x128xf32, #tpu.memory_space<vmem>> -> memref<120x128xf32, #tpu.memory_space<vmem>>
    %dma_wait3A_187 = arith.constant 0 : i32
    %dma_wait3A_188 = tpu.memref_slice %arg5[%dma_wait3A_181, %dma_wait3A_187] : memref<8x120xi32, #tpu.memory_space<vmem>> -> memref<1x120xi32, #tpu.memory_space<vmem>>
    %dma_wait3A_189 = tpu.memref_squeeze %dma_wait3A_188 : memref<1x120xi32, #tpu.memory_space<vmem>> -> memref<120xi32, #tpu.memory_space<vmem>>
    %dma_wait3A_190 = arith.constant 0 : i32
    %dma_wait3A_191 = arith.constant 0 : i32
    %dma_wait3A_192 = tpu.memref_slice %arg2[%dma_wait3A_190, %dma_wait3A_191] : memref<10000x128xf32, #tpu.memory_space<hbm>> -> memref<10000x128xf32, #tpu.memory_space<hbm>>
    tpu.wait_indirect_dma semaphore(%arg7 : memref<!tpu.dma_semaphore, #tpu.memory_space<semaphore_mem>>) src(%dma_wait3A_192 : memref<10000x128xf32, #tpu.memory_space<hbm>>) dst(%dma_wait3A_186 : memref<120x128xf32, #tpu.memory_space<vmem>>)
    %add3A_193 = arith.constant 0 : i32
    %add3A_194 = arith.addi %mul3A_2, %add3A_193 : i32
    %mul3A_195 = arith.constant 120 : i32
    %mul3A_196 = arith.muli %add3A_194, %mul3A_195 : i32
    %dma_start3A_197 = arith.constant 0 : i32
    %dma_start3A_198 = arith.constant 0 : i32
    %dma_start3A_199 = arith.constant 0 : i32
    %dma_start3A_200 = tpu.memref_slice %arg6[%dma_start3A_197, %dma_start3A_198, %dma_start3A_199] : memref<8x120x128xf32, #tpu.memory_space<vmem>> -> memref<1x120x128xf32, #tpu.memory_space<vmem>>
    %dma_start3A_201 = tpu.memref_squeeze %dma_start3A_200 : memref<1x120x128xf32, #tpu.memory_space<vmem>> -> memref<120x128xf32, #tpu.memory_space<vmem>>
    %dma_start3A_202 = arith.constant 0 : i32
    %dma_start3A_203 = tpu.memref_slice %arg4[%mul3A_196, %dma_start3A_202] : memref<30720x128xf32, #tpu.memory_space<hbm>> -> memref<120x128xf32, #tpu.memory_space<hbm>>
    %dma_start3A_204 = arith.constant 0 : i32
    %dma_start3A_205 = tpu.memref_slice %arg4[%mul3A_196, %dma_start3A_204] : memref<30720x128xf32, #tpu.memory_space<hbm>> -> memref<120x128xf32, #tpu.memory_space<hbm>>
    %dma_start3A_206 = arith.constant 0 : i32
    %dma_start3A_207 = arith.constant 0 : i32
    %dma_start3A_208 = tpu.memref_slice %arg6[%dma_start3A_197, %dma_start3A_206, %dma_start3A_207] : memref<8x120x128xf32, #tpu.memory_space<vmem>> -> memref<1x120x128xf32, #tpu.memory_space<vmem>>
    %dma_start3A_209 = tpu.memref_squeeze %dma_start3A_208 : memref<1x120x128xf32, #tpu.memory_space<vmem>> -> memref<120x128xf32, #tpu.memory_space<vmem>>
    tpu.enqueue_dma source(%dma_start3A_209 : memref<120x128xf32, #tpu.memory_space<vmem>>) target(%dma_start3A_205 : memref<120x128xf32, #tpu.memory_space<hbm>>) target_semaphore(%arg8 : memref<!tpu.dma_semaphore, #tpu.memory_space<semaphore_mem>>)
    %add3A_210 = arith.constant 1 : i32
    %add3A_211 = arith.addi %mul3A_2, %add3A_210 : i32
    %mul3A_212 = arith.constant 120 : i32
    %mul3A_213 = arith.muli %add3A_211, %mul3A_212 : i32
    %dma_start3A_214 = arith.constant 1 : i32
    %dma_start3A_215 = arith.constant 0 : i32
    %dma_start3A_216 = arith.constant 0 : i32
    %dma_start3A_217 = tpu.memref_slice %arg6[%dma_start3A_214, %dma_start3A_215, %dma_start3A_216] : memref<8x120x128xf32, #tpu.memory_space<vmem>> -> memref<1x120x128xf32, #tpu.memory_space<vmem>>
    %dma_start3A_218 = tpu.memref_squeeze %dma_start3A_217 : memref<1x120x128xf32, #tpu.memory_space<vmem>> -> memref<120x128xf32, #tpu.memory_space<vmem>>
    %dma_start3A_219 = arith.constant 0 : i32
    %dma_start3A_220 = tpu.memref_slice %arg4[%mul3A_213, %dma_start3A_219] : memref<30720x128xf32, #tpu.memory_space<hbm>> -> memref<120x128xf32, #tpu.memory_space<hbm>>
    %dma_start3A_221 = arith.constant 0 : i32
    %dma_start3A_222 = tpu.memref_slice %arg4[%mul3A_213, %dma_start3A_221] : memref<30720x128xf32, #tpu.memory_space<hbm>> -> memref<120x128xf32, #tpu.memory_space<hbm>>
    %dma_start3A_223 = arith.constant 0 : i32
    %dma_start3A_224 = arith.constant 0 : i32
    %dma_start3A_225 = tpu.memref_slice %arg6[%dma_start3A_214, %dma_start3A_223, %dma_start3A_224] : memref<8x120x128xf32, #tpu.memory_space<vmem>> -> memref<1x120x128xf32, #tpu.memory_space<vmem>>
    %dma_start3A_226 = tpu.memref_squeeze %dma_start3A_225 : memref<1x120x128xf32, #tpu.memory_space<vmem>> -> memref<120x128xf32, #tpu.memory_space<vmem>>
    tpu.enqueue_dma source(%dma_start3A_226 : memref<120x128xf32, #tpu.memory_space<vmem>>) target(%dma_start3A_222 : memref<120x128xf32, #tpu.memory_space<hbm>>) target_semaphore(%arg8 : memref<!tpu.dma_semaphore, #tpu.memory_space<semaphore_mem>>)
    %add3A_227 = arith.constant 2 : i32
    %add3A_228 = arith.addi %mul3A_2, %add3A_227 : i32
    %mul3A_229 = arith.constant 120 : i32
    %mul3A_230 = arith.muli %add3A_228, %mul3A_229 : i32
    %dma_start3A_231 = arith.constant 2 : i32
    %dma_start3A_232 = arith.constant 0 : i32
    %dma_start3A_233 = arith.constant 0 : i32
    %dma_start3A_234 = tpu.memref_slice %arg6[%dma_start3A_231, %dma_start3A_232, %dma_start3A_233] : memref<8x120x128xf32, #tpu.memory_space<vmem>> -> memref<1x120x128xf32, #tpu.memory_space<vmem>>
    %dma_start3A_235 = tpu.memref_squeeze %dma_start3A_234 : memref<1x120x128xf32, #tpu.memory_space<vmem>> -> memref<120x128xf32, #tpu.memory_space<vmem>>
    %dma_start3A_236 = arith.constant 0 : i32
    %dma_start3A_237 = tpu.memref_slice %arg4[%mul3A_230, %dma_start3A_236] : memref<30720x128xf32, #tpu.memory_space<hbm>> -> memref<120x128xf32, #tpu.memory_space<hbm>>
    %dma_start3A_238 = arith.constant 0 : i32
    %dma_start3A_239 = tpu.memref_slice %arg4[%mul3A_230, %dma_start3A_238] : memref<30720x128xf32, #tpu.memory_space<hbm>> -> memref<120x128xf32, #tpu.memory_space<hbm>>
    %dma_start3A_240 = arith.constant 0 : i32
    %dma_start3A_241 = arith.constant 0 : i32
    %dma_start3A_242 = tpu.memref_slice %arg6[%dma_start3A_231, %dma_start3A_240, %dma_start3A_241] : memref<8x120x128xf32, #tpu.memory_space<vmem>> -> memref<1x120x128xf32, #tpu.memory_space<vmem>>
    %dma_start3A_243 = tpu.memref_squeeze %dma_start3A_242 : memref<1x120x128xf32, #tpu.memory_space<vmem>> -> memref<120x128xf32, #tpu.memory_space<vmem>>
    tpu.enqueue_dma source(%dma_start3A_243 : memref<120x128xf32, #tpu.memory_space<vmem>>) target(%dma_start3A_239 : memref<120x128xf32, #tpu.memory_space<hbm>>) target_semaphore(%arg8 : memref<!tpu.dma_semaphore, #tpu.memory_space<semaphore_mem>>)
    %add3A_244 = arith.constant 3 : i32
    %add3A_245 = arith.addi %mul3A_2, %add3A_244 : i32
    %mul3A_246 = arith.constant 120 : i32
    %mul3A_247 = arith.muli %add3A_245, %mul3A_246 : i32
    %dma_start3A_248 = arith.constant 3 : i32
    %dma_start3A_249 = arith.constant 0 : i32
    %dma_start3A_250 = arith.constant 0 : i32
    %dma_start3A_251 = tpu.memref_slice %arg6[%dma_start3A_248, %dma_start3A_249, %dma_start3A_250] : memref<8x120x128xf32, #tpu.memory_space<vmem>> -> memref<1x120x128xf32, #tpu.memory_space<vmem>>
    %dma_start3A_252 = tpu.memref_squeeze %dma_start3A_251 : memref<1x120x128xf32, #tpu.memory_space<vmem>> -> memref<120x128xf32, #tpu.memory_space<vmem>>
    %dma_start3A_253 = arith.constant 0 : i32
    %dma_start3A_254 = tpu.memref_slice %arg4[%mul3A_247, %dma_start3A_253] : memref<30720x128xf32, #tpu.memory_space<hbm>> -> memref<120x128xf32, #tpu.memory_space<hbm>>
    %dma_start3A_255 = arith.constant 0 : i32
    %dma_start3A_256 = tpu.memref_slice %arg4[%mul3A_247, %dma_start3A_255] : memref<30720x128xf32, #tpu.memory_space<hbm>> -> memref<120x128xf32, #tpu.memory_space<hbm>>
    %dma_start3A_257 = arith.constant 0 : i32
    %dma_start3A_258 = arith.constant 0 : i32
    %dma_start3A_259 = tpu.memref_slice %arg6[%dma_start3A_248, %dma_start3A_257, %dma_start3A_258] : memref<8x120x128xf32, #tpu.memory_space<vmem>> -> memref<1x120x128xf32, #tpu.memory_space<vmem>>
    %dma_start3A_260 = tpu.memref_squeeze %dma_start3A_259 : memref<1x120x128xf32, #tpu.memory_space<vmem>> -> memref<120x128xf32, #tpu.memory_space<vmem>>
    tpu.enqueue_dma source(%dma_start3A_260 : memref<120x128xf32, #tpu.memory_space<vmem>>) target(%dma_start3A_256 : memref<120x128xf32, #tpu.memory_space<hbm>>) target_semaphore(%arg8 : memref<!tpu.dma_semaphore, #tpu.memory_space<semaphore_mem>>)
    %add3A_261 = arith.constant 4 : i32
    %add3A_262 = arith.addi %mul3A_2, %add3A_261 : i32
    %mul3A_263 = arith.constant 120 : i32
    %mul3A_264 = arith.muli %add3A_262, %mul3A_263 : i32
    %dma_start3A_265 = arith.constant 4 : i32
    %dma_start3A_266 = arith.constant 0 : i32
    %dma_start3A_267 = arith.constant 0 : i32
    %dma_start3A_268 = tpu.memref_slice %arg6[%dma_start3A_265, %dma_start3A_266, %dma_start3A_267] : memref<8x120x128xf32, #tpu.memory_space<vmem>> -> memref<1x120x128xf32, #tpu.memory_space<vmem>>
    %dma_start3A_269 = tpu.memref_squeeze %dma_start3A_268 : memref<1x120x128xf32, #tpu.memory_space<vmem>> -> memref<120x128xf32, #tpu.memory_space<vmem>>
    %dma_start3A_270 = arith.constant 0 : i32
    %dma_start3A_271 = tpu.memref_slice %arg4[%mul3A_264, %dma_start3A_270] : memref<30720x128xf32, #tpu.memory_space<hbm>> -> memref<120x128xf32, #tpu.memory_space<hbm>>
    %dma_start3A_272 = arith.constant 0 : i32
    %dma_start3A_273 = tpu.memref_slice %arg4[%mul3A_264, %dma_start3A_272] : memref<30720x128xf32, #tpu.memory_space<hbm>> -> memref<120x128xf32, #tpu.memory_space<hbm>>
    %dma_start3A_274 = arith.constant 0 : i32
    %dma_start3A_275 = arith.constant 0 : i32
    %dma_start3A_276 = tpu.memref_slice %arg6[%dma_start3A_265, %dma_start3A_274, %dma_start3A_275] : memref<8x120x128xf32, #tpu.memory_space<vmem>> -> memref<1x120x128xf32, #tpu.memory_space<vmem>>
    %dma_start3A_277 = tpu.memref_squeeze %dma_start3A_276 : memref<1x120x128xf32, #tpu.memory_space<vmem>> -> memref<120x128xf32, #tpu.memory_space<vmem>>
    tpu.enqueue_dma source(%dma_start3A_277 : memref<120x128xf32, #tpu.memory_space<vmem>>) target(%dma_start3A_273 : memref<120x128xf32, #tpu.memory_space<hbm>>) target_semaphore(%arg8 : memref<!tpu.dma_semaphore, #tpu.memory_space<semaphore_mem>>)
    %add3A_278 = arith.constant 5 : i32
    %add3A_279 = arith.addi %mul3A_2, %add3A_278 : i32
    %mul3A_280 = arith.constant 120 : i32
    %mul3A_281 = arith.muli %add3A_279, %mul3A_280 : i32
    %dma_start3A_282 = arith.constant 5 : i32
    %dma_start3A_283 = arith.constant 0 : i32
    %dma_start3A_284 = arith.constant 0 : i32
    %dma_start3A_285 = tpu.memref_slice %arg6[%dma_start3A_282, %dma_start3A_283, %dma_start3A_284] : memref<8x120x128xf32, #tpu.memory_space<vmem>> -> memref<1x120x128xf32, #tpu.memory_space<vmem>>
    %dma_start3A_286 = tpu.memref_squeeze %dma_start3A_285 : memref<1x120x128xf32, #tpu.memory_space<vmem>> -> memref<120x128xf32, #tpu.memory_space<vmem>>
    %dma_start3A_287 = arith.constant 0 : i32
    %dma_start3A_288 = tpu.memref_slice %arg4[%mul3A_281, %dma_start3A_287] : memref<30720x128xf32, #tpu.memory_space<hbm>> -> memref<120x128xf32, #tpu.memory_space<hbm>>
    %dma_start3A_289 = arith.constant 0 : i32
    %dma_start3A_290 = tpu.memref_slice %arg4[%mul3A_281, %dma_start3A_289] : memref<30720x128xf32, #tpu.memory_space<hbm>> -> memref<120x128xf32, #tpu.memory_space<hbm>>
    %dma_start3A_291 = arith.constant 0 : i32
    %dma_start3A_292 = arith.constant 0 : i32
    %dma_start3A_293 = tpu.memref_slice %arg6[%dma_start3A_282, %dma_start3A_291, %dma_start3A_292] : memref<8x120x128xf32, #tpu.memory_space<vmem>> -> memref<1x120x128xf32, #tpu.memory_space<vmem>>
    %dma_start3A_294 = tpu.memref_squeeze %dma_start3A_293 : memref<1x120x128xf32, #tpu.memory_space<vmem>> -> memref<120x128xf32, #tpu.memory_space<vmem>>
    tpu.enqueue_dma source(%dma_start3A_294 : memref<120x128xf32, #tpu.memory_space<vmem>>) target(%dma_start3A_290 : memref<120x128xf32, #tpu.memory_space<hbm>>) target_semaphore(%arg8 : memref<!tpu.dma_semaphore, #tpu.memory_space<semaphore_mem>>)
    %add3A_295 = arith.constant 6 : i32
    %add3A_296 = arith.addi %mul3A_2, %add3A_295 : i32
    %mul3A_297 = arith.constant 120 : i32
    %mul3A_298 = arith.muli %add3A_296, %mul3A_297 : i32
    %dma_start3A_299 = arith.constant 6 : i32
    %dma_start3A_300 = arith.constant 0 : i32
    %dma_start3A_301 = arith.constant 0 : i32
    %dma_start3A_302 = tpu.memref_slice %arg6[%dma_start3A_299, %dma_start3A_300, %dma_start3A_301] : memref<8x120x128xf32, #tpu.memory_space<vmem>> -> memref<1x120x128xf32, #tpu.memory_space<vmem>>
    %dma_start3A_303 = tpu.memref_squeeze %dma_start3A_302 : memref<1x120x128xf32, #tpu.memory_space<vmem>> -> memref<120x128xf32, #tpu.memory_space<vmem>>
    %dma_start3A_304 = arith.constant 0 : i32
    %dma_start3A_305 = tpu.memref_slice %arg4[%mul3A_298, %dma_start3A_304] : memref<30720x128xf32, #tpu.memory_space<hbm>> -> memref<120x128xf32, #tpu.memory_space<hbm>>
    %dma_start3A_306 = arith.constant 0 : i32
    %dma_start3A_307 = tpu.memref_slice %arg4[%mul3A_298, %dma_start3A_306] : memref<30720x128xf32, #tpu.memory_space<hbm>> -> memref<120x128xf32, #tpu.memory_space<hbm>>
    %dma_start3A_308 = arith.constant 0 : i32
    %dma_start3A_309 = arith.constant 0 : i32
    %dma_start3A_310 = tpu.memref_slice %arg6[%dma_start3A_299, %dma_start3A_308, %dma_start3A_309] : memref<8x120x128xf32, #tpu.memory_space<vmem>> -> memref<1x120x128xf32, #tpu.memory_space<vmem>>
    %dma_start3A_311 = tpu.memref_squeeze %dma_start3A_310 : memref<1x120x128xf32, #tpu.memory_space<vmem>> -> memref<120x128xf32, #tpu.memory_space<vmem>>
    tpu.enqueue_dma source(%dma_start3A_311 : memref<120x128xf32, #tpu.memory_space<vmem>>) target(%dma_start3A_307 : memref<120x128xf32, #tpu.memory_space<hbm>>) target_semaphore(%arg8 : memref<!tpu.dma_semaphore, #tpu.memory_space<semaphore_mem>>)
    %add3A_312 = arith.constant 7 : i32
    %add3A_313 = arith.addi %mul3A_2, %add3A_312 : i32
    %mul3A_314 = arith.constant 120 : i32
    %mul3A_315 = arith.muli %add3A_313, %mul3A_314 : i32
    %dma_start3A_316 = arith.constant 7 : i32
    %dma_start3A_317 = arith.constant 0 : i32
    %dma_start3A_318 = arith.constant 0 : i32
    %dma_start3A_319 = tpu.memref_slice %arg6[%dma_start3A_316, %dma_start3A_317, %dma_start3A_318] : memref<8x120x128xf32, #tpu.memory_space<vmem>> -> memref<1x120x128xf32, #tpu.memory_space<vmem>>
    %dma_start3A_320 = tpu.memref_squeeze %dma_start3A_319 : memref<1x120x128xf32, #tpu.memory_space<vmem>> -> memref<120x128xf32, #tpu.memory_space<vmem>>
    %dma_start3A_321 = arith.constant 0 : i32
    %dma_start3A_322 = tpu.memref_slice %arg4[%mul3A_315, %dma_start3A_321] : memref<30720x128xf32, #tpu.memory_space<hbm>> -> memref<120x128xf32, #tpu.memory_space<hbm>>
    %dma_start3A_323 = arith.constant 0 : i32
    %dma_start3A_324 = tpu.memref_slice %arg4[%mul3A_315, %dma_start3A_323] : memref<30720x128xf32, #tpu.memory_space<hbm>> -> memref<120x128xf32, #tpu.memory_space<hbm>>
    %dma_start3A_325 = arith.constant 0 : i32
    %dma_start3A_326 = arith.constant 0 : i32
    %dma_start3A_327 = tpu.memref_slice %arg6[%dma_start3A_316, %dma_start3A_325, %dma_start3A_326] : memref<8x120x128xf32, #tpu.memory_space<vmem>> -> memref<1x120x128xf32, #tpu.memory_space<vmem>>
    %dma_start3A_328 = tpu.memref_squeeze %dma_start3A_327 : memref<1x120x128xf32, #tpu.memory_space<vmem>> -> memref<120x128xf32, #tpu.memory_space<vmem>>
    tpu.enqueue_dma source(%dma_start3A_328 : memref<120x128xf32, #tpu.memory_space<vmem>>) target(%dma_start3A_324 : memref<120x128xf32, #tpu.memory_space<hbm>>) target_semaphore(%arg8 : memref<!tpu.dma_semaphore, #tpu.memory_space<semaphore_mem>>)
    %dma_wait3A_329 = arith.constant 0 : i32
    %dma_wait3A_330 = arith.constant 0 : i32
    %dma_wait3A_331 = arith.constant 0 : i32
    %dma_wait3A_332 = tpu.memref_slice %arg6[%dma_wait3A_329, %dma_wait3A_330, %dma_wait3A_331] : memref<8x120x128xf32, #tpu.memory_space<vmem>> -> memref<1x120x128xf32, #tpu.memory_space<vmem>>
    %dma_wait3A_333 = tpu.memref_squeeze %dma_wait3A_332 : memref<1x120x128xf32, #tpu.memory_space<vmem>> -> memref<120x128xf32, #tpu.memory_space<vmem>>
    %dma_wait3A_334 = arith.constant 0 : i32
    %dma_wait3A_335 = tpu.memref_slice %arg4[%mul3A_196, %dma_wait3A_334] : memref<30720x128xf32, #tpu.memory_space<hbm>> -> memref<120x128xf32, #tpu.memory_space<hbm>>
    %dma_wait3A_336 = arith.constant 0 : i32
    %dma_wait3A_337 = tpu.memref_slice %arg4[%mul3A_196, %dma_wait3A_336] : memref<30720x128xf32, #tpu.memory_space<hbm>> -> memref<120x128xf32, #tpu.memory_space<hbm>>
    %dma_wait3A_338 = arith.constant 0 : i32
    %dma_wait3A_339 = arith.constant 0 : i32
    %dma_wait3A_340 = tpu.memref_slice %arg6[%dma_wait3A_329, %dma_wait3A_338, %dma_wait3A_339] : memref<8x120x128xf32, #tpu.memory_space<vmem>> -> memref<1x120x128xf32, #tpu.memory_space<vmem>>
    %dma_wait3A_341 = tpu.memref_squeeze %dma_wait3A_340 : memref<1x120x128xf32, #tpu.memory_space<vmem>> -> memref<120x128xf32, #tpu.memory_space<vmem>>
    tpu.wait_dma2 semaphore(%arg8 : memref<!tpu.dma_semaphore, #tpu.memory_space<semaphore_mem>>) src(%dma_wait3A_341 : memref<120x128xf32, #tpu.memory_space<vmem>>) dst(%dma_wait3A_337 : memref<120x128xf32, #tpu.memory_space<hbm>>)
    %dma_wait3A_342 = arith.constant 1 : i32
    %dma_wait3A_343 = arith.constant 0 : i32
    %dma_wait3A_344 = arith.constant 0 : i32
    %dma_wait3A_345 = tpu.memref_slice %arg6[%dma_wait3A_342, %dma_wait3A_343, %dma_wait3A_344] : memref<8x120x128xf32, #tpu.memory_space<vmem>> -> memref<1x120x128xf32, #tpu.memory_space<vmem>>
    %dma_wait3A_346 = tpu.memref_squeeze %dma_wait3A_345 : memref<1x120x128xf32, #tpu.memory_space<vmem>> -> memref<120x128xf32, #tpu.memory_space<vmem>>
    %dma_wait3A_347 = arith.constant 0 : i32
    %dma_wait3A_348 = tpu.memref_slice %arg4[%mul3A_213, %dma_wait3A_347] : memref<30720x128xf32, #tpu.memory_space<hbm>> -> memref<120x128xf32, #tpu.memory_space<hbm>>
    %dma_wait3A_349 = arith.constant 0 : i32
    %dma_wait3A_350 = tpu.memref_slice %arg4[%mul3A_213, %dma_wait3A_349] : memref<30720x128xf32, #tpu.memory_space<hbm>> -> memref<120x128xf32, #tpu.memory_space<hbm>>
    %dma_wait3A_351 = arith.constant 0 : i32
    %dma_wait3A_352 = arith.constant 0 : i32
    %dma_wait3A_353 = tpu.memref_slice %arg6[%dma_wait3A_342, %dma_wait3A_351, %dma_wait3A_352] : memref<8x120x128xf32, #tpu.memory_space<vmem>> -> memref<1x120x128xf32, #tpu.memory_space<vmem>>
    %dma_wait3A_354 = tpu.memref_squeeze %dma_wait3A_353 : memref<1x120x128xf32, #tpu.memory_space<vmem>> -> memref<120x128xf32, #tpu.memory_space<vmem>>
    tpu.wait_dma2 semaphore(%arg8 : memref<!tpu.dma_semaphore, #tpu.memory_space<semaphore_mem>>) src(%dma_wait3A_354 : memref<120x128xf32, #tpu.memory_space<vmem>>) dst(%dma_wait3A_350 : memref<120x128xf32, #tpu.memory_space<hbm>>)
    %dma_wait3A_355 = arith.constant 2 : i32
    %dma_wait3A_356 = arith.constant 0 : i32
    %dma_wait3A_357 = arith.constant 0 : i32
    %dma_wait3A_358 = tpu.memref_slice %arg6[%dma_wait3A_355, %dma_wait3A_356, %dma_wait3A_357] : memref<8x120x128xf32, #tpu.memory_space<vmem>> -> memref<1x120x128xf32, #tpu.memory_space<vmem>>
    %dma_wait3A_359 = tpu.memref_squeeze %dma_wait3A_358 : memref<1x120x128xf32, #tpu.memory_space<vmem>> -> memref<120x128xf32, #tpu.memory_space<vmem>>
    %dma_wait3A_360 = arith.constant 0 : i32
    %dma_wait3A_361 = tpu.memref_slice %arg4[%mul3A_230, %dma_wait3A_360] : memref<30720x128xf32, #tpu.memory_space<hbm>> -> memref<120x128xf32, #tpu.memory_space<hbm>>
    %dma_wait3A_362 = arith.constant 0 : i32
    %dma_wait3A_363 = tpu.memref_slice %arg4[%mul3A_230, %dma_wait3A_362] : memref<30720x128xf32, #tpu.memory_space<hbm>> -> memref<120x128xf32, #tpu.memory_space<hbm>>
    %dma_wait3A_364 = arith.constant 0 : i32
    %dma_wait3A_365 = arith.constant 0 : i32
    %dma_wait3A_366 = tpu.memref_slice %arg6[%dma_wait3A_355, %dma_wait3A_364, %dma_wait3A_365] : memref<8x120x128xf32, #tpu.memory_space<vmem>> -> memref<1x120x128xf32, #tpu.memory_space<vmem>>
    %dma_wait3A_367 = tpu.memref_squeeze %dma_wait3A_366 : memref<1x120x128xf32, #tpu.memory_space<vmem>> -> memref<120x128xf32, #tpu.memory_space<vmem>>
    tpu.wait_dma2 semaphore(%arg8 : memref<!tpu.dma_semaphore, #tpu.memory_space<semaphore_mem>>) src(%dma_wait3A_367 : memref<120x128xf32, #tpu.memory_space<vmem>>) dst(%dma_wait3A_363 : memref<120x128xf32, #tpu.memory_space<hbm>>)
    %dma_wait3A_368 = arith.constant 3 : i32
    %dma_wait3A_369 = arith.constant 0 : i32
    %dma_wait3A_370 = arith.constant 0 : i32
    %dma_wait3A_371 = tpu.memref_slice %arg6[%dma_wait3A_368, %dma_wait3A_369, %dma_wait3A_370] : memref<8x120x128xf32, #tpu.memory_space<vmem>> -> memref<1x120x128xf32, #tpu.memory_space<vmem>>
    %dma_wait3A_372 = tpu.memref_squeeze %dma_wait3A_371 : memref<1x120x128xf32, #tpu.memory_space<vmem>> -> memref<120x128xf32, #tpu.memory_space<vmem>>
    %dma_wait3A_373 = arith.constant 0 : i32
    %dma_wait3A_374 = tpu.memref_slice %arg4[%mul3A_247, %dma_wait3A_373] : memref<30720x128xf32, #tpu.memory_space<hbm>> -> memref<120x128xf32, #tpu.memory_space<hbm>>
    %dma_wait3A_375 = arith.constant 0 : i32
    %dma_wait3A_376 = tpu.memref_slice %arg4[%mul3A_247, %dma_wait3A_375] : memref<30720x128xf32, #tpu.memory_space<hbm>> -> memref<120x128xf32, #tpu.memory_space<hbm>>
    %dma_wait3A_377 = arith.constant 0 : i32
    %dma_wait3A_378 = arith.constant 0 : i32
    %dma_wait3A_379 = tpu.memref_slice %arg6[%dma_wait3A_368, %dma_wait3A_377, %dma_wait3A_378] : memref<8x120x128xf32, #tpu.memory_space<vmem>> -> memref<1x120x128xf32, #tpu.memory_space<vmem>>
    %dma_wait3A_380 = tpu.memref_squeeze %dma_wait3A_379 : memref<1x120x128xf32, #tpu.memory_space<vmem>> -> memref<120x128xf32, #tpu.memory_space<vmem>>
    tpu.wait_dma2 semaphore(%arg8 : memref<!tpu.dma_semaphore, #tpu.memory_space<semaphore_mem>>) src(%dma_wait3A_380 : memref<120x128xf32, #tpu.memory_space<vmem>>) dst(%dma_wait3A_376 : memref<120x128xf32, #tpu.memory_space<hbm>>)
    %dma_wait3A_381 = arith.constant 4 : i32
    %dma_wait3A_382 = arith.constant 0 : i32
    %dma_wait3A_383 = arith.constant 0 : i32
    %dma_wait3A_384 = tpu.memref_slice %arg6[%dma_wait3A_381, %dma_wait3A_382, %dma_wait3A_383] : memref<8x120x128xf32, #tpu.memory_space<vmem>> -> memref<1x120x128xf32, #tpu.memory_space<vmem>>
    %dma_wait3A_385 = tpu.memref_squeeze %dma_wait3A_384 : memref<1x120x128xf32, #tpu.memory_space<vmem>> -> memref<120x128xf32, #tpu.memory_space<vmem>>
    %dma_wait3A_386 = arith.constant 0 : i32
    %dma_wait3A_387 = tpu.memref_slice %arg4[%mul3A_264, %dma_wait3A_386] : memref<30720x128xf32, #tpu.memory_space<hbm>> -> memref<120x128xf32, #tpu.memory_space<hbm>>
    %dma_wait3A_388 = arith.constant 0 : i32
    %dma_wait3A_389 = tpu.memref_slice %arg4[%mul3A_264, %dma_wait3A_388] : memref<30720x128xf32, #tpu.memory_space<hbm>> -> memref<120x128xf32, #tpu.memory_space<hbm>>
    %dma_wait3A_390 = arith.constant 0 : i32
    %dma_wait3A_391 = arith.constant 0 : i32
    %dma_wait3A_392 = tpu.memref_slice %arg6[%dma_wait3A_381, %dma_wait3A_390, %dma_wait3A_391] : memref<8x120x128xf32, #tpu.memory_space<vmem>> -> memref<1x120x128xf32, #tpu.memory_space<vmem>>
    %dma_wait3A_393 = tpu.memref_squeeze %dma_wait3A_392 : memref<1x120x128xf32, #tpu.memory_space<vmem>> -> memref<120x128xf32, #tpu.memory_space<vmem>>
    tpu.wait_dma2 semaphore(%arg8 : memref<!tpu.dma_semaphore, #tpu.memory_space<semaphore_mem>>) src(%dma_wait3A_393 : memref<120x128xf32, #tpu.memory_space<vmem>>) dst(%dma_wait3A_389 : memref<120x128xf32, #tpu.memory_space<hbm>>)
    %dma_wait3A_394 = arith.constant 5 : i32
    %dma_wait3A_395 = arith.constant 0 : i32
    %dma_wait3A_396 = arith.constant 0 : i32
    %dma_wait3A_397 = tpu.memref_slice %arg6[%dma_wait3A_394, %dma_wait3A_395, %dma_wait3A_396] : memref<8x120x128xf32, #tpu.memory_space<vmem>> -> memref<1x120x128xf32, #tpu.memory_space<vmem>>
    %dma_wait3A_398 = tpu.memref_squeeze %dma_wait3A_397 : memref<1x120x128xf32, #tpu.memory_space<vmem>> -> memref<120x128xf32, #tpu.memory_space<vmem>>
    %dma_wait3A_399 = arith.constant 0 : i32
    %dma_wait3A_400 = tpu.memref_slice %arg4[%mul3A_281, %dma_wait3A_399] : memref<30720x128xf32, #tpu.memory_space<hbm>> -> memref<120x128xf32, #tpu.memory_space<hbm>>
    %dma_wait3A_401 = arith.constant 0 : i32
    %dma_wait3A_402 = tpu.memref_slice %arg4[%mul3A_281, %dma_wait3A_401] : memref<30720x128xf32, #tpu.memory_space<hbm>> -> memref<120x128xf32, #tpu.memory_space<hbm>>
    %dma_wait3A_403 = arith.constant 0 : i32
    %dma_wait3A_404 = arith.constant 0 : i32
    %dma_wait3A_405 = tpu.memref_slice %arg6[%dma_wait3A_394, %dma_wait3A_403, %dma_wait3A_404] : memref<8x120x128xf32, #tpu.memory_space<vmem>> -> memref<1x120x128xf32, #tpu.memory_space<vmem>>
    %dma_wait3A_406 = tpu.memref_squeeze %dma_wait3A_405 : memref<1x120x128xf32, #tpu.memory_space<vmem>> -> memref<120x128xf32, #tpu.memory_space<vmem>>
    tpu.wait_dma2 semaphore(%arg8 : memref<!tpu.dma_semaphore, #tpu.memory_space<semaphore_mem>>) src(%dma_wait3A_406 : memref<120x128xf32, #tpu.memory_space<vmem>>) dst(%dma_wait3A_402 : memref<120x128xf32, #tpu.memory_space<hbm>>)
    %dma_wait3A_407 = arith.constant 6 : i32
    %dma_wait3A_408 = arith.constant 0 : i32
    %dma_wait3A_409 = arith.constant 0 : i32
    %dma_wait3A_410 = tpu.memref_slice %arg6[%dma_wait3A_407, %dma_wait3A_408, %dma_wait3A_409] : memref<8x120x128xf32, #tpu.memory_space<vmem>> -> memref<1x120x128xf32, #tpu.memory_space<vmem>>
    %dma_wait3A_411 = tpu.memref_squeeze %dma_wait3A_410 : memref<1x120x128xf32, #tpu.memory_space<vmem>> -> memref<120x128xf32, #tpu.memory_space<vmem>>
    %dma_wait3A_412 = arith.constant 0 : i32
    %dma_wait3A_413 = tpu.memref_slice %arg4[%mul3A_298, %dma_wait3A_412] : memref<30720x128xf32, #tpu.memory_space<hbm>> -> memref<120x128xf32, #tpu.memory_space<hbm>>
    %dma_wait3A_414 = arith.constant 0 : i32
    %dma_wait3A_415 = tpu.memref_slice %arg4[%mul3A_298, %dma_wait3A_414] : memref<30720x128xf32, #tpu.memory_space<hbm>> -> memref<120x128xf32, #tpu.memory_space<hbm>>
    %dma_wait3A_416 = arith.constant 0 : i32
    %dma_wait3A_417 = arith.constant 0 : i32
    %dma_wait3A_418 = tpu.memref_slice %arg6[%dma_wait3A_407, %dma_wait3A_416, %dma_wait3A_417] : memref<8x120x128xf32, #tpu.memory_space<vmem>> -> memref<1x120x128xf32, #tpu.memory_space<vmem>>
    %dma_wait3A_419 = tpu.memref_squeeze %dma_wait3A_418 : memref<1x120x128xf32, #tpu.memory_space<vmem>> -> memref<120x128xf32, #tpu.memory_space<vmem>>
    tpu.wait_dma2 semaphore(%arg8 : memref<!tpu.dma_semaphore, #tpu.memory_space<semaphore_mem>>) src(%dma_wait3A_419 : memref<120x128xf32, #tpu.memory_space<vmem>>) dst(%dma_wait3A_415 : memref<120x128xf32, #tpu.memory_space<hbm>>)
    %dma_wait3A_420 = arith.constant 7 : i32
    %dma_wait3A_421 = arith.constant 0 : i32
    %dma_wait3A_422 = arith.constant 0 : i32
    %dma_wait3A_423 = tpu.memref_slice %arg6[%dma_wait3A_420, %dma_wait3A_421, %dma_wait3A_422] : memref<8x120x128xf32, #tpu.memory_space<vmem>> -> memref<1x120x128xf32, #tpu.memory_space<vmem>>
    %dma_wait3A_424 = tpu.memref_squeeze %dma_wait3A_423 : memref<1x120x128xf32, #tpu.memory_space<vmem>> -> memref<120x128xf32, #tpu.memory_space<vmem>>
    %dma_wait3A_425 = arith.constant 0 : i32
    %dma_wait3A_426 = tpu.memref_slice %arg4[%mul3A_315, %dma_wait3A_425] : memref<30720x128xf32, #tpu.memory_space<hbm>> -> memref<120x128xf32, #tpu.memory_space<hbm>>
    %dma_wait3A_427 = arith.constant 0 : i32
    %dma_wait3A_428 = tpu.memref_slice %arg4[%mul3A_315, %dma_wait3A_427] : memref<30720x128xf32, #tpu.memory_space<hbm>> -> memref<120x128xf32, #tpu.memory_space<hbm>>
    %dma_wait3A_429 = arith.constant 0 : i32
    %dma_wait3A_430 = arith.constant 0 : i32
    %dma_wait3A_431 = tpu.memref_slice %arg6[%dma_wait3A_420, %dma_wait3A_429, %dma_wait3A_430] : memref<8x120x128xf32, #tpu.memory_space<vmem>> -> memref<1x120x128xf32, #tpu.memory_space<vmem>>
    %dma_wait3A_432 = tpu.memref_squeeze %dma_wait3A_431 : memref<1x120x128xf32, #tpu.memory_space<vmem>> -> memref<120x128xf32, #tpu.memory_space<vmem>>
    tpu.wait_dma2 semaphore(%arg8 : memref<!tpu.dma_semaphore, #tpu.memory_space<semaphore_mem>>) src(%dma_wait3A_432 : memref<120x128xf32, #tpu.memory_space<vmem>>) dst(%dma_wait3A_428 : memref<120x128xf32, #tpu.memory_space<hbm>>)
    return
  }
}

#map = affine_map<(d0, d1) -> (0, 0)>
module attributes {stable_mosaic.version = 14 : i64} {
  func.func @gk(%arg0: i32, %arg1: i32, %arg2: memref<10000x128xf32, #tpu.memory_space<hbm>>, %arg3: memref<256x120xi32, #tpu.memory_space<hbm>>, %arg4: memref<30720x128xf32, #tpu.memory_space<hbm>>, %arg5: memref<8x120xi32, #tpu.memory_space<vmem>>, %arg6: memref<8x120x128xf32, #tpu.memory_space<vmem>>, %arg7: memref<!tpu.dma_semaphore, #tpu.memory_space<semaphore_mem>>, %arg8: memref<!tpu.dma_semaphore, #tpu.memory_space<semaphore_mem>>) attributes {dimension_semantics = [#tpu.dimension_semantics<core_parallel>, #tpu.dimension_semantics<subcore_parallel>], iteration_bounds = array<i64: 2, 16>, scalar_prefetch = 0 : i64, scratch_operands = 4 : i64, tpu.core_type = #tpu.core_type<sc_vector_subcore>, window_params = [{transform_indices = #map}, {transform_indices = #map}, {transform_indices = #map}]} {
    %mul3A = arith.constant 2 : i32
    %mul3A_0 = arith.muli %arg1, %mul3A : i32
    %add3A = arith.addi %mul3A_0, %arg0 : i32
    %mul3A_1 = arith.constant 8 : i32
    %mul3A_2 = arith.muli %add3A, %mul3A_1 : i32
    "tpu.region"() ({
      %run_scoped3A = tpu.sem_alloc : memref<!tpu.dma_semaphore, #tpu.memory_space<semaphore_mem>>
      %dma_start3A_433 = arith.constant 0 : i32
      %dma_start3A_434 = tpu.memref_slice %arg3[%mul3A_2, %dma_start3A_433] : memref<256x120xi32, #tpu.memory_space<hbm>> -> memref<8x120xi32, #tpu.memory_space<hbm>>
      %dma_start3A_435 = arith.constant 0 : i32
      %dma_start3A_436 = tpu.memref_slice %arg3[%mul3A_2, %dma_start3A_435] : memref<256x120xi32, #tpu.memory_space<hbm>> -> memref<8x120xi32, #tpu.memory_space<hbm>>
      tpu.enqueue_dma source(%dma_start3A_436 : memref<8x120xi32, #tpu.memory_space<hbm>>) target(%arg5 : memref<8x120xi32, #tpu.memory_space<vmem>>) target_semaphore(%run_scoped3A : memref<!tpu.dma_semaphore, #tpu.memory_space<semaphore_mem>>)
      %dma_wait3A_437 = arith.constant 0 : i32
      %dma_wait3A_438 = tpu.memref_slice %arg3[%mul3A_2, %dma_wait3A_437] : memref<256x120xi32, #tpu.memory_space<hbm>> -> memref<8x120xi32, #tpu.memory_space<hbm>>
      %dma_wait3A_439 = arith.constant 0 : i32
      %dma_wait3A_440 = tpu.memref_slice %arg3[%mul3A_2, %dma_wait3A_439] : memref<256x120xi32, #tpu.memory_space<hbm>> -> memref<8x120xi32, #tpu.memory_space<hbm>>
      tpu.wait_dma2 semaphore(%run_scoped3A : memref<!tpu.dma_semaphore, #tpu.memory_space<semaphore_mem>>) src(%dma_wait3A_440 : memref<8x120xi32, #tpu.memory_space<hbm>>) dst(%arg5 : memref<8x120xi32, #tpu.memory_space<vmem>>)
      tpu.yield
    }) : () -> ()
    %dma_start3A = arith.constant 0 : i32
    %dma_start3A_3 = arith.constant 0 : i32
    %dma_start3A_4 = arith.constant 0 : i32
    %dma_start3A_5 = arith.constant 0 : i32
    %dma_start3A_6 = tpu.memref_slice %arg6[%dma_start3A_3, %dma_start3A_4, %dma_start3A_5] : memref<8x120x128xf32, #tpu.memory_space<vmem>> -> memref<1x120x128xf32, #tpu.memory_space<vmem>>
    %dma_start3A_7 = tpu.memref_squeeze %dma_start3A_6 : memref<1x120x128xf32, #tpu.memory_space<vmem>> -> memref<120x128xf32, #tpu.memory_space<vmem>>
    %dma_start3A_8 = arith.constant 0 : i32
    %dma_start3A_9 = tpu.memref_slice %arg5[%dma_start3A, %dma_start3A_8] : memref<8x120xi32, #tpu.memory_space<vmem>> -> memref<1x120xi32, #tpu.memory_space<vmem>>
    %dma_start3A_10 = tpu.memref_squeeze %dma_start3A_9 : memref<1x120xi32, #tpu.memory_space<vmem>> -> memref<120xi32, #tpu.memory_space<vmem>>
    %dma_start3A_11 = arith.constant 0 : i32
    %dma_start3A_12 = arith.constant 0 : i32
    %dma_start3A_13 = tpu.memref_slice %arg2[%dma_start3A_11, %dma_start3A_12] : memref<10000x128xf32, #tpu.memory_space<hbm>> -> memref<10000x128xf32, #tpu.memory_space<hbm>>
    tpu.enqueue_indirect_dma source(%dma_start3A_13 : memref<10000x128xf32, #tpu.memory_space<hbm>>) target(%dma_start3A_7 : memref<120x128xf32, #tpu.memory_space<vmem>>) offsets(%dma_start3A_10 : memref<120xi32, #tpu.memory_space<vmem>>) semaphore(%arg7 : memref<!tpu.dma_semaphore, #tpu.memory_space<semaphore_mem>>)
    %dma_start3A_14 = arith.constant 1 : i32
    %dma_start3A_15 = arith.constant 1 : i32
    %dma_start3A_16 = arith.constant 0 : i32
    %dma_start3A_17 = arith.constant 0 : i32
    %dma_start3A_18 = tpu.memref_slice %arg6[%dma_start3A_15, %dma_start3A_16, %dma_start3A_17] : memref<8x120x128xf32, #tpu.memory_space<vmem>> -> memref<1x120x128xf32, #tpu.memory_space<vmem>>
    %dma_start3A_19 = tpu.memref_squeeze %dma_start3A_18 : memref<1x120x128xf32, #tpu.memory_space<vmem>> -> memref<120x128xf32, #tpu.memory_space<vmem>>
    %dma_start3A_20 = arith.constant 0 : i32
    %dma_start3A_21 = tpu.memref_slice %arg5[%dma_start3A_14, %dma_start3A_20] : memref<8x120xi32, #tpu.memory_space<vmem>> -> memref<1x120xi32, #tpu.memory_space<vmem>>
    %dma_start3A_22 = tpu.memref_squeeze %dma_start3A_21 : memref<1x120xi32, #tpu.memory_space<vmem>> -> memref<120xi32, #tpu.memory_space<vmem>>
    %dma_start3A_23 = arith.constant 0 : i32
    %dma_start3A_24 = arith.constant 0 : i32
    %dma_start3A_25 = tpu.memref_slice %arg2[%dma_start3A_23, %dma_start3A_24] : memref<10000x128xf32, #tpu.memory_space<hbm>> -> memref<10000x128xf32, #tpu.memory_space<hbm>>
    tpu.enqueue_indirect_dma source(%dma_start3A_25 : memref<10000x128xf32, #tpu.memory_space<hbm>>) target(%dma_start3A_19 : memref<120x128xf32, #tpu.memory_space<vmem>>) offsets(%dma_start3A_22 : memref<120xi32, #tpu.memory_space<vmem>>) semaphore(%arg7 : memref<!tpu.dma_semaphore, #tpu.memory_space<semaphore_mem>>)
    %dma_start3A_26 = arith.constant 2 : i32
    %dma_start3A_27 = arith.constant 2 : i32
    %dma_start3A_28 = arith.constant 0 : i32
    %dma_start3A_29 = arith.constant 0 : i32
    %dma_start3A_30 = tpu.memref_slice %arg6[%dma_start3A_27, %dma_start3A_28, %dma_start3A_29] : memref<8x120x128xf32, #tpu.memory_space<vmem>> -> memref<1x120x128xf32, #tpu.memory_space<vmem>>
    %dma_start3A_31 = tpu.memref_squeeze %dma_start3A_30 : memref<1x120x128xf32, #tpu.memory_space<vmem>> -> memref<120x128xf32, #tpu.memory_space<vmem>>
    %dma_start3A_32 = arith.constant 0 : i32
    %dma_start3A_33 = tpu.memref_slice %arg5[%dma_start3A_26, %dma_start3A_32] : memref<8x120xi32, #tpu.memory_space<vmem>> -> memref<1x120xi32, #tpu.memory_space<vmem>>
    %dma_start3A_34 = tpu.memref_squeeze %dma_start3A_33 : memref<1x120xi32, #tpu.memory_space<vmem>> -> memref<120xi32, #tpu.memory_space<vmem>>
    %dma_start3A_35 = arith.constant 0 : i32
    %dma_start3A_36 = arith.constant 0 : i32
    %dma_start3A_37 = tpu.memref_slice %arg2[%dma_start3A_35, %dma_start3A_36] : memref<10000x128xf32, #tpu.memory_space<hbm>> -> memref<10000x128xf32, #tpu.memory_space<hbm>>
    tpu.enqueue_indirect_dma source(%dma_start3A_37 : memref<10000x128xf32, #tpu.memory_space<hbm>>) target(%dma_start3A_31 : memref<120x128xf32, #tpu.memory_space<vmem>>) offsets(%dma_start3A_34 : memref<120xi32, #tpu.memory_space<vmem>>) semaphore(%arg7 : memref<!tpu.dma_semaphore, #tpu.memory_space<semaphore_mem>>)
    %dma_start3A_38 = arith.constant 3 : i32
    %dma_start3A_39 = arith.constant 3 : i32
    %dma_start3A_40 = arith.constant 0 : i32
    %dma_start3A_41 = arith.constant 0 : i32
    %dma_start3A_42 = tpu.memref_slice %arg6[%dma_start3A_39, %dma_start3A_40, %dma_start3A_41] : memref<8x120x128xf32, #tpu.memory_space<vmem>> -> memref<1x120x128xf32, #tpu.memory_space<vmem>>
    %dma_start3A_43 = tpu.memref_squeeze %dma_start3A_42 : memref<1x120x128xf32, #tpu.memory_space<vmem>> -> memref<120x128xf32, #tpu.memory_space<vmem>>
    %dma_start3A_44 = arith.constant 0 : i32
    %dma_start3A_45 = tpu.memref_slice %arg5[%dma_start3A_38, %dma_start3A_44] : memref<8x120xi32, #tpu.memory_space<vmem>> -> memref<1x120xi32, #tpu.memory_space<vmem>>
    %dma_start3A_46 = tpu.memref_squeeze %dma_start3A_45 : memref<1x120xi32, #tpu.memory_space<vmem>> -> memref<120xi32, #tpu.memory_space<vmem>>
    %dma_start3A_47 = arith.constant 0 : i32
    %dma_start3A_48 = arith.constant 0 : i32
    %dma_start3A_49 = tpu.memref_slice %arg2[%dma_start3A_47, %dma_start3A_48] : memref<10000x128xf32, #tpu.memory_space<hbm>> -> memref<10000x128xf32, #tpu.memory_space<hbm>>
    tpu.enqueue_indirect_dma source(%dma_start3A_49 : memref<10000x128xf32, #tpu.memory_space<hbm>>) target(%dma_start3A_43 : memref<120x128xf32, #tpu.memory_space<vmem>>) offsets(%dma_start3A_46 : memref<120xi32, #tpu.memory_space<vmem>>) semaphore(%arg7 : memref<!tpu.dma_semaphore, #tpu.memory_space<semaphore_mem>>)
    %dma_start3A_50 = arith.constant 4 : i32
    %dma_start3A_51 = arith.constant 4 : i32
    %dma_start3A_52 = arith.constant 0 : i32
    %dma_start3A_53 = arith.constant 0 : i32
    %dma_start3A_54 = tpu.memref_slice %arg6[%dma_start3A_51, %dma_start3A_52, %dma_start3A_53] : memref<8x120x128xf32, #tpu.memory_space<vmem>> -> memref<1x120x128xf32, #tpu.memory_space<vmem>>
    %dma_start3A_55 = tpu.memref_squeeze %dma_start3A_54 : memref<1x120x128xf32, #tpu.memory_space<vmem>> -> memref<120x128xf32, #tpu.memory_space<vmem>>
    %dma_start3A_56 = arith.constant 0 : i32
    %dma_start3A_57 = tpu.memref_slice %arg5[%dma_start3A_50, %dma_start3A_56] : memref<8x120xi32, #tpu.memory_space<vmem>> -> memref<1x120xi32, #tpu.memory_space<vmem>>
    %dma_start3A_58 = tpu.memref_squeeze %dma_start3A_57 : memref<1x120xi32, #tpu.memory_space<vmem>> -> memref<120xi32, #tpu.memory_space<vmem>>
    %dma_start3A_59 = arith.constant 0 : i32
    %dma_start3A_60 = arith.constant 0 : i32
    %dma_start3A_61 = tpu.memref_slice %arg2[%dma_start3A_59, %dma_start3A_60] : memref<10000x128xf32, #tpu.memory_space<hbm>> -> memref<10000x128xf32, #tpu.memory_space<hbm>>
    tpu.enqueue_indirect_dma source(%dma_start3A_61 : memref<10000x128xf32, #tpu.memory_space<hbm>>) target(%dma_start3A_55 : memref<120x128xf32, #tpu.memory_space<vmem>>) offsets(%dma_start3A_58 : memref<120xi32, #tpu.memory_space<vmem>>) semaphore(%arg7 : memref<!tpu.dma_semaphore, #tpu.memory_space<semaphore_mem>>)
    %dma_start3A_62 = arith.constant 5 : i32
    %dma_start3A_63 = arith.constant 5 : i32
    %dma_start3A_64 = arith.constant 0 : i32
    %dma_start3A_65 = arith.constant 0 : i32
    %dma_start3A_66 = tpu.memref_slice %arg6[%dma_start3A_63, %dma_start3A_64, %dma_start3A_65] : memref<8x120x128xf32, #tpu.memory_space<vmem>> -> memref<1x120x128xf32, #tpu.memory_space<vmem>>
    %dma_start3A_67 = tpu.memref_squeeze %dma_start3A_66 : memref<1x120x128xf32, #tpu.memory_space<vmem>> -> memref<120x128xf32, #tpu.memory_space<vmem>>
    %dma_start3A_68 = arith.constant 0 : i32
    %dma_start3A_69 = tpu.memref_slice %arg5[%dma_start3A_62, %dma_start3A_68] : memref<8x120xi32, #tpu.memory_space<vmem>> -> memref<1x120xi32, #tpu.memory_space<vmem>>
    %dma_start3A_70 = tpu.memref_squeeze %dma_start3A_69 : memref<1x120xi32, #tpu.memory_space<vmem>> -> memref<120xi32, #tpu.memory_space<vmem>>
    %dma_start3A_71 = arith.constant 0 : i32
    %dma_start3A_72 = arith.constant 0 : i32
    %dma_start3A_73 = tpu.memref_slice %arg2[%dma_start3A_71, %dma_start3A_72] : memref<10000x128xf32, #tpu.memory_space<hbm>> -> memref<10000x128xf32, #tpu.memory_space<hbm>>
    tpu.enqueue_indirect_dma source(%dma_start3A_73 : memref<10000x128xf32, #tpu.memory_space<hbm>>) target(%dma_start3A_67 : memref<120x128xf32, #tpu.memory_space<vmem>>) offsets(%dma_start3A_70 : memref<120xi32, #tpu.memory_space<vmem>>) semaphore(%arg7 : memref<!tpu.dma_semaphore, #tpu.memory_space<semaphore_mem>>)
    %dma_start3A_74 = arith.constant 6 : i32
    %dma_start3A_75 = arith.constant 6 : i32
    %dma_start3A_76 = arith.constant 0 : i32
    %dma_start3A_77 = arith.constant 0 : i32
    %dma_start3A_78 = tpu.memref_slice %arg6[%dma_start3A_75, %dma_start3A_76, %dma_start3A_77] : memref<8x120x128xf32, #tpu.memory_space<vmem>> -> memref<1x120x128xf32, #tpu.memory_space<vmem>>
    %dma_start3A_79 = tpu.memref_squeeze %dma_start3A_78 : memref<1x120x128xf32, #tpu.memory_space<vmem>> -> memref<120x128xf32, #tpu.memory_space<vmem>>
    %dma_start3A_80 = arith.constant 0 : i32
    %dma_start3A_81 = tpu.memref_slice %arg5[%dma_start3A_74, %dma_start3A_80] : memref<8x120xi32, #tpu.memory_space<vmem>> -> memref<1x120xi32, #tpu.memory_space<vmem>>
    %dma_start3A_82 = tpu.memref_squeeze %dma_start3A_81 : memref<1x120xi32, #tpu.memory_space<vmem>> -> memref<120xi32, #tpu.memory_space<vmem>>
    %dma_start3A_83 = arith.constant 0 : i32
    %dma_start3A_84 = arith.constant 0 : i32
    %dma_start3A_85 = tpu.memref_slice %arg2[%dma_start3A_83, %dma_start3A_84] : memref<10000x128xf32, #tpu.memory_space<hbm>> -> memref<10000x128xf32, #tpu.memory_space<hbm>>
    tpu.enqueue_indirect_dma source(%dma_start3A_85 : memref<10000x128xf32, #tpu.memory_space<hbm>>) target(%dma_start3A_79 : memref<120x128xf32, #tpu.memory_space<vmem>>) offsets(%dma_start3A_82 : memref<120xi32, #tpu.memory_space<vmem>>) semaphore(%arg7 : memref<!tpu.dma_semaphore, #tpu.memory_space<semaphore_mem>>)
    %dma_start3A_86 = arith.constant 7 : i32
    %dma_start3A_87 = arith.constant 7 : i32
    %dma_start3A_88 = arith.constant 0 : i32
    %dma_start3A_89 = arith.constant 0 : i32
    %dma_start3A_90 = tpu.memref_slice %arg6[%dma_start3A_87, %dma_start3A_88, %dma_start3A_89] : memref<8x120x128xf32, #tpu.memory_space<vmem>> -> memref<1x120x128xf32, #tpu.memory_space<vmem>>
    %dma_start3A_91 = tpu.memref_squeeze %dma_start3A_90 : memref<1x120x128xf32, #tpu.memory_space<vmem>> -> memref<120x128xf32, #tpu.memory_space<vmem>>
    %dma_start3A_92 = arith.constant 0 : i32
    %dma_start3A_93 = tpu.memref_slice %arg5[%dma_start3A_86, %dma_start3A_92] : memref<8x120xi32, #tpu.memory_space<vmem>> -> memref<1x120xi32, #tpu.memory_space<vmem>>
    %dma_start3A_94 = tpu.memref_squeeze %dma_start3A_93 : memref<1x120xi32, #tpu.memory_space<vmem>> -> memref<120xi32, #tpu.memory_space<vmem>>
    %dma_start3A_95 = arith.constant 0 : i32
    %dma_start3A_96 = arith.constant 0 : i32
    %dma_start3A_97 = tpu.memref_slice %arg2[%dma_start3A_95, %dma_start3A_96] : memref<10000x128xf32, #tpu.memory_space<hbm>> -> memref<10000x128xf32, #tpu.memory_space<hbm>>
    tpu.enqueue_indirect_dma source(%dma_start3A_97 : memref<10000x128xf32, #tpu.memory_space<hbm>>) target(%dma_start3A_91 : memref<120x128xf32, #tpu.memory_space<vmem>>) offsets(%dma_start3A_94 : memref<120xi32, #tpu.memory_space<vmem>>) semaphore(%arg7 : memref<!tpu.dma_semaphore, #tpu.memory_space<semaphore_mem>>)
    %dma_wait3A = arith.constant 0 : i32
    %dma_wait3A_98 = arith.constant 0 : i32
    %dma_wait3A_99 = arith.constant 0 : i32
    %dma_wait3A_100 = arith.constant 0 : i32
    %dma_wait3A_101 = tpu.memref_slice %arg6[%dma_wait3A_98, %dma_wait3A_99, %dma_wait3A_100] : memref<8x120x128xf32, #tpu.memory_space<vmem>> -> memref<1x120x128xf32, #tpu.memory_space<vmem>>
    %dma_wait3A_102 = tpu.memref_squeeze %dma_wait3A_101 : memref<1x120x128xf32, #tpu.memory_space<vmem>> -> memref<120x128xf32, #tpu.memory_space<vmem>>
    %dma_wait3A_103 = arith.constant 0 : i32
    %dma_wait3A_104 = tpu.memref_slice %arg5[%dma_wait3A, %dma_wait3A_103] : memref<8x120xi32, #tpu.memory_space<vmem>> -> memref<1x120xi32, #tpu.memory_space<vmem>>
    %dma_wait3A_105 = tpu.memref_squeeze %dma_wait3A_104 : memref<1x120xi32, #tpu.memory_space<vmem>> -> memref<120xi32, #tpu.memory_space<vmem>>
    %dma_wait3A_106 = arith.constant 0 : i32
    %dma_wait3A_107 = arith.constant 0 : i32
    %dma_wait3A_108 = tpu.memref_slice %arg2[%dma_wait3A_106, %dma_wait3A_107] : memref<10000x128xf32, #tpu.memory_space<hbm>> -> memref<10000x128xf32, #tpu.memory_space<hbm>>
    tpu.wait_indirect_dma semaphore(%arg7 : memref<!tpu.dma_semaphore, #tpu.memory_space<semaphore_mem>>) src(%dma_wait3A_108 : memref<10000x128xf32, #tpu.memory_space<hbm>>) dst(%dma_wait3A_102 : memref<120x128xf32, #tpu.memory_space<vmem>>)
    %dma_wait3A_109 = arith.constant 1 : i32
    %dma_wait3A_110 = arith.constant 1 : i32
    %dma_wait3A_111 = arith.constant 0 : i32
    %dma_wait3A_112 = arith.constant 0 : i32
    %dma_wait3A_113 = tpu.memref_slice %arg6[%dma_wait3A_110, %dma_wait3A_111, %dma_wait3A_112] : memref<8x120x128xf32, #tpu.memory_space<vmem>> -> memref<1x120x128xf32, #tpu.memory_space<vmem>>
    %dma_wait3A_114 = tpu.memref_squeeze %dma_wait3A_113 : memref<1x120x128xf32, #tpu.memory_space<vmem>> -> memref<120x128xf32, #tpu.memory_space<vmem>>
    %dma_wait3A_115 = arith.constant 0 : i32
    %dma_wait3A_116 = tpu.memref_slice %arg5[%dma_wait3A_109, %dma_wait3A_115] : memref<8x120xi32, #tpu.memory_space<vmem>> -> memref<1x120xi32, #tpu.memory_space<vmem>>
    %dma_wait3A_117 = tpu.memref_squeeze %dma_wait3A_116 : memref<1x120xi32, #tpu.memory_space<vmem>> -> memref<120xi32, #tpu.memory_space<vmem>>
    %dma_wait3A_118 = arith.constant 0 : i32
    %dma_wait3A_119 = arith.constant 0 : i32
    %dma_wait3A_120 = tpu.memref_slice %arg2[%dma_wait3A_118, %dma_wait3A_119] : memref<10000x128xf32, #tpu.memory_space<hbm>> -> memref<10000x128xf32, #tpu.memory_space<hbm>>
    tpu.wait_indirect_dma semaphore(%arg7 : memref<!tpu.dma_semaphore, #tpu.memory_space<semaphore_mem>>) src(%dma_wait3A_120 : memref<10000x128xf32, #tpu.memory_space<hbm>>) dst(%dma_wait3A_114 : memref<120x128xf32, #tpu.memory_space<vmem>>)
    %dma_wait3A_121 = arith.constant 2 : i32
    %dma_wait3A_122 = arith.constant 2 : i32
    %dma_wait3A_123 = arith.constant 0 : i32
    %dma_wait3A_124 = arith.constant 0 : i32
    %dma_wait3A_125 = tpu.memref_slice %arg6[%dma_wait3A_122, %dma_wait3A_123, %dma_wait3A_124] : memref<8x120x128xf32, #tpu.memory_space<vmem>> -> memref<1x120x128xf32, #tpu.memory_space<vmem>>
    %dma_wait3A_126 = tpu.memref_squeeze %dma_wait3A_125 : memref<1x120x128xf32, #tpu.memory_space<vmem>> -> memref<120x128xf32, #tpu.memory_space<vmem>>
    %dma_wait3A_127 = arith.constant 0 : i32
    %dma_wait3A_128 = tpu.memref_slice %arg5[%dma_wait3A_121, %dma_wait3A_127] : memref<8x120xi32, #tpu.memory_space<vmem>> -> memref<1x120xi32, #tpu.memory_space<vmem>>
    %dma_wait3A_129 = tpu.memref_squeeze %dma_wait3A_128 : memref<1x120xi32, #tpu.memory_space<vmem>> -> memref<120xi32, #tpu.memory_space<vmem>>
    %dma_wait3A_130 = arith.constant 0 : i32
    %dma_wait3A_131 = arith.constant 0 : i32
    %dma_wait3A_132 = tpu.memref_slice %arg2[%dma_wait3A_130, %dma_wait3A_131] : memref<10000x128xf32, #tpu.memory_space<hbm>> -> memref<10000x128xf32, #tpu.memory_space<hbm>>
    tpu.wait_indirect_dma semaphore(%arg7 : memref<!tpu.dma_semaphore, #tpu.memory_space<semaphore_mem>>) src(%dma_wait3A_132 : memref<10000x128xf32, #tpu.memory_space<hbm>>) dst(%dma_wait3A_126 : memref<120x128xf32, #tpu.memory_space<vmem>>)
    %dma_wait3A_133 = arith.constant 3 : i32
    %dma_wait3A_134 = arith.constant 3 : i32
    %dma_wait3A_135 = arith.constant 0 : i32
    %dma_wait3A_136 = arith.constant 0 : i32
    %dma_wait3A_137 = tpu.memref_slice %arg6[%dma_wait3A_134, %dma_wait3A_135, %dma_wait3A_136] : memref<8x120x128xf32, #tpu.memory_space<vmem>> -> memref<1x120x128xf32, #tpu.memory_space<vmem>>
    %dma_wait3A_138 = tpu.memref_squeeze %dma_wait3A_137 : memref<1x120x128xf32, #tpu.memory_space<vmem>> -> memref<120x128xf32, #tpu.memory_space<vmem>>
    %dma_wait3A_139 = arith.constant 0 : i32
    %dma_wait3A_140 = tpu.memref_slice %arg5[%dma_wait3A_133, %dma_wait3A_139] : memref<8x120xi32, #tpu.memory_space<vmem>> -> memref<1x120xi32, #tpu.memory_space<vmem>>
    %dma_wait3A_141 = tpu.memref_squeeze %dma_wait3A_140 : memref<1x120xi32, #tpu.memory_space<vmem>> -> memref<120xi32, #tpu.memory_space<vmem>>
    %dma_wait3A_142 = arith.constant 0 : i32
    %dma_wait3A_143 = arith.constant 0 : i32
    %dma_wait3A_144 = tpu.memref_slice %arg2[%dma_wait3A_142, %dma_wait3A_143] : memref<10000x128xf32, #tpu.memory_space<hbm>> -> memref<10000x128xf32, #tpu.memory_space<hbm>>
    tpu.wait_indirect_dma semaphore(%arg7 : memref<!tpu.dma_semaphore, #tpu.memory_space<semaphore_mem>>) src(%dma_wait3A_144 : memref<10000x128xf32, #tpu.memory_space<hbm>>) dst(%dma_wait3A_138 : memref<120x128xf32, #tpu.memory_space<vmem>>)
    %dma_wait3A_145 = arith.constant 4 : i32
    %dma_wait3A_146 = arith.constant 4 : i32
    %dma_wait3A_147 = arith.constant 0 : i32
    %dma_wait3A_148 = arith.constant 0 : i32
    %dma_wait3A_149 = tpu.memref_slice %arg6[%dma_wait3A_146, %dma_wait3A_147, %dma_wait3A_148] : memref<8x120x128xf32, #tpu.memory_space<vmem>> -> memref<1x120x128xf32, #tpu.memory_space<vmem>>
    %dma_wait3A_150 = tpu.memref_squeeze %dma_wait3A_149 : memref<1x120x128xf32, #tpu.memory_space<vmem>> -> memref<120x128xf32, #tpu.memory_space<vmem>>
    %dma_wait3A_151 = arith.constant 0 : i32
    %dma_wait3A_152 = tpu.memref_slice %arg5[%dma_wait3A_145, %dma_wait3A_151] : memref<8x120xi32, #tpu.memory_space<vmem>> -> memref<1x120xi32, #tpu.memory_space<vmem>>
    %dma_wait3A_153 = tpu.memref_squeeze %dma_wait3A_152 : memref<1x120xi32, #tpu.memory_space<vmem>> -> memref<120xi32, #tpu.memory_space<vmem>>
    %dma_wait3A_154 = arith.constant 0 : i32
    %dma_wait3A_155 = arith.constant 0 : i32
    %dma_wait3A_156 = tpu.memref_slice %arg2[%dma_wait3A_154, %dma_wait3A_155] : memref<10000x128xf32, #tpu.memory_space<hbm>> -> memref<10000x128xf32, #tpu.memory_space<hbm>>
    tpu.wait_indirect_dma semaphore(%arg7 : memref<!tpu.dma_semaphore, #tpu.memory_space<semaphore_mem>>) src(%dma_wait3A_156 : memref<10000x128xf32, #tpu.memory_space<hbm>>) dst(%dma_wait3A_150 : memref<120x128xf32, #tpu.memory_space<vmem>>)
    %dma_wait3A_157 = arith.constant 5 : i32
    %dma_wait3A_158 = arith.constant 5 : i32
    %dma_wait3A_159 = arith.constant 0 : i32
    %dma_wait3A_160 = arith.constant 0 : i32
    %dma_wait3A_161 = tpu.memref_slice %arg6[%dma_wait3A_158, %dma_wait3A_159, %dma_wait3A_160] : memref<8x120x128xf32, #tpu.memory_space<vmem>> -> memref<1x120x128xf32, #tpu.memory_space<vmem>>
    %dma_wait3A_162 = tpu.memref_squeeze %dma_wait3A_161 : memref<1x120x128xf32, #tpu.memory_space<vmem>> -> memref<120x128xf32, #tpu.memory_space<vmem>>
    %dma_wait3A_163 = arith.constant 0 : i32
    %dma_wait3A_164 = tpu.memref_slice %arg5[%dma_wait3A_157, %dma_wait3A_163] : memref<8x120xi32, #tpu.memory_space<vmem>> -> memref<1x120xi32, #tpu.memory_space<vmem>>
    %dma_wait3A_165 = tpu.memref_squeeze %dma_wait3A_164 : memref<1x120xi32, #tpu.memory_space<vmem>> -> memref<120xi32, #tpu.memory_space<vmem>>
    %dma_wait3A_166 = arith.constant 0 : i32
    %dma_wait3A_167 = arith.constant 0 : i32
    %dma_wait3A_168 = tpu.memref_slice %arg2[%dma_wait3A_166, %dma_wait3A_167] : memref<10000x128xf32, #tpu.memory_space<hbm>> -> memref<10000x128xf32, #tpu.memory_space<hbm>>
    tpu.wait_indirect_dma semaphore(%arg7 : memref<!tpu.dma_semaphore, #tpu.memory_space<semaphore_mem>>) src(%dma_wait3A_168 : memref<10000x128xf32, #tpu.memory_space<hbm>>) dst(%dma_wait3A_162 : memref<120x128xf32, #tpu.memory_space<vmem>>)
    %dma_wait3A_169 = arith.constant 6 : i32
    %dma_wait3A_170 = arith.constant 6 : i32
    %dma_wait3A_171 = arith.constant 0 : i32
    %dma_wait3A_172 = arith.constant 0 : i32
    %dma_wait3A_173 = tpu.memref_slice %arg6[%dma_wait3A_170, %dma_wait3A_171, %dma_wait3A_172] : memref<8x120x128xf32, #tpu.memory_space<vmem>> -> memref<1x120x128xf32, #tpu.memory_space<vmem>>
    %dma_wait3A_174 = tpu.memref_squeeze %dma_wait3A_173 : memref<1x120x128xf32, #tpu.memory_space<vmem>> -> memref<120x128xf32, #tpu.memory_space<vmem>>
    %dma_wait3A_175 = arith.constant 0 : i32
    %dma_wait3A_176 = tpu.memref_slice %arg5[%dma_wait3A_169, %dma_wait3A_175] : memref<8x120xi32, #tpu.memory_space<vmem>> -> memref<1x120xi32, #tpu.memory_space<vmem>>
    %dma_wait3A_177 = tpu.memref_squeeze %dma_wait3A_176 : memref<1x120xi32, #tpu.memory_space<vmem>> -> memref<120xi32, #tpu.memory_space<vmem>>
    %dma_wait3A_178 = arith.constant 0 : i32
    %dma_wait3A_179 = arith.constant 0 : i32
    %dma_wait3A_180 = tpu.memref_slice %arg2[%dma_wait3A_178, %dma_wait3A_179] : memref<10000x128xf32, #tpu.memory_space<hbm>> -> memref<10000x128xf32, #tpu.memory_space<hbm>>
    tpu.wait_indirect_dma semaphore(%arg7 : memref<!tpu.dma_semaphore, #tpu.memory_space<semaphore_mem>>) src(%dma_wait3A_180 : memref<10000x128xf32, #tpu.memory_space<hbm>>) dst(%dma_wait3A_174 : memref<120x128xf32, #tpu.memory_space<vmem>>)
    %dma_wait3A_181 = arith.constant 7 : i32
    %dma_wait3A_182 = arith.constant 7 : i32
    %dma_wait3A_183 = arith.constant 0 : i32
    %dma_wait3A_184 = arith.constant 0 : i32
    %dma_wait3A_185 = tpu.memref_slice %arg6[%dma_wait3A_182, %dma_wait3A_183, %dma_wait3A_184] : memref<8x120x128xf32, #tpu.memory_space<vmem>> -> memref<1x120x128xf32, #tpu.memory_space<vmem>>
    %dma_wait3A_186 = tpu.memref_squeeze %dma_wait3A_185 : memref<1x120x128xf32, #tpu.memory_space<vmem>> -> memref<120x128xf32, #tpu.memory_space<vmem>>
    %dma_wait3A_187 = arith.constant 0 : i32
    %dma_wait3A_188 = tpu.memref_slice %arg5[%dma_wait3A_181, %dma_wait3A_187] : memref<8x120xi32, #tpu.memory_space<vmem>> -> memref<1x120xi32, #tpu.memory_space<vmem>>
    %dma_wait3A_189 = tpu.memref_squeeze %dma_wait3A_188 : memref<1x120xi32, #tpu.memory_space<vmem>> -> memref<120xi32, #tpu.memory_space<vmem>>
    %dma_wait3A_190 = arith.constant 0 : i32
    %dma_wait3A_191 = arith.constant 0 : i32
    %dma_wait3A_192 = tpu.memref_slice %arg2[%dma_wait3A_190, %dma_wait3A_191] : memref<10000x128xf32, #tpu.memory_space<hbm>> -> memref<10000x128xf32, #tpu.memory_space<hbm>>
    tpu.wait_indirect_dma semaphore(%arg7 : memref<!tpu.dma_semaphore, #tpu.memory_space<semaphore_mem>>) src(%dma_wait3A_192 : memref<10000x128xf32, #tpu.memory_space<hbm>>) dst(%dma_wait3A_186 : memref<120x128xf32, #tpu.memory_space<vmem>>)
    %add3A_193 = arith.constant 0 : i32
    %add3A_194 = arith.addi %mul3A_2, %add3A_193 : i32
    %mul3A_195 = arith.constant 120 : i32
    %mul3A_196 = arith.muli %add3A_194, %mul3A_195 : i32
    %dma_start3A_197 = arith.constant 0 : i32
    %dma_start3A_198 = arith.constant 0 : i32
    %dma_start3A_199 = arith.constant 0 : i32
    %dma_start3A_200 = tpu.memref_slice %arg6[%dma_start3A_197, %dma_start3A_198, %dma_start3A_199] : memref<8x120x128xf32, #tpu.memory_space<vmem>> -> memref<1x120x128xf32, #tpu.memory_space<vmem>>
    %dma_start3A_201 = tpu.memref_squeeze %dma_start3A_200 : memref<1x120x128xf32, #tpu.memory_space<vmem>> -> memref<120x128xf32, #tpu.memory_space<vmem>>
    %dma_start3A_202 = arith.constant 0 : i32
    %dma_start3A_203 = tpu.memref_slice %arg4[%mul3A_196, %dma_start3A_202] : memref<30720x128xf32, #tpu.memory_space<hbm>> -> memref<120x128xf32, #tpu.memory_space<hbm>>
    %dma_start3A_204 = arith.constant 0 : i32
    %dma_start3A_205 = tpu.memref_slice %arg4[%mul3A_196, %dma_start3A_204] : memref<30720x128xf32, #tpu.memory_space<hbm>> -> memref<120x128xf32, #tpu.memory_space<hbm>>
    %dma_start3A_206 = arith.constant 0 : i32
    %dma_start3A_207 = arith.constant 0 : i32
    %dma_start3A_208 = tpu.memref_slice %arg6[%dma_start3A_197, %dma_start3A_206, %dma_start3A_207] : memref<8x120x128xf32, #tpu.memory_space<vmem>> -> memref<1x120x128xf32, #tpu.memory_space<vmem>>
    %dma_start3A_209 = tpu.memref_squeeze %dma_start3A_208 : memref<1x120x128xf32, #tpu.memory_space<vmem>> -> memref<120x128xf32, #tpu.memory_space<vmem>>
    tpu.enqueue_dma source(%dma_start3A_209 : memref<120x128xf32, #tpu.memory_space<vmem>>) target(%dma_start3A_205 : memref<120x128xf32, #tpu.memory_space<hbm>>) target_semaphore(%arg8 : memref<!tpu.dma_semaphore, #tpu.memory_space<semaphore_mem>>)
    %add3A_210 = arith.constant 1 : i32
    %add3A_211 = arith.addi %mul3A_2, %add3A_210 : i32
    %mul3A_212 = arith.constant 120 : i32
    %mul3A_213 = arith.muli %add3A_211, %mul3A_212 : i32
    %dma_start3A_214 = arith.constant 1 : i32
    %dma_start3A_215 = arith.constant 0 : i32
    %dma_start3A_216 = arith.constant 0 : i32
    %dma_start3A_217 = tpu.memref_slice %arg6[%dma_start3A_214, %dma_start3A_215, %dma_start3A_216] : memref<8x120x128xf32, #tpu.memory_space<vmem>> -> memref<1x120x128xf32, #tpu.memory_space<vmem>>
    %dma_start3A_218 = tpu.memref_squeeze %dma_start3A_217 : memref<1x120x128xf32, #tpu.memory_space<vmem>> -> memref<120x128xf32, #tpu.memory_space<vmem>>
    %dma_start3A_219 = arith.constant 0 : i32
    %dma_start3A_220 = tpu.memref_slice %arg4[%mul3A_213, %dma_start3A_219] : memref<30720x128xf32, #tpu.memory_space<hbm>> -> memref<120x128xf32, #tpu.memory_space<hbm>>
    %dma_start3A_221 = arith.constant 0 : i32
    %dma_start3A_222 = tpu.memref_slice %arg4[%mul3A_213, %dma_start3A_221] : memref<30720x128xf32, #tpu.memory_space<hbm>> -> memref<120x128xf32, #tpu.memory_space<hbm>>
    %dma_start3A_223 = arith.constant 0 : i32
    %dma_start3A_224 = arith.constant 0 : i32
    %dma_start3A_225 = tpu.memref_slice %arg6[%dma_start3A_214, %dma_start3A_223, %dma_start3A_224] : memref<8x120x128xf32, #tpu.memory_space<vmem>> -> memref<1x120x128xf32, #tpu.memory_space<vmem>>
    %dma_start3A_226 = tpu.memref_squeeze %dma_start3A_225 : memref<1x120x128xf32, #tpu.memory_space<vmem>> -> memref<120x128xf32, #tpu.memory_space<vmem>>
    tpu.enqueue_dma source(%dma_start3A_226 : memref<120x128xf32, #tpu.memory_space<vmem>>) target(%dma_start3A_222 : memref<120x128xf32, #tpu.memory_space<hbm>>) target_semaphore(%arg8 : memref<!tpu.dma_semaphore, #tpu.memory_space<semaphore_mem>>)
    %add3A_227 = arith.constant 2 : i32
    %add3A_228 = arith.addi %mul3A_2, %add3A_227 : i32
    %mul3A_229 = arith.constant 120 : i32
    %mul3A_230 = arith.muli %add3A_228, %mul3A_229 : i32
    %dma_start3A_231 = arith.constant 2 : i32
    %dma_start3A_232 = arith.constant 0 : i32
    %dma_start3A_233 = arith.constant 0 : i32
    %dma_start3A_234 = tpu.memref_slice %arg6[%dma_start3A_231, %dma_start3A_232, %dma_start3A_233] : memref<8x120x128xf32, #tpu.memory_space<vmem>> -> memref<1x120x128xf32, #tpu.memory_space<vmem>>
    %dma_start3A_235 = tpu.memref_squeeze %dma_start3A_234 : memref<1x120x128xf32, #tpu.memory_space<vmem>> -> memref<120x128xf32, #tpu.memory_space<vmem>>
    %dma_start3A_236 = arith.constant 0 : i32
    %dma_start3A_237 = tpu.memref_slice %arg4[%mul3A_230, %dma_start3A_236] : memref<30720x128xf32, #tpu.memory_space<hbm>> -> memref<120x128xf32, #tpu.memory_space<hbm>>
    %dma_start3A_238 = arith.constant 0 : i32
    %dma_start3A_239 = tpu.memref_slice %arg4[%mul3A_230, %dma_start3A_238] : memref<30720x128xf32, #tpu.memory_space<hbm>> -> memref<120x128xf32, #tpu.memory_space<hbm>>
    %dma_start3A_240 = arith.constant 0 : i32
    %dma_start3A_241 = arith.constant 0 : i32
    %dma_start3A_242 = tpu.memref_slice %arg6[%dma_start3A_231, %dma_start3A_240, %dma_start3A_241] : memref<8x120x128xf32, #tpu.memory_space<vmem>> -> memref<1x120x128xf32, #tpu.memory_space<vmem>>
    %dma_start3A_243 = tpu.memref_squeeze %dma_start3A_242 : memref<1x120x128xf32, #tpu.memory_space<vmem>> -> memref<120x128xf32, #tpu.memory_space<vmem>>
    tpu.enqueue_dma source(%dma_start3A_243 : memref<120x128xf32, #tpu.memory_space<vmem>>) target(%dma_start3A_239 : memref<120x128xf32, #tpu.memory_space<hbm>>) target_semaphore(%arg8 : memref<!tpu.dma_semaphore, #tpu.memory_space<semaphore_mem>>)
    %add3A_244 = arith.constant 3 : i32
    %add3A_245 = arith.addi %mul3A_2, %add3A_244 : i32
    %mul3A_246 = arith.constant 120 : i32
    %mul3A_247 = arith.muli %add3A_245, %mul3A_246 : i32
    %dma_start3A_248 = arith.constant 3 : i32
    %dma_start3A_249 = arith.constant 0 : i32
    %dma_start3A_250 = arith.constant 0 : i32
    %dma_start3A_251 = tpu.memref_slice %arg6[%dma_start3A_248, %dma_start3A_249, %dma_start3A_250] : memref<8x120x128xf32, #tpu.memory_space<vmem>> -> memref<1x120x128xf32, #tpu.memory_space<vmem>>
    %dma_start3A_252 = tpu.memref_squeeze %dma_start3A_251 : memref<1x120x128xf32, #tpu.memory_space<vmem>> -> memref<120x128xf32, #tpu.memory_space<vmem>>
    %dma_start3A_253 = arith.constant 0 : i32
    %dma_start3A_254 = tpu.memref_slice %arg4[%mul3A_247, %dma_start3A_253] : memref<30720x128xf32, #tpu.memory_space<hbm>> -> memref<120x128xf32, #tpu.memory_space<hbm>>
    %dma_start3A_255 = arith.constant 0 : i32
    %dma_start3A_256 = tpu.memref_slice %arg4[%mul3A_247, %dma_start3A_255] : memref<30720x128xf32, #tpu.memory_space<hbm>> -> memref<120x128xf32, #tpu.memory_space<hbm>>
    %dma_start3A_257 = arith.constant 0 : i32
    %dma_start3A_258 = arith.constant 0 : i32
    %dma_start3A_259 = tpu.memref_slice %arg6[%dma_start3A_248, %dma_start3A_257, %dma_start3A_258] : memref<8x120x128xf32, #tpu.memory_space<vmem>> -> memref<1x120x128xf32, #tpu.memory_space<vmem>>
    %dma_start3A_260 = tpu.memref_squeeze %dma_start3A_259 : memref<1x120x128xf32, #tpu.memory_space<vmem>> -> memref<120x128xf32, #tpu.memory_space<vmem>>
    tpu.enqueue_dma source(%dma_start3A_260 : memref<120x128xf32, #tpu.memory_space<vmem>>) target(%dma_start3A_256 : memref<120x128xf32, #tpu.memory_space<hbm>>) target_semaphore(%arg8 : memref<!tpu.dma_semaphore, #tpu.memory_space<semaphore_mem>>)
    %add3A_261 = arith.constant 4 : i32
    %add3A_262 = arith.addi %mul3A_2, %add3A_261 : i32
    %mul3A_263 = arith.constant 120 : i32
    %mul3A_264 = arith.muli %add3A_262, %mul3A_263 : i32
    %dma_start3A_265 = arith.constant 4 : i32
    %dma_start3A_266 = arith.constant 0 : i32
    %dma_start3A_267 = arith.constant 0 : i32
    %dma_start3A_268 = tpu.memref_slice %arg6[%dma_start3A_265, %dma_start3A_266, %dma_start3A_267] : memref<8x120x128xf32, #tpu.memory_space<vmem>> -> memref<1x120x128xf32, #tpu.memory_space<vmem>>
    %dma_start3A_269 = tpu.memref_squeeze %dma_start3A_268 : memref<1x120x128xf32, #tpu.memory_space<vmem>> -> memref<120x128xf32, #tpu.memory_space<vmem>>
    %dma_start3A_270 = arith.constant 0 : i32
    %dma_start3A_271 = tpu.memref_slice %arg4[%mul3A_264, %dma_start3A_270] : memref<30720x128xf32, #tpu.memory_space<hbm>> -> memref<120x128xf32, #tpu.memory_space<hbm>>
    %dma_start3A_272 = arith.constant 0 : i32
    %dma_start3A_273 = tpu.memref_slice %arg4[%mul3A_264, %dma_start3A_272] : memref<30720x128xf32, #tpu.memory_space<hbm>> -> memref<120x128xf32, #tpu.memory_space<hbm>>
    %dma_start3A_274 = arith.constant 0 : i32
    %dma_start3A_275 = arith.constant 0 : i32
    %dma_start3A_276 = tpu.memref_slice %arg6[%dma_start3A_265, %dma_start3A_274, %dma_start3A_275] : memref<8x120x128xf32, #tpu.memory_space<vmem>> -> memref<1x120x128xf32, #tpu.memory_space<vmem>>
    %dma_start3A_277 = tpu.memref_squeeze %dma_start3A_276 : memref<1x120x128xf32, #tpu.memory_space<vmem>> -> memref<120x128xf32, #tpu.memory_space<vmem>>
    tpu.enqueue_dma source(%dma_start3A_277 : memref<120x128xf32, #tpu.memory_space<vmem>>) target(%dma_start3A_273 : memref<120x128xf32, #tpu.memory_space<hbm>>) target_semaphore(%arg8 : memref<!tpu.dma_semaphore, #tpu.memory_space<semaphore_mem>>)
    %add3A_278 = arith.constant 5 : i32
    %add3A_279 = arith.addi %mul3A_2, %add3A_278 : i32
    %mul3A_280 = arith.constant 120 : i32
    %mul3A_281 = arith.muli %add3A_279, %mul3A_280 : i32
    %dma_start3A_282 = arith.constant 5 : i32
    %dma_start3A_283 = arith.constant 0 : i32
    %dma_start3A_284 = arith.constant 0 : i32
    %dma_start3A_285 = tpu.memref_slice %arg6[%dma_start3A_282, %dma_start3A_283, %dma_start3A_284] : memref<8x120x128xf32, #tpu.memory_space<vmem>> -> memref<1x120x128xf32, #tpu.memory_space<vmem>>
    %dma_start3A_286 = tpu.memref_squeeze %dma_start3A_285 : memref<1x120x128xf32, #tpu.memory_space<vmem>> -> memref<120x128xf32, #tpu.memory_space<vmem>>
    %dma_start3A_287 = arith.constant 0 : i32
    %dma_start3A_288 = tpu.memref_slice %arg4[%mul3A_281, %dma_start3A_287] : memref<30720x128xf32, #tpu.memory_space<hbm>> -> memref<120x128xf32, #tpu.memory_space<hbm>>
    %dma_start3A_289 = arith.constant 0 : i32
    %dma_start3A_290 = tpu.memref_slice %arg4[%mul3A_281, %dma_start3A_289] : memref<30720x128xf32, #tpu.memory_space<hbm>> -> memref<120x128xf32, #tpu.memory_space<hbm>>
    %dma_start3A_291 = arith.constant 0 : i32
    %dma_start3A_292 = arith.constant 0 : i32
    %dma_start3A_293 = tpu.memref_slice %arg6[%dma_start3A_282, %dma_start3A_291, %dma_start3A_292] : memref<8x120x128xf32, #tpu.memory_space<vmem>> -> memref<1x120x128xf32, #tpu.memory_space<vmem>>
    %dma_start3A_294 = tpu.memref_squeeze %dma_start3A_293 : memref<1x120x128xf32, #tpu.memory_space<vmem>> -> memref<120x128xf32, #tpu.memory_space<vmem>>
    tpu.enqueue_dma source(%dma_start3A_294 : memref<120x128xf32, #tpu.memory_space<vmem>>) target(%dma_start3A_290 : memref<120x128xf32, #tpu.memory_space<hbm>>) target_semaphore(%arg8 : memref<!tpu.dma_semaphore, #tpu.memory_space<semaphore_mem>>)
    %add3A_295 = arith.constant 6 : i32
    %add3A_296 = arith.addi %mul3A_2, %add3A_295 : i32
    %mul3A_297 = arith.constant 120 : i32
    %mul3A_298 = arith.muli %add3A_296, %mul3A_297 : i32
    %dma_start3A_299 = arith.constant 6 : i32
    %dma_start3A_300 = arith.constant 0 : i32
    %dma_start3A_301 = arith.constant 0 : i32
    %dma_start3A_302 = tpu.memref_slice %arg6[%dma_start3A_299, %dma_start3A_300, %dma_start3A_301] : memref<8x120x128xf32, #tpu.memory_space<vmem>> -> memref<1x120x128xf32, #tpu.memory_space<vmem>>
    %dma_start3A_303 = tpu.memref_squeeze %dma_start3A_302 : memref<1x120x128xf32, #tpu.memory_space<vmem>> -> memref<120x128xf32, #tpu.memory_space<vmem>>
    %dma_start3A_304 = arith.constant 0 : i32
    %dma_start3A_305 = tpu.memref_slice %arg4[%mul3A_298, %dma_start3A_304] : memref<30720x128xf32, #tpu.memory_space<hbm>> -> memref<120x128xf32, #tpu.memory_space<hbm>>
    %dma_start3A_306 = arith.constant 0 : i32
    %dma_start3A_307 = tpu.memref_slice %arg4[%mul3A_298, %dma_start3A_306] : memref<30720x128xf32, #tpu.memory_space<hbm>> -> memref<120x128xf32, #tpu.memory_space<hbm>>
    %dma_start3A_308 = arith.constant 0 : i32
    %dma_start3A_309 = arith.constant 0 : i32
    %dma_start3A_310 = tpu.memref_slice %arg6[%dma_start3A_299, %dma_start3A_308, %dma_start3A_309] : memref<8x120x128xf32, #tpu.memory_space<vmem>> -> memref<1x120x128xf32, #tpu.memory_space<vmem>>
    %dma_start3A_311 = tpu.memref_squeeze %dma_start3A_310 : memref<1x120x128xf32, #tpu.memory_space<vmem>> -> memref<120x128xf32, #tpu.memory_space<vmem>>
    tpu.enqueue_dma source(%dma_start3A_311 : memref<120x128xf32, #tpu.memory_space<vmem>>) target(%dma_start3A_307 : memref<120x128xf32, #tpu.memory_space<hbm>>) target_semaphore(%arg8 : memref<!tpu.dma_semaphore, #tpu.memory_space<semaphore_mem>>)
    %add3A_312 = arith.constant 7 : i32
    %add3A_313 = arith.addi %mul3A_2, %add3A_312 : i32
    %mul3A_314 = arith.constant 120 : i32
    %mul3A_315 = arith.muli %add3A_313, %mul3A_314 : i32
    %dma_start3A_316 = arith.constant 7 : i32
    %dma_start3A_317 = arith.constant 0 : i32
    %dma_start3A_318 = arith.constant 0 : i32
    %dma_start3A_319 = tpu.memref_slice %arg6[%dma_start3A_316, %dma_start3A_317, %dma_start3A_318] : memref<8x120x128xf32, #tpu.memory_space<vmem>> -> memref<1x120x128xf32, #tpu.memory_space<vmem>>
    %dma_start3A_320 = tpu.memref_squeeze %dma_start3A_319 : memref<1x120x128xf32, #tpu.memory_space<vmem>> -> memref<120x128xf32, #tpu.memory_space<vmem>>
    %dma_start3A_321 = arith.constant 0 : i32
    %dma_start3A_322 = tpu.memref_slice %arg4[%mul3A_315, %dma_start3A_321] : memref<30720x128xf32, #tpu.memory_space<hbm>> -> memref<120x128xf32, #tpu.memory_space<hbm>>
    %dma_start3A_323 = arith.constant 0 : i32
    %dma_start3A_324 = tpu.memref_slice %arg4[%mul3A_315, %dma_start3A_323] : memref<30720x128xf32, #tpu.memory_space<hbm>> -> memref<120x128xf32, #tpu.memory_space<hbm>>
    %dma_start3A_325 = arith.constant 0 : i32
    %dma_start3A_326 = arith.constant 0 : i32
    %dma_start3A_327 = tpu.memref_slice %arg6[%dma_start3A_316, %dma_start3A_325, %dma_start3A_326] : memref<8x120x128xf32, #tpu.memory_space<vmem>> -> memref<1x120x128xf32, #tpu.memory_space<vmem>>
    %dma_start3A_328 = tpu.memref_squeeze %dma_start3A_327 : memref<1x120x128xf32, #tpu.memory_space<vmem>> -> memref<120x128xf32, #tpu.memory_space<vmem>>
    tpu.enqueue_dma source(%dma_start3A_328 : memref<120x128xf32, #tpu.memory_space<vmem>>) target(%dma_start3A_324 : memref<120x128xf32, #tpu.memory_space<hbm>>) target_semaphore(%arg8 : memref<!tpu.dma_semaphore, #tpu.memory_space<semaphore_mem>>)
    %dma_wait3A_329 = arith.constant 0 : i32
    %dma_wait3A_330 = arith.constant 0 : i32
    %dma_wait3A_331 = arith.constant 0 : i32
    %dma_wait3A_332 = tpu.memref_slice %arg6[%dma_wait3A_329, %dma_wait3A_330, %dma_wait3A_331] : memref<8x120x128xf32, #tpu.memory_space<vmem>> -> memref<1x120x128xf32, #tpu.memory_space<vmem>>
    %dma_wait3A_333 = tpu.memref_squeeze %dma_wait3A_332 : memref<1x120x128xf32, #tpu.memory_space<vmem>> -> memref<120x128xf32, #tpu.memory_space<vmem>>
    %dma_wait3A_334 = arith.constant 0 : i32
    %dma_wait3A_335 = tpu.memref_slice %arg4[%mul3A_196, %dma_wait3A_334] : memref<30720x128xf32, #tpu.memory_space<hbm>> -> memref<120x128xf32, #tpu.memory_space<hbm>>
    %dma_wait3A_336 = arith.constant 0 : i32
    %dma_wait3A_337 = tpu.memref_slice %arg4[%mul3A_196, %dma_wait3A_336] : memref<30720x128xf32, #tpu.memory_space<hbm>> -> memref<120x128xf32, #tpu.memory_space<hbm>>
    %dma_wait3A_338 = arith.constant 0 : i32
    %dma_wait3A_339 = arith.constant 0 : i32
    %dma_wait3A_340 = tpu.memref_slice %arg6[%dma_wait3A_329, %dma_wait3A_338, %dma_wait3A_339] : memref<8x120x128xf32, #tpu.memory_space<vmem>> -> memref<1x120x128xf32, #tpu.memory_space<vmem>>
    %dma_wait3A_341 = tpu.memref_squeeze %dma_wait3A_340 : memref<1x120x128xf32, #tpu.memory_space<vmem>> -> memref<120x128xf32, #tpu.memory_space<vmem>>
    tpu.wait_dma2 semaphore(%arg8 : memref<!tpu.dma_semaphore, #tpu.memory_space<semaphore_mem>>) src(%dma_wait3A_341 : memref<120x128xf32, #tpu.memory_space<vmem>>) dst(%dma_wait3A_337 : memref<120x128xf32, #tpu.memory_space<hbm>>)
    %dma_wait3A_342 = arith.constant 1 : i32
    %dma_wait3A_343 = arith.constant 0 : i32
    %dma_wait3A_344 = arith.constant 0 : i32
    %dma_wait3A_345 = tpu.memref_slice %arg6[%dma_wait3A_342, %dma_wait3A_343, %dma_wait3A_344] : memref<8x120x128xf32, #tpu.memory_space<vmem>> -> memref<1x120x128xf32, #tpu.memory_space<vmem>>
    %dma_wait3A_346 = tpu.memref_squeeze %dma_wait3A_345 : memref<1x120x128xf32, #tpu.memory_space<vmem>> -> memref<120x128xf32, #tpu.memory_space<vmem>>
    %dma_wait3A_347 = arith.constant 0 : i32
    %dma_wait3A_348 = tpu.memref_slice %arg4[%mul3A_213, %dma_wait3A_347] : memref<30720x128xf32, #tpu.memory_space<hbm>> -> memref<120x128xf32, #tpu.memory_space<hbm>>
    %dma_wait3A_349 = arith.constant 0 : i32
    %dma_wait3A_350 = tpu.memref_slice %arg4[%mul3A_213, %dma_wait3A_349] : memref<30720x128xf32, #tpu.memory_space<hbm>> -> memref<120x128xf32, #tpu.memory_space<hbm>>
    %dma_wait3A_351 = arith.constant 0 : i32
    %dma_wait3A_352 = arith.constant 0 : i32
    %dma_wait3A_353 = tpu.memref_slice %arg6[%dma_wait3A_342, %dma_wait3A_351, %dma_wait3A_352] : memref<8x120x128xf32, #tpu.memory_space<vmem>> -> memref<1x120x128xf32, #tpu.memory_space<vmem>>
    %dma_wait3A_354 = tpu.memref_squeeze %dma_wait3A_353 : memref<1x120x128xf32, #tpu.memory_space<vmem>> -> memref<120x128xf32, #tpu.memory_space<vmem>>
    tpu.wait_dma2 semaphore(%arg8 : memref<!tpu.dma_semaphore, #tpu.memory_space<semaphore_mem>>) src(%dma_wait3A_354 : memref<120x128xf32, #tpu.memory_space<vmem>>) dst(%dma_wait3A_350 : memref<120x128xf32, #tpu.memory_space<hbm>>)
    %dma_wait3A_355 = arith.constant 2 : i32
    %dma_wait3A_356 = arith.constant 0 : i32
    %dma_wait3A_357 = arith.constant 0 : i32
    %dma_wait3A_358 = tpu.memref_slice %arg6[%dma_wait3A_355, %dma_wait3A_356, %dma_wait3A_357] : memref<8x120x128xf32, #tpu.memory_space<vmem>> -> memref<1x120x128xf32, #tpu.memory_space<vmem>>
    %dma_wait3A_359 = tpu.memref_squeeze %dma_wait3A_358 : memref<1x120x128xf32, #tpu.memory_space<vmem>> -> memref<120x128xf32, #tpu.memory_space<vmem>>
    %dma_wait3A_360 = arith.constant 0 : i32
    %dma_wait3A_361 = tpu.memref_slice %arg4[%mul3A_230, %dma_wait3A_360] : memref<30720x128xf32, #tpu.memory_space<hbm>> -> memref<120x128xf32, #tpu.memory_space<hbm>>
    %dma_wait3A_362 = arith.constant 0 : i32
    %dma_wait3A_363 = tpu.memref_slice %arg4[%mul3A_230, %dma_wait3A_362] : memref<30720x128xf32, #tpu.memory_space<hbm>> -> memref<120x128xf32, #tpu.memory_space<hbm>>
    %dma_wait3A_364 = arith.constant 0 : i32
    %dma_wait3A_365 = arith.constant 0 : i32
    %dma_wait3A_366 = tpu.memref_slice %arg6[%dma_wait3A_355, %dma_wait3A_364, %dma_wait3A_365] : memref<8x120x128xf32, #tpu.memory_space<vmem>> -> memref<1x120x128xf32, #tpu.memory_space<vmem>>
    %dma_wait3A_367 = tpu.memref_squeeze %dma_wait3A_366 : memref<1x120x128xf32, #tpu.memory_space<vmem>> -> memref<120x128xf32, #tpu.memory_space<vmem>>
    tpu.wait_dma2 semaphore(%arg8 : memref<!tpu.dma_semaphore, #tpu.memory_space<semaphore_mem>>) src(%dma_wait3A_367 : memref<120x128xf32, #tpu.memory_space<vmem>>) dst(%dma_wait3A_363 : memref<120x128xf32, #tpu.memory_space<hbm>>)
    %dma_wait3A_368 = arith.constant 3 : i32
    %dma_wait3A_369 = arith.constant 0 : i32
    %dma_wait3A_370 = arith.constant 0 : i32
    %dma_wait3A_371 = tpu.memref_slice %arg6[%dma_wait3A_368, %dma_wait3A_369, %dma_wait3A_370] : memref<8x120x128xf32, #tpu.memory_space<vmem>> -> memref<1x120x128xf32, #tpu.memory_space<vmem>>
    %dma_wait3A_372 = tpu.memref_squeeze %dma_wait3A_371 : memref<1x120x128xf32, #tpu.memory_space<vmem>> -> memref<120x128xf32, #tpu.memory_space<vmem>>
    %dma_wait3A_373 = arith.constant 0 : i32
    %dma_wait3A_374 = tpu.memref_slice %arg4[%mul3A_247, %dma_wait3A_373] : memref<30720x128xf32, #tpu.memory_space<hbm>> -> memref<120x128xf32, #tpu.memory_space<hbm>>
    %dma_wait3A_375 = arith.constant 0 : i32
    %dma_wait3A_376 = tpu.memref_slice %arg4[%mul3A_247, %dma_wait3A_375] : memref<30720x128xf32, #tpu.memory_space<hbm>> -> memref<120x128xf32, #tpu.memory_space<hbm>>
    %dma_wait3A_377 = arith.constant 0 : i32
    %dma_wait3A_378 = arith.constant 0 : i32
    %dma_wait3A_379 = tpu.memref_slice %arg6[%dma_wait3A_368, %dma_wait3A_377, %dma_wait3A_378] : memref<8x120x128xf32, #tpu.memory_space<vmem>> -> memref<1x120x128xf32, #tpu.memory_space<vmem>>
    %dma_wait3A_380 = tpu.memref_squeeze %dma_wait3A_379 : memref<1x120x128xf32, #tpu.memory_space<vmem>> -> memref<120x128xf32, #tpu.memory_space<vmem>>
    tpu.wait_dma2 semaphore(%arg8 : memref<!tpu.dma_semaphore, #tpu.memory_space<semaphore_mem>>) src(%dma_wait3A_380 : memref<120x128xf32, #tpu.memory_space<vmem>>) dst(%dma_wait3A_376 : memref<120x128xf32, #tpu.memory_space<hbm>>)
    %dma_wait3A_381 = arith.constant 4 : i32
    %dma_wait3A_382 = arith.constant 0 : i32
    %dma_wait3A_383 = arith.constant 0 : i32
    %dma_wait3A_384 = tpu.memref_slice %arg6[%dma_wait3A_381, %dma_wait3A_382, %dma_wait3A_383] : memref<8x120x128xf32, #tpu.memory_space<vmem>> -> memref<1x120x128xf32, #tpu.memory_space<vmem>>
    %dma_wait3A_385 = tpu.memref_squeeze %dma_wait3A_384 : memref<1x120x128xf32, #tpu.memory_space<vmem>> -> memref<120x128xf32, #tpu.memory_space<vmem>>
    %dma_wait3A_386 = arith.constant 0 : i32
    %dma_wait3A_387 = tpu.memref_slice %arg4[%mul3A_264, %dma_wait3A_386] : memref<30720x128xf32, #tpu.memory_space<hbm>> -> memref<120x128xf32, #tpu.memory_space<hbm>>
    %dma_wait3A_388 = arith.constant 0 : i32
    %dma_wait3A_389 = tpu.memref_slice %arg4[%mul3A_264, %dma_wait3A_388] : memref<30720x128xf32, #tpu.memory_space<hbm>> -> memref<120x128xf32, #tpu.memory_space<hbm>>
    %dma_wait3A_390 = arith.constant 0 : i32
    %dma_wait3A_391 = arith.constant 0 : i32
    %dma_wait3A_392 = tpu.memref_slice %arg6[%dma_wait3A_381, %dma_wait3A_390, %dma_wait3A_391] : memref<8x120x128xf32, #tpu.memory_space<vmem>> -> memref<1x120x128xf32, #tpu.memory_space<vmem>>
    %dma_wait3A_393 = tpu.memref_squeeze %dma_wait3A_392 : memref<1x120x128xf32, #tpu.memory_space<vmem>> -> memref<120x128xf32, #tpu.memory_space<vmem>>
    tpu.wait_dma2 semaphore(%arg8 : memref<!tpu.dma_semaphore, #tpu.memory_space<semaphore_mem>>) src(%dma_wait3A_393 : memref<120x128xf32, #tpu.memory_space<vmem>>) dst(%dma_wait3A_389 : memref<120x128xf32, #tpu.memory_space<hbm>>)
    %dma_wait3A_394 = arith.constant 5 : i32
    %dma_wait3A_395 = arith.constant 0 : i32
    %dma_wait3A_396 = arith.constant 0 : i32
    %dma_wait3A_397 = tpu.memref_slice %arg6[%dma_wait3A_394, %dma_wait3A_395, %dma_wait3A_396] : memref<8x120x128xf32, #tpu.memory_space<vmem>> -> memref<1x120x128xf32, #tpu.memory_space<vmem>>
    %dma_wait3A_398 = tpu.memref_squeeze %dma_wait3A_397 : memref<1x120x128xf32, #tpu.memory_space<vmem>> -> memref<120x128xf32, #tpu.memory_space<vmem>>
    %dma_wait3A_399 = arith.constant 0 : i32
    %dma_wait3A_400 = tpu.memref_slice %arg4[%mul3A_281, %dma_wait3A_399] : memref<30720x128xf32, #tpu.memory_space<hbm>> -> memref<120x128xf32, #tpu.memory_space<hbm>>
    %dma_wait3A_401 = arith.constant 0 : i32
    %dma_wait3A_402 = tpu.memref_slice %arg4[%mul3A_281, %dma_wait3A_401] : memref<30720x128xf32, #tpu.memory_space<hbm>> -> memref<120x128xf32, #tpu.memory_space<hbm>>
    %dma_wait3A_403 = arith.constant 0 : i32
    %dma_wait3A_404 = arith.constant 0 : i32
    %dma_wait3A_405 = tpu.memref_slice %arg6[%dma_wait3A_394, %dma_wait3A_403, %dma_wait3A_404] : memref<8x120x128xf32, #tpu.memory_space<vmem>> -> memref<1x120x128xf32, #tpu.memory_space<vmem>>
    %dma_wait3A_406 = tpu.memref_squeeze %dma_wait3A_405 : memref<1x120x128xf32, #tpu.memory_space<vmem>> -> memref<120x128xf32, #tpu.memory_space<vmem>>
    tpu.wait_dma2 semaphore(%arg8 : memref<!tpu.dma_semaphore, #tpu.memory_space<semaphore_mem>>) src(%dma_wait3A_406 : memref<120x128xf32, #tpu.memory_space<vmem>>) dst(%dma_wait3A_402 : memref<120x128xf32, #tpu.memory_space<hbm>>)
    %dma_wait3A_407 = arith.constant 6 : i32
    %dma_wait3A_408 = arith.constant 0 : i32
    %dma_wait3A_409 = arith.constant 0 : i32
    %dma_wait3A_410 = tpu.memref_slice %arg6[%dma_wait3A_407, %dma_wait3A_408, %dma_wait3A_409] : memref<8x120x128xf32, #tpu.memory_space<vmem>> -> memref<1x120x128xf32, #tpu.memory_space<vmem>>
    %dma_wait3A_411 = tpu.memref_squeeze %dma_wait3A_410 : memref<1x120x128xf32, #tpu.memory_space<vmem>> -> memref<120x128xf32, #tpu.memory_space<vmem>>
    %dma_wait3A_412 = arith.constant 0 : i32
    %dma_wait3A_413 = tpu.memref_slice %arg4[%mul3A_298, %dma_wait3A_412] : memref<30720x128xf32, #tpu.memory_space<hbm>> -> memref<120x128xf32, #tpu.memory_space<hbm>>
    %dma_wait3A_414 = arith.constant 0 : i32
    %dma_wait3A_415 = tpu.memref_slice %arg4[%mul3A_298, %dma_wait3A_414] : memref<30720x128xf32, #tpu.memory_space<hbm>> -> memref<120x128xf32, #tpu.memory_space<hbm>>
    %dma_wait3A_416 = arith.constant 0 : i32
    %dma_wait3A_417 = arith.constant 0 : i32
    %dma_wait3A_418 = tpu.memref_slice %arg6[%dma_wait3A_407, %dma_wait3A_416, %dma_wait3A_417] : memref<8x120x128xf32, #tpu.memory_space<vmem>> -> memref<1x120x128xf32, #tpu.memory_space<vmem>>
    %dma_wait3A_419 = tpu.memref_squeeze %dma_wait3A_418 : memref<1x120x128xf32, #tpu.memory_space<vmem>> -> memref<120x128xf32, #tpu.memory_space<vmem>>
    tpu.wait_dma2 semaphore(%arg8 : memref<!tpu.dma_semaphore, #tpu.memory_space<semaphore_mem>>) src(%dma_wait3A_419 : memref<120x128xf32, #tpu.memory_space<vmem>>) dst(%dma_wait3A_415 : memref<120x128xf32, #tpu.memory_space<hbm>>)
    %dma_wait3A_420 = arith.constant 7 : i32
    %dma_wait3A_421 = arith.constant 0 : i32
    %dma_wait3A_422 = arith.constant 0 : i32
    %dma_wait3A_423 = tpu.memref_slice %arg6[%dma_wait3A_420, %dma_wait3A_421, %dma_wait3A_422] : memref<8x120x128xf32, #tpu.memory_space<vmem>> -> memref<1x120x128xf32, #tpu.memory_space<vmem>>
    %dma_wait3A_424 = tpu.memref_squeeze %dma_wait3A_423 : memref<1x120x128xf32, #tpu.memory_space<vmem>> -> memref<120x128xf32, #tpu.memory_space<vmem>>
    %dma_wait3A_425 = arith.constant 0 : i32
    %dma_wait3A_426 = tpu.memref_slice %arg4[%mul3A_315, %dma_wait3A_425] : memref<30720x128xf32, #tpu.memory_space<hbm>> -> memref<120x128xf32, #tpu.memory_space<hbm>>
    %dma_wait3A_427 = arith.constant 0 : i32
    %dma_wait3A_428 = tpu.memref_slice %arg4[%mul3A_315, %dma_wait3A_427] : memref<30720x128xf32, #tpu.memory_space<hbm>> -> memref<120x128xf32, #tpu.memory_space<hbm>>
    %dma_wait3A_429 = arith.constant 0 : i32
    %dma_wait3A_430 = arith.constant 0 : i32
    %dma_wait3A_431 = tpu.memref_slice %arg6[%dma_wait3A_420, %dma_wait3A_429, %dma_wait3A_430] : memref<8x120x128xf32, #tpu.memory_space<vmem>> -> memref<1x120x128xf32, #tpu.memory_space<vmem>>
    %dma_wait3A_432 = tpu.memref_squeeze %dma_wait3A_431 : memref<1x120x128xf32, #tpu.memory_space<vmem>> -> memref<120x128xf32, #tpu.memory_space<vmem>>
    tpu.wait_dma2 semaphore(%arg8 : memref<!tpu.dma_semaphore, #tpu.memory_space<semaphore_mem>>) src(%dma_wait3A_432 : memref<120x128xf32, #tpu.memory_space<vmem>>) dst(%dma_wait3A_428 : memref<120x128xf32, #tpu.memory_space<hbm>>)
    return
  }
}

module attributes {stable_mosaic.version = 14 : i64} {
  func.func @_knn_body(%arg0: i32, %arg1: memref<400x3xf32, #tpu.memory_space<vmem>>, %arg2: memref<3x10000xf32, #tpu.memory_space<vmem>>, %arg3: memref<400x3xi32, #tpu.memory_space<vmem>>, %arg4: memref<400x3xf32, #tpu.memory_space<vmem>>) attributes {dimension_semantics = [#tpu.dimension_semantics<arbitrary>], iteration_bounds = array<i64: 25>, scalar_prefetch = 0 : i64, scratch_operands = 0 : i64, tpu.core_type = #tpu.core_type<tc>, window_params = [{transform_indices = @transform_0, window_bounds = array<i64: 400, 3>}, {pipeline_mode = #tpu.pipeline_mode<synchronous>, transform_indices = @transform_1, window_bounds = array<i64: 3, 10000>}, {transform_indices = @transform_2, window_bounds = array<i64: 400, 3>}, {transform_indices = @transform_3, window_bounds = array<i64: 400, 3>}]} {
    %get3A = arith.constant 0 : index
    %get3A_0 = arith.constant 0 : index
    %get3A_1 = vector.load %arg1[%get3A, %get3A_0] : memref<400x3xf32, #tpu.memory_space<vmem>>, vector<400x3xf32>
    %get3A_2 = arith.constant 0 : index
    %get3A_3 = arith.constant 0 : index
    %get3A_4 = vector.load %arg2[%get3A_2, %get3A_3] : memref<3x10000xf32, #tpu.memory_space<vmem>>, vector<3x10000xf32>
    %convert_element_type3A = arith.truncf %get3A_1 : vector<400x3xf32> to vector<400x3xbf16>
    %convert_element_type3A_5 = arith.truncf %get3A_4 : vector<3x10000xf32> to vector<3x10000xbf16>
    %mul3A = arith.mulf %get3A_1, %get3A_1 : vector<400x3xf32>
    %reduce_sum3A = arith.constant dense<0.000000e+00> : vector<400xf32>
    %reduce_sum3A_6 = vector.multi_reduction <add>, %mul3A, %reduce_sum3A [1] : vector<400x3xf32> to vector<400xf32>
    %broadcast_in_dim3A = vector.shape_cast %reduce_sum3A_6 : vector<400xf32> to vector<400x1xf32>
    %mul3A_7 = arith.mulf %get3A_4, %get3A_4 : vector<3x10000xf32>
    %reduce_sum3A_8 = arith.constant dense<0.000000e+00> : vector<10000xf32>
    %reduce_sum3A_9 = vector.multi_reduction <add>, %mul3A_7, %reduce_sum3A_8 [0] : vector<3x10000xf32> to vector<10000xf32>
    %broadcast_in_dim3A_10 = vector.shape_cast %reduce_sum3A_9 : vector<10000xf32> to vector<1x10000xf32>
    %dot_general3A = arith.constant dense<0.000000e+00> : vector<400x10000xf32>
    %dot_general3A_11 = tpu.matmul %convert_element_type3A, %convert_element_type3A_5, %dot_general3A {dimension_numbers = #tpu.dot_dimension_numbers<[1], [0], [0], [1], [0, 0, 1, 1], [], []>, transpose_lhs_hint = false} : vector<400x3xbf16>, vector<3x10000xbf16>, vector<400x10000xf32> -> vector<400x10000xf32>
    %add3A = vector.broadcast %broadcast_in_dim3A : vector<400x1xf32> to vector<400x10000xf32>
    %add3A_12 = vector.broadcast %broadcast_in_dim3A_10 : vector<1x10000xf32> to vector<400x10000xf32>
    %add3A_13 = arith.addf %add3A, %add3A_12 : vector<400x10000xf32>
    %mul3A_14 = arith.constant 2.000000e+00 : f32
    %mul3A_15 = vector.broadcast %mul3A_14 : f32 to vector<400x10000xf32>
    %mul3A_16 = arith.mulf %mul3A_15, %dot_general3A_11 : vector<400x10000xf32>
    %sub3A = arith.subf %add3A_13, %mul3A_16 : vector<400x10000xf32>
    %iota3A = tpu.iota {dimensions = array<i32: 1>} : vector<400x10000xi32>
    %max3A = arith.constant 9.99999996E-13 : f32
    %max3A_17 = vector.broadcast %max3A : f32 to vector<400x10000xf32>
    %max3A_18 = arith.maximumf %sub3A, %max3A_17 : vector<400x10000xf32>
    %reduce_min3A = arith.constant dense<0x7F800000> : vector<400xf32>
    %reduce_min3A_19 = vector.multi_reduction <minimumf>, %max3A_18, %reduce_min3A [1] : vector<400x10000xf32> to vector<400xf32>
    %broadcast_in_dim3A_20 = vector.shape_cast %reduce_min3A_19 : vector<400xf32> to vector<400x1xf32>
    %eq3A = vector.broadcast %broadcast_in_dim3A_20 : vector<400x1xf32> to vector<400x10000xf32>
    %eq3A_21 = arith.cmpf oeq, %max3A_18, %eq3A : vector<400x10000xf32>
    %jit3A = arith.constant 1073741824 : i32
    %broadcast_in_dim3A_22 = vector.broadcast %jit3A : i32 to vector<400x10000xi32>
    %select_n3A = arith.select %eq3A_21, %iota3A, %broadcast_in_dim3A_22 : vector<400x10000xi1>, vector<400x10000xi32>
    %reduce_min3A_23 = arith.constant dense<2147483647> : vector<400xi32>
    %reduce_min3A_24 = vector.multi_reduction <minsi>, %select_n3A, %reduce_min3A_23 [1] : vector<400x10000xi32> to vector<400xi32>
    %broadcast_in_dim3A_25 = vector.shape_cast %reduce_min3A_24 : vector<400xi32> to vector<400x1xi32>
    %swap3A = arith.constant 0 : index
    %swap3A_26 = arith.constant 0 : index
    %swap3A_27 = vector.load %arg3[%swap3A, %swap3A_26] : memref<400x3xi32, #tpu.memory_space<vmem>>, vector<400x1xi32>
    tpu.vector_store %arg3[%swap3A, %swap3A_26], %broadcast_in_dim3A_25 {strides = array<i32>} : memref<400x3xi32, #tpu.memory_space<vmem>>, vector<400x1xi32>,
    %sqrt3A = math.sqrt %broadcast_in_dim3A_20 : vector<400x1xf32>
    %swap3A_28 = arith.constant 0 : index
    %swap3A_29 = arith.constant 0 : index
    %swap3A_30 = vector.load %arg4[%swap3A_28, %swap3A_29] : memref<400x3xf32, #tpu.memory_space<vmem>>, vector<400x1xf32>
    tpu.vector_store %arg4[%swap3A_28, %swap3A_29], %sqrt3A {strides = array<i32>} : memref<400x3xf32, #tpu.memory_space<vmem>>, vector<400x1xf32>,
    %eq3A_31 = vector.broadcast %broadcast_in_dim3A_25 : vector<400x1xi32> to vector<400x10000xi32>
    %eq3A_32 = arith.cmpi eq, %iota3A, %eq3A_31 : vector<400x10000xi32>
    %jit3A_33 = arith.constant 0x7F800000 : f32
    %broadcast_in_dim3A_34 = vector.broadcast %jit3A_33 : f32 to vector<400x10000xf32>
    %select_n3A_35 = arith.select %eq3A_32, %broadcast_in_dim3A_34, %max3A_18 : vector<400x10000xi1>, vector<400x10000xf32>
    %reduce_min3A_36 = arith.constant dense<0x7F800000> : vector<400xf32>
    %reduce_min3A_37 = vector.multi_reduction <minimumf>, %select_n3A_35, %reduce_min3A_36 [1] : vector<400x10000xf32> to vector<400xf32>
    %broadcast_in_dim3A_38 = vector.shape_cast %reduce_min3A_37 : vector<400xf32> to vector<400x1xf32>
    %eq3A_39 = vector.broadcast %broadcast_in_dim3A_38 : vector<400x1xf32> to vector<400x10000xf32>
    %eq3A_40 = arith.cmpf oeq, %select_n3A_35, %eq3A_39 : vector<400x10000xf32>
    %jit3A_41 = arith.constant 1073741824 : i32
    %broadcast_in_dim3A_42 = vector.broadcast %jit3A_41 : i32 to vector<400x10000xi32>
    %select_n3A_43 = arith.select %eq3A_40, %iota3A, %broadcast_in_dim3A_42 : vector<400x10000xi1>, vector<400x10000xi32>
    %reduce_min3A_44 = arith.constant dense<2147483647> : vector<400xi32>
    %reduce_min3A_45 = vector.multi_reduction <minsi>, %select_n3A_43, %reduce_min3A_44 [1] : vector<400x10000xi32> to vector<400xi32>
    %broadcast_in_dim3A_46 = vector.shape_cast %reduce_min3A_45 : vector<400xi32> to vector<400x1xi32>
    %swap3A_47 = arith.constant 0 : index
    %swap3A_48 = arith.constant 1 : index
    %swap3A_49 = vector.load %arg3[%swap3A_47, %swap3A_48] : memref<400x3xi32, #tpu.memory_space<vmem>>, vector<400x1xi32>
    tpu.vector_store %arg3[%swap3A_47, %swap3A_48], %broadcast_in_dim3A_46 {strides = array<i32>} : memref<400x3xi32, #tpu.memory_space<vmem>>, vector<400x1xi32>,
    %sqrt3A_50 = math.sqrt %broadcast_in_dim3A_38 : vector<400x1xf32>
    %swap3A_51 = arith.constant 0 : index
    %swap3A_52 = arith.constant 1 : index
    %swap3A_53 = vector.load %arg4[%swap3A_51, %swap3A_52] : memref<400x3xf32, #tpu.memory_space<vmem>>, vector<400x1xf32>
    tpu.vector_store %arg4[%swap3A_51, %swap3A_52], %sqrt3A_50 {strides = array<i32>} : memref<400x3xf32, #tpu.memory_space<vmem>>, vector<400x1xf32>,
    %eq3A_54 = vector.broadcast %broadcast_in_dim3A_46 : vector<400x1xi32> to vector<400x10000xi32>
    %eq3A_55 = arith.cmpi eq, %iota3A, %eq3A_54 : vector<400x10000xi32>
    %jit3A_56 = arith.constant 0x7F800000 : f32
    %broadcast_in_dim3A_57 = vector.broadcast %jit3A_56 : f32 to vector<400x10000xf32>
    %select_n3A_58 = arith.select %eq3A_55, %broadcast_in_dim3A_57, %select_n3A_35 : vector<400x10000xi1>, vector<400x10000xf32>
    %reduce_min3A_59 = arith.constant dense<0x7F800000> : vector<400xf32>
    %reduce_min3A_60 = vector.multi_reduction <minimumf>, %select_n3A_58, %reduce_min3A_59 [1] : vector<400x10000xf32> to vector<400xf32>
    %broadcast_in_dim3A_61 = vector.shape_cast %reduce_min3A_60 : vector<400xf32> to vector<400x1xf32>
    %eq3A_62 = vector.broadcast %broadcast_in_dim3A_61 : vector<400x1xf32> to vector<400x10000xf32>
    %eq3A_63 = arith.cmpf oeq, %select_n3A_58, %eq3A_62 : vector<400x10000xf32>
    %jit3A_64 = arith.constant 1073741824 : i32
    %broadcast_in_dim3A_65 = vector.broadcast %jit3A_64 : i32 to vector<400x10000xi32>
    %select_n3A_66 = arith.select %eq3A_63, %iota3A, %broadcast_in_dim3A_65 : vector<400x10000xi1>, vector<400x10000xi32>
    %reduce_min3A_67 = arith.constant dense<2147483647> : vector<400xi32>
    %reduce_min3A_68 = vector.multi_reduction <minsi>, %select_n3A_66, %reduce_min3A_67 [1] : vector<400x10000xi32> to vector<400xi32>
    %broadcast_in_dim3A_69 = vector.shape_cast %reduce_min3A_68 : vector<400xi32> to vector<400x1xi32>
    %swap3A_70 = arith.constant 0 : index
    %swap3A_71 = arith.constant 2 : index
    %swap3A_72 = vector.load %arg3[%swap3A_70, %swap3A_71] : memref<400x3xi32, #tpu.memory_space<vmem>>, vector<400x1xi32>
    tpu.vector_store %arg3[%swap3A_70, %swap3A_71], %broadcast_in_dim3A_69 {strides = array<i32>} : memref<400x3xi32, #tpu.memory_space<vmem>>, vector<400x1xi32>,
    %sqrt3A_73 = math.sqrt %broadcast_in_dim3A_61 : vector<400x1xf32>
    %swap3A_74 = arith.constant 0 : index
    %swap3A_75 = arith.constant 2 : index
    %swap3A_76 = vector.load %arg4[%swap3A_74, %swap3A_75] : memref<400x3xf32, #tpu.memory_space<vmem>>, vector<400x1xf32>
    tpu.vector_store %arg4[%swap3A_74, %swap3A_75], %sqrt3A_73 {strides = array<i32>} : memref<400x3xf32, #tpu.memory_space<vmem>>, vector<400x1xf32>,
    return
  }
  func.func @transform_0(%arg0: i32) -> (i32, i32) {
    %c0_i32 = arith.constant 0 : i32
    %c0_i32_0 = arith.constant 0 : i32
    return %arg0, %c0_i32 : i32, i32
  }
  func.func @transform_1(%arg0: i32) -> (i32, i32) {
    %c0_i32 = arith.constant 0 : i32
    %c0_i32_0 = arith.constant 0 : i32
    %c0_i32_1 = arith.constant 0 : i32
    return %c0_i32, %c0_i32_0 : i32, i32
  }
  func.func @transform_2(%arg0: i32) -> (i32, i32) {
    %c0_i32 = arith.constant 0 : i32
    %c0_i32_0 = arith.constant 0 : i32
    return %arg0, %c0_i32 : i32, i32
  }
  func.func @transform_3(%arg0: i32) -> (i32, i32) {
    %c0_i32 = arith.constant 0 : i32
    %c0_i32_0 = arith.constant 0 : i32
    return %arg0, %c0_i32 : i32, i32
  }
}

module attributes {stable_mosaic.version = 14 : i64} {
  func.func @_init_enc_body(%arg0: i32, %arg1: memref<3x1000x128xf32, #tpu.memory_space<vmem>>, %arg2: memref<3x1000x1xf32, #tpu.memory_space<vmem>>, %arg3: memref<1x128xf32, #tpu.memory_space<vmem>>, %arg4: memref<1x128xf32, #tpu.memory_space<vmem>>, %arg5: memref<128x16xf32, #tpu.memory_space<vmem>>, %arg6: memref<1x16xf32, #tpu.memory_space<vmem>>, %arg7: memref<1000x128xf32, #tpu.memory_space<vmem>>, %arg8: memref<3x1000x16xf32, #tpu.memory_space<vmem>>) attributes {dimension_semantics = [#tpu.dimension_semantics<arbitrary>], iteration_bounds = array<i64: 10>, scalar_prefetch = 0 : i64, scratch_operands = 0 : i64, tpu.core_type = #tpu.core_type<tc>, window_params = [{transform_indices = @transform_0, window_bounds = array<i64: 3, 1000, 128>}, {transform_indices = @transform_1, window_bounds = array<i64: 3, 1000, 1>}, {pipeline_mode = #tpu.pipeline_mode<synchronous>, transform_indices = @transform_2, window_bounds = array<i64: 1, 128>}, {pipeline_mode = #tpu.pipeline_mode<synchronous>, transform_indices = @transform_3, window_bounds = array<i64: 1, 128>}, {pipeline_mode = #tpu.pipeline_mode<synchronous>, transform_indices = @transform_4, window_bounds = array<i64: 128, 16>}, {pipeline_mode = #tpu.pipeline_mode<synchronous>, transform_indices = @transform_5, window_bounds = array<i64: 1, 16>}, {transform_indices = @transform_6, window_bounds = array<i64: 1000, 128>}, {transform_indices = @transform_7, window_bounds = array<i64: 3, 1000, 16>}]} {
    %get3A = arith.constant 0 : index
    %get3A_0 = arith.constant 0 : index
    %get3A_1 = arith.constant 0 : index
    %get3A_2 = vector.load %arg1[%get3A, %get3A_0, %get3A_1] : memref<3x1000x128xf32, #tpu.memory_space<vmem>>, vector<3x1000x128xf32>
    %slice3A = vector.extract_strided_slice %get3A_2 {offsets = [0, 0, 0], sizes = [1, 1000, 128], strides = [1, 1, 1]} : vector<3x1000x128xf32> to vector<1x1000x128xf32>
    %squeeze3A = vector.shape_cast %slice3A : vector<1x1000x128xf32> to vector<1000x128xf32>
    %slice3A_3 = vector.extract_strided_slice %get3A_2 {offsets = [1, 0, 0], sizes = [1, 1000, 128], strides = [1, 1, 1]} : vector<3x1000x128xf32> to vector<1x1000x128xf32>
    %squeeze3A_4 = vector.shape_cast %slice3A_3 : vector<1x1000x128xf32> to vector<1000x128xf32>
    %add3A = arith.addf %squeeze3A, %squeeze3A_4 : vector<1000x128xf32>
    %slice3A_5 = vector.extract_strided_slice %get3A_2 {offsets = [2, 0, 0], sizes = [1, 1000, 128], strides = [1, 1, 1]} : vector<3x1000x128xf32> to vector<1x1000x128xf32>
    %squeeze3A_6 = vector.shape_cast %slice3A_5 : vector<1x1000x128xf32> to vector<1000x128xf32>
    %add3A_7 = arith.addf %add3A, %squeeze3A_6 : vector<1000x128xf32>
    %div3A = arith.constant 3.000000e+00 : f32
    %div3A_8 = vector.broadcast %div3A : f32 to vector<1000x128xf32>
    %div3A_9 = arith.divf %add3A_7, %div3A_8 : vector<1000x128xf32>
    %swap3A = arith.constant 0 : index
    %swap3A_10 = arith.constant 0 : index
    %swap3A_11 = vector.load %arg7[%swap3A, %swap3A_10] : memref<1000x128xf32, #tpu.memory_space<vmem>>, vector<1000x128xf32>
    tpu.vector_store %arg7[%swap3A, %swap3A_10], %div3A_9 {strides = array<i32>} : memref<1000x128xf32, #tpu.memory_space<vmem>>, vector<1000x128xf32>,
    %get3A_12 = arith.constant 0 : index
    %get3A_13 = arith.constant 0 : index
    %get3A_14 = vector.load %arg3[%get3A_12, %get3A_13] : memref<1x128xf32, #tpu.memory_space<vmem>>, vector<1x128xf32>
    %get3A_15 = arith.constant 0 : index
    %get3A_16 = arith.constant 0 : index
    %get3A_17 = vector.load %arg4[%get3A_15, %get3A_16] : memref<1x128xf32, #tpu.memory_space<vmem>>, vector<1x128xf32>
    %get3A_18 = arith.constant 0 : index
    %get3A_19 = arith.constant 0 : index
    %get3A_20 = vector.load %arg5[%get3A_18, %get3A_19] : memref<128x16xf32, #tpu.memory_space<vmem>>, vector<128x16xf32>
    %get3A_21 = arith.constant 0 : index
    %get3A_22 = arith.constant 0 : index
    %get3A_23 = vector.load %arg6[%get3A_21, %get3A_22] : memref<1x16xf32, #tpu.memory_space<vmem>>, vector<1x16xf32>
    %get3A_24 = arith.constant 0 : index
    %get3A_25 = arith.constant 0 : index
    %get3A_26 = arith.constant 0 : index
    %get3A_27 = vector.load %arg2[%get3A_24, %get3A_25, %get3A_26] : memref<3x1000x1xf32, #tpu.memory_space<vmem>>, vector<1x1000x1xf32>
    %get3A_28 = vector.shape_cast %get3A_27 : vector<1x1000x1xf32> to vector<1000x1xf32>
    %mul3A = vector.broadcast %get3A_28 : vector<1000x1xf32> to vector<1000x128xf32>
    %mul3A_29 = vector.broadcast %get3A_14 : vector<1x128xf32> to vector<1000x128xf32>
    %mul3A_30 = arith.mulf %mul3A, %mul3A_29 : vector<1000x128xf32>
    %add3A_31 = vector.broadcast %get3A_17 : vector<1x128xf32> to vector<1000x128xf32>
    %add3A_32 = arith.addf %mul3A_30, %add3A_31 : vector<1000x128xf32>
    %mul3A_33 = arith.constant 5.000000e-01 : f32
    %mul3A_34 = vector.broadcast %mul3A_33 : f32 to vector<1000x128xf32>
    %mul3A_35 = arith.mulf %mul3A_34, %add3A_32 : vector<1000x128xf32>
    %mul3A_36 = arith.constant 0.707106769 : f32
    %mul3A_37 = vector.broadcast %mul3A_36 : f32 to vector<1000x128xf32>
    %mul3A_38 = arith.mulf %add3A_32, %mul3A_37 : vector<1000x128xf32>
    %erf3A = math.erf %mul3A_38 : vector<1000x128xf32>
    %add3A_39 = arith.constant 1.000000e+00 : f32
    %add3A_40 = vector.broadcast %add3A_39 : f32 to vector<1000x128xf32>
    %add3A_41 = arith.addf %add3A_40, %erf3A : vector<1000x128xf32>
    %mul3A_42 = arith.mulf %mul3A_35, %add3A_41 : vector<1000x128xf32>
    %dot_general3A = arith.constant dense<0.000000e+00> : vector<1000x16xf32>
    %dot_general3A_43 = tpu.matmul %mul3A_42, %get3A_20, %dot_general3A {dimension_numbers = #tpu.dot_dimension_numbers<[1], [0], [0], [1], [0, 0, 1, 1], [], []>, transpose_lhs_hint = false} : vector<1000x128xf32>, vector<128x16xf32>, vector<1000x16xf32> -> vector<1000x16xf32>
    %add3A_44 = vector.broadcast %get3A_23 : vector<1x16xf32> to vector<1000x16xf32>
    %add3A_45 = arith.addf %dot_general3A_43, %add3A_44 : vector<1000x16xf32>
    %swap3A_46 = arith.constant 0 : index
    %swap3A_47 = arith.constant 0 : index
    %swap3A_48 = arith.constant 0 : index
    %swap3A_49 = vector.load %arg8[%swap3A_46, %swap3A_47, %swap3A_48] : memref<3x1000x16xf32, #tpu.memory_space<vmem>>, vector<1x1000x16xf32>
    %swap3A_50 = vector.shape_cast %swap3A_49 : vector<1x1000x16xf32> to vector<1000x16xf32>
    %swap3A_51 = vector.shape_cast %add3A_45 : vector<1000x16xf32> to vector<1x1000x16xf32>
    tpu.vector_store %arg8[%swap3A_46, %swap3A_47, %swap3A_48], %swap3A_51 {strides = array<i32>} : memref<3x1000x16xf32, #tpu.memory_space<vmem>>, vector<1x1000x16xf32>,
    %get3A_52 = arith.constant 1 : index
    %get3A_53 = arith.constant 0 : index
    %get3A_54 = arith.constant 0 : index
    %get3A_55 = vector.load %arg2[%get3A_52, %get3A_53, %get3A_54] : memref<3x1000x1xf32, #tpu.memory_space<vmem>>, vector<1x1000x1xf32>
    %get3A_56 = vector.shape_cast %get3A_55 : vector<1x1000x1xf32> to vector<1000x1xf32>
    %mul3A_57 = vector.broadcast %get3A_56 : vector<1000x1xf32> to vector<1000x128xf32>
    %mul3A_58 = vector.broadcast %get3A_14 : vector<1x128xf32> to vector<1000x128xf32>
    %mul3A_59 = arith.mulf %mul3A_57, %mul3A_58 : vector<1000x128xf32>
    %add3A_60 = vector.broadcast %get3A_17 : vector<1x128xf32> to vector<1000x128xf32>
    %add3A_61 = arith.addf %mul3A_59, %add3A_60 : vector<1000x128xf32>
    %mul3A_62 = arith.constant 5.000000e-01 : f32
    %mul3A_63 = vector.broadcast %mul3A_62 : f32 to vector<1000x128xf32>
    %mul3A_64 = arith.mulf %mul3A_63, %add3A_61 : vector<1000x128xf32>
    %mul3A_65 = arith.constant 0.707106769 : f32
    %mul3A_66 = vector.broadcast %mul3A_65 : f32 to vector<1000x128xf32>
    %mul3A_67 = arith.mulf %add3A_61, %mul3A_66 : vector<1000x128xf32>
    %erf3A_68 = math.erf %mul3A_67 : vector<1000x128xf32>
    %add3A_69 = arith.constant 1.000000e+00 : f32
    %add3A_70 = vector.broadcast %add3A_69 : f32 to vector<1000x128xf32>
    %add3A_71 = arith.addf %add3A_70, %erf3A_68 : vector<1000x128xf32>
    %mul3A_72 = arith.mulf %mul3A_64, %add3A_71 : vector<1000x128xf32>
    %dot_general3A_73 = arith.constant dense<0.000000e+00> : vector<1000x16xf32>
    %dot_general3A_74 = tpu.matmul %mul3A_72, %get3A_20, %dot_general3A_73 {dimension_numbers = #tpu.dot_dimension_numbers<[1], [0], [0], [1], [0, 0, 1, 1], [], []>, transpose_lhs_hint = false} : vector<1000x128xf32>, vector<128x16xf32>, vector<1000x16xf32> -> vector<1000x16xf32>
    %add3A_75 = vector.broadcast %get3A_23 : vector<1x16xf32> to vector<1000x16xf32>
    %add3A_76 = arith.addf %dot_general3A_74, %add3A_75 : vector<1000x16xf32>
    %swap3A_77 = arith.constant 1 : index
    %swap3A_78 = arith.constant 0 : index
    %swap3A_79 = arith.constant 0 : index
    %swap3A_80 = vector.load %arg8[%swap3A_77, %swap3A_78, %swap3A_79] : memref<3x1000x16xf32, #tpu.memory_space<vmem>>, vector<1x1000x16xf32>
    %swap3A_81 = vector.shape_cast %swap3A_80 : vector<1x1000x16xf32> to vector<1000x16xf32>
    %swap3A_82 = vector.shape_cast %add3A_76 : vector<1000x16xf32> to vector<1x1000x16xf32>
    tpu.vector_store %arg8[%swap3A_77, %swap3A_78, %swap3A_79], %swap3A_82 {strides = array<i32>} : memref<3x1000x16xf32, #tpu.memory_space<vmem>>, vector<1x1000x16xf32>,
    %get3A_83 = arith.constant 2 : index
    %get3A_84 = arith.constant 0 : index
    %get3A_85 = arith.constant 0 : index
    %get3A_86 = vector.load %arg2[%get3A_83, %get3A_84, %get3A_85] : memref<3x1000x1xf32, #tpu.memory_space<vmem>>, vector<1x1000x1xf32>
    %get3A_87 = vector.shape_cast %get3A_86 : vector<1x1000x1xf32> to vector<1000x1xf32>
    %mul3A_88 = vector.broadcast %get3A_87 : vector<1000x1xf32> to vector<1000x128xf32>
    %mul3A_89 = vector.broadcast %get3A_14 : vector<1x128xf32> to vector<1000x128xf32>
    %mul3A_90 = arith.mulf %mul3A_88, %mul3A_89 : vector<1000x128xf32>
    %add3A_91 = vector.broadcast %get3A_17 : vector<1x128xf32> to vector<1000x128xf32>
    %add3A_92 = arith.addf %mul3A_90, %add3A_91 : vector<1000x128xf32>
    %mul3A_93 = arith.constant 5.000000e-01 : f32
    %mul3A_94 = vector.broadcast %mul3A_93 : f32 to vector<1000x128xf32>
    %mul3A_95 = arith.mulf %mul3A_94, %add3A_92 : vector<1000x128xf32>
    %mul3A_96 = arith.constant 0.707106769 : f32
    %mul3A_97 = vector.broadcast %mul3A_96 : f32 to vector<1000x128xf32>
    %mul3A_98 = arith.mulf %add3A_92, %mul3A_97 : vector<1000x128xf32>
    %erf3A_99 = math.erf %mul3A_98 : vector<1000x128xf32>
    %add3A_100 = arith.constant 1.000000e+00 : f32
    %add3A_101 = vector.broadcast %add3A_100 : f32 to vector<1000x128xf32>
    %add3A_102 = arith.addf %add3A_101, %erf3A_99 : vector<1000x128xf32>
    %mul3A_103 = arith.mulf %mul3A_95, %add3A_102 : vector<1000x128xf32>
    %dot_general3A_104 = arith.constant dense<0.000000e+00> : vector<1000x16xf32>
    %dot_general3A_105 = tpu.matmul %mul3A_103, %get3A_20, %dot_general3A_104 {dimension_numbers = #tpu.dot_dimension_numbers<[1], [0], [0], [1], [0, 0, 1, 1], [], []>, transpose_lhs_hint = false} : vector<1000x128xf32>, vector<128x16xf32>, vector<1000x16xf32> -> vector<1000x16xf32>
    %add3A_106 = vector.broadcast %get3A_23 : vector<1x16xf32> to vector<1000x16xf32>
    %add3A_107 = arith.addf %dot_general3A_105, %add3A_106 : vector<1000x16xf32>
    %swap3A_108 = arith.constant 2 : index
    %swap3A_109 = arith.constant 0 : index
    %swap3A_110 = arith.constant 0 : index
    %swap3A_111 = vector.load %arg8[%swap3A_108, %swap3A_109, %swap3A_110] : memref<3x1000x16xf32, #tpu.memory_space<vmem>>, vector<1x1000x16xf32>
    %swap3A_112 = vector.shape_cast %swap3A_111 : vector<1x1000x16xf32> to vector<1000x16xf32>
    %swap3A_113 = vector.shape_cast %add3A_107 : vector<1000x16xf32> to vector<1x1000x16xf32>
    tpu.vector_store %arg8[%swap3A_108, %swap3A_109, %swap3A_110], %swap3A_113 {strides = array<i32>} : memref<3x1000x16xf32, #tpu.memory_space<vmem>>, vector<1x1000x16xf32>,
    return
  }
  func.func @transform_0(%arg0: i32) -> (i32, i32, i32) {
    %c0_i32 = arith.constant 0 : i32
    %c0_i32_0 = arith.constant 0 : i32
    %c0_i32_1 = arith.constant 0 : i32
    return %c0_i32, %arg0, %c0_i32_0 : i32, i32, i32
  }
  func.func @transform_1(%arg0: i32) -> (i32, i32, i32) {
    %c0_i32 = arith.constant 0 : i32
    %c0_i32_0 = arith.constant 0 : i32
    %c0_i32_1 = arith.constant 0 : i32
    return %c0_i32, %arg0, %c0_i32_0 : i32, i32, i32
  }
  func.func @transform_2(%arg0: i32) -> (i32, i32) {
    %c0_i32 = arith.constant 0 : i32
    %c0_i32_0 = arith.constant 0 : i32
    %c0_i32_1 = arith.constant 0 : i32
    return %c0_i32, %c0_i32_0 : i32, i32
  }
  func.func @transform_3(%arg0: i32) -> (i32, i32) {
    %c0_i32 = arith.constant 0 : i32
    %c0_i32_0 = arith.constant 0 : i32
    %c0_i32_1 = arith.constant 0 : i32
    return %c0_i32, %c0_i32_0 : i32, i32
  }
  func.func @transform_4(%arg0: i32) -> (i32, i32) {
    %c0_i32 = arith.constant 0 : i32
    %c0_i32_0 = arith.constant 0 : i32
    %c0_i32_1 = arith.constant 0 : i32
    return %c0_i32, %c0_i32_0 : i32, i32
  }
  func.func @transform_5(%arg0: i32) -> (i32, i32) {
    %c0_i32 = arith.constant 0 : i32
    %c0_i32_0 = arith.constant 0 : i32
    %c0_i32_1 = arith.constant 0 : i32
    return %c0_i32, %c0_i32_0 : i32, i32
  }
  func.func @transform_6(%arg0: i32) -> (i32, i32) {
    %c0_i32 = arith.constant 0 : i32
    %c0_i32_0 = arith.constant 0 : i32
    return %arg0, %c0_i32 : i32, i32
  }
  func.func @transform_7(%arg0: i32) -> (i32, i32, i32) {
    %c0_i32 = arith.constant 0 : i32
    %c0_i32_0 = arith.constant 0 : i32
    %c0_i32_1 = arith.constant 0 : i32
    return %c0_i32, %arg0, %c0_i32_0 : i32, i32, i32
  }
}

module attributes {stable_mosaic.version = 14 : i64} {
  func.func @_layer_body(%arg0: i32, %arg1: memref<1000x128xf32, #tpu.memory_space<vmem>>, %arg2: memref<3x1000x128xf32, #tpu.memory_space<vmem>>, %arg3: memref<3x1000x16xf32, #tpu.memory_space<vmem>>, %arg4: memref<128x128xf32, #tpu.memory_space<vmem>>, %arg5: memref<128x128xf32, #tpu.memory_space<vmem>>, %arg6: memref<16x128xf32, #tpu.memory_space<vmem>>, %arg7: memref<1x128xf32, #tpu.memory_space<vmem>>, %arg8: memref<128x16xf32, #tpu.memory_space<vmem>>, %arg9: memref<1x16xf32, #tpu.memory_space<vmem>>, %arg10: memref<128x128xf32, #tpu.memory_space<vmem>>, %arg11: memref<16x128xf32, #tpu.memory_space<vmem>>, %arg12: memref<1x128xf32, #tpu.memory_space<vmem>>, %arg13: memref<128x128xf32, #tpu.memory_space<vmem>>, %arg14: memref<1x128xf32, #tpu.memory_space<vmem>>, %arg15: memref<1000x128xf32, #tpu.memory_space<vmem>>, %arg16: memref<3x1000x16xf32, #tpu.memory_space<vmem>>) attributes {dimension_semantics = [#tpu.dimension_semantics<arbitrary>], iteration_bounds = array<i64: 10>, scalar_prefetch = 0 : i64, scratch_operands = 0 : i64, tpu.core_type = #tpu.core_type<tc>, window_params = [{transform_indices = @transform_0, window_bounds = array<i64: 1000, 128>}, {transform_indices = @transform_1, window_bounds = array<i64: 3, 1000, 128>}, {transform_indices = @transform_2, window_bounds = array<i64: 3, 1000, 16>}, {pipeline_mode = #tpu.pipeline_mode<synchronous>, transform_indices = @transform_3, window_bounds = array<i64: 128, 128>}, {pipeline_mode = #tpu.pipeline_mode<synchronous>, transform_indices = @transform_4, window_bounds = array<i64: 128, 128>}, {pipeline_mode = #tpu.pipeline_mode<synchronous>, transform_indices = @transform_5, window_bounds = array<i64: 16, 128>}, {pipeline_mode = #tpu.pipeline_mode<synchronous>, transform_indices = @transform_6, window_bounds = array<i64: 1, 128>}, {pipeline_mode = #tpu.pipeline_mode<synchronous>, transform_indices = @transform_7, window_bounds = array<i64: 128, 16>}, {pipeline_mode = #tpu.pipeline_mode<synchronous>, transform_indices = @transform_8, window_bounds = array<i64: 1, 16>}, {pipeline_mode = #tpu.pipeline_mode<synchronous>, transform_indices = @transform_9, window_bounds = array<i64: 128, 128>}, {pipeline_mode = #tpu.pipeline_mode<synchronous>, transform_indices = @transform_10, window_bounds = array<i64: 16, 128>}, {pipeline_mode = #tpu.pipeline_mode<synchronous>, transform_indices = @transform_11, window_bounds = array<i64: 1, 128>}, {pipeline_mode = #tpu.pipeline_mode<synchronous>, transform_indices = @transform_12, window_bounds = array<i64: 128, 128>}, {pipeline_mode = #tpu.pipeline_mode<synchronous>, transform_indices = @transform_13, window_bounds = array<i64: 1, 128>}, {transform_indices = @transform_14, window_bounds = array<i64: 1000, 128>}, {transform_indices = @transform_15, window_bounds = array<i64: 3, 1000, 16>}]} {
    %get3A = arith.constant 0 : index
    %get3A_0 = arith.constant 0 : index
    %get3A_1 = vector.load %arg1[%get3A, %get3A_0] : memref<1000x128xf32, #tpu.memory_space<vmem>>, vector<1000x128xf32>
    %get3A_2 = arith.constant 0 : index
    %get3A_3 = arith.constant 0 : index
    %get3A_4 = vector.load %arg5[%get3A_2, %get3A_3] : memref<128x128xf32, #tpu.memory_space<vmem>>, vector<128x128xf32>
    %dot_general3A = arith.constant dense<0.000000e+00> : vector<1000x128xf32>
    %dot_general3A_5 = tpu.matmul %get3A_1, %get3A_4, %dot_general3A {dimension_numbers = #tpu.dot_dimension_numbers<[1], [0], [0], [1], [0, 0, 1, 1], [], []>, transpose_lhs_hint = false} : vector<1000x128xf32>, vector<128x128xf32>, vector<1000x128xf32> -> vector<1000x128xf32>
    %get3A_6 = arith.constant 0 : index
    %get3A_7 = arith.constant 0 : index
    %get3A_8 = vector.load %arg7[%get3A_6, %get3A_7] : memref<1x128xf32, #tpu.memory_space<vmem>>, vector<1x128xf32>
    %add3A = vector.broadcast %get3A_8 : vector<1x128xf32> to vector<1000x128xf32>
    %add3A_9 = arith.addf %dot_general3A_5, %add3A : vector<1000x128xf32>
    %get3A_10 = arith.constant 0 : index
    %get3A_11 = arith.constant 0 : index
    %get3A_12 = arith.constant 0 : index
    %get3A_13 = vector.load %arg2[%get3A_10, %get3A_11, %get3A_12] : memref<3x1000x128xf32, #tpu.memory_space<vmem>>, vector<1x1000x128xf32>
    %get3A_14 = vector.shape_cast %get3A_13 : vector<1x1000x128xf32> to vector<1000x128xf32>
    %get3A_15 = arith.constant 0 : index
    %get3A_16 = arith.constant 0 : index
    %get3A_17 = vector.load %arg4[%get3A_15, %get3A_16] : memref<128x128xf32, #tpu.memory_space<vmem>>, vector<128x128xf32>
    %dot_general3A_18 = arith.constant dense<0.000000e+00> : vector<1000x128xf32>
    %dot_general3A_19 = tpu.matmul %get3A_14, %get3A_17, %dot_general3A_18 {dimension_numbers = #tpu.dot_dimension_numbers<[1], [0], [0], [1], [0, 0, 1, 1], [], []>, transpose_lhs_hint = false} : vector<1000x128xf32>, vector<128x128xf32>, vector<1000x128xf32> -> vector<1000x128xf32>
    %get3A_20 = arith.constant 0 : index
    %get3A_21 = arith.constant 0 : index
    %get3A_22 = arith.constant 0 : index
    %get3A_23 = vector.load %arg3[%get3A_20, %get3A_21, %get3A_22] : memref<3x1000x16xf32, #tpu.memory_space<vmem>>, vector<1x1000x16xf32>
    %get3A_24 = vector.shape_cast %get3A_23 : vector<1x1000x16xf32> to vector<1000x16xf32>
    %get3A_25 = arith.constant 0 : index
    %get3A_26 = arith.constant 0 : index
    %get3A_27 = vector.load %arg6[%get3A_25, %get3A_26] : memref<16x128xf32, #tpu.memory_space<vmem>>, vector<16x128xf32>
    %dot_general3A_28 = arith.constant dense<0.000000e+00> : vector<1000x128xf32>
    %dot_general3A_29 = tpu.matmul %get3A_24, %get3A_27, %dot_general3A_28 {dimension_numbers = #tpu.dot_dimension_numbers<[1], [0], [0], [1], [0, 0, 1, 1], [], []>, transpose_lhs_hint = false} : vector<1000x16xf32>, vector<16x128xf32>, vector<1000x128xf32> -> vector<1000x128xf32>
    %add3A_30 = arith.addf %dot_general3A_19, %dot_general3A_29 : vector<1000x128xf32>
    %add3A_31 = arith.addf %add3A_30, %add3A_9 : vector<1000x128xf32>
    %mul3A = arith.constant 5.000000e-01 : f32
    %mul3A_32 = vector.broadcast %mul3A : f32 to vector<1000x128xf32>
    %mul3A_33 = arith.mulf %mul3A_32, %add3A_31 : vector<1000x128xf32>
    %mul3A_34 = arith.constant 0.707106769 : f32
    %mul3A_35 = vector.broadcast %mul3A_34 : f32 to vector<1000x128xf32>
    %mul3A_36 = arith.mulf %add3A_31, %mul3A_35 : vector<1000x128xf32>
    %erf3A = math.erf %mul3A_36 : vector<1000x128xf32>
    %add3A_37 = arith.constant 1.000000e+00 : f32
    %add3A_38 = vector.broadcast %add3A_37 : f32 to vector<1000x128xf32>
    %add3A_39 = arith.addf %add3A_38, %erf3A : vector<1000x128xf32>
    %mul3A_40 = arith.mulf %mul3A_33, %add3A_39 : vector<1000x128xf32>
    %get3A_41 = arith.constant 0 : index
    %get3A_42 = arith.constant 0 : index
    %get3A_43 = vector.load %arg8[%get3A_41, %get3A_42] : memref<128x16xf32, #tpu.memory_space<vmem>>, vector<128x16xf32>
    %dot_general3A_44 = arith.constant dense<0.000000e+00> : vector<1000x16xf32>
    %dot_general3A_45 = tpu.matmul %mul3A_40, %get3A_43, %dot_general3A_44 {dimension_numbers = #tpu.dot_dimension_numbers<[1], [0], [0], [1], [0, 0, 1, 1], [], []>, transpose_lhs_hint = false} : vector<1000x128xf32>, vector<128x16xf32>, vector<1000x16xf32> -> vector<1000x16xf32>
    %get3A_46 = arith.constant 0 : index
    %get3A_47 = arith.constant 0 : index
    %get3A_48 = vector.load %arg9[%get3A_46, %get3A_47] : memref<1x16xf32, #tpu.memory_space<vmem>>, vector<1x16xf32>
    %add3A_49 = vector.broadcast %get3A_48 : vector<1x16xf32> to vector<1000x16xf32>
    %add3A_50 = arith.addf %dot_general3A_45, %add3A_49 : vector<1000x16xf32>
    %get3A_51 = arith.constant 0 : index
    %get3A_52 = arith.constant 0 : index
    %get3A_53 = arith.constant 0 : index
    %get3A_54 = vector.load %arg3[%get3A_51, %get3A_52, %get3A_53] : memref<3x1000x16xf32, #tpu.memory_space<vmem>>, vector<1x1000x16xf32>
    %get3A_55 = vector.shape_cast %get3A_54 : vector<1x1000x16xf32> to vector<1000x16xf32>
    %add3A_56 = arith.addf %get3A_55, %add3A_50 : vector<1000x16xf32>
    %swap3A = arith.constant 0 : index
    %swap3A_57 = arith.constant 0 : index
    %swap3A_58 = arith.constant 0 : index
    %swap3A_59 = vector.load %arg16[%swap3A, %swap3A_57, %swap3A_58] : memref<3x1000x16xf32, #tpu.memory_space<vmem>>, vector<1x1000x16xf32>
    %swap3A_60 = vector.shape_cast %swap3A_59 : vector<1x1000x16xf32> to vector<1000x16xf32>
    %swap3A_61 = vector.shape_cast %add3A_56 : vector<1000x16xf32> to vector<1x1000x16xf32>
    tpu.vector_store %arg16[%swap3A, %swap3A_57, %swap3A_58], %swap3A_61 {strides = array<i32>} : memref<3x1000x16xf32, #tpu.memory_space<vmem>>, vector<1x1000x16xf32>,
    %get3A_62 = arith.constant 1 : index
    %get3A_63 = arith.constant 0 : index
    %get3A_64 = arith.constant 0 : index
    %get3A_65 = vector.load %arg2[%get3A_62, %get3A_63, %get3A_64] : memref<3x1000x128xf32, #tpu.memory_space<vmem>>, vector<1x1000x128xf32>
    %get3A_66 = vector.shape_cast %get3A_65 : vector<1x1000x128xf32> to vector<1000x128xf32>
    %get3A_67 = arith.constant 0 : index
    %get3A_68 = arith.constant 0 : index
    %get3A_69 = vector.load %arg4[%get3A_67, %get3A_68] : memref<128x128xf32, #tpu.memory_space<vmem>>, vector<128x128xf32>
    %dot_general3A_70 = arith.constant dense<0.000000e+00> : vector<1000x128xf32>
    %dot_general3A_71 = tpu.matmul %get3A_66, %get3A_69, %dot_general3A_70 {dimension_numbers = #tpu.dot_dimension_numbers<[1], [0], [0], [1], [0, 0, 1, 1], [], []>, transpose_lhs_hint = false} : vector<1000x128xf32>, vector<128x128xf32>, vector<1000x128xf32> -> vector<1000x128xf32>
    %get3A_72 = arith.constant 1 : index
    %get3A_73 = arith.constant 0 : index
    %get3A_74 = arith.constant 0 : index
    %get3A_75 = vector.load %arg3[%get3A_72, %get3A_73, %get3A_74] : memref<3x1000x16xf32, #tpu.memory_space<vmem>>, vector<1x1000x16xf32>
    %get3A_76 = vector.shape_cast %get3A_75 : vector<1x1000x16xf32> to vector<1000x16xf32>
    %get3A_77 = arith.constant 0 : index
    %get3A_78 = arith.constant 0 : index
    %get3A_79 = vector.load %arg6[%get3A_77, %get3A_78] : memref<16x128xf32, #tpu.memory_space<vmem>>, vector<16x128xf32>
    %dot_general3A_80 = arith.constant dense<0.000000e+00> : vector<1000x128xf32>
    %dot_general3A_81 = tpu.matmul %get3A_76, %get3A_79, %dot_general3A_80 {dimension_numbers = #tpu.dot_dimension_numbers<[1], [0], [0], [1], [0, 0, 1, 1], [], []>, transpose_lhs_hint = false} : vector<1000x16xf32>, vector<16x128xf32>, vector<1000x128xf32> -> vector<1000x128xf32>
    %add3A_82 = arith.addf %dot_general3A_71, %dot_general3A_81 : vector<1000x128xf32>
    %add3A_83 = arith.addf %add3A_82, %add3A_9 : vector<1000x128xf32>
    %mul3A_84 = arith.constant 5.000000e-01 : f32
    %mul3A_85 = vector.broadcast %mul3A_84 : f32 to vector<1000x128xf32>
    %mul3A_86 = arith.mulf %mul3A_85, %add3A_83 : vector<1000x128xf32>
    %mul3A_87 = arith.constant 0.707106769 : f32
    %mul3A_88 = vector.broadcast %mul3A_87 : f32 to vector<1000x128xf32>
    %mul3A_89 = arith.mulf %add3A_83, %mul3A_88 : vector<1000x128xf32>
    %erf3A_90 = math.erf %mul3A_89 : vector<1000x128xf32>
    %add3A_91 = arith.constant 1.000000e+00 : f32
    %add3A_92 = vector.broadcast %add3A_91 : f32 to vector<1000x128xf32>
    %add3A_93 = arith.addf %add3A_92, %erf3A_90 : vector<1000x128xf32>
    %mul3A_94 = arith.mulf %mul3A_86, %add3A_93 : vector<1000x128xf32>
    %get3A_95 = arith.constant 0 : index
    %get3A_96 = arith.constant 0 : index
    %get3A_97 = vector.load %arg8[%get3A_95, %get3A_96] : memref<128x16xf32, #tpu.memory_space<vmem>>, vector<128x16xf32>
    %dot_general3A_98 = arith.constant dense<0.000000e+00> : vector<1000x16xf32>
    %dot_general3A_99 = tpu.matmul %mul3A_94, %get3A_97, %dot_general3A_98 {dimension_numbers = #tpu.dot_dimension_numbers<[1], [0], [0], [1], [0, 0, 1, 1], [], []>, transpose_lhs_hint = false} : vector<1000x128xf32>, vector<128x16xf32>, vector<1000x16xf32> -> vector<1000x16xf32>
    %get3A_100 = arith.constant 0 : index
    %get3A_101 = arith.constant 0 : index
    %get3A_102 = vector.load %arg9[%get3A_100, %get3A_101] : memref<1x16xf32, #tpu.memory_space<vmem>>, vector<1x16xf32>
    %add3A_103 = vector.broadcast %get3A_102 : vector<1x16xf32> to vector<1000x16xf32>
    %add3A_104 = arith.addf %dot_general3A_99, %add3A_103 : vector<1000x16xf32>
    %get3A_105 = arith.constant 1 : index
    %get3A_106 = arith.constant 0 : index
    %get3A_107 = arith.constant 0 : index
    %get3A_108 = vector.load %arg3[%get3A_105, %get3A_106, %get3A_107] : memref<3x1000x16xf32, #tpu.memory_space<vmem>>, vector<1x1000x16xf32>
    %get3A_109 = vector.shape_cast %get3A_108 : vector<1x1000x16xf32> to vector<1000x16xf32>
    %add3A_110 = arith.addf %get3A_109, %add3A_104 : vector<1000x16xf32>
    %swap3A_111 = arith.constant 1 : index
    %swap3A_112 = arith.constant 0 : index
    %swap3A_113 = arith.constant 0 : index
    %swap3A_114 = vector.load %arg16[%swap3A_111, %swap3A_112, %swap3A_113] : memref<3x1000x16xf32, #tpu.memory_space<vmem>>, vector<1x1000x16xf32>
    %swap3A_115 = vector.shape_cast %swap3A_114 : vector<1x1000x16xf32> to vector<1000x16xf32>
    %swap3A_116 = vector.shape_cast %add3A_110 : vector<1000x16xf32> to vector<1x1000x16xf32>
    tpu.vector_store %arg16[%swap3A_111, %swap3A_112, %swap3A_113], %swap3A_116 {strides = array<i32>} : memref<3x1000x16xf32, #tpu.memory_space<vmem>>, vector<1x1000x16xf32>,
    %get3A_117 = arith.constant 2 : index
    %get3A_118 = arith.constant 0 : index
    %get3A_119 = arith.constant 0 : index
    %get3A_120 = vector.load %arg2[%get3A_117, %get3A_118, %get3A_119] : memref<3x1000x128xf32, #tpu.memory_space<vmem>>, vector<1x1000x128xf32>
    %get3A_121 = vector.shape_cast %get3A_120 : vector<1x1000x128xf32> to vector<1000x128xf32>
    %get3A_122 = arith.constant 0 : index
    %get3A_123 = arith.constant 0 : index
    %get3A_124 = vector.load %arg4[%get3A_122, %get3A_123] : memref<128x128xf32, #tpu.memory_space<vmem>>, vector<128x128xf32>
    %dot_general3A_125 = arith.constant dense<0.000000e+00> : vector<1000x128xf32>
    %dot_general3A_126 = tpu.matmul %get3A_121, %get3A_124, %dot_general3A_125 {dimension_numbers = #tpu.dot_dimension_numbers<[1], [0], [0], [1], [0, 0, 1, 1], [], []>, transpose_lhs_hint = false} : vector<1000x128xf32>, vector<128x128xf32>, vector<1000x128xf32> -> vector<1000x128xf32>
    %get3A_127 = arith.constant 2 : index
    %get3A_128 = arith.constant 0 : index
    %get3A_129 = arith.constant 0 : index
    %get3A_130 = vector.load %arg3[%get3A_127, %get3A_128, %get3A_129] : memref<3x1000x16xf32, #tpu.memory_space<vmem>>, vector<1x1000x16xf32>
    %get3A_131 = vector.shape_cast %get3A_130 : vector<1x1000x16xf32> to vector<1000x16xf32>
    %get3A_132 = arith.constant 0 : index
    %get3A_133 = arith.constant 0 : index
    %get3A_134 = vector.load %arg6[%get3A_132, %get3A_133] : memref<16x128xf32, #tpu.memory_space<vmem>>, vector<16x128xf32>
    %dot_general3A_135 = arith.constant dense<0.000000e+00> : vector<1000x128xf32>
    %dot_general3A_136 = tpu.matmul %get3A_131, %get3A_134, %dot_general3A_135 {dimension_numbers = #tpu.dot_dimension_numbers<[1], [0], [0], [1], [0, 0, 1, 1], [], []>, transpose_lhs_hint = false} : vector<1000x16xf32>, vector<16x128xf32>, vector<1000x128xf32> -> vector<1000x128xf32>
    %add3A_137 = arith.addf %dot_general3A_126, %dot_general3A_136 : vector<1000x128xf32>
    %add3A_138 = arith.addf %add3A_137, %add3A_9 : vector<1000x128xf32>
    %mul3A_139 = arith.constant 5.000000e-01 : f32
    %mul3A_140 = vector.broadcast %mul3A_139 : f32 to vector<1000x128xf32>
    %mul3A_141 = arith.mulf %mul3A_140, %add3A_138 : vector<1000x128xf32>
    %mul3A_142 = arith.constant 0.707106769 : f32
    %mul3A_143 = vector.broadcast %mul3A_142 : f32 to vector<1000x128xf32>
    %mul3A_144 = arith.mulf %add3A_138, %mul3A_143 : vector<1000x128xf32>
    %erf3A_145 = math.erf %mul3A_144 : vector<1000x128xf32>
    %add3A_146 = arith.constant 1.000000e+00 : f32
    %add3A_147 = vector.broadcast %add3A_146 : f32 to vector<1000x128xf32>
    %add3A_148 = arith.addf %add3A_147, %erf3A_145 : vector<1000x128xf32>
    %mul3A_149 = arith.mulf %mul3A_141, %add3A_148 : vector<1000x128xf32>
    %get3A_150 = arith.constant 0 : index
    %get3A_151 = arith.constant 0 : index
    %get3A_152 = vector.load %arg8[%get3A_150, %get3A_151] : memref<128x16xf32, #tpu.memory_space<vmem>>, vector<128x16xf32>
    %dot_general3A_153 = arith.constant dense<0.000000e+00> : vector<1000x16xf32>
    %dot_general3A_154 = tpu.matmul %mul3A_149, %get3A_152, %dot_general3A_153 {dimension_numbers = #tpu.dot_dimension_numbers<[1], [0], [0], [1], [0, 0, 1, 1], [], []>, transpose_lhs_hint = false} : vector<1000x128xf32>, vector<128x16xf32>, vector<1000x16xf32> -> vector<1000x16xf32>
    %get3A_155 = arith.constant 0 : index
    %get3A_156 = arith.constant 0 : index
    %get3A_157 = vector.load %arg9[%get3A_155, %get3A_156] : memref<1x16xf32, #tpu.memory_space<vmem>>, vector<1x16xf32>
    %add3A_158 = vector.broadcast %get3A_157 : vector<1x16xf32> to vector<1000x16xf32>
    %add3A_159 = arith.addf %dot_general3A_154, %add3A_158 : vector<1000x16xf32>
    %get3A_160 = arith.constant 2 : index
    %get3A_161 = arith.constant 0 : index
    %get3A_162 = arith.constant 0 : index
    %get3A_163 = vector.load %arg3[%get3A_160, %get3A_161, %get3A_162] : memref<3x1000x16xf32, #tpu.memory_space<vmem>>, vector<1x1000x16xf32>
    %get3A_164 = vector.shape_cast %get3A_163 : vector<1x1000x16xf32> to vector<1000x16xf32>
    %add3A_165 = arith.addf %get3A_164, %add3A_159 : vector<1000x16xf32>
    %swap3A_166 = arith.constant 2 : index
    %swap3A_167 = arith.constant 0 : index
    %swap3A_168 = arith.constant 0 : index
    %swap3A_169 = vector.load %arg16[%swap3A_166, %swap3A_167, %swap3A_168] : memref<3x1000x16xf32, #tpu.memory_space<vmem>>, vector<1x1000x16xf32>
    %swap3A_170 = vector.shape_cast %swap3A_169 : vector<1x1000x16xf32> to vector<1000x16xf32>
    %swap3A_171 = vector.shape_cast %add3A_165 : vector<1000x16xf32> to vector<1x1000x16xf32>
    tpu.vector_store %arg16[%swap3A_166, %swap3A_167, %swap3A_168], %swap3A_171 {strides = array<i32>} : memref<3x1000x16xf32, #tpu.memory_space<vmem>>, vector<1x1000x16xf32>,
    %add3A_172 = arith.addf %add3A_50, %add3A_104 : vector<1000x16xf32>
    %add3A_173 = arith.addf %add3A_172, %add3A_159 : vector<1000x16xf32>
    %get3A_174 = arith.constant 0 : index
    %get3A_175 = arith.constant 0 : index
    %get3A_176 = vector.load %arg10[%get3A_174, %get3A_175] : memref<128x128xf32, #tpu.memory_space<vmem>>, vector<128x128xf32>
    %dot_general3A_177 = arith.constant dense<0.000000e+00> : vector<1000x128xf32>
    %dot_general3A_178 = tpu.matmul %get3A_1, %get3A_176, %dot_general3A_177 {dimension_numbers = #tpu.dot_dimension_numbers<[1], [0], [0], [1], [0, 0, 1, 1], [], []>, transpose_lhs_hint = false} : vector<1000x128xf32>, vector<128x128xf32>, vector<1000x128xf32> -> vector<1000x128xf32>
    %get3A_179 = arith.constant 0 : index
    %get3A_180 = arith.constant 0 : index
    %get3A_181 = vector.load %arg11[%get3A_179, %get3A_180] : memref<16x128xf32, #tpu.memory_space<vmem>>, vector<16x128xf32>
    %dot_general3A_182 = arith.constant dense<0.000000e+00> : vector<1000x128xf32>
    %dot_general3A_183 = tpu.matmul %add3A_173, %get3A_181, %dot_general3A_182 {dimension_numbers = #tpu.dot_dimension_numbers<[1], [0], [0], [1], [0, 0, 1, 1], [], []>, transpose_lhs_hint = false} : vector<1000x16xf32>, vector<16x128xf32>, vector<1000x128xf32> -> vector<1000x128xf32>
    %add3A_184 = arith.addf %dot_general3A_178, %dot_general3A_183 : vector<1000x128xf32>
    %get3A_185 = arith.constant 0 : index
    %get3A_186 = arith.constant 0 : index
    %get3A_187 = vector.load %arg12[%get3A_185, %get3A_186] : memref<1x128xf32, #tpu.memory_space<vmem>>, vector<1x128xf32>
    %add3A_188 = vector.broadcast %get3A_187 : vector<1x128xf32> to vector<1000x128xf32>
    %add3A_189 = arith.addf %add3A_184, %add3A_188 : vector<1000x128xf32>
    %mul3A_190 = arith.constant 5.000000e-01 : f32
    %mul3A_191 = vector.broadcast %mul3A_190 : f32 to vector<1000x128xf32>
    %mul3A_192 = arith.mulf %mul3A_191, %add3A_189 : vector<1000x128xf32>
    %mul3A_193 = arith.constant 0.707106769 : f32
    %mul3A_194 = vector.broadcast %mul3A_193 : f32 to vector<1000x128xf32>
    %mul3A_195 = arith.mulf %add3A_189, %mul3A_194 : vector<1000x128xf32>
    %erf3A_196 = math.erf %mul3A_195 : vector<1000x128xf32>
    %add3A_197 = arith.constant 1.000000e+00 : f32
    %add3A_198 = vector.broadcast %add3A_197 : f32 to vector<1000x128xf32>
    %add3A_199 = arith.addf %add3A_198, %erf3A_196 : vector<1000x128xf32>
    %mul3A_200 = arith.mulf %mul3A_192, %add3A_199 : vector<1000x128xf32>
    %get3A_201 = arith.constant 0 : index
    %get3A_202 = arith.constant 0 : index
    %get3A_203 = vector.load %arg13[%get3A_201, %get3A_202] : memref<128x128xf32, #tpu.memory_space<vmem>>, vector<128x128xf32>
    %dot_general3A_204 = arith.constant dense<0.000000e+00> : vector<1000x128xf32>
    %dot_general3A_205 = tpu.matmul %mul3A_200, %get3A_203, %dot_general3A_204 {dimension_numbers = #tpu.dot_dimension_numbers<[1], [0], [0], [1], [0, 0, 1, 1], [], []>, transpose_lhs_hint = false} : vector<1000x128xf32>, vector<128x128xf32>, vector<1000x128xf32> -> vector<1000x128xf32>
    %get3A_206 = arith.constant 0 : index
    %get3A_207 = arith.constant 0 : index
    %get3A_208 = vector.load %arg14[%get3A_206, %get3A_207] : memref<1x128xf32, #tpu.memory_space<vmem>>, vector<1x128xf32>
    %add3A_209 = vector.broadcast %get3A_208 : vector<1x128xf32> to vector<1000x128xf32>
    %add3A_210 = arith.addf %dot_general3A_205, %add3A_209 : vector<1000x128xf32>
    %add3A_211 = arith.addf %get3A_1, %add3A_210 : vector<1000x128xf32>
    %swap3A_212 = arith.constant 0 : index
    %swap3A_213 = arith.constant 0 : index
    %swap3A_214 = vector.load %arg15[%swap3A_212, %swap3A_213] : memref<1000x128xf32, #tpu.memory_space<vmem>>, vector<1000x128xf32>
    tpu.vector_store %arg15[%swap3A_212, %swap3A_213], %add3A_211 {strides = array<i32>} : memref<1000x128xf32, #tpu.memory_space<vmem>>, vector<1000x128xf32>,
    return
  }
  func.func @transform_0(%arg0: i32) -> (i32, i32) {
    %c0_i32 = arith.constant 0 : i32
    %c0_i32_0 = arith.constant 0 : i32
    return %arg0, %c0_i32 : i32, i32
  }
  func.func @transform_1(%arg0: i32) -> (i32, i32, i32) {
    %c0_i32 = arith.constant 0 : i32
    %c0_i32_0 = arith.constant 0 : i32
    %c0_i32_1 = arith.constant 0 : i32
    return %c0_i32, %arg0, %c0_i32_0 : i32, i32, i32
  }
  func.func @transform_2(%arg0: i32) -> (i32, i32, i32) {
    %c0_i32 = arith.constant 0 : i32
    %c0_i32_0 = arith.constant 0 : i32
    %c0_i32_1 = arith.constant 0 : i32
    return %c0_i32, %arg0, %c0_i32_0 : i32, i32, i32
  }
  func.func @transform_3(%arg0: i32) -> (i32, i32) {
    %c0_i32 = arith.constant 0 : i32
    %c0_i32_0 = arith.constant 0 : i32
    %c0_i32_1 = arith.constant 0 : i32
    return %c0_i32, %c0_i32_0 : i32, i32
  }
  func.func @transform_4(%arg0: i32) -> (i32, i32) {
    %c0_i32 = arith.constant 0 : i32
    %c0_i32_0 = arith.constant 0 : i32
    %c0_i32_1 = arith.constant 0 : i32
    return %c0_i32, %c0_i32_0 : i32, i32
  }
  func.func @transform_5(%arg0: i32) -> (i32, i32) {
    %c0_i32 = arith.constant 0 : i32
    %c0_i32_0 = arith.constant 0 : i32
    %c0_i32_1 = arith.constant 0 : i32
    return %c0_i32, %c0_i32_0 : i32, i32
  }
  func.func @transform_6(%arg0: i32) -> (i32, i32) {
    %c0_i32 = arith.constant 0 : i32
    %c0_i32_0 = arith.constant 0 : i32
    %c0_i32_1 = arith.constant 0 : i32
    return %c0_i32, %c0_i32_0 : i32, i32
  }
  func.func @transform_7(%arg0: i32) -> (i32, i32) {
    %c0_i32 = arith.constant 0 : i32
    %c0_i32_0 = arith.constant 0 : i32
    %c0_i32_1 = arith.constant 0 : i32
    return %c0_i32, %c0_i32_0 : i32, i32
  }
  func.func @transform_8(%arg0: i32) -> (i32, i32) {
    %c0_i32 = arith.constant 0 : i32
    %c0_i32_0 = arith.constant 0 : i32
    %c0_i32_1 = arith.constant 0 : i32
    return %c0_i32, %c0_i32_0 : i32, i32
  }
  func.func @transform_9(%arg0: i32) -> (i32, i32) {
    %c0_i32 = arith.constant 0 : i32
    %c0_i32_0 = arith.constant 0 : i32
    %c0_i32_1 = arith.constant 0 : i32
    return %c0_i32, %c0_i32_0 : i32, i32
  }
  func.func @transform_10(%arg0: i32) -> (i32, i32) {
    %c0_i32 = arith.constant 0 : i32
    %c0_i32_0 = arith.constant 0 : i32
    %c0_i32_1 = arith.constant 0 : i32
    return %c0_i32, %c0_i32_0 : i32, i32
  }
  func.func @transform_11(%arg0: i32) -> (i32, i32) {
    %c0_i32 = arith.constant 0 : i32
    %c0_i32_0 = arith.constant 0 : i32
    %c0_i32_1 = arith.constant 0 : i32
    return %c0_i32, %c0_i32_0 : i32, i32
  }
  func.func @transform_12(%arg0: i32) -> (i32, i32) {
    %c0_i32 = arith.constant 0 : i32
    %c0_i32_0 = arith.constant 0 : i32
    %c0_i32_1 = arith.constant 0 : i32
    return %c0_i32, %c0_i32_0 : i32, i32
  }
  func.func @transform_13(%arg0: i32) -> (i32, i32) {
    %c0_i32 = arith.constant 0 : i32
    %c0_i32_0 = arith.constant 0 : i32
    %c0_i32_1 = arith.constant 0 : i32
    return %c0_i32, %c0_i32_0 : i32, i32
  }
  func.func @transform_14(%arg0: i32) -> (i32, i32) {
    %c0_i32 = arith.constant 0 : i32
    %c0_i32_0 = arith.constant 0 : i32
    return %arg0, %c0_i32 : i32, i32
  }
  func.func @transform_15(%arg0: i32) -> (i32, i32, i32) {
    %c0_i32 = arith.constant 0 : i32
    %c0_i32_0 = arith.constant 0 : i32
    %c0_i32_1 = arith.constant 0 : i32
    return %c0_i32, %arg0, %c0_i32_0 : i32, i32, i32
  }
}

module attributes {stable_mosaic.version = 14 : i64} {
  func.func @_layer2_out_body(%arg0: i32, %arg1: memref<1000x128xf32, #tpu.memory_space<vmem>>, %arg2: memref<3x1000x128xf32, #tpu.memory_space<vmem>>, %arg3: memref<3x1000x16xf32, #tpu.memory_space<vmem>>, %arg4: memref<128x128xf32, #tpu.memory_space<vmem>>, %arg5: memref<128x128xf32, #tpu.memory_space<vmem>>, %arg6: memref<16x128xf32, #tpu.memory_space<vmem>>, %arg7: memref<1x128xf32, #tpu.memory_space<vmem>>, %arg8: memref<128x16xf32, #tpu.memory_space<vmem>>, %arg9: memref<1x16xf32, #tpu.memory_space<vmem>>, %arg10: memref<128x128xf32, #tpu.memory_space<vmem>>, %arg11: memref<16x128xf32, #tpu.memory_space<vmem>>, %arg12: memref<1x128xf32, #tpu.memory_space<vmem>>, %arg13: memref<128x128xf32, #tpu.memory_space<vmem>>, %arg14: memref<1x128xf32, #tpu.memory_space<vmem>>, %arg15: memref<128x128xf32, #tpu.memory_space<vmem>>, %arg16: memref<1x128xf32, #tpu.memory_space<vmem>>, %arg17: memref<128x128xf32, #tpu.memory_space<vmem>>, %arg18: memref<1x128xf32, #tpu.memory_space<vmem>>, %arg19: memref<128x3xf32, #tpu.memory_space<vmem>>, %arg20: memref<1x3xf32, #tpu.memory_space<vmem>>, %arg21: memref<1000x3xf32, #tpu.memory_space<vmem>>) attributes {dimension_semantics = [#tpu.dimension_semantics<arbitrary>], iteration_bounds = array<i64: 10>, scalar_prefetch = 0 : i64, scratch_operands = 0 : i64, tpu.core_type = #tpu.core_type<tc>, window_params = [{transform_indices = @transform_0, window_bounds = array<i64: 1000, 128>}, {transform_indices = @transform_1, window_bounds = array<i64: 3, 1000, 128>}, {transform_indices = @transform_2, window_bounds = array<i64: 3, 1000, 16>}, {pipeline_mode = #tpu.pipeline_mode<synchronous>, transform_indices = @transform_3, window_bounds = array<i64: 128, 128>}, {pipeline_mode = #tpu.pipeline_mode<synchronous>, transform_indices = @transform_4, window_bounds = array<i64: 128, 128>}, {pipeline_mode = #tpu.pipeline_mode<synchronous>, transform_indices = @transform_5, window_bounds = array<i64: 16, 128>}, {pipeline_mode = #tpu.pipeline_mode<synchronous>, transform_indices = @transform_6, window_bounds = array<i64: 1, 128>}, {pipeline_mode = #tpu.pipeline_mode<synchronous>, transform_indices = @transform_7, window_bounds = array<i64: 128, 16>}, {pipeline_mode = #tpu.pipeline_mode<synchronous>, transform_indices = @transform_8, window_bounds = array<i64: 1, 16>}, {pipeline_mode = #tpu.pipeline_mode<synchronous>, transform_indices = @transform_9, window_bounds = array<i64: 128, 128>}, {pipeline_mode = #tpu.pipeline_mode<synchronous>, transform_indices = @transform_10, window_bounds = array<i64: 16, 128>}, {pipeline_mode = #tpu.pipeline_mode<synchronous>, transform_indices = @transform_11, window_bounds = array<i64: 1, 128>}, {pipeline_mode = #tpu.pipeline_mode<synchronous>, transform_indices = @transform_12, window_bounds = array<i64: 128, 128>}, {pipeline_mode = #tpu.pipeline_mode<synchronous>, transform_indices = @transform_13, window_bounds = array<i64: 1, 128>}, {pipeline_mode = #tpu.pipeline_mode<synchronous>, transform_indices = @transform_14, window_bounds = array<i64: 128, 128>}, {pipeline_mode = #tpu.pipeline_mode<synchronous>, transform_indices = @transform_15, window_bounds = array<i64: 1, 128>}, {pipeline_mode = #tpu.pipeline_mode<synchronous>, transform_indices = @transform_16, window_bounds = array<i64: 128, 128>}, {pipeline_mode = #tpu.pipeline_mode<synchronous>, transform_indices = @transform_17, window_bounds = array<i64: 1, 128>}, {pipeline_mode = #tpu.pipeline_mode<synchronous>, transform_indices = @transform_18, window_bounds = array<i64: 128, 3>}, {pipeline_mode = #tpu.pipeline_mode<synchronous>, transform_indices = @transform_19, window_bounds = array<i64: 1, 3>}, {transform_indices = @transform_20, window_bounds = array<i64: 1000, 3>}]} {
    %get3A = arith.constant 0 : index
    %get3A_0 = arith.constant 0 : index
    %get3A_1 = vector.load %arg1[%get3A, %get3A_0] : memref<1000x128xf32, #tpu.memory_space<vmem>>, vector<1000x128xf32>
    %get3A_2 = arith.constant 0 : index
    %get3A_3 = arith.constant 0 : index
    %get3A_4 = vector.load %arg5[%get3A_2, %get3A_3] : memref<128x128xf32, #tpu.memory_space<vmem>>, vector<128x128xf32>
    %dot_general3A = arith.constant dense<0.000000e+00> : vector<1000x128xf32>
    %dot_general3A_5 = tpu.matmul %get3A_1, %get3A_4, %dot_general3A {dimension_numbers = #tpu.dot_dimension_numbers<[1], [0], [0], [1], [0, 0, 1, 1], [], []>, transpose_lhs_hint = false} : vector<1000x128xf32>, vector<128x128xf32>, vector<1000x128xf32> -> vector<1000x128xf32>
    %get3A_6 = arith.constant 0 : index
    %get3A_7 = arith.constant 0 : index
    %get3A_8 = vector.load %arg7[%get3A_6, %get3A_7] : memref<1x128xf32, #tpu.memory_space<vmem>>, vector<1x128xf32>
    %add3A = vector.broadcast %get3A_8 : vector<1x128xf32> to vector<1000x128xf32>
    %add3A_9 = arith.addf %dot_general3A_5, %add3A : vector<1000x128xf32>
    %get3A_10 = arith.constant 0 : index
    %get3A_11 = arith.constant 0 : index
    %get3A_12 = arith.constant 0 : index
    %get3A_13 = vector.load %arg2[%get3A_10, %get3A_11, %get3A_12] : memref<3x1000x128xf32, #tpu.memory_space<vmem>>, vector<1x1000x128xf32>
    %get3A_14 = vector.shape_cast %get3A_13 : vector<1x1000x128xf32> to vector<1000x128xf32>
    %get3A_15 = arith.constant 0 : index
    %get3A_16 = arith.constant 0 : index
    %get3A_17 = vector.load %arg4[%get3A_15, %get3A_16] : memref<128x128xf32, #tpu.memory_space<vmem>>, vector<128x128xf32>
    %dot_general3A_18 = arith.constant dense<0.000000e+00> : vector<1000x128xf32>
    %dot_general3A_19 = tpu.matmul %get3A_14, %get3A_17, %dot_general3A_18 {dimension_numbers = #tpu.dot_dimension_numbers<[1], [0], [0], [1], [0, 0, 1, 1], [], []>, transpose_lhs_hint = false} : vector<1000x128xf32>, vector<128x128xf32>, vector<1000x128xf32> -> vector<1000x128xf32>
    %get3A_20 = arith.constant 0 : index
    %get3A_21 = arith.constant 0 : index
    %get3A_22 = arith.constant 0 : index
    %get3A_23 = vector.load %arg3[%get3A_20, %get3A_21, %get3A_22] : memref<3x1000x16xf32, #tpu.memory_space<vmem>>, vector<1x1000x16xf32>
    %get3A_24 = vector.shape_cast %get3A_23 : vector<1x1000x16xf32> to vector<1000x16xf32>
    %get3A_25 = arith.constant 0 : index
    %get3A_26 = arith.constant 0 : index
    %get3A_27 = vector.load %arg6[%get3A_25, %get3A_26] : memref<16x128xf32, #tpu.memory_space<vmem>>, vector<16x128xf32>
    %dot_general3A_28 = arith.constant dense<0.000000e+00> : vector<1000x128xf32>
    %dot_general3A_29 = tpu.matmul %get3A_24, %get3A_27, %dot_general3A_28 {dimension_numbers = #tpu.dot_dimension_numbers<[1], [0], [0], [1], [0, 0, 1, 1], [], []>, transpose_lhs_hint = false} : vector<1000x16xf32>, vector<16x128xf32>, vector<1000x128xf32> -> vector<1000x128xf32>
    %add3A_30 = arith.addf %dot_general3A_19, %dot_general3A_29 : vector<1000x128xf32>
    %add3A_31 = arith.addf %add3A_30, %add3A_9 : vector<1000x128xf32>
    %mul3A = arith.constant 5.000000e-01 : f32
    %mul3A_32 = vector.broadcast %mul3A : f32 to vector<1000x128xf32>
    %mul3A_33 = arith.mulf %mul3A_32, %add3A_31 : vector<1000x128xf32>
    %mul3A_34 = arith.constant 0.707106769 : f32
    %mul3A_35 = vector.broadcast %mul3A_34 : f32 to vector<1000x128xf32>
    %mul3A_36 = arith.mulf %add3A_31, %mul3A_35 : vector<1000x128xf32>
    %erf3A = math.erf %mul3A_36 : vector<1000x128xf32>
    %add3A_37 = arith.constant 1.000000e+00 : f32
    %add3A_38 = vector.broadcast %add3A_37 : f32 to vector<1000x128xf32>
    %add3A_39 = arith.addf %add3A_38, %erf3A : vector<1000x128xf32>
    %mul3A_40 = arith.mulf %mul3A_33, %add3A_39 : vector<1000x128xf32>
    %get3A_41 = arith.constant 0 : index
    %get3A_42 = arith.constant 0 : index
    %get3A_43 = vector.load %arg8[%get3A_41, %get3A_42] : memref<128x16xf32, #tpu.memory_space<vmem>>, vector<128x16xf32>
    %dot_general3A_44 = arith.constant dense<0.000000e+00> : vector<1000x16xf32>
    %dot_general3A_45 = tpu.matmul %mul3A_40, %get3A_43, %dot_general3A_44 {dimension_numbers = #tpu.dot_dimension_numbers<[1], [0], [0], [1], [0, 0, 1, 1], [], []>, transpose_lhs_hint = false} : vector<1000x128xf32>, vector<128x16xf32>, vector<1000x16xf32> -> vector<1000x16xf32>
    %get3A_46 = arith.constant 0 : index
    %get3A_47 = arith.constant 0 : index
    %get3A_48 = vector.load %arg9[%get3A_46, %get3A_47] : memref<1x16xf32, #tpu.memory_space<vmem>>, vector<1x16xf32>
    %add3A_49 = vector.broadcast %get3A_48 : vector<1x16xf32> to vector<1000x16xf32>
    %add3A_50 = arith.addf %dot_general3A_45, %add3A_49 : vector<1000x16xf32>
    %get3A_51 = arith.constant 1 : index
    %get3A_52 = arith.constant 0 : index
    %get3A_53 = arith.constant 0 : index
    %get3A_54 = vector.load %arg2[%get3A_51, %get3A_52, %get3A_53] : memref<3x1000x128xf32, #tpu.memory_space<vmem>>, vector<1x1000x128xf32>
    %get3A_55 = vector.shape_cast %get3A_54 : vector<1x1000x128xf32> to vector<1000x128xf32>
    %get3A_56 = arith.constant 0 : index
    %get3A_57 = arith.constant 0 : index
    %get3A_58 = vector.load %arg4[%get3A_56, %get3A_57] : memref<128x128xf32, #tpu.memory_space<vmem>>, vector<128x128xf32>
    %dot_general3A_59 = arith.constant dense<0.000000e+00> : vector<1000x128xf32>
    %dot_general3A_60 = tpu.matmul %get3A_55, %get3A_58, %dot_general3A_59 {dimension_numbers = #tpu.dot_dimension_numbers<[1], [0], [0], [1], [0, 0, 1, 1], [], []>, transpose_lhs_hint = false} : vector<1000x128xf32>, vector<128x128xf32>, vector<1000x128xf32> -> vector<1000x128xf32>
    %get3A_61 = arith.constant 1 : index
    %get3A_62 = arith.constant 0 : index
    %get3A_63 = arith.constant 0 : index
    %get3A_64 = vector.load %arg3[%get3A_61, %get3A_62, %get3A_63] : memref<3x1000x16xf32, #tpu.memory_space<vmem>>, vector<1x1000x16xf32>
    %get3A_65 = vector.shape_cast %get3A_64 : vector<1x1000x16xf32> to vector<1000x16xf32>
    %get3A_66 = arith.constant 0 : index
    %get3A_67 = arith.constant 0 : index
    %get3A_68 = vector.load %arg6[%get3A_66, %get3A_67] : memref<16x128xf32, #tpu.memory_space<vmem>>, vector<16x128xf32>
    %dot_general3A_69 = arith.constant dense<0.000000e+00> : vector<1000x128xf32>
    %dot_general3A_70 = tpu.matmul %get3A_65, %get3A_68, %dot_general3A_69 {dimension_numbers = #tpu.dot_dimension_numbers<[1], [0], [0], [1], [0, 0, 1, 1], [], []>, transpose_lhs_hint = false} : vector<1000x16xf32>, vector<16x128xf32>, vector<1000x128xf32> -> vector<1000x128xf32>
    %add3A_71 = arith.addf %dot_general3A_60, %dot_general3A_70 : vector<1000x128xf32>
    %add3A_72 = arith.addf %add3A_71, %add3A_9 : vector<1000x128xf32>
    %mul3A_73 = arith.constant 5.000000e-01 : f32
    %mul3A_74 = vector.broadcast %mul3A_73 : f32 to vector<1000x128xf32>
    %mul3A_75 = arith.mulf %mul3A_74, %add3A_72 : vector<1000x128xf32>
    %mul3A_76 = arith.constant 0.707106769 : f32
    %mul3A_77 = vector.broadcast %mul3A_76 : f32 to vector<1000x128xf32>
    %mul3A_78 = arith.mulf %add3A_72, %mul3A_77 : vector<1000x128xf32>
    %erf3A_79 = math.erf %mul3A_78 : vector<1000x128xf32>
    %add3A_80 = arith.constant 1.000000e+00 : f32
    %add3A_81 = vector.broadcast %add3A_80 : f32 to vector<1000x128xf32>
    %add3A_82 = arith.addf %add3A_81, %erf3A_79 : vector<1000x128xf32>
    %mul3A_83 = arith.mulf %mul3A_75, %add3A_82 : vector<1000x128xf32>
    %get3A_84 = arith.constant 0 : index
    %get3A_85 = arith.constant 0 : index
    %get3A_86 = vector.load %arg8[%get3A_84, %get3A_85] : memref<128x16xf32, #tpu.memory_space<vmem>>, vector<128x16xf32>
    %dot_general3A_87 = arith.constant dense<0.000000e+00> : vector<1000x16xf32>
    %dot_general3A_88 = tpu.matmul %mul3A_83, %get3A_86, %dot_general3A_87 {dimension_numbers = #tpu.dot_dimension_numbers<[1], [0], [0], [1], [0, 0, 1, 1], [], []>, transpose_lhs_hint = false} : vector<1000x128xf32>, vector<128x16xf32>, vector<1000x16xf32> -> vector<1000x16xf32>
    %get3A_89 = arith.constant 0 : index
    %get3A_90 = arith.constant 0 : index
    %get3A_91 = vector.load %arg9[%get3A_89, %get3A_90] : memref<1x16xf32, #tpu.memory_space<vmem>>, vector<1x16xf32>
    %add3A_92 = vector.broadcast %get3A_91 : vector<1x16xf32> to vector<1000x16xf32>
    %add3A_93 = arith.addf %dot_general3A_88, %add3A_92 : vector<1000x16xf32>
    %get3A_94 = arith.constant 2 : index
    %get3A_95 = arith.constant 0 : index
    %get3A_96 = arith.constant 0 : index
    %get3A_97 = vector.load %arg2[%get3A_94, %get3A_95, %get3A_96] : memref<3x1000x128xf32, #tpu.memory_space<vmem>>, vector<1x1000x128xf32>
    %get3A_98 = vector.shape_cast %get3A_97 : vector<1x1000x128xf32> to vector<1000x128xf32>
    %get3A_99 = arith.constant 0 : index
    %get3A_100 = arith.constant 0 : index
    %get3A_101 = vector.load %arg4[%get3A_99, %get3A_100] : memref<128x128xf32, #tpu.memory_space<vmem>>, vector<128x128xf32>
    %dot_general3A_102 = arith.constant dense<0.000000e+00> : vector<1000x128xf32>
    %dot_general3A_103 = tpu.matmul %get3A_98, %get3A_101, %dot_general3A_102 {dimension_numbers = #tpu.dot_dimension_numbers<[1], [0], [0], [1], [0, 0, 1, 1], [], []>, transpose_lhs_hint = false} : vector<1000x128xf32>, vector<128x128xf32>, vector<1000x128xf32> -> vector<1000x128xf32>
    %get3A_104 = arith.constant 2 : index
    %get3A_105 = arith.constant 0 : index
    %get3A_106 = arith.constant 0 : index
    %get3A_107 = vector.load %arg3[%get3A_104, %get3A_105, %get3A_106] : memref<3x1000x16xf32, #tpu.memory_space<vmem>>, vector<1x1000x16xf32>
    %get3A_108 = vector.shape_cast %get3A_107 : vector<1x1000x16xf32> to vector<1000x16xf32>
    %get3A_109 = arith.constant 0 : index
    %get3A_110 = arith.constant 0 : index
    %get3A_111 = vector.load %arg6[%get3A_109, %get3A_110] : memref<16x128xf32, #tpu.memory_space<vmem>>, vector<16x128xf32>
    %dot_general3A_112 = arith.constant dense<0.000000e+00> : vector<1000x128xf32>
    %dot_general3A_113 = tpu.matmul %get3A_108, %get3A_111, %dot_general3A_112 {dimension_numbers = #tpu.dot_dimension_numbers<[1], [0], [0], [1], [0, 0, 1, 1], [], []>, transpose_lhs_hint = false} : vector<1000x16xf32>, vector<16x128xf32>, vector<1000x128xf32> -> vector<1000x128xf32>
    %add3A_114 = arith.addf %dot_general3A_103, %dot_general3A_113 : vector<1000x128xf32>
    %add3A_115 = arith.addf %add3A_114, %add3A_9 : vector<1000x128xf32>
    %mul3A_116 = arith.constant 5.000000e-01 : f32
    %mul3A_117 = vector.broadcast %mul3A_116 : f32 to vector<1000x128xf32>
    %mul3A_118 = arith.mulf %mul3A_117, %add3A_115 : vector<1000x128xf32>
    %mul3A_119 = arith.constant 0.707106769 : f32
    %mul3A_120 = vector.broadcast %mul3A_119 : f32 to vector<1000x128xf32>
    %mul3A_121 = arith.mulf %add3A_115, %mul3A_120 : vector<1000x128xf32>
    %erf3A_122 = math.erf %mul3A_121 : vector<1000x128xf32>
    %add3A_123 = arith.constant 1.000000e+00 : f32
    %add3A_124 = vector.broadcast %add3A_123 : f32 to vector<1000x128xf32>
    %add3A_125 = arith.addf %add3A_124, %erf3A_122 : vector<1000x128xf32>
    %mul3A_126 = arith.mulf %mul3A_118, %add3A_125 : vector<1000x128xf32>
    %get3A_127 = arith.constant 0 : index
    %get3A_128 = arith.constant 0 : index
    %get3A_129 = vector.load %arg8[%get3A_127, %get3A_128] : memref<128x16xf32, #tpu.memory_space<vmem>>, vector<128x16xf32>
    %dot_general3A_130 = arith.constant dense<0.000000e+00> : vector<1000x16xf32>
    %dot_general3A_131 = tpu.matmul %mul3A_126, %get3A_129, %dot_general3A_130 {dimension_numbers = #tpu.dot_dimension_numbers<[1], [0], [0], [1], [0, 0, 1, 1], [], []>, transpose_lhs_hint = false} : vector<1000x128xf32>, vector<128x16xf32>, vector<1000x16xf32> -> vector<1000x16xf32>
    %get3A_132 = arith.constant 0 : index
    %get3A_133 = arith.constant 0 : index
    %get3A_134 = vector.load %arg9[%get3A_132, %get3A_133] : memref<1x16xf32, #tpu.memory_space<vmem>>, vector<1x16xf32>
    %add3A_135 = vector.broadcast %get3A_134 : vector<1x16xf32> to vector<1000x16xf32>
    %add3A_136 = arith.addf %dot_general3A_131, %add3A_135 : vector<1000x16xf32>
    %add3A_137 = arith.addf %add3A_50, %add3A_93 : vector<1000x16xf32>
    %add3A_138 = arith.addf %add3A_137, %add3A_136 : vector<1000x16xf32>
    %get3A_139 = arith.constant 0 : index
    %get3A_140 = arith.constant 0 : index
    %get3A_141 = vector.load %arg10[%get3A_139, %get3A_140] : memref<128x128xf32, #tpu.memory_space<vmem>>, vector<128x128xf32>
    %dot_general3A_142 = arith.constant dense<0.000000e+00> : vector<1000x128xf32>
    %dot_general3A_143 = tpu.matmul %get3A_1, %get3A_141, %dot_general3A_142 {dimension_numbers = #tpu.dot_dimension_numbers<[1], [0], [0], [1], [0, 0, 1, 1], [], []>, transpose_lhs_hint = false} : vector<1000x128xf32>, vector<128x128xf32>, vector<1000x128xf32> -> vector<1000x128xf32>
    %get3A_144 = arith.constant 0 : index
    %get3A_145 = arith.constant 0 : index
    %get3A_146 = vector.load %arg11[%get3A_144, %get3A_145] : memref<16x128xf32, #tpu.memory_space<vmem>>, vector<16x128xf32>
    %dot_general3A_147 = arith.constant dense<0.000000e+00> : vector<1000x128xf32>
    %dot_general3A_148 = tpu.matmul %add3A_138, %get3A_146, %dot_general3A_147 {dimension_numbers = #tpu.dot_dimension_numbers<[1], [0], [0], [1], [0, 0, 1, 1], [], []>, transpose_lhs_hint = false} : vector<1000x16xf32>, vector<16x128xf32>, vector<1000x128xf32> -> vector<1000x128xf32>
    %add3A_149 = arith.addf %dot_general3A_143, %dot_general3A_148 : vector<1000x128xf32>
    %get3A_150 = arith.constant 0 : index
    %get3A_151 = arith.constant 0 : index
    %get3A_152 = vector.load %arg12[%get3A_150, %get3A_151] : memref<1x128xf32, #tpu.memory_space<vmem>>, vector<1x128xf32>
    %add3A_153 = vector.broadcast %get3A_152 : vector<1x128xf32> to vector<1000x128xf32>
    %add3A_154 = arith.addf %add3A_149, %add3A_153 : vector<1000x128xf32>
    %mul3A_155 = arith.constant 5.000000e-01 : f32
    %mul3A_156 = vector.broadcast %mul3A_155 : f32 to vector<1000x128xf32>
    %mul3A_157 = arith.mulf %mul3A_156, %add3A_154 : vector<1000x128xf32>
    %mul3A_158 = arith.constant 0.707106769 : f32
    %mul3A_159 = vector.broadcast %mul3A_158 : f32 to vector<1000x128xf32>
    %mul3A_160 = arith.mulf %add3A_154, %mul3A_159 : vector<1000x128xf32>
    %erf3A_161 = math.erf %mul3A_160 : vector<1000x128xf32>
    %add3A_162 = arith.constant 1.000000e+00 : f32
    %add3A_163 = vector.broadcast %add3A_162 : f32 to vector<1000x128xf32>
    %add3A_164 = arith.addf %add3A_163, %erf3A_161 : vector<1000x128xf32>
    %mul3A_165 = arith.mulf %mul3A_157, %add3A_164 : vector<1000x128xf32>
    %get3A_166 = arith.constant 0 : index
    %get3A_167 = arith.constant 0 : index
    %get3A_168 = vector.load %arg13[%get3A_166, %get3A_167] : memref<128x128xf32, #tpu.memory_space<vmem>>, vector<128x128xf32>
    %dot_general3A_169 = arith.constant dense<0.000000e+00> : vector<1000x128xf32>
    %dot_general3A_170 = tpu.matmul %mul3A_165, %get3A_168, %dot_general3A_169 {dimension_numbers = #tpu.dot_dimension_numbers<[1], [0], [0], [1], [0, 0, 1, 1], [], []>, transpose_lhs_hint = false} : vector<1000x128xf32>, vector<128x128xf32>, vector<1000x128xf32> -> vector<1000x128xf32>
    %get3A_171 = arith.constant 0 : index
    %get3A_172 = arith.constant 0 : index
    %get3A_173 = vector.load %arg14[%get3A_171, %get3A_172] : memref<1x128xf32, #tpu.memory_space<vmem>>, vector<1x128xf32>
    %add3A_174 = vector.broadcast %get3A_173 : vector<1x128xf32> to vector<1000x128xf32>
    %add3A_175 = arith.addf %dot_general3A_170, %add3A_174 : vector<1000x128xf32>
    %add3A_176 = arith.addf %get3A_1, %add3A_175 : vector<1000x128xf32>
    %get3A_177 = arith.constant 0 : index
    %get3A_178 = arith.constant 0 : index
    %get3A_179 = vector.load %arg15[%get3A_177, %get3A_178] : memref<128x128xf32, #tpu.memory_space<vmem>>, vector<128x128xf32>
    %dot_general3A_180 = arith.constant dense<0.000000e+00> : vector<1000x128xf32>
    %dot_general3A_181 = tpu.matmul %add3A_176, %get3A_179, %dot_general3A_180 {dimension_numbers = #tpu.dot_dimension_numbers<[1], [0], [0], [1], [0, 0, 1, 1], [], []>, transpose_lhs_hint = false} : vector<1000x128xf32>, vector<128x128xf32>, vector<1000x128xf32> -> vector<1000x128xf32>
    %get3A_182 = arith.constant 0 : index
    %get3A_183 = arith.constant 0 : index
    %get3A_184 = vector.load %arg16[%get3A_182, %get3A_183] : memref<1x128xf32, #tpu.memory_space<vmem>>, vector<1x128xf32>
    %add3A_185 = vector.broadcast %get3A_184 : vector<1x128xf32> to vector<1000x128xf32>
    %add3A_186 = arith.addf %dot_general3A_181, %add3A_185 : vector<1000x128xf32>
    %mul3A_187 = arith.constant 5.000000e-01 : f32
    %mul3A_188 = vector.broadcast %mul3A_187 : f32 to vector<1000x128xf32>
    %mul3A_189 = arith.mulf %mul3A_188, %add3A_186 : vector<1000x128xf32>
    %mul3A_190 = arith.constant 0.707106769 : f32
    %mul3A_191 = vector.broadcast %mul3A_190 : f32 to vector<1000x128xf32>
    %mul3A_192 = arith.mulf %add3A_186, %mul3A_191 : vector<1000x128xf32>
    %erf3A_193 = math.erf %mul3A_192 : vector<1000x128xf32>
    %add3A_194 = arith.constant 1.000000e+00 : f32
    %add3A_195 = vector.broadcast %add3A_194 : f32 to vector<1000x128xf32>
    %add3A_196 = arith.addf %add3A_195, %erf3A_193 : vector<1000x128xf32>
    %mul3A_197 = arith.mulf %mul3A_189, %add3A_196 : vector<1000x128xf32>
    %get3A_198 = arith.constant 0 : index
    %get3A_199 = arith.constant 0 : index
    %get3A_200 = vector.load %arg17[%get3A_198, %get3A_199] : memref<128x128xf32, #tpu.memory_space<vmem>>, vector<128x128xf32>
    %dot_general3A_201 = arith.constant dense<0.000000e+00> : vector<1000x128xf32>
    %dot_general3A_202 = tpu.matmul %mul3A_197, %get3A_200, %dot_general3A_201 {dimension_numbers = #tpu.dot_dimension_numbers<[1], [0], [0], [1], [0, 0, 1, 1], [], []>, transpose_lhs_hint = false} : vector<1000x128xf32>, vector<128x128xf32>, vector<1000x128xf32> -> vector<1000x128xf32>
    %get3A_203 = arith.constant 0 : index
    %get3A_204 = arith.constant 0 : index
    %get3A_205 = vector.load %arg18[%get3A_203, %get3A_204] : memref<1x128xf32, #tpu.memory_space<vmem>>, vector<1x128xf32>
    %add3A_206 = vector.broadcast %get3A_205 : vector<1x128xf32> to vector<1000x128xf32>
    %add3A_207 = arith.addf %dot_general3A_202, %add3A_206 : vector<1000x128xf32>
    %mul3A_208 = arith.constant 5.000000e-01 : f32
    %mul3A_209 = vector.broadcast %mul3A_208 : f32 to vector<1000x128xf32>
    %mul3A_210 = arith.mulf %mul3A_209, %add3A_207 : vector<1000x128xf32>
    %mul3A_211 = arith.constant 0.707106769 : f32
    %mul3A_212 = vector.broadcast %mul3A_211 : f32 to vector<1000x128xf32>
    %mul3A_213 = arith.mulf %add3A_207, %mul3A_212 : vector<1000x128xf32>
    %erf3A_214 = math.erf %mul3A_213 : vector<1000x128xf32>
    %add3A_215 = arith.constant 1.000000e+00 : f32
    %add3A_216 = vector.broadcast %add3A_215 : f32 to vector<1000x128xf32>
    %add3A_217 = arith.addf %add3A_216, %erf3A_214 : vector<1000x128xf32>
    %mul3A_218 = arith.mulf %mul3A_210, %add3A_217 : vector<1000x128xf32>
    %get3A_219 = arith.constant 0 : index
    %get3A_220 = arith.constant 0 : index
    %get3A_221 = vector.load %arg19[%get3A_219, %get3A_220] : memref<128x3xf32, #tpu.memory_space<vmem>>, vector<128x3xf32>
    %dot_general3A_222 = arith.constant dense<0.000000e+00> : vector<1000x3xf32>
    %dot_general3A_223 = tpu.matmul %mul3A_218, %get3A_221, %dot_general3A_222 {dimension_numbers = #tpu.dot_dimension_numbers<[1], [0], [0], [1], [0, 0, 1, 1], [], []>, transpose_lhs_hint = false} : vector<1000x128xf32>, vector<128x3xf32>, vector<1000x3xf32> -> vector<1000x3xf32>
    %get3A_224 = arith.constant 0 : index
    %get3A_225 = arith.constant 0 : index
    %get3A_226 = vector.load %arg20[%get3A_224, %get3A_225] : memref<1x3xf32, #tpu.memory_space<vmem>>, vector<1x3xf32>
    %add3A_227 = vector.broadcast %get3A_226 : vector<1x3xf32> to vector<1000x3xf32>
    %add3A_228 = arith.addf %dot_general3A_223, %add3A_227 : vector<1000x3xf32>
    %swap3A = arith.constant 0 : index
    %swap3A_229 = arith.constant 0 : index
    %swap3A_230 = vector.load %arg21[%swap3A, %swap3A_229] : memref<1000x3xf32, #tpu.memory_space<vmem>>, vector<1000x3xf32>
    tpu.vector_store %arg21[%swap3A, %swap3A_229], %add3A_228 {strides = array<i32>} : memref<1000x3xf32, #tpu.memory_space<vmem>>, vector<1000x3xf32>,
    return
  }
  func.func @transform_0(%arg0: i32) -> (i32, i32) {
    %c0_i32 = arith.constant 0 : i32
    %c0_i32_0 = arith.constant 0 : i32
    return %arg0, %c0_i32 : i32, i32
  }
  func.func @transform_1(%arg0: i32) -> (i32, i32, i32) {
    %c0_i32 = arith.constant 0 : i32
    %c0_i32_0 = arith.constant 0 : i32
    %c0_i32_1 = arith.constant 0 : i32
    return %c0_i32, %arg0, %c0_i32_0 : i32, i32, i32
  }
  func.func @transform_2(%arg0: i32) -> (i32, i32, i32) {
    %c0_i32 = arith.constant 0 : i32
    %c0_i32_0 = arith.constant 0 : i32
    %c0_i32_1 = arith.constant 0 : i32
    return %c0_i32, %arg0, %c0_i32_0 : i32, i32, i32
  }
  func.func @transform_3(%arg0: i32) -> (i32, i32) {
    %c0_i32 = arith.constant 0 : i32
    %c0_i32_0 = arith.constant 0 : i32
    %c0_i32_1 = arith.constant 0 : i32
    return %c0_i32, %c0_i32_0 : i32, i32
  }
  func.func @transform_4(%arg0: i32) -> (i32, i32) {
    %c0_i32 = arith.constant 0 : i32
    %c0_i32_0 = arith.constant 0 : i32
    %c0_i32_1 = arith.constant 0 : i32
    return %c0_i32, %c0_i32_0 : i32, i32
  }
  func.func @transform_5(%arg0: i32) -> (i32, i32) {
    %c0_i32 = arith.constant 0 : i32
    %c0_i32_0 = arith.constant 0 : i32
    %c0_i32_1 = arith.constant 0 : i32
    return %c0_i32, %c0_i32_0 : i32, i32
  }
  func.func @transform_6(%arg0: i32) -> (i32, i32) {
    %c0_i32 = arith.constant 0 : i32
    %c0_i32_0 = arith.constant 0 : i32
    %c0_i32_1 = arith.constant 0 : i32
    return %c0_i32, %c0_i32_0 : i32, i32
  }
  func.func @transform_7(%arg0: i32) -> (i32, i32) {
    %c0_i32 = arith.constant 0 : i32
    %c0_i32_0 = arith.constant 0 : i32
    %c0_i32_1 = arith.constant 0 : i32
    return %c0_i32, %c0_i32_0 : i32, i32
  }
  func.func @transform_8(%arg0: i32) -> (i32, i32) {
    %c0_i32 = arith.constant 0 : i32
    %c0_i32_0 = arith.constant 0 : i32
    %c0_i32_1 = arith.constant 0 : i32
    return %c0_i32, %c0_i32_0 : i32, i32
  }
  func.func @transform_9(%arg0: i32) -> (i32, i32) {
    %c0_i32 = arith.constant 0 : i32
    %c0_i32_0 = arith.constant 0 : i32
    %c0_i32_1 = arith.constant 0 : i32
    return %c0_i32, %c0_i32_0 : i32, i32
  }
  func.func @transform_10(%arg0: i32) -> (i32, i32) {
    %c0_i32 = arith.constant 0 : i32
    %c0_i32_0 = arith.constant 0 : i32
    %c0_i32_1 = arith.constant 0 : i32
    return %c0_i32, %c0_i32_0 : i32, i32
  }
  func.func @transform_11(%arg0: i32) -> (i32, i32) {
    %c0_i32 = arith.constant 0 : i32
    %c0_i32_0 = arith.constant 0 : i32
    %c0_i32_1 = arith.constant 0 : i32
    return %c0_i32, %c0_i32_0 : i32, i32
  }
  func.func @transform_12(%arg0: i32) -> (i32, i32) {
    %c0_i32 = arith.constant 0 : i32
    %c0_i32_0 = arith.constant 0 : i32
    %c0_i32_1 = arith.constant 0 : i32
    return %c0_i32, %c0_i32_0 : i32, i32
  }
  func.func @transform_13(%arg0: i32) -> (i32, i32) {
    %c0_i32 = arith.constant 0 : i32
    %c0_i32_0 = arith.constant 0 : i32
    %c0_i32_1 = arith.constant 0 : i32
    return %c0_i32, %c0_i32_0 : i32, i32
  }
  func.func @transform_14(%arg0: i32) -> (i32, i32) {
    %c0_i32 = arith.constant 0 : i32
    %c0_i32_0 = arith.constant 0 : i32
    %c0_i32_1 = arith.constant 0 : i32
    return %c0_i32, %c0_i32_0 : i32, i32
  }
  func.func @transform_15(%arg0: i32) -> (i32, i32) {
    %c0_i32 = arith.constant 0 : i32
    %c0_i32_0 = arith.constant 0 : i32
    %c0_i32_1 = arith.constant 0 : i32
    return %c0_i32, %c0_i32_0 : i32, i32
  }
  func.func @transform_16(%arg0: i32) -> (i32, i32) {
    %c0_i32 = arith.constant 0 : i32
    %c0_i32_0 = arith.constant 0 : i32
    %c0_i32_1 = arith.constant 0 : i32
    return %c0_i32, %c0_i32_0 : i32, i32
  }
  func.func @transform_17(%arg0: i32) -> (i32, i32) {
    %c0_i32 = arith.constant 0 : i32
    %c0_i32_0 = arith.constant 0 : i32
    %c0_i32_1 = arith.constant 0 : i32
    return %c0_i32, %c0_i32_0 : i32, i32
  }
  func.func @transform_18(%arg0: i32) -> (i32, i32) {
    %c0_i32 = arith.constant 0 : i32
    %c0_i32_0 = arith.constant 0 : i32
    %c0_i32_1 = arith.constant 0 : i32
    return %c0_i32, %c0_i32_0 : i32, i32
  }
  func.func @transform_19(%arg0: i32) -> (i32, i32) {
    %c0_i32 = arith.constant 0 : i32
    %c0_i32_0 = arith.constant 0 : i32
    %c0_i32_1 = arith.constant 0 : i32
    return %c0_i32, %c0_i32_0 : i32, i32
  }
  func.func @transform_20(%arg0: i32) -> (i32, i32) {
    %c0_i32 = arith.constant 0 : i32
    %c0_i32_0 = arith.constant 0 : i32
    return %arg0, %c0_i32 : i32, i32
  }
}

</mosaic_0001>

<sc_bundles>
// kernel: kernel.12.cloned.1.call-start
scs
__scs_entry_jumppad:
0x0: {  	(pc) =	sbr.rel $0x88, $3  }
0x1: {  	(tag) =	ssettag $0x0;
	lr =	simm.s32 $0x1  }
0x2: {  	[smem:$0x3F84] =	sst lr;
	_ =	strace $0xD0000000  }
0x3: {  	_ = 	snop  }
0x4: {  	_ = 	snop  }
0x5: {  	_ = 	snop  }
0x6: {  	_ = 	snop  }
0x7: {  	_ = 	snop  }
__scs_overlays_trampoline_lowered:
0x8: {  	[smem:$0x3F93] =	sst s0  }
0x9: {  	[smem:$0x3F94] =	sst s1  }
0xa: {  	[smem:$0x3F95] =	sst s2  }
0xb: {  	[smem:$0x3F96] =	sst s3  }
0xc: {  	[smem:$0x3F97] =	sst s4  }
0xd: {  	[smem:$0x3F98] =	sst s5  }
0xe: {  	[smem:$0x3F99] =	sst s6  }
0xf: {  	[smem:$0x3F9A] =	sst s7  }
0x10: {  	[smem:$0x3F9B] =	sst s8  }
0x11: {  	[smem:$0x3F9C] =	sst s9;
	s0 =	simm.s32 @!p0 $0x0  }
0x12: {  	s1 =	sld [smem:$0x3F82];
	s0 =	simm.s32 @p0 $0x1  }
0x13: {  	[smem:$0x3F9D] =	sst s0;
	s0 =	simm.s32 @!p1 $0x0  }
0x14: {  	s2 =	sld [smem:$0x3F81];
	s0 =	simm.s32 @p1 $0x1  }
0x15: {  	[smem:$0x3F9E] =	sst s0;
	s0 =	simm.s32 @!p2 $0x0  }
0x16: {  	s3 =	sld [smem:$0x3FDB];
	s0 =	simm.s32 @p2 $0x1  }
0x17: {  	s4 =	simm.s32 $0x1BF5;
	[smem:$0x3FA0] =	sst s0  }
0x18: {  	s0 =	sld [smem:$0x3F83];
	_ =	swait.ge [sflag:s4], $0x0  }
0x19: {  	s7 =	sld [smem:$0x3F84]  }
0x1a: {  	s8 =	sadd.s32 $0xFFFFE003, lr  }
0x1b: {  	s9 =	sadd.s32 $0xFFFFFEF7, lr;
	s5 =	simm.s32 $0xFFFFFFFF;
	p2 =	slt.u32 s8, $0xFFFFF086  }
0x1c: {  	p1 =	slt.u32 s9, $0xF7A;
	s5 =	simm.s32 @!p2 $0x0  }
0x1d: {  	s5 =	simm.s32 @p1 $0x1;
	p0 =	seq.s32 s7, s2  }
0x1e: {  	s7 =	smul.u32 @!p0 $0xF7A, s2;
	p2 =	seq.s32 @!p0 s5, $0x0  }
0x1f: {  	s9 =	smul.u32 $0xF7A, s1;
	s8 =	simm.s32 @!p0 $0x1BF5;
	p2 =	por !p2, p0  }
0x20: {  	[sflag:s8] =	ssyncset.s32 @!p0 $0xFFFFF086;
	s6 =	sadd.s32 @!p0 s3, s7;
	s7 =	simm.s32 @!p0 $0x108  }
0x21: {  	s3 =	sadd.s32 s3, s9;
	s6 =	sadd.s32 @!p0 $0x88, s6;
	s7 =	simm.s32 @p2 $0x1082  }
0x22: {  	[simem:s7], [sflag:s8] =	dma.local @!p0 [hbm:s6], $0xF7A  }
0x23: {  	s9 =	sor.u32 $0xD0000000, s2;
	s6 =	simm.s32 $0x108;
	_ =	swait.ge @!p0 [sflag:s8], $0x0  }
0x24: {  	s3 =	sadd.s32 $0x88, s3;
	s6 =	simm.s32 @!p1 $0x1082;
	[sflag:s4] =	ssyncset.s32 $0xFFFFF086  }
0x25: {  	[simem:s6], [sflag:s4] =	dma.local [hbm:s3], $0xF7A  }
0x26: {  	[smem:$0x3F84] =	sst s1;
	(tag) =	ssettag s2;
	_ =	strace s9  }
0x27: {  	s1 =	sld [smem:$0x3F94]  }
0x28: {  	s2 =	sld [smem:$0x3F95]  }
0x29: {  	s4 =	sld [smem:$0x3F97]  }
0x2a: {  	p0 =	seq.s32 s5, $0x0;
	s5 =	sld [smem:$0x3F98]  }
0x2b: {  	s6 =	sld [smem:$0x3F99]  }
0x2c: {  	s7 =	sld [smem:$0x3F9A]  }
0x2d: {  	s3 =	simm.s32 $0x108;
	s8 =	sld [smem:$0x3F9B]  }
0x2e: {  	s3 =	simm.s32 @!p0 $0x1082;
	s9 =	sld [smem:$0x3F9C]  }
0x2f: {  	lr =	sadd.s32 s0, s3;
	s0 =	sld [smem:$0x3F93]  }
0x30: {  	s3 =	sld [smem:$0x3F96]  }
0x31: {  	[smem:$0x3F9F] =	sst s10  }
0x32: {  	s10 =	sld [smem:$0x3F9D];
	_ =	sdelay $0x3  }
0x33: {  	p0 =	seq.s32 s10, $0x1;
	s10 =	sld [smem:$0x3F9F];
	_ =	sdelay $0x3  }
0x34: {  	[smem:$0x3F9F] =	sst s10  }
0x35: {  	s10 =	sld [smem:$0x3F9E];
	_ =	sdelay $0x3  }
0x36: {  	p1 =	seq.s32 s10, $0x1;
	s10 =	sld [smem:$0x3F9F];
	_ =	sdelay $0x3  }
0x37: {  	[smem:$0x3F9F] =	sst s10  }
0x38: {  	s10 =	sld [smem:$0x3FA0]  }
0x39: {  	_ = 	snop;
	(pc) =	sbr.ind lr, $3  }
0x3a: {  	_ = 	snop  }
0x3b: {  	_ = 	snop  }
0x3c: {  	p2 =	seq.s32 s10, $0x1;
	s10 =	sld [smem:$0x3F9F]  }
0x3d: {  	_ =	shalt  }
0x3e: {  	_ =	shalt  }
0x3f: {  	_ =	shalt  }
0x40: {  	_ =	shalt  }
0x41: {  	_ =	shalt  }
0x42: {  	_ =	shalt  }
0x43: {  	_ =	shalt  }
0x44: {  	_ =	shalt  }
0x45: {  	_ =	shalt  }
0x46: {  	_ =	shalt  }
0x47: {  	_ =	shalt  }
0x48: {  	_ =	shalt  }
0x49: {  	_ =	shalt  }
0x4a: {  	_ =	shalt  }
0x4b: {  	_ =	shalt  }
0x4c: {  	_ =	shalt  }
0x4d: {  	_ =	shalt  }
0x4e: {  	_ =	shalt  }
0x4f: {  	_ =	shalt  }
0x50: {  	_ =	shalt  }
0x51: {  	_ =	shalt  }
0x52: {  	_ =	shalt  }
0x53: {  	_ =	shalt  }
0x54: {  	_ =	shalt  }
0x55: {  	_ =	shalt  }
0x56: {  	_ =	shalt  }
0x57: {  	_ =	shalt  }
0x58: {  	_ =	shalt  }
0x59: {  	_ =	shalt  }
0x5a: {  	_ =	shalt  }
0x5b: {  	_ =	shalt  }
0x5c: {  	_ =	shalt  }
0x5d: {  	_ =	shalt  }
0x5e: {  	_ =	shalt  }
0x5f: {  	_ =	shalt  }
0x60: {  	_ =	shalt  }
0x61: {  	_ =	shalt  }
0x62: {  	_ =	shalt  }
0x63: {  	_ =	shalt  }
0x64: {  	_ =	shalt  }
0x65: {  	_ =	shalt  }
0x66: {  	_ =	shalt  }
0x67: {  	_ =	shalt  }
0x68: {  	_ =	shalt  }
0x69: {  	_ =	shalt  }
0x6a: {  	_ =	shalt  }
0x6b: {  	_ =	shalt  }
0x6c: {  	_ =	shalt  }
0x6d: {  	_ =	shalt  }
0x6e: {  	_ =	shalt  }
0x6f: {  	_ =	shalt  }
0x70: {  	_ =	shalt  }
0x71: {  	_ =	shalt  }
0x72: {  	_ =	shalt  }
0x73: {  	_ =	shalt  }
0x74: {  	_ =	shalt  }
0x75: {  	_ =	shalt  }
0x76: {  	_ =	shalt  }
0x77: {  	_ =	shalt  }
0x78: {  	_ =	shalt  }
0x79: {  	_ =	shalt  }
0x7a: {  	_ =	shalt  }
0x7b: {  	_ =	shalt  }
0x7c: {  	_ =	shalt  }
0x7d: {  	_ =	shalt  }
0x7e: {  	_ =	shalt  }
0x7f: {  	_ =	shalt  }
0x80: {  	_ =	shalt  }
0x81: {  	_ =	shalt  }
0x82: {  	_ =	shalt  }
0x83: {  	_ =	shalt  }
0x84: {  	_ =	shalt  }
0x85: {  	_ =	shalt  }
0x86: {  	_ =	shalt  }
0x87: {  	_ =	shalt  }
.Lfunc_end0:
.L_simem_size_0:
called_computation.1_lowered:
.L_overlay_start_0:
0x88: {  	s2 =	sld [smem:$0x3FD9]  }
0x89: {  	s3 =	sld [smem:$0x3FFE];
	_ =	sdelay $0x1  }
0x8a: {  	s1 =	srdreg.scid  }
0x8b: {  	s0 =	sand.u32 $0x1, s1  }
0x8c: {  	s17 =	sshll.u32 s0, $0xA;
	s2 =	sadd.s32 s3, s2  }
0x8d: {  	s2 =	sadd.s32 s2, s17  }
0x8e: {  	[smem:$0x3FAB] =	sst s2  }
0x8f: {  	_ = 	snop  }
0x90: {  	s2 =	sld [smem:$0x3FD0];
	(tm) =	ssettm $0x1  }
0x91: {  	s18 =	sld [smem:$0x3FFB];
	_ =	sdelay $0x3  }
0x92: {  	_ =	strace s18  }
0x93: {  	s3 =	sld [smem:$0x3FFC];
	_ =	sdelay $0x3  }
0x94: {  	_ =	strace s3  }
0x95: {  	s3 =	sld [smem:$0x3FFD];
	_ =	sdelay $0x3  }
0x96: {  	_ =	strace s3  }
0x97: {  	_ =	strace $0x8FFFFFFF  }
0x98: {  	s19 =	sld [smem:$0x3FDB];
	_ =	sdelay $0x1  }
0x99: {  	s4 =	simm.s32 $_scs_section_size  }
0x9a: {  	s5 =	simm.s32 $_size__tile_overlayer_lowered;
	s6 =	simm.s32 $_tile_overlayer_lowered  }
0x9b: {  	s22 =	simm.s32 $0x1BFF;
	s21 =	sshll.u32 s6, $0x1;
	s3 =	sadd.s32 s4, s19  }
0x9c: {  	s7 =	simm.s32 $0x0;
	s20 =	sshll.u32 s5, $0x1;
	s5 =	sadd.s32 s21, s3  }
0x9d: {  	[timem:s7], [sflag:s22] =	dma.local [hbm:s5], s20  }
0x9e: {  	_ =	swait.ge [sflag:s22], s20  }
0x9f: {  	s4 =	ssub.s32 $0x0, s20;
	[sflag:s22] =	ssyncset.done $0x0  }
0xa0: {  	[sflag:s22] =	ssyncadd.s32 s4;
	_ =	sdelay $0x1  }
0xa1: {  	s23 =	simm.s32 $0x1B8B  }
0xa2: {  	_ =	swait.ge [sflag:s23], $0x1  }
0xa3: {  	[sflag:s23] =	ssyncset.done $0x0  }
0xa4: {  	s25 =	simm.s32 $0x1B8E;
	s24 =	sld [smem:$0x3FFE];
	[sflag:s23] =	ssyncadd.s32 $0xFFFFFFFF  }
0xa5: {  	s26 =	simm.s32 $execute0_lowered;
	[smem:$0x3FD2] =	sst s25  }
0xa6: {  	s5 =	sshll.u32 s26, $0x1;
	_ =	strace $0x80000049;
	[dreg:$0x1] =	wrdreg $0xFFFFFFFF  }
0xa7: {  	s28 =	simm.s32 $_size_execute0_lowered;
	s3 =	sadd.s32 s3, s5;
	[dreg:$0x0] =	wrdreg $0x0  }
0xa8: {  	s5 =	sshll.u32 s28, $0x1;
	[dreg:$0x2] =	wrdreg s3  }
0xa9: {  	[dreg:$0x3] =	wrdreg s5  }
0xaa: {  	[dreg:$0x4] =	wrdreg $0xC0  }
0xab: {  	_ =	task [dreg:s7], $0x5FFFF  }
0xac: {  	[dreg:$0x1] =	wrdreg $0xFFFFFFFF  }
0xad: {  	[dreg:$0x0] =	wrdreg $0x60  }
0xae: {  	[dreg:$0x2] =	wrdreg s24  }
0xaf: {  	[dreg:$0x3] =	wrdreg s2  }
0xb0: {  	[dreg:$0x4] =	wrdreg $0x9  }
0xb1: {  	_ =	task.clear_ibuf [dreg:s7], $0x5FFFF;
	_ =	strace $0x90000049  }
0xb2: {  	s29 =	simm.s32 $0x9;
	_ =	strace $0x8000004B  }
0xb3: {  	_ =	swait.ge [sflag:s29], $0x1  }
0xb4: {  	[sflag:s29] =	ssyncadd.s32 $0xFFFFFFFF  }
0xb5: {  	_ =	strace $0x9000004B  }
0xb6: {  	_ =	sfence  }
0xb7: {  	s30 =	sld [smem:$0x0];
	_ =	sdelay $0x2  }
0xb8: {  	s31 =	sshll.u32 s1, $0xD;
	s1 =	sshrl.u32 s1, $0x2  }
0xb9: {  	s3 =	sand.u32 $0x4000, s31;
	s1 =	sadd.s32 s1, s30  }
0xba: {  	s0 =	sor.u32 s3, s0;
	s1 =	sshll.u32 s1, $0x11  }
0xbb: {  	s0 =	sor.u32 s1, s0  }
0xbc: {  	s0 =	sadd.s32 $0x8F2B, s0  }
0xbd: {  	[sflag:s0] =	ssyncadd.remote.s32 $0x1  }
0xbe: {  	_ =	sfence.sel $0xFFFF  }
0xbf: {  	[dreg:$0x0] =	wrdreg $0xFFFFFFFF;
	(pc) =	sbr.abs _section_cstart, $3  }
0xc0: {  	[dreg:$0x1] =	wrdreg $0xFFFFFFFF  }
0xc1: {  	_ =	task.clear_ibuf [dreg:s7], $0x2FFFF;
	_ =	strace $0x9FFFFFFF  }
0xc2: {  	(tm) =	ssettm $0x7FFFFFFF  }
0xc3: {  	_ =	shalt  }
tec
execute0_lowered:
.L_overlay_start_1:
0x0: {  	(tag) =	ssettag $0x1  }
0x1: {  	s0 =	rddreg [dreg:$0x0]  }
0x2: {  	s1 =	rddreg [dreg:$0x1]  }
0x3: {  	s3 =	srdreg.scid;
	s4 =	stileid.u32  }
0x4: {  	s2 =	simm.s32 $0x0;
	s23 =	simm.s32 $0x3;
	s22 =	simm.s32 $0x78  }
0x5: {  	s12 =	simm.s32 $0x400;
	s24 =	simm.s32 $0x80;
	s13 =	simm.s32 $0x4000  }
0x6: {  	s25 =	simm.s32 $0x100;
	s14 =	simm.s32 $0x7C00;
	s26 =	simm.s32 $0x180  }
0x7: {  	s15 =	simm.s32 $0xB800;
	s28 =	simm.s32 $0x200;
	s17 =	simm.s32 $0xF400  }
0x8: {  	s29 =	simm.s32 $0x280;
	s18 =	simm.s32 $0x13000;
	p0 =	por $0x0, $0x0  }
0x9: {  	s30 =	simm.s32 $0x300;
	s19 =	simm.s32 $0x16C00;
	s31 =	simm.s32 $0x380  }
0xa: {  	s20 =	simm.s32 $0x1A800;
	s3 =	sand.u32 $0x1, s3;
	s4 =	sshll.u32 s4, $0x1  }
0xb: {  	[smem:$0x7FF] =	sst s2;
	s4 =	sor.u32 s3, s4;
	s3 =	ssub.s32 $0x2, s3  }
0xc: {  	s16 =	sadd.s32 $0x5E00, s0;
	s0 =	sadd.s32 $0xA2400, s0;
	s6 =	sshrl.u32 s3, $0x1  }
0xd: {  	_ =	strace $0x8000004A;
	s5 =	smul.u32 $0x1E000, s4;
	s3 =	ssub.s32 s3, s6  }
0xe: {  	s7 =	sshll.u32 s4, $0x7;
	s4 =	smul.u32 $0x3C00, s4;
	s21 =	smax.u32 s3, $0x1  }
0xf: {  	s1 =	sadd.s32 s1, s7;
	s5 =	sshrl.u32 s5, $0x3;
	p1 =	sne.s32 s21, $0x1  }
.Ltmp0:
0x10: {  	[dreg:$0x3] =	wrdreg s1;
	s4 =	sadd.s32 s0, s4;
	(pc) =	sbr.rel @!p1 .LBB2_3-.Ltmp0, $4  }
0x11: {  	s3 =	simm.s32 $0x2;
	s11 =	sadd.s32 s0, s5;
	s0 =	sadd.s32 $0xFFFFFFFF, s21  }
0x12: {  	s21 =	simm.s32 $0x1;
	s1 =	rddreg [dreg:$0x3];
	s5 =	sadd.s32 $0x780, s11  }
0x13: {  	s6 =	sadd.s32 $0xF00, s11;
	s7 =	sadd.s32 $0x1680, s11;
	s8 =	sadd.s32 $0x1E00, s11  }
0x14: {  	s9 =	sadd.s32 $0x2580, s11;
	s10 =	sadd.s32 $0x2D00, s11;
	s11 =	sadd.s32 $0x3480, s11  }
0x15: {  	[tilespmem:s2], [sflag:$0x3] =	stream.linear.gather [hbm4b:s1+s2], $0x400, $0x38;
	[tilespmem:$0x1E400] =	vst v63  }
0x16: {  	_ =	swait.ge [sflag:s23], $0x400  }
0x17: {  	[sflag:s23] =	ssyncset.done $0x0  }
0x18: {  	[sflag:s23] =	ssyncadd.s32 $0xFFFFFC00  }
0x19: {  	[tilespmem:s12], [sflag:$0x1] =	stream.indirect.gather [hbm4b:s16+s22], $0x80, s2, s22, $0xb8;
	[tilespmem:$0x1E400] =	vst v63  }
0x1a: {  	_ = 	snop  }
0x1b: {  	[tilespmem:s13], [sflag:$0x1] =	stream.indirect.gather [hbm4b:s16+s22], $0x80, s24, s22, $0xb8;
	[tilespmem:$0x1E400] =	vst v63  }
0x1c: {  	_ = 	snop  }
0x1d: {  	[tilespmem:s14], [sflag:$0x1] =	stream.indirect.gather [hbm4b:s16+s22], $0x80, s25, s22, $0xb8;
	[tilespmem:$0x1E400] =	vst v63  }
0x1e: {  	_ = 	snop  }
0x1f: {  	[tilespmem:s15], [sflag:$0x1] =	stream.indirect.gather [hbm4b:s16+s22], $0x80, s26, s22, $0xb8;
	[tilespmem:$0x1E400] =	vst v63  }
0x20: {  	_ = 	snop  }
0x21: {  	[tilespmem:s17], [sflag:$0x1] =	stream.indirect.gather [hbm4b:s16+s22], $0x80, s28, s22, $0xb8;
	[tilespmem:$0x1E400] =	vst v63  }
0x22: {  	_ = 	snop  }
0x23: {  	[tilespmem:s18], [sflag:$0x1] =	stream.indirect.gather [hbm4b:s16+s22], $0x80, s29, s22, $0xb8;
	[tilespmem:$0x1E400] =	vst v63  }
0x24: {  	_ = 	snop  }
0x25: {  	[tilespmem:s19], [sflag:$0x1] =	stream.indirect.gather [hbm4b:s16+s22], $0x80, s30, s22, $0xb8;
	[tilespmem:$0x1E400] =	vst v63  }
0x26: {  	_ = 	snop  }
0x27: {  	[tilespmem:s20], [sflag:$0x1] =	stream.indirect.gather [hbm4b:s16+s22], $0x80, s31, s22, $0xb8;
	[tilespmem:$0x1E400] =	vst v63  }
0x28: {  	_ =	swait.ge [sflag:s21], $0x3C00  }
0x29: {  	[sflag:s21] =	ssyncset.done $0x0  }
0x2a: {  	[sflag:s21] =	ssyncadd.s32 $0xFFFFC400  }
0x2b: {  	_ =	swait.ge [sflag:s21], $0x3C00  }
0x2c: {  	[sflag:s21] =	ssyncset.done $0x0  }
0x2d: {  	[sflag:s21] =	ssyncadd.s32 $0xFFFFC400  }
0x2e: {  	_ =	swait.ge [sflag:s21], $0x3C00  }
0x2f: {  	[sflag:s21] =	ssyncset.done $0x0  }
0x30: {  	[sflag:s21] =	ssyncadd.s32 $0xFFFFC400  }
0x31: {  	_ =	swait.ge [sflag:s21], $0x3C00  }
0x32: {  	[sflag:s21] =	ssyncset.done $0x0  }
0x33: {  	[sflag:s21] =	ssyncadd.s32 $0xFFFFC400  }
0x34: {  	_ =	swait.ge [sflag:s21], $0x3C00  }
0x35: {  	[sflag:s21] =	ssyncset.done $0x0  }
0x36: {  	[sflag:s21] =	ssyncadd.s32 $0xFFFFC400  }
0x37: {  	_ =	swait.ge [sflag:s21], $0x3C00  }
0x38: {  	[sflag:s21] =	ssyncset.done $0x0  }
0x39: {  	[sflag:s21] =	ssyncadd.s32 $0xFFFFC400  }
0x3a: {  	_ =	swait.ge [sflag:s21], $0x3C00  }
0x3b: {  	[sflag:s21] =	ssyncset.done $0x0  }
0x3c: {  	[sflag:s21] =	ssyncadd.s32 $0xFFFFC400  }
0x3d: {  	_ =	swait.ge [sflag:s21], $0x3C00  }
0x3e: {  	[sflag:s21] =	ssyncset.done $0x0  }
0x3f: {  	[sflag:s21] =	ssyncadd.s32 $0xFFFFC400  }
0x40: {  	[hbm4b:s4+s2] =	stream.linear.scatter [tilespmem:s12], [sflag:$0x2], $0x3C00, $0x38;
	[tilespmem:$0x1E400] =	vst v63  }
0x41: {  	_ = 	snop  }
0x42: {  	[hbm4b:s5+s2] =	stream.linear.scatter [tilespmem:s13], [sflag:$0x2], $0x3C00, $0x38;
	[tilespmem:$0x1E400] =	vst v63  }
0x43: {  	_ = 	snop  }
0x44: {  	[hbm4b:s6+s2] =	stream.linear.scatter [tilespmem:s14], [sflag:$0x2], $0x3C00, $0x38;
	[tilespmem:$0x1E400] =	vst v63  }
0x45: {  	_ = 	snop  }
0x46: {  	[hbm4b:s7+s2] =	stream.linear.scatter [tilespmem:s15], [sflag:$0x2], $0x3C00, $0x38;
	[tilespmem:$0x1E400] =	vst v63  }
0x47: {  	_ = 	snop  }
0x48: {  	[hbm4b:s8+s2] =	stream.linear.scatter [tilespmem:s17], [sflag:$0x2], $0x3C00, $0x38;
	[tilespmem:$0x1E400] =	vst v63  }
0x49: {  	_ = 	snop  }
0x4a: {  	[hbm4b:s9+s2] =	stream.linear.scatter [tilespmem:s18], [sflag:$0x2], $0x3C00, $0x38;
	[tilespmem:$0x1E400] =	vst v63  }
0x4b: {  	_ = 	snop  }
0x4c: {  	[hbm4b:s10+s2] =	stream.linear.scatter [tilespmem:s19], [sflag:$0x2], $0x3C00, $0x38;
	[tilespmem:$0x1E400] =	vst v63  }
0x4d: {  	_ = 	snop  }
0x4e: {  	[hbm4b:s11+s2] =	stream.linear.scatter [tilespmem:s20], [sflag:$0x2], $0x3C00, $0x38;
	[tilespmem:$0x1E400] =	vst v63  }
0x4f: {  	_ =	swait.ge [sflag:s3], $0x3C00  }
0x50: {  	[sflag:s3] =	ssyncset.done $0x0  }
0x51: {  	[sflag:s3] =	ssyncadd.s32 $0xFFFFC400  }
0x52: {  	_ =	swait.ge [sflag:s3], $0x3C00  }
0x53: {  	[sflag:s3] =	ssyncset.done $0x0  }
0x54: {  	[sflag:s3] =	ssyncadd.s32 $0xFFFFC400  }
0x55: {  	_ =	swait.ge [sflag:s3], $0x3C00  }
0x56: {  	[sflag:s3] =	ssyncset.done $0x0  }
0x57: {  	[sflag:s3] =	ssyncadd.s32 $0xFFFFC400  }
0x58: {  	_ =	swait.ge [sflag:s3], $0x3C00  }
0x59: {  	[sflag:s3] =	ssyncset.done $0x0  }
0x5a: {  	[sflag:s3] =	ssyncadd.s32 $0xFFFFC400  }
0x5b: {  	_ =	swait.ge [sflag:s3], $0x3C00  }
0x5c: {  	[sflag:s3] =	ssyncset.done $0x0  }
0x5d: {  	[sflag:s3] =	ssyncadd.s32 $0xFFFFC400  }
0x5e: {  	_ =	swait.ge [sflag:s3], $0x3C00  }
0x5f: {  	[sflag:s3] =	ssyncset.done $0x0  }
0x60: {  	p1 =	sne.s32 s0, $0x1;
	[sflag:s3] =	ssyncadd.s32 $0xFFFFC400  }
.Ltmp1:
0x61: {  	_ =	swait.ge [sflag:s3], $0x3C00;
	(pc) =	sbr.rel @!p1 .LBB2_3-.Ltmp1, $4  }
0x62: {  	[sflag:s3] =	ssyncset.done $0x0  }
0x63: {  	[sflag:s3] =	ssyncadd.s32 $0xFFFFC400  }
0x64: {  	s0 =	sadd.s32 $0xFFFFFFFF, s0;
	_ =	swait.ge [sflag:s3], $0x3C00  }
0x65: {  	p0 =	por $0x1, $0x1;
	s1 =	rddreg [dreg:$0x3];
	[sflag:s3] =	ssyncset.done $0x0  }
.LBB2_2:
0x66: {  	[sflag:s3] =	ssyncadd.s32 $0xFFFFC400  }
0x67: {  	[tilespmem:s2], [sflag:$0x3] =	stream.linear.gather [hbm4b:s1+s2], $0x400, $0x38;
	[tilespmem:$0x1E400] =	vst v63  }
0x68: {  	_ =	swait.ge [sflag:s23], $0x400  }
0x69: {  	[sflag:s23] =	ssyncset.done $0x0  }
0x6a: {  	[sflag:s23] =	ssyncadd.s32 $0xFFFFFC00  }
0x6b: {  	[tilespmem:s12], [sflag:$0x1] =	stream.indirect.gather [hbm4b:s16+s22], $0x80, s2, s22, $0xb8;
	[tilespmem:$0x1E400] =	vst v63  }
0x6c: {  	_ = 	snop  }
0x6d: {  	[tilespmem:s13], [sflag:$0x1] =	stream.indirect.gather [hbm4b:s16+s22], $0x80, s24, s22, $0xb8;
	[tilespmem:$0x1E400] =	vst v63  }
0x6e: {  	_ = 	snop  }
0x6f: {  	[tilespmem:s14], [sflag:$0x1] =	stream.indirect.gather [hbm4b:s16+s22], $0x80, s25, s22, $0xb8;
	[tilespmem:$0x1E400] =	vst v63  }
0x70: {  	_ = 	snop  }
0x71: {  	[tilespmem:s15], [sflag:$0x1] =	stream.indirect.gather [hbm4b:s16+s22], $0x80, s26, s22, $0xb8;
	[tilespmem:$0x1E400] =	vst v63  }
0x72: {  	_ = 	snop  }
0x73: {  	[tilespmem:s17], [sflag:$0x1] =	stream.indirect.gather [hbm4b:s16+s22], $0x80, s28, s22, $0xb8;
	[tilespmem:$0x1E400] =	vst v63  }
0x74: {  	_ = 	snop  }
0x75: {  	[tilespmem:s18], [sflag:$0x1] =	stream.indirect.gather [hbm4b:s16+s22], $0x80, s29, s22, $0xb8;
	[tilespmem:$0x1E400] =	vst v63  }
0x76: {  	_ = 	snop  }
0x77: {  	[tilespmem:s19], [sflag:$0x1] =	stream.indirect.gather [hbm4b:s16+s22], $0x80, s30, s22, $0xb8;
	[tilespmem:$0x1E400] =	vst v63  }
0x78: {  	_ = 	snop  }
0x79: {  	[tilespmem:s20], [sflag:$0x1] =	stream.indirect.gather [hbm4b:s16+s22], $0x80, s31, s22, $0xb8;
	[tilespmem:$0x1E400] =	vst v63  }
0x7a: {  	_ =	swait.ge [sflag:s21], $0x3C00  }
0x7b: {  	[sflag:s21] =	ssyncset.done $0x0  }
0x7c: {  	[sflag:s21] =	ssyncadd.s32 $0xFFFFC400  }
0x7d: {  	_ =	swait.ge [sflag:s21], $0x3C00  }
0x7e: {  	[sflag:s21] =	ssyncset.done $0x0  }
0x7f: {  	[sflag:s21] =	ssyncadd.s32 $0xFFFFC400  }
0x80: {  	_ =	swait.ge [sflag:s21], $0x3C00  }
0x81: {  	[sflag:s21] =	ssyncset.done $0x0  }
0x82: {  	[sflag:s21] =	ssyncadd.s32 $0xFFFFC400  }
0x83: {  	_ =	swait.ge [sflag:s21], $0x3C00  }
0x84: {  	[sflag:s21] =	ssyncset.done $0x0  }
0x85: {  	[sflag:s21] =	ssyncadd.s32 $0xFFFFC400  }
0x86: {  	_ =	swait.ge [sflag:s21], $0x3C00  }
0x87: {  	[sflag:s21] =	ssyncset.done $0x0  }
0x88: {  	[sflag:s21] =	ssyncadd.s32 $0xFFFFC400  }
0x89: {  	_ =	swait.ge [sflag:s21], $0x3C00  }
0x8a: {  	[sflag:s21] =	ssyncset.done $0x0  }
0x8b: {  	[sflag:s21] =	ssyncadd.s32 $0xFFFFC400  }
0x8c: {  	_ =	swait.ge [sflag:s21], $0x3C00  }
0x8d: {  	[sflag:s21] =	ssyncset.done $0x0  }
0x8e: {  	[sflag:s21] =	ssyncadd.s32 $0xFFFFC400  }
0x8f: {  	_ =	swait.ge [sflag:s21], $0x3C00  }
0x90: {  	[sflag:s21] =	ssyncset.done $0x0  }
0x91: {  	[sflag:s21] =	ssyncadd.s32 $0xFFFFC400  }
0x92: {  	[hbm4b:s4+s2] =	stream.linear.scatter [tilespmem:s12], [sflag:$0x2], $0x3C00, $0x38;
	[tilespmem:$0x1E400] =	vst v63  }
0x93: {  	_ = 	snop  }
0x94: {  	[hbm4b:s5+s2] =	stream.linear.scatter [tilespmem:s13], [sflag:$0x2], $0x3C00, $0x38;
	[tilespmem:$0x1E400] =	vst v63  }
0x95: {  	_ = 	snop  }
0x96: {  	[hbm4b:s6+s2] =	stream.linear.scatter [tilespmem:s14], [sflag:$0x2], $0x3C00, $0x38;
	[tilespmem:$0x1E400] =	vst v63  }
0x97: {  	_ = 	snop  }
0x98: {  	[hbm4b:s7+s2] =	stream.linear.scatter [tilespmem:s15], [sflag:$0x2], $0x3C00, $0x38;
	[tilespmem:$0x1E400] =	vst v63  }
0x99: {  	_ = 	snop  }
0x9a: {  	[hbm4b:s8+s2] =	stream.linear.scatter [tilespmem:s17], [sflag:$0x2], $0x3C00, $0x38;
	[tilespmem:$0x1E400] =	vst v63  }
0x9b: {  	_ = 	snop  }
0x9c: {  	[hbm4b:s9+s2] =	stream.linear.scatter [tilespmem:s18], [sflag:$0x2], $0x3C00, $0x38;
	[tilespmem:$0x1E400] =	vst v63  }
0x9d: {  	_ = 	snop  }
0x9e: {  	[hbm4b:s10+s2] =	stream.linear.scatter [tilespmem:s19], [sflag:$0x2], $0x3C00, $0x38;
	[tilespmem:$0x1E400] =	vst v63  }
0x9f: {  	_ = 	snop  }
0xa0: {  	[hbm4b:s11+s2] =	stream.linear.scatter [tilespmem:s20], [sflag:$0x2], $0x3C00, $0x38;
	[tilespmem:$0x1E400] =	vst v63  }
0xa1: {  	_ =	swait.ge [sflag:s3], $0x3C00  }
0xa2: {  	[sflag:s3] =	ssyncset.done $0x0  }
0xa3: {  	[sflag:s3] =	ssyncadd.s32 $0xFFFFC400  }
0xa4: {  	_ =	swait.ge [sflag:s3], $0x3C00  }
0xa5: {  	[sflag:s3] =	ssyncset.done $0x0  }
0xa6: {  	[sflag:s3] =	ssyncadd.s32 $0xFFFFC400  }
0xa7: {  	_ =	swait.ge [sflag:s3], $0x3C00  }
0xa8: {  	[sflag:s3] =	ssyncset.done $0x0  }
0xa9: {  	[sflag:s3] =	ssyncadd.s32 $0xFFFFC400  }
0xaa: {  	_ =	swait.ge [sflag:s3], $0x3C00  }
0xab: {  	[sflag:s3] =	ssyncset.done $0x0  }
0xac: {  	[sflag:s3] =	ssyncadd.s32 $0xFFFFC400  }
0xad: {  	_ =	swait.ge [sflag:s3], $0x3C00  }
0xae: {  	[sflag:s3] =	ssyncset.done $0x0  }
0xaf: {  	[sflag:s3] =	ssyncadd.s32 $0xFFFFC400  }
0xb0: {  	_ =	swait.ge [sflag:s3], $0x3C00  }
0xb1: {  	[sflag:s3] =	ssyncset.done $0x0  }
0xb2: {  	p1 =	sne.s32 s0, $0x1;
	[sflag:s3] =	ssyncadd.s32 $0xFFFFC400  }
.Ltmp2:
0xb3: {  	_ =	swait.ge [sflag:s3], $0x3C00;
	(pc) =	sbr.rel @p1 .LBB2_2-.Ltmp2, $4  }
0xb4: {  	[sflag:s3] =	ssyncset.done $0x0  }
0xb5: {  	[sflag:s3] =	ssyncadd.s32 $0xFFFFC400  }
0xb6: {  	_ =	swait.ge [sflag:s3], $0x3C00  }
0xb7: {  	s0 =	sadd.s32 $0xFFFFFFFF, s0;
	s1 =	rddreg [dreg:$0x3];
	[sflag:s3] =	ssyncset.done $0x0  }
.LBB2_3:
0xb8: {  	[sflag:s3] =	ssyncadd.s32 @p0 $0xFFFFC400  }
0xb9: {  	[tilespmem:s2], [sflag:$0x3] =	stream.linear.gather [hbm4b:s1+s2], $0x400, $0x38;
	[tilespmem:$0x1E400] =	vst v63  }
0xba: {  	_ =	swait.ge [sflag:s23], $0x400  }
0xbb: {  	[sflag:s23] =	ssyncset.done $0x0  }
0xbc: {  	[sflag:s23] =	ssyncadd.s32 $0xFFFFFC00  }
0xbd: {  	[tilespmem:s12], [sflag:$0x1] =	stream.indirect.gather [hbm4b:s16+s22], $0x80, s2, s22, $0xb8;
	[tilespmem:$0x1E400] =	vst v63  }
0xbe: {  	_ = 	snop  }
0xbf: {  	[tilespmem:s13], [sflag:$0x1] =	stream.indirect.gather [hbm4b:s16+s22], $0x80, s24, s22, $0xb8;
	[tilespmem:$0x1E400] =	vst v63  }
0xc0: {  	_ = 	snop  }
0xc1: {  	[tilespmem:s14], [sflag:$0x1] =	stream.indirect.gather [hbm4b:s16+s22], $0x80, s25, s22, $0xb8;
	[tilespmem:$0x1E400] =	vst v63  }
0xc2: {  	_ = 	snop  }
0xc3: {  	[tilespmem:s15], [sflag:$0x1] =	stream.indirect.gather [hbm4b:s16+s22], $0x80, s26, s22, $0xb8;
	[tilespmem:$0x1E400] =	vst v63  }
0xc4: {  	_ = 	snop  }
0xc5: {  	[tilespmem:s17], [sflag:$0x1] =	stream.indirect.gather [hbm4b:s16+s22], $0x80, s28, s22, $0xb8;
	[tilespmem:$0x1E400] =	vst v63  }
0xc6: {  	_ = 	snop  }
0xc7: {  	[tilespmem:s18], [sflag:$0x1] =	stream.indirect.gather [hbm4b:s16+s22], $0x80, s29, s22, $0xb8;
	[tilespmem:$0x1E400] =	vst v63  }
0xc8: {  	_ = 	snop  }
0xc9: {  	[tilespmem:s19], [sflag:$0x1] =	stream.indirect.gather [hbm4b:s16+s22], $0x80, s30, s22, $0xb8;
	[tilespmem:$0x1E400] =	vst v63  }
0xca: {  	_ = 	snop  }
0xcb: {  	[tilespmem:s20], [sflag:$0x1] =	stream.indirect.gather [hbm4b:s16+s22], $0x80, s31, s22, $0xb8;
	[tilespmem:$0x1E400] =	vst v63  }
0xcc: {  	_ =	swait.ge [sflag:s21], $0x3C00  }
0xcd: {  	[sflag:s21] =	ssyncset.done $0x0  }
0xce: {  	[sflag:s21] =	ssyncadd.s32 $0xFFFFC400  }
0xcf: {  	_ =	swait.ge [sflag:s21], $0x3C00  }
0xd0: {  	[sflag:s21] =	ssyncset.done $0x0  }
0xd1: {  	[sflag:s21] =	ssyncadd.s32 $0xFFFFC400  }
0xd2: {  	_ =	swait.ge [sflag:s21], $0x3C00  }
0xd3: {  	[sflag:s21] =	ssyncset.done $0x0  }
0xd4: {  	[sflag:s21] =	ssyncadd.s32 $0xFFFFC400  }
0xd5: {  	_ =	swait.ge [sflag:s21], $0x3C00  }
0xd6: {  	[sflag:s21] =	ssyncset.done $0x0  }
0xd7: {  	[sflag:s21] =	ssyncadd.s32 $0xFFFFC400  }
0xd8: {  	_ =	swait.ge [sflag:s21], $0x3C00  }
0xd9: {  	[sflag:s21] =	ssyncset.done $0x0  }
0xda: {  	[sflag:s21] =	ssyncadd.s32 $0xFFFFC400  }
0xdb: {  	_ =	swait.ge [sflag:s21], $0x3C00  }
0xdc: {  	[sflag:s21] =	ssyncset.done $0x0  }
0xdd: {  	[sflag:s21] =	ssyncadd.s32 $0xFFFFC400  }
0xde: {  	_ =	swait.ge [sflag:s21], $0x3C00  }
0xdf: {  	[sflag:s21] =	ssyncset.done $0x0  }
0xe0: {  	[sflag:s21] =	ssyncadd.s32 $0xFFFFC400  }
0xe1: {  	_ =	swait.ge [sflag:s21], $0x3C00  }
0xe2: {  	[sflag:s21] =	ssyncset.done $0x0  }
0xe3: {  	[sflag:s21] =	ssyncadd.s32 $0xFFFFC400  }
0xe4: {  	[hbm4b:s4+s2] =	stream.linear.scatter [tilespmem:s12], [sflag:$0x2], $0x3C00, $0x38;
	[tilespmem:$0x1E400] =	vst v63  }
0xe5: {  	_ = 	snop  }
0xe6: {  	[hbm4b:s5+s2] =	stream.linear.scatter [tilespmem:s13], [sflag:$0x2], $0x3C00, $0x38;
	[tilespmem:$0x1E400] =	vst v63  }
0xe7: {  	_ = 	snop  }
0xe8: {  	[hbm4b:s6+s2] =	stream.linear.scatter [tilespmem:s14], [sflag:$0x2], $0x3C00, $0x38;
	[tilespmem:$0x1E400] =	vst v63  }
0xe9: {  	_ = 	snop  }
0xea: {  	[hbm4b:s7+s2] =	stream.linear.scatter [tilespmem:s15], [sflag:$0x2], $0x3C00, $0x38;
	[tilespmem:$0x1E400] =	vst v63  }
0xeb: {  	_ = 	snop  }
0xec: {  	[hbm4b:s8+s2] =	stream.linear.scatter [tilespmem:s17], [sflag:$0x2], $0x3C00, $0x38;
	[tilespmem:$0x1E400] =	vst v63  }
0xed: {  	_ = 	snop  }
0xee: {  	[hbm4b:s9+s2] =	stream.linear.scatter [tilespmem:s18], [sflag:$0x2], $0x3C00, $0x38;
	[tilespmem:$0x1E400] =	vst v63  }
0xef: {  	_ = 	snop  }
0xf0: {  	[hbm4b:s10+s2] =	stream.linear.scatter [tilespmem:s19], [sflag:$0x2], $0x3C00, $0x38;
	[tilespmem:$0x1E400] =	vst v63  }
0xf1: {  	_ = 	snop  }
0xf2: {  	[hbm4b:s11+s2] =	stream.linear.scatter [tilespmem:s20], [sflag:$0x2], $0x3C00, $0x38;
	[tilespmem:$0x1E400] =	vst v63  }
0xf3: {  	_ =	swait.ge [sflag:s3], $0x3C00  }
0xf4: {  	[sflag:s3] =	ssyncset.done $0x0  }
0xf5: {  	[sflag:s3] =	ssyncadd.s32 $0xFFFFC400  }
0xf6: {  	_ =	swait.ge [sflag:s3], $0x3C00  }
0xf7: {  	[sflag:s3] =	ssyncset.done $0x0  }
0xf8: {  	[sflag:s3] =	ssyncadd.s32 $0xFFFFC400  }
0xf9: {  	_ =	swait.ge [sflag:s3], $0x3C00  }
0xfa: {  	[sflag:s3] =	ssyncset.done $0x0  }
0xfb: {  	[sflag:s3] =	ssyncadd.s32 $0xFFFFC400  }
0xfc: {  	_ =	swait.ge [sflag:s3], $0x3C00  }
0xfd: {  	[sflag:s3] =	ssyncset.done $0x0  }
0xfe: {  	[sflag:s3] =	ssyncadd.s32 $0xFFFFC400  }
0xff: {  	_ =	swait.ge [sflag:s3], $0x3C00  }
0x100: {  	[sflag:s3] =	ssyncset.done $0x0  }
0x101: {  	[sflag:s3] =	ssyncadd.s32 $0xFFFFC400  }
0x102: {  	_ =	swait.ge [sflag:s3], $0x3C00  }
0x103: {  	[sflag:s3] =	ssyncset.done $0x0  }
0x104: {  	[sflag:s3] =	ssyncadd.s32 $0xFFFFC400  }
0x105: {  	_ =	swait.ge [sflag:s3], $0x3C00  }
0x106: {  	[sflag:s3] =	ssyncset.done $0x0  }
0x107: {  	[sflag:s3] =	ssyncadd.s32 $0xFFFFC400  }
0x108: {  	_ =	swait.ge [sflag:s3], $0x3C00  }
0x109: {  	[sflag:s3] =	ssyncset.done $0x0  }
0x10a: {  	[sflag:s3] =	ssyncadd.s32 $0xFFFFC400  }
0x10b: {  	_ =	sfence.sel $0x180000  }
0x10c: {  	[bflag:$0x0] =	sbarrier.arrive $0xFFFF  }
0x10d: {  	_ =	strace $0x9000004A  }
0x10e: {  	s0 =	stileid.u32;
	[bflag:$0x2] =	sbarrier.arrive $0xFFFF  }
0x10f: {  	p0 =	sne.s32 s0, $0x0;
	s0 =	rddreg [dreg:$0x2]  }
0x110: {  	s0 =	sadd.s32 @!p0 $0x100000, s0  }
0x111: {  	[sflag:s0] =	ssyncadd.tile.s32 @!p0 $0x1;
	_ =	shalt  }
.Lfunc_end2:
_tile_overlayer_lowered:
.L_overlay_start_2:
0x112: {  	(tag) =	ssettag $0x2  }
0x113: {  	s0 =	rddreg [dreg:$0x0];
	s2 =	stileid.u32  }
0x114: {  	s1 =	rddreg [dreg:$0x1];
	p0 =	sne.s32 s2, $0x0  }
0x115: {  	s3 =	rddreg [dreg:$0x2];
	[bflag:$0x3] =	sbarrier.arrive $0xFFFF;
	s2 =	simm.s32 @!p0 $0x1C03  }
0x116: {  	[timem:s3], [sflag:s2] =	dma.local @!p0 [hbm:s0], s1  }
0x117: {  	s0 =	simm.s32 @!p0 $0x3  }
0x118: {  	_ =	swait.ge @!p0 [sflag:s0], s1  }
0x119: {  	s1 =	ssub.s32 @!p0 $0x0, s1;
	[sflag:s0] =	ssyncset.done @!p0 $0x0  }
0x11a: {  	[sflag:s0] =	ssyncadd.s32 @!p0 s1  }
0x11b: {  	[bflag:$0x3] =	sbarrier.arrive $0xFFFF  }
0x11c: {  	_ =	shalt  }

// kernel: kernel.15.cloned.1.call-start
scs
__scs_entry_jumppad:
0x0: {  	(pc) =	sbr.rel $0x88, $3  }
0x1: {  	(tag) =	ssettag $0x0;
	lr =	simm.s32 $0x1  }
0x2: {  	[smem:$0x3F84] =	sst lr;
	_ =	strace $0xD0000000  }
0x3: {  	_ = 	snop  }
0x4: {  	_ = 	snop  }
0x5: {  	_ = 	snop  }
0x6: {  	_ = 	snop  }
0x7: {  	_ = 	snop  }
__scs_overlays_trampoline_lowered:
0x8: {  	[smem:$0x3F93] =	sst s0  }
0x9: {  	[smem:$0x3F94] =	sst s1  }
0xa: {  	[smem:$0x3F95] =	sst s2  }
0xb: {  	[smem:$0x3F96] =	sst s3  }
0xc: {  	[smem:$0x3F97] =	sst s4  }
0xd: {  	[smem:$0x3F98] =	sst s5  }
0xe: {  	[smem:$0x3F99] =	sst s6  }
0xf: {  	[smem:$0x3F9A] =	sst s7  }
0x10: {  	[smem:$0x3F9B] =	sst s8  }
0x11: {  	[smem:$0x3F9C] =	sst s9;
	s0 =	simm.s32 @!p0 $0x0  }
0x12: {  	s1 =	sld [smem:$0x3F82];
	s0 =	simm.s32 @p0 $0x1  }
0x13: {  	[smem:$0x3F9D] =	sst s0;
	s0 =	simm.s32 @!p1 $0x0  }
0x14: {  	s2 =	sld [smem:$0x3F81];
	s0 =	simm.s32 @p1 $0x1  }
0x15: {  	[smem:$0x3F9E] =	sst s0;
	s0 =	simm.s32 @!p2 $0x0  }
0x16: {  	s3 =	sld [smem:$0x3FDB];
	s0 =	simm.s32 @p2 $0x1  }
0x17: {  	s4 =	simm.s32 $0x1BF5;
	[smem:$0x3FA0] =	sst s0  }
0x18: {  	s0 =	sld [smem:$0x3F83];
	_ =	swait.ge [sflag:s4], $0x0  }
0x19: {  	s7 =	sld [smem:$0x3F84]  }
0x1a: {  	s8 =	sadd.s32 $0xFFFFE003, lr  }
0x1b: {  	s9 =	sadd.s32 $0xFFFFFEF7, lr;
	s5 =	simm.s32 $0xFFFFFFFF;
	p2 =	slt.u32 s8, $0xFFFFF086  }
0x1c: {  	p1 =	slt.u32 s9, $0xF7A;
	s5 =	simm.s32 @!p2 $0x0  }
0x1d: {  	s5 =	simm.s32 @p1 $0x1;
	p0 =	seq.s32 s7, s2  }
0x1e: {  	s7 =	smul.u32 @!p0 $0xF7A, s2;
	p2 =	seq.s32 @!p0 s5, $0x0  }
0x1f: {  	s9 =	smul.u32 $0xF7A, s1;
	s8 =	simm.s32 @!p0 $0x1BF5;
	p2 =	por !p2, p0  }
0x20: {  	[sflag:s8] =	ssyncset.s32 @!p0 $0xFFFFF086;
	s6 =	sadd.s32 @!p0 s3, s7;
	s7 =	simm.s32 @!p0 $0x108  }
0x21: {  	s3 =	sadd.s32 s3, s9;
	s6 =	sadd.s32 @!p0 $0x88, s6;
	s7 =	simm.s32 @p2 $0x1082  }
0x22: {  	[simem:s7], [sflag:s8] =	dma.local @!p0 [hbm:s6], $0xF7A  }
0x23: {  	s9 =	sor.u32 $0xD0000000, s2;
	s6 =	simm.s32 $0x108;
	_ =	swait.ge @!p0 [sflag:s8], $0x0  }
0x24: {  	s3 =	sadd.s32 $0x88, s3;
	s6 =	simm.s32 @!p1 $0x1082;
	[sflag:s4] =	ssyncset.s32 $0xFFFFF086  }
0x25: {  	[simem:s6], [sflag:s4] =	dma.local [hbm:s3], $0xF7A  }
0x26: {  	[smem:$0x3F84] =	sst s1;
	(tag) =	ssettag s2;
	_ =	strace s9  }
0x27: {  	s1 =	sld [smem:$0x3F94]  }
0x28: {  	s2 =	sld [smem:$0x3F95]  }
0x29: {  	s4 =	sld [smem:$0x3F97]  }
0x2a: {  	p0 =	seq.s32 s5, $0x0;
	s5 =	sld [smem:$0x3F98]  }
0x2b: {  	s6 =	sld [smem:$0x3F99]  }
0x2c: {  	s7 =	sld [smem:$0x3F9A]  }
0x2d: {  	s3 =	simm.s32 $0x108;
	s8 =	sld [smem:$0x3F9B]  }
0x2e: {  	s3 =	simm.s32 @!p0 $0x1082;
	s9 =	sld [smem:$0x3F9C]  }
0x2f: {  	lr =	sadd.s32 s0, s3;
	s0 =	sld [smem:$0x3F93]  }
0x30: {  	s3 =	sld [smem:$0x3F96]  }
0x31: {  	[smem:$0x3F9F] =	sst s10  }
0x32: {  	s10 =	sld [smem:$0x3F9D];
	_ =	sdelay $0x3  }
0x33: {  	p0 =	seq.s32 s10, $0x1;
	s10 =	sld [smem:$0x3F9F];
	_ =	sdelay $0x3  }
0x34: {  	[smem:$0x3F9F] =	sst s10  }
0x35: {  	s10 =	sld [smem:$0x3F9E];
	_ =	sdelay $0x3  }
0x36: {  	p1 =	seq.s32 s10, $0x1;
	s10 =	sld [smem:$0x3F9F];
	_ =	sdelay $0x3  }
0x37: {  	[smem:$0x3F9F] =	sst s10  }
0x38: {  	s10 =	sld [smem:$0x3FA0]  }
0x39: {  	_ = 	snop;
	(pc) =	sbr.ind lr, $3  }
0x3a: {  	_ = 	snop  }
0x3b: {  	_ = 	snop  }
0x3c: {  	p2 =	seq.s32 s10, $0x1;
	s10 =	sld [smem:$0x3F9F]  }
0x3d: {  	_ =	shalt  }
0x3e: {  	_ =	shalt  }
0x3f: {  	_ =	shalt  }
0x40: {  	_ =	shalt  }
0x41: {  	_ =	shalt  }
0x42: {  	_ =	shalt  }
0x43: {  	_ =	shalt  }
0x44: {  	_ =	shalt  }
0x45: {  	_ =	shalt  }
0x46: {  	_ =	shalt  }
0x47: {  	_ =	shalt  }
0x48: {  	_ =	shalt  }
0x49: {  	_ =	shalt  }
0x4a: {  	_ =	shalt  }
0x4b: {  	_ =	shalt  }
0x4c: {  	_ =	shalt  }
0x4d: {  	_ =	shalt  }
0x4e: {  	_ =	shalt  }
0x4f: {  	_ =	shalt  }
0x50: {  	_ =	shalt  }
0x51: {  	_ =	shalt  }
0x52: {  	_ =	shalt  }
0x53: {  	_ =	shalt  }
0x54: {  	_ =	shalt  }
0x55: {  	_ =	shalt  }
0x56: {  	_ =	shalt  }
0x57: {  	_ =	shalt  }
0x58: {  	_ =	shalt  }
0x59: {  	_ =	shalt  }
0x5a: {  	_ =	shalt  }
0x5b: {  	_ =	shalt  }
0x5c: {  	_ =	shalt  }
0x5d: {  	_ =	shalt  }
0x5e: {  	_ =	shalt  }
0x5f: {  	_ =	shalt  }
0x60: {  	_ =	shalt  }
0x61: {  	_ =	shalt  }
0x62: {  	_ =	shalt  }
0x63: {  	_ =	shalt  }
0x64: {  	_ =	shalt  }
0x65: {  	_ =	shalt  }
0x66: {  	_ =	shalt  }
0x67: {  	_ =	shalt  }
0x68: {  	_ =	shalt  }
0x69: {  	_ =	shalt  }
0x6a: {  	_ =	shalt  }
0x6b: {  	_ =	shalt  }
0x6c: {  	_ =	shalt  }
0x6d: {  	_ =	shalt  }
0x6e: {  	_ =	shalt  }
0x6f: {  	_ =	shalt  }
0x70: {  	_ =	shalt  }
0x71: {  	_ =	shalt  }
0x72: {  	_ =	shalt  }
0x73: {  	_ =	shalt  }
0x74: {  	_ =	shalt  }
0x75: {  	_ =	shalt  }
0x76: {  	_ =	shalt  }
0x77: {  	_ =	shalt  }
0x78: {  	_ =	shalt  }
0x79: {  	_ =	shalt  }
0x7a: {  	_ =	shalt  }
0x7b: {  	_ =	shalt  }
0x7c: {  	_ =	shalt  }
0x7d: {  	_ =	shalt  }
0x7e: {  	_ =	shalt  }
0x7f: {  	_ =	shalt  }
0x80: {  	_ =	shalt  }
0x81: {  	_ =	shalt  }
0x82: {  	_ =	shalt  }
0x83: {  	_ =	shalt  }
0x84: {  	_ =	shalt  }
0x85: {  	_ =	shalt  }
0x86: {  	_ =	shalt  }
0x87: {  	_ =	shalt  }
.Lfunc_end0:
.L_simem_size_0:
called_computation.2_lowered:
.L_overlay_start_0:
0x88: {  	s2 =	sld [smem:$0x3FD9]  }
0x89: {  	s3 =	sld [smem:$0x3FFE];
	_ =	sdelay $0x1  }
0x8a: {  	s1 =	srdreg.scid  }
0x8b: {  	s0 =	sand.u32 $0x1, s1  }
0x8c: {  	s17 =	sshll.u32 s0, $0xA;
	s2 =	sadd.s32 s3, s2  }
0x8d: {  	s2 =	sadd.s32 s2, s17  }
0x8e: {  	[smem:$0x3FAB] =	sst s2  }
0x8f: {  	_ = 	snop  }
0x90: {  	s2 =	sld [smem:$0x3FD0];
	(tm) =	ssettm $0x1  }
0x91: {  	s18 =	sld [smem:$0x3FFB];
	_ =	sdelay $0x3  }
0x92: {  	_ =	strace s18  }
0x93: {  	s3 =	sld [smem:$0x3FFC];
	_ =	sdelay $0x3  }
0x94: {  	_ =	strace s3  }
0x95: {  	s3 =	sld [smem:$0x3FFD];
	_ =	sdelay $0x3  }
0x96: {  	_ =	strace s3  }
0x97: {  	_ =	strace $0x8FFFFFFF  }
0x98: {  	s19 =	sld [smem:$0x3FDB];
	_ =	sdelay $0x1  }
0x99: {  	s4 =	simm.s32 $_scs_section_size  }
0x9a: {  	s5 =	simm.s32 $_size__tile_overlayer_lowered;
	s6 =	simm.s32 $_tile_overlayer_lowered  }
0x9b: {  	s22 =	simm.s32 $0x1BFF;
	s21 =	sshll.u32 s6, $0x1;
	s3 =	sadd.s32 s4, s19  }
0x9c: {  	s7 =	simm.s32 $0x0;
	s20 =	sshll.u32 s5, $0x1;
	s5 =	sadd.s32 s21, s3  }
0x9d: {  	[timem:s7], [sflag:s22] =	dma.local [hbm:s5], s20  }
0x9e: {  	_ =	swait.ge [sflag:s22], s20  }
0x9f: {  	s4 =	ssub.s32 $0x0, s20;
	[sflag:s22] =	ssyncset.done $0x0  }
0xa0: {  	[sflag:s22] =	ssyncadd.s32 s4;
	_ =	sdelay $0x1  }
0xa1: {  	s23 =	simm.s32 $0x1B8B  }
0xa2: {  	_ =	swait.ge [sflag:s23], $0x1  }
0xa3: {  	[sflag:s23] =	ssyncset.done $0x0  }
0xa4: {  	s25 =	simm.s32 $0x1B8E;
	s24 =	sld [smem:$0x3FFE];
	[sflag:s23] =	ssyncadd.s32 $0xFFFFFFFF  }
0xa5: {  	s26 =	simm.s32 $execute0_lowered;
	[smem:$0x3FD2] =	sst s25  }
0xa6: {  	s5 =	sshll.u32 s26, $0x1;
	_ =	strace $0x8000004C;
	[dreg:$0x1] =	wrdreg $0xFFFFFFFF  }
0xa7: {  	s28 =	simm.s32 $_size_execute0_lowered;
	s3 =	sadd.s32 s3, s5;
	[dreg:$0x0] =	wrdreg $0x0  }
0xa8: {  	s5 =	sshll.u32 s28, $0x1;
	[dreg:$0x2] =	wrdreg s3  }
0xa9: {  	[dreg:$0x3] =	wrdreg s5  }
0xaa: {  	[dreg:$0x4] =	wrdreg $0xC0  }
0xab: {  	_ =	task [dreg:s7], $0x5FFFF  }
0xac: {  	[dreg:$0x1] =	wrdreg $0xFFFFFFFF  }
0xad: {  	[dreg:$0x0] =	wrdreg $0x60  }
0xae: {  	[dreg:$0x2] =	wrdreg s24  }
0xaf: {  	[dreg:$0x3] =	wrdreg s2  }
0xb0: {  	[dreg:$0x4] =	wrdreg $0x9  }
0xb1: {  	_ =	task.clear_ibuf [dreg:s7], $0x5FFFF;
	_ =	strace $0x9000004C  }
0xb2: {  	s29 =	simm.s32 $0x9;
	_ =	strace $0x8000004E  }
0xb3: {  	_ =	swait.ge [sflag:s29], $0x1  }
0xb4: {  	[sflag:s29] =	ssyncadd.s32 $0xFFFFFFFF  }
0xb5: {  	_ =	strace $0x9000004E  }
0xb6: {  	_ =	sfence  }
0xb7: {  	s30 =	sld [smem:$0x0];
	_ =	sdelay $0x2  }
0xb8: {  	s31 =	sshll.u32 s1, $0xD;
	s1 =	sshrl.u32 s1, $0x2  }
0xb9: {  	s3 =	sand.u32 $0x4000, s31;
	s1 =	sadd.s32 s1, s30  }
0xba: {  	s0 =	sor.u32 s3, s0;
	s1 =	sshll.u32 s1, $0x11  }
0xbb: {  	s0 =	sor.u32 s1, s0  }
0xbc: {  	s0 =	sadd.s32 $0x8F2B, s0  }
0xbd: {  	[sflag:s0] =	ssyncadd.remote.s32 $0x1  }
0xbe: {  	_ =	sfence.sel $0xFFFF  }
0xbf: {  	[dreg:$0x0] =	wrdreg $0xFFFFFFFF;
	(pc) =	sbr.abs _section_cstart, $3  }
0xc0: {  	[dreg:$0x1] =	wrdreg $0xFFFFFFFF  }
0xc1: {  	_ =	task.clear_ibuf [dreg:s7], $0x2FFFF;
	_ =	strace $0x9FFFFFFF  }
0xc2: {  	(tm) =	ssettm $0x7FFFFFFF  }
0xc3: {  	_ =	shalt  }
tec
execute0_lowered:
.L_overlay_start_1:
0x0: {  	(tag) =	ssettag $0x1  }
0x1: {  	s0 =	rddreg [dreg:$0x0]  }
0x2: {  	s1 =	rddreg [dreg:$0x1]  }
0x3: {  	s3 =	srdreg.scid;
	s4 =	stileid.u32  }
0x4: {  	s2 =	simm.s32 $0x0;
	s23 =	simm.s32 $0x3;
	s22 =	simm.s32 $0x78  }
0x5: {  	s12 =	simm.s32 $0x400;
	s24 =	simm.s32 $0x80;
	s13 =	simm.s32 $0x4000  }
0x6: {  	s25 =	simm.s32 $0x100;
	s14 =	simm.s32 $0x7C00;
	s26 =	simm.s32 $0x180  }
0x7: {  	s15 =	simm.s32 $0xB800;
	s28 =	simm.s32 $0x200;
	s17 =	simm.s32 $0xF400  }
0x8: {  	s29 =	simm.s32 $0x280;
	s18 =	simm.s32 $0x13000;
	p0 =	por $0x0, $0x0  }
0x9: {  	s30 =	simm.s32 $0x300;
	s19 =	simm.s32 $0x16C00;
	s31 =	simm.s32 $0x380  }
0xa: {  	s20 =	simm.s32 $0x1A800;
	s3 =	sand.u32 $0x1, s3;
	s4 =	sshll.u32 s4, $0x1  }
0xb: {  	[smem:$0x7FF] =	sst s2;
	s4 =	sor.u32 s3, s4;
	s3 =	ssub.s32 $0x2, s3  }
0xc: {  	s16 =	sadd.s32 $0x5E00, s0;
	s0 =	sadd.s32 $0x117800, s0;
	s6 =	sshrl.u32 s3, $0x1  }
0xd: {  	_ =	strace $0x8000004D;
	s5 =	smul.u32 $0x1E000, s4;
	s3 =	ssub.s32 s3, s6  }
0xe: {  	s7 =	sshll.u32 s4, $0x7;
	s4 =	smul.u32 $0x3C00, s4;
	s21 =	smax.u32 s3, $0x1  }
0xf: {  	s1 =	sadd.s32 s1, s7;
	s5 =	sshrl.u32 s5, $0x3;
	p1 =	sne.s32 s21, $0x1  }
.Ltmp0:
0x10: {  	[dreg:$0x3] =	wrdreg s1;
	s4 =	sadd.s32 s0, s4;
	(pc) =	sbr.rel @!p1 .LBB2_3-.Ltmp0, $4  }
0x11: {  	s3 =	simm.s32 $0x2;
	s11 =	sadd.s32 s0, s5;
	s0 =	sadd.s32 $0xFFFFFFFF, s21  }
0x12: {  	s21 =	simm.s32 $0x1;
	s1 =	rddreg [dreg:$0x3];
	s5 =	sadd.s32 $0x780, s11  }
0x13: {  	s6 =	sadd.s32 $0xF00, s11;
	s7 =	sadd.s32 $0x1680, s11;
	s8 =	sadd.s32 $0x1E00, s11  }
0x14: {  	s9 =	sadd.s32 $0x2580, s11;
	s10 =	sadd.s32 $0x2D00, s11;
	s11 =	sadd.s32 $0x3480, s11  }
0x15: {  	[tilespmem:s2], [sflag:$0x3] =	stream.linear.gather [hbm4b:s1+s2], $0x400, $0x38;
	[tilespmem:$0x1E400] =	vst v63  }
0x16: {  	_ =	swait.ge [sflag:s23], $0x400  }
0x17: {  	[sflag:s23] =	ssyncset.done $0x0  }
0x18: {  	[sflag:s23] =	ssyncadd.s32 $0xFFFFFC00  }
0x19: {  	[tilespmem:s12], [sflag:$0x1] =	stream.indirect.gather [hbm4b:s16+s22], $0x80, s2, s22, $0xb8;
	[tilespmem:$0x1E400] =	vst v63  }
0x1a: {  	_ = 	snop  }
0x1b: {  	[tilespmem:s13], [sflag:$0x1] =	stream.indirect.gather [hbm4b:s16+s22], $0x80, s24, s22, $0xb8;
	[tilespmem:$0x1E400] =	vst v63  }
0x1c: {  	_ = 	snop  }
0x1d: {  	[tilespmem:s14], [sflag:$0x1] =	stream.indirect.gather [hbm4b:s16+s22], $0x80, s25, s22, $0xb8;
	[tilespmem:$0x1E400] =	vst v63  }
0x1e: {  	_ = 	snop  }
0x1f: {  	[tilespmem:s15], [sflag:$0x1] =	stream.indirect.gather [hbm4b:s16+s22], $0x80, s26, s22, $0xb8;
	[tilespmem:$0x1E400] =	vst v63  }
0x20: {  	_ = 	snop  }
0x21: {  	[tilespmem:s17], [sflag:$0x1] =	stream.indirect.gather [hbm4b:s16+s22], $0x80, s28, s22, $0xb8;
	[tilespmem:$0x1E400] =	vst v63  }
0x22: {  	_ = 	snop  }
0x23: {  	[tilespmem:s18], [sflag:$0x1] =	stream.indirect.gather [hbm4b:s16+s22], $0x80, s29, s22, $0xb8;
	[tilespmem:$0x1E400] =	vst v63  }
0x24: {  	_ = 	snop  }
0x25: {  	[tilespmem:s19], [sflag:$0x1] =	stream.indirect.gather [hbm4b:s16+s22], $0x80, s30, s22, $0xb8;
	[tilespmem:$0x1E400] =	vst v63  }
0x26: {  	_ = 	snop  }
0x27: {  	[tilespmem:s20], [sflag:$0x1] =	stream.indirect.gather [hbm4b:s16+s22], $0x80, s31, s22, $0xb8;
	[tilespmem:$0x1E400] =	vst v63  }
0x28: {  	_ =	swait.ge [sflag:s21], $0x3C00  }
0x29: {  	[sflag:s21] =	ssyncset.done $0x0  }
0x2a: {  	[sflag:s21] =	ssyncadd.s32 $0xFFFFC400  }
0x2b: {  	_ =	swait.ge [sflag:s21], $0x3C00  }
0x2c: {  	[sflag:s21] =	ssyncset.done $0x0  }
0x2d: {  	[sflag:s21] =	ssyncadd.s32 $0xFFFFC400  }
0x2e: {  	_ =	swait.ge [sflag:s21], $0x3C00  }
0x2f: {  	[sflag:s21] =	ssyncset.done $0x0  }
0x30: {  	[sflag:s21] =	ssyncadd.s32 $0xFFFFC400  }
0x31: {  	_ =	swait.ge [sflag:s21], $0x3C00  }
0x32: {  	[sflag:s21] =	ssyncset.done $0x0  }
0x33: {  	[sflag:s21] =	ssyncadd.s32 $0xFFFFC400  }
0x34: {  	_ =	swait.ge [sflag:s21], $0x3C00  }
0x35: {  	[sflag:s21] =	ssyncset.done $0x0  }
0x36: {  	[sflag:s21] =	ssyncadd.s32 $0xFFFFC400  }
0x37: {  	_ =	swait.ge [sflag:s21], $0x3C00  }
0x38: {  	[sflag:s21] =	ssyncset.done $0x0  }
0x39: {  	[sflag:s21] =	ssyncadd.s32 $0xFFFFC400  }
0x3a: {  	_ =	swait.ge [sflag:s21], $0x3C00  }
0x3b: {  	[sflag:s21] =	ssyncset.done $0x0  }
0x3c: {  	[sflag:s21] =	ssyncadd.s32 $0xFFFFC400  }
0x3d: {  	_ =	swait.ge [sflag:s21], $0x3C00  }
0x3e: {  	[sflag:s21] =	ssyncset.done $0x0  }
0x3f: {  	[sflag:s21] =	ssyncadd.s32 $0xFFFFC400  }
0x40: {  	[hbm4b:s4+s2] =	stream.linear.scatter [tilespmem:s12], [sflag:$0x2], $0x3C00, $0x38;
	[tilespmem:$0x1E400] =	vst v63  }
0x41: {  	_ = 	snop  }
0x42: {  	[hbm4b:s5+s2] =	stream.linear.scatter [tilespmem:s13], [sflag:$0x2], $0x3C00, $0x38;
	[tilespmem:$0x1E400] =	vst v63  }
0x43: {  	_ = 	snop  }
0x44: {  	[hbm4b:s6+s2] =	stream.linear.scatter [tilespmem:s14], [sflag:$0x2], $0x3C00, $0x38;
	[tilespmem:$0x1E400] =	vst v63  }
0x45: {  	_ = 	snop  }
0x46: {  	[hbm4b:s7+s2] =	stream.linear.scatter [tilespmem:s15], [sflag:$0x2], $0x3C00, $0x38;
	[tilespmem:$0x1E400] =	vst v63  }
0x47: {  	_ = 	snop  }
0x48: {  	[hbm4b:s8+s2] =	stream.linear.scatter [tilespmem:s17], [sflag:$0x2], $0x3C00, $0x38;
	[tilespmem:$0x1E400] =	vst v63  }
0x49: {  	_ = 	snop  }
0x4a: {  	[hbm4b:s9+s2] =	stream.linear.scatter [tilespmem:s18], [sflag:$0x2], $0x3C00, $0x38;
	[tilespmem:$0x1E400] =	vst v63  }
0x4b: {  	_ = 	snop  }
0x4c: {  	[hbm4b:s10+s2] =	stream.linear.scatter [tilespmem:s19], [sflag:$0x2], $0x3C00, $0x38;
	[tilespmem:$0x1E400] =	vst v63  }
0x4d: {  	_ = 	snop  }
0x4e: {  	[hbm4b:s11+s2] =	stream.linear.scatter [tilespmem:s20], [sflag:$0x2], $0x3C00, $0x38;
	[tilespmem:$0x1E400] =	vst v63  }
0x4f: {  	_ =	swait.ge [sflag:s3], $0x3C00  }
0x50: {  	[sflag:s3] =	ssyncset.done $0x0  }
0x51: {  	[sflag:s3] =	ssyncadd.s32 $0xFFFFC400  }
0x52: {  	_ =	swait.ge [sflag:s3], $0x3C00  }
0x53: {  	[sflag:s3] =	ssyncset.done $0x0  }
0x54: {  	[sflag:s3] =	ssyncadd.s32 $0xFFFFC400  }
0x55: {  	_ =	swait.ge [sflag:s3], $0x3C00  }
0x56: {  	[sflag:s3] =	ssyncset.done $0x0  }
0x57: {  	[sflag:s3] =	ssyncadd.s32 $0xFFFFC400  }
0x58: {  	_ =	swait.ge [sflag:s3], $0x3C00  }
0x59: {  	[sflag:s3] =	ssyncset.done $0x0  }
0x5a: {  	[sflag:s3] =	ssyncadd.s32 $0xFFFFC400  }
0x5b: {  	_ =	swait.ge [sflag:s3], $0x3C00  }
0x5c: {  	[sflag:s3] =	ssyncset.done $0x0  }
0x5d: {  	[sflag:s3] =	ssyncadd.s32 $0xFFFFC400  }
0x5e: {  	_ =	swait.ge [sflag:s3], $0x3C00  }
0x5f: {  	[sflag:s3] =	ssyncset.done $0x0  }
0x60: {  	p1 =	sne.s32 s0, $0x1;
	[sflag:s3] =	ssyncadd.s32 $0xFFFFC400  }
.Ltmp1:
0x61: {  	_ =	swait.ge [sflag:s3], $0x3C00;
	(pc) =	sbr.rel @!p1 .LBB2_3-.Ltmp1, $4  }
0x62: {  	[sflag:s3] =	ssyncset.done $0x0  }
0x63: {  	[sflag:s3] =	ssyncadd.s32 $0xFFFFC400  }
0x64: {  	s0 =	sadd.s32 $0xFFFFFFFF, s0;
	_ =	swait.ge [sflag:s3], $0x3C00  }
0x65: {  	p0 =	por $0x1, $0x1;
	s1 =	rddreg [dreg:$0x3];
	[sflag:s3] =	ssyncset.done $0x0  }
.LBB2_2:
0x66: {  	[sflag:s3] =	ssyncadd.s32 $0xFFFFC400  }
0x67: {  	[tilespmem:s2], [sflag:$0x3] =	stream.linear.gather [hbm4b:s1+s2], $0x400, $0x38;
	[tilespmem:$0x1E400] =	vst v63  }
0x68: {  	_ =	swait.ge [sflag:s23], $0x400  }
0x69: {  	[sflag:s23] =	ssyncset.done $0x0  }
0x6a: {  	[sflag:s23] =	ssyncadd.s32 $0xFFFFFC00  }
0x6b: {  	[tilespmem:s12], [sflag:$0x1] =	stream.indirect.gather [hbm4b:s16+s22], $0x80, s2, s22, $0xb8;
	[tilespmem:$0x1E400] =	vst v63  }
0x6c: {  	_ = 	snop  }
0x6d: {  	[tilespmem:s13], [sflag:$0x1] =	stream.indirect.gather [hbm4b:s16+s22], $0x80, s24, s22, $0xb8;
	[tilespmem:$0x1E400] =	vst v63  }
0x6e: {  	_ = 	snop  }
0x6f: {  	[tilespmem:s14], [sflag:$0x1] =	stream.indirect.gather [hbm4b:s16+s22], $0x80, s25, s22, $0xb8;
	[tilespmem:$0x1E400] =	vst v63  }
0x70: {  	_ = 	snop  }
0x71: {  	[tilespmem:s15], [sflag:$0x1] =	stream.indirect.gather [hbm4b:s16+s22], $0x80, s26, s22, $0xb8;
	[tilespmem:$0x1E400] =	vst v63  }
0x72: {  	_ = 	snop  }
0x73: {  	[tilespmem:s17], [sflag:$0x1] =	stream.indirect.gather [hbm4b:s16+s22], $0x80, s28, s22, $0xb8;
	[tilespmem:$0x1E400] =	vst v63  }
0x74: {  	_ = 	snop  }
0x75: {  	[tilespmem:s18], [sflag:$0x1] =	stream.indirect.gather [hbm4b:s16+s22], $0x80, s29, s22, $0xb8;
	[tilespmem:$0x1E400] =	vst v63  }
0x76: {  	_ = 	snop  }
0x77: {  	[tilespmem:s19], [sflag:$0x1] =	stream.indirect.gather [hbm4b:s16+s22], $0x80, s30, s22, $0xb8;
	[tilespmem:$0x1E400] =	vst v63  }
0x78: {  	_ = 	snop  }
0x79: {  	[tilespmem:s20], [sflag:$0x1] =	stream.indirect.gather [hbm4b:s16+s22], $0x80, s31, s22, $0xb8;
	[tilespmem:$0x1E400] =	vst v63  }
0x7a: {  	_ =	swait.ge [sflag:s21], $0x3C00  }
0x7b: {  	[sflag:s21] =	ssyncset.done $0x0  }
0x7c: {  	[sflag:s21] =	ssyncadd.s32 $0xFFFFC400  }
0x7d: {  	_ =	swait.ge [sflag:s21], $0x3C00  }
0x7e: {  	[sflag:s21] =	ssyncset.done $0x0  }
0x7f: {  	[sflag:s21] =	ssyncadd.s32 $0xFFFFC400  }
0x80: {  	_ =	swait.ge [sflag:s21], $0x3C00  }
0x81: {  	[sflag:s21] =	ssyncset.done $0x0  }
0x82: {  	[sflag:s21] =	ssyncadd.s32 $0xFFFFC400  }
0x83: {  	_ =	swait.ge [sflag:s21], $0x3C00  }
0x84: {  	[sflag:s21] =	ssyncset.done $0x0  }
0x85: {  	[sflag:s21] =	ssyncadd.s32 $0xFFFFC400  }
0x86: {  	_ =	swait.ge [sflag:s21], $0x3C00  }
0x87: {  	[sflag:s21] =	ssyncset.done $0x0  }
0x88: {  	[sflag:s21] =	ssyncadd.s32 $0xFFFFC400  }
0x89: {  	_ =	swait.ge [sflag:s21], $0x3C00  }
0x8a: {  	[sflag:s21] =	ssyncset.done $0x0  }
0x8b: {  	[sflag:s21] =	ssyncadd.s32 $0xFFFFC400  }
0x8c: {  	_ =	swait.ge [sflag:s21], $0x3C00  }
0x8d: {  	[sflag:s21] =	ssyncset.done $0x0  }
0x8e: {  	[sflag:s21] =	ssyncadd.s32 $0xFFFFC400  }
0x8f: {  	_ =	swait.ge [sflag:s21], $0x3C00  }
0x90: {  	[sflag:s21] =	ssyncset.done $0x0  }
0x91: {  	[sflag:s21] =	ssyncadd.s32 $0xFFFFC400  }
0x92: {  	[hbm4b:s4+s2] =	stream.linear.scatter [tilespmem:s12], [sflag:$0x2], $0x3C00, $0x38;
	[tilespmem:$0x1E400] =	vst v63  }
0x93: {  	_ = 	snop  }
0x94: {  	[hbm4b:s5+s2] =	stream.linear.scatter [tilespmem:s13], [sflag:$0x2], $0x3C00, $0x38;
	[tilespmem:$0x1E400] =	vst v63  }
0x95: {  	_ = 	snop  }
0x96: {  	[hbm4b:s6+s2] =	stream.linear.scatter [tilespmem:s14], [sflag:$0x2], $0x3C00, $0x38;
	[tilespmem:$0x1E400] =	vst v63  }
0x97: {  	_ = 	snop  }
0x98: {  	[hbm4b:s7+s2] =	stream.linear.scatter [tilespmem:s15], [sflag:$0x2], $0x3C00, $0x38;
	[tilespmem:$0x1E400] =	vst v63  }
0x99: {  	_ = 	snop  }
0x9a: {  	[hbm4b:s8+s2] =	stream.linear.scatter [tilespmem:s17], [sflag:$0x2], $0x3C00, $0x38;
	[tilespmem:$0x1E400] =	vst v63  }
0x9b: {  	_ = 	snop  }
0x9c: {  	[hbm4b:s9+s2] =	stream.linear.scatter [tilespmem:s18], [sflag:$0x2], $0x3C00, $0x38;
	[tilespmem:$0x1E400] =	vst v63  }
0x9d: {  	_ = 	snop  }
0x9e: {  	[hbm4b:s10+s2] =	stream.linear.scatter [tilespmem:s19], [sflag:$0x2], $0x3C00, $0x38;
	[tilespmem:$0x1E400] =	vst v63  }
0x9f: {  	_ = 	snop  }
0xa0: {  	[hbm4b:s11+s2] =	stream.linear.scatter [tilespmem:s20], [sflag:$0x2], $0x3C00, $0x38;
	[tilespmem:$0x1E400] =	vst v63  }
0xa1: {  	_ =	swait.ge [sflag:s3], $0x3C00  }
0xa2: {  	[sflag:s3] =	ssyncset.done $0x0  }
0xa3: {  	[sflag:s3] =	ssyncadd.s32 $0xFFFFC400  }
0xa4: {  	_ =	swait.ge [sflag:s3], $0x3C00  }
0xa5: {  	[sflag:s3] =	ssyncset.done $0x0  }
0xa6: {  	[sflag:s3] =	ssyncadd.s32 $0xFFFFC400  }
0xa7: {  	_ =	swait.ge [sflag:s3], $0x3C00  }
0xa8: {  	[sflag:s3] =	ssyncset.done $0x0  }
0xa9: {  	[sflag:s3] =	ssyncadd.s32 $0xFFFFC400  }
0xaa: {  	_ =	swait.ge [sflag:s3], $0x3C00  }
0xab: {  	[sflag:s3] =	ssyncset.done $0x0  }
0xac: {  	[sflag:s3] =	ssyncadd.s32 $0xFFFFC400  }
0xad: {  	_ =	swait.ge [sflag:s3], $0x3C00  }
0xae: {  	[sflag:s3] =	ssyncset.done $0x0  }
0xaf: {  	[sflag:s3] =	ssyncadd.s32 $0xFFFFC400  }
0xb0: {  	_ =	swait.ge [sflag:s3], $0x3C00  }
0xb1: {  	[sflag:s3] =	ssyncset.done $0x0  }
0xb2: {  	p1 =	sne.s32 s0, $0x1;
	[sflag:s3] =	ssyncadd.s32 $0xFFFFC400  }
.Ltmp2:
0xb3: {  	_ =	swait.ge [sflag:s3], $0x3C00;
	(pc) =	sbr.rel @p1 .LBB2_2-.Ltmp2, $4  }
0xb4: {  	[sflag:s3] =	ssyncset.done $0x0  }
0xb5: {  	[sflag:s3] =	ssyncadd.s32 $0xFFFFC400  }
0xb6: {  	_ =	swait.ge [sflag:s3], $0x3C00  }
0xb7: {  	s0 =	sadd.s32 $0xFFFFFFFF, s0;
	s1 =	rddreg [dreg:$0x3];
	[sflag:s3] =	ssyncset.done $0x0  }
.LBB2_3:
0xb8: {  	[sflag:s3] =	ssyncadd.s32 @p0 $0xFFFFC400  }
0xb9: {  	[tilespmem:s2], [sflag:$0x3] =	stream.linear.gather [hbm4b:s1+s2], $0x400, $0x38;
	[tilespmem:$0x1E400] =	vst v63  }
0xba: {  	_ =	swait.ge [sflag:s23], $0x400  }
0xbb: {  	[sflag:s23] =	ssyncset.done $0x0  }
0xbc: {  	[sflag:s23] =	ssyncadd.s32 $0xFFFFFC00  }
0xbd: {  	[tilespmem:s12], [sflag:$0x1] =	stream.indirect.gather [hbm4b:s16+s22], $0x80, s2, s22, $0xb8;
	[tilespmem:$0x1E400] =	vst v63  }
0xbe: {  	_ = 	snop  }
0xbf: {  	[tilespmem:s13], [sflag:$0x1] =	stream.indirect.gather [hbm4b:s16+s22], $0x80, s24, s22, $0xb8;
	[tilespmem:$0x1E400] =	vst v63  }
0xc0: {  	_ = 	snop  }
0xc1: {  	[tilespmem:s14], [sflag:$0x1] =	stream.indirect.gather [hbm4b:s16+s22], $0x80, s25, s22, $0xb8;
	[tilespmem:$0x1E400] =	vst v63  }
0xc2: {  	_ = 	snop  }
0xc3: {  	[tilespmem:s15], [sflag:$0x1] =	stream.indirect.gather [hbm4b:s16+s22], $0x80, s26, s22, $0xb8;
	[tilespmem:$0x1E400] =	vst v63  }
0xc4: {  	_ = 	snop  }
0xc5: {  	[tilespmem:s17], [sflag:$0x1] =	stream.indirect.gather [hbm4b:s16+s22], $0x80, s28, s22, $0xb8;
	[tilespmem:$0x1E400] =	vst v63  }
0xc6: {  	_ = 	snop  }
0xc7: {  	[tilespmem:s18], [sflag:$0x1] =	stream.indirect.gather [hbm4b:s16+s22], $0x80, s29, s22, $0xb8;
	[tilespmem:$0x1E400] =	vst v63  }
0xc8: {  	_ = 	snop  }
0xc9: {  	[tilespmem:s19], [sflag:$0x1] =	stream.indirect.gather [hbm4b:s16+s22], $0x80, s30, s22, $0xb8;
	[tilespmem:$0x1E400] =	vst v63  }
0xca: {  	_ = 	snop  }
0xcb: {  	[tilespmem:s20], [sflag:$0x1] =	stream.indirect.gather [hbm4b:s16+s22], $0x80, s31, s22, $0xb8;
	[tilespmem:$0x1E400] =	vst v63  }
0xcc: {  	_ =	swait.ge [sflag:s21], $0x3C00  }
0xcd: {  	[sflag:s21] =	ssyncset.done $0x0  }
0xce: {  	[sflag:s21] =	ssyncadd.s32 $0xFFFFC400  }
0xcf: {  	_ =	swait.ge [sflag:s21], $0x3C00  }
0xd0: {  	[sflag:s21] =	ssyncset.done $0x0  }
0xd1: {  	[sflag:s21] =	ssyncadd.s32 $0xFFFFC400  }
0xd2: {  	_ =	swait.ge [sflag:s21], $0x3C00  }
0xd3: {  	[sflag:s21] =	ssyncset.done $0x0  }
0xd4: {  	[sflag:s21] =	ssyncadd.s32 $0xFFFFC400  }
0xd5: {  	_ =	swait.ge [sflag:s21], $0x3C00  }
0xd6: {  	[sflag:s21] =	ssyncset.done $0x0  }
0xd7: {  	[sflag:s21] =	ssyncadd.s32 $0xFFFFC400  }
0xd8: {  	_ =	swait.ge [sflag:s21], $0x3C00  }
0xd9: {  	[sflag:s21] =	ssyncset.done $0x0  }
0xda: {  	[sflag:s21] =	ssyncadd.s32 $0xFFFFC400  }
0xdb: {  	_ =	swait.ge [sflag:s21], $0x3C00  }
0xdc: {  	[sflag:s21] =	ssyncset.done $0x0  }
0xdd: {  	[sflag:s21] =	ssyncadd.s32 $0xFFFFC400  }
0xde: {  	_ =	swait.ge [sflag:s21], $0x3C00  }
0xdf: {  	[sflag:s21] =	ssyncset.done $0x0  }
0xe0: {  	[sflag:s21] =	ssyncadd.s32 $0xFFFFC400  }
0xe1: {  	_ =	swait.ge [sflag:s21], $0x3C00  }
0xe2: {  	[sflag:s21] =	ssyncset.done $0x0  }
0xe3: {  	[sflag:s21] =	ssyncadd.s32 $0xFFFFC400  }
0xe4: {  	[hbm4b:s4+s2] =	stream.linear.scatter [tilespmem:s12], [sflag:$0x2], $0x3C00, $0x38;
	[tilespmem:$0x1E400] =	vst v63  }
0xe5: {  	_ = 	snop  }
0xe6: {  	[hbm4b:s5+s2] =	stream.linear.scatter [tilespmem:s13], [sflag:$0x2], $0x3C00, $0x38;
	[tilespmem:$0x1E400] =	vst v63  }
0xe7: {  	_ = 	snop  }
0xe8: {  	[hbm4b:s6+s2] =	stream.linear.scatter [tilespmem:s14], [sflag:$0x2], $0x3C00, $0x38;
	[tilespmem:$0x1E400] =	vst v63  }
0xe9: {  	_ = 	snop  }
0xea: {  	[hbm4b:s7+s2] =	stream.linear.scatter [tilespmem:s15], [sflag:$0x2], $0x3C00, $0x38;
	[tilespmem:$0x1E400] =	vst v63  }
0xeb: {  	_ = 	snop  }
0xec: {  	[hbm4b:s8+s2] =	stream.linear.scatter [tilespmem:s17], [sflag:$0x2], $0x3C00, $0x38;
	[tilespmem:$0x1E400] =	vst v63  }
0xed: {  	_ = 	snop  }
0xee: {  	[hbm4b:s9+s2] =	stream.linear.scatter [tilespmem:s18], [sflag:$0x2], $0x3C00, $0x38;
	[tilespmem:$0x1E400] =	vst v63  }
0xef: {  	_ = 	snop  }
0xf0: {  	[hbm4b:s10+s2] =	stream.linear.scatter [tilespmem:s19], [sflag:$0x2], $0x3C00, $0x38;
	[tilespmem:$0x1E400] =	vst v63  }
0xf1: {  	_ = 	snop  }
0xf2: {  	[hbm4b:s11+s2] =	stream.linear.scatter [tilespmem:s20], [sflag:$0x2], $0x3C00, $0x38;
	[tilespmem:$0x1E400] =	vst v63  }
0xf3: {  	_ =	swait.ge [sflag:s3], $0x3C00  }
0xf4: {  	[sflag:s3] =	ssyncset.done $0x0  }
0xf5: {  	[sflag:s3] =	ssyncadd.s32 $0xFFFFC400  }
0xf6: {  	_ =	swait.ge [sflag:s3], $0x3C00  }
0xf7: {  	[sflag:s3] =	ssyncset.done $0x0  }
0xf8: {  	[sflag:s3] =	ssyncadd.s32 $0xFFFFC400  }
0xf9: {  	_ =	swait.ge [sflag:s3], $0x3C00  }
0xfa: {  	[sflag:s3] =	ssyncset.done $0x0  }
0xfb: {  	[sflag:s3] =	ssyncadd.s32 $0xFFFFC400  }
0xfc: {  	_ =	swait.ge [sflag:s3], $0x3C00  }
0xfd: {  	[sflag:s3] =	ssyncset.done $0x0  }
0xfe: {  	[sflag:s3] =	ssyncadd.s32 $0xFFFFC400  }
0xff: {  	_ =	swait.ge [sflag:s3], $0x3C00  }
0x100: {  	[sflag:s3] =	ssyncset.done $0x0  }
0x101: {  	[sflag:s3] =	ssyncadd.s32 $0xFFFFC400  }
0x102: {  	_ =	swait.ge [sflag:s3], $0x3C00  }
0x103: {  	[sflag:s3] =	ssyncset.done $0x0  }
0x104: {  	[sflag:s3] =	ssyncadd.s32 $0xFFFFC400  }
0x105: {  	_ =	swait.ge [sflag:s3], $0x3C00  }
0x106: {  	[sflag:s3] =	ssyncset.done $0x0  }
0x107: {  	[sflag:s3] =	ssyncadd.s32 $0xFFFFC400  }
0x108: {  	_ =	swait.ge [sflag:s3], $0x3C00  }
0x109: {  	[sflag:s3] =	ssyncset.done $0x0  }
0x10a: {  	[sflag:s3] =	ssyncadd.s32 $0xFFFFC400  }
0x10b: {  	_ =	sfence.sel $0x180000  }
0x10c: {  	[bflag:$0x0] =	sbarrier.arrive $0xFFFF  }
0x10d: {  	_ =	strace $0x9000004D  }
0x10e: {  	s0 =	stileid.u32;
	[bflag:$0x2] =	sbarrier.arrive $0xFFFF  }
0x10f: {  	p0 =	sne.s32 s0, $0x0;
	s0 =	rddreg [dreg:$0x2]  }
0x110: {  	s0 =	sadd.s32 @!p0 $0x100000, s0  }
0x111: {  	[sflag:s0] =	ssyncadd.tile.s32 @!p0 $0x1;
	_ =	shalt  }
.Lfunc_end2:
_tile_overlayer_lowered:
.L_overlay_start_2:
0x112: {  	(tag) =	ssettag $0x2  }
0x113: {  	s0 =	rddreg [dreg:$0x0];
	s2 =	stileid.u32  }
0x114: {  	s1 =	rddreg [dreg:$0x1];
	p0 =	sne.s32 s2, $0x0  }
0x115: {  	s3 =	rddreg [dreg:$0x2];
	[bflag:$0x3] =	sbarrier.arrive $0xFFFF;
	s2 =	simm.s32 @!p0 $0x1C03  }
0x116: {  	[timem:s3], [sflag:s2] =	dma.local @!p0 [hbm:s0], s1  }
0x117: {  	s0 =	simm.s32 @!p0 $0x3  }
0x118: {  	_ =	swait.ge @!p0 [sflag:s0], s1  }
0x119: {  	s1 =	ssub.s32 @!p0 $0x0, s1;
	[sflag:s0] =	ssyncset.done @!p0 $0x0  }
0x11a: {  	[sflag:s0] =	ssyncadd.s32 @!p0 s1  }
0x11b: {  	[bflag:$0x3] =	sbarrier.arrive $0xFFFF  }
0x11c: {  	_ =	shalt  }

// kernel: kernel.9.cloned.1.call-start
scs
__scs_entry_jumppad:
0x0: {  	(pc) =	sbr.rel $0x88, $3  }
0x1: {  	(tag) =	ssettag $0x0;
	lr =	simm.s32 $0x1  }
0x2: {  	[smem:$0x3F84] =	sst lr;
	_ =	strace $0xD0000000  }
0x3: {  	_ = 	snop  }
0x4: {  	_ = 	snop  }
0x5: {  	_ = 	snop  }
0x6: {  	_ = 	snop  }
0x7: {  	_ = 	snop  }
__scs_overlays_trampoline_lowered:
0x8: {  	[smem:$0x3F93] =	sst s0  }
0x9: {  	[smem:$0x3F94] =	sst s1  }
0xa: {  	[smem:$0x3F95] =	sst s2  }
0xb: {  	[smem:$0x3F96] =	sst s3  }
0xc: {  	[smem:$0x3F97] =	sst s4  }
0xd: {  	[smem:$0x3F98] =	sst s5  }
0xe: {  	[smem:$0x3F99] =	sst s6  }
0xf: {  	[smem:$0x3F9A] =	sst s7  }
0x10: {  	[smem:$0x3F9B] =	sst s8  }
0x11: {  	[smem:$0x3F9C] =	sst s9;
	s0 =	simm.s32 @!p0 $0x0  }
0x12: {  	s1 =	sld [smem:$0x3F82];
	s0 =	simm.s32 @p0 $0x1  }
0x13: {  	[smem:$0x3F9D] =	sst s0;
	s0 =	simm.s32 @!p1 $0x0  }
0x14: {  	s2 =	sld [smem:$0x3F81];
	s0 =	simm.s32 @p1 $0x1  }
0x15: {  	[smem:$0x3F9E] =	sst s0;
	s0 =	simm.s32 @!p2 $0x0  }
0x16: {  	s3 =	sld [smem:$0x3FDB];
	s0 =	simm.s32 @p2 $0x1  }
0x17: {  	s4 =	simm.s32 $0x1BF5;
	[smem:$0x3FA0] =	sst s0  }
0x18: {  	s0 =	sld [smem:$0x3F83];
	_ =	swait.ge [sflag:s4], $0x0  }
0x19: {  	s7 =	sld [smem:$0x3F84]  }
0x1a: {  	s8 =	sadd.s32 $0xFFFFE003, lr  }
0x1b: {  	s9 =	sadd.s32 $0xFFFFFEF7, lr;
	s5 =	simm.s32 $0xFFFFFFFF;
	p2 =	slt.u32 s8, $0xFFFFF086  }
0x1c: {  	p1 =	slt.u32 s9, $0xF7A;
	s5 =	simm.s32 @!p2 $0x0  }
0x1d: {  	s5 =	simm.s32 @p1 $0x1;
	p0 =	seq.s32 s7, s2  }
0x1e: {  	s7 =	smul.u32 @!p0 $0xF7A, s2;
	p2 =	seq.s32 @!p0 s5, $0x0  }
0x1f: {  	s9 =	smul.u32 $0xF7A, s1;
	s8 =	simm.s32 @!p0 $0x1BF5;
	p2 =	por !p2, p0  }
0x20: {  	[sflag:s8] =	ssyncset.s32 @!p0 $0xFFFFF086;
	s6 =	sadd.s32 @!p0 s3, s7;
	s7 =	simm.s32 @!p0 $0x108  }
0x21: {  	s3 =	sadd.s32 s3, s9;
	s6 =	sadd.s32 @!p0 $0x88, s6;
	s7 =	simm.s32 @p2 $0x1082  }
0x22: {  	[simem:s7], [sflag:s8] =	dma.local @!p0 [hbm:s6], $0xF7A  }
0x23: {  	s9 =	sor.u32 $0xD0000000, s2;
	s6 =	simm.s32 $0x108;
	_ =	swait.ge @!p0 [sflag:s8], $0x0  }
0x24: {  	s3 =	sadd.s32 $0x88, s3;
	s6 =	simm.s32 @!p1 $0x1082;
	[sflag:s4] =	ssyncset.s32 $0xFFFFF086  }
0x25: {  	[simem:s6], [sflag:s4] =	dma.local [hbm:s3], $0xF7A  }
0x26: {  	[smem:$0x3F84] =	sst s1;
	(tag) =	ssettag s2;
	_ =	strace s9  }
0x27: {  	s1 =	sld [smem:$0x3F94]  }
0x28: {  	s2 =	sld [smem:$0x3F95]  }
0x29: {  	s4 =	sld [smem:$0x3F97]  }
0x2a: {  	p0 =	seq.s32 s5, $0x0;
	s5 =	sld [smem:$0x3F98]  }
0x2b: {  	s6 =	sld [smem:$0x3F99]  }
0x2c: {  	s7 =	sld [smem:$0x3F9A]  }
0x2d: {  	s3 =	simm.s32 $0x108;
	s8 =	sld [smem:$0x3F9B]  }
0x2e: {  	s3 =	simm.s32 @!p0 $0x1082;
	s9 =	sld [smem:$0x3F9C]  }
0x2f: {  	lr =	sadd.s32 s0, s3;
	s0 =	sld [smem:$0x3F93]  }
0x30: {  	s3 =	sld [smem:$0x3F96]  }
0x31: {  	[smem:$0x3F9F] =	sst s10  }
0x32: {  	s10 =	sld [smem:$0x3F9D];
	_ =	sdelay $0x3  }
0x33: {  	p0 =	seq.s32 s10, $0x1;
	s10 =	sld [smem:$0x3F9F];
	_ =	sdelay $0x3  }
0x34: {  	[smem:$0x3F9F] =	sst s10  }
0x35: {  	s10 =	sld [smem:$0x3F9E];
	_ =	sdelay $0x3  }
0x36: {  	p1 =	seq.s32 s10, $0x1;
	s10 =	sld [smem:$0x3F9F];
	_ =	sdelay $0x3  }
0x37: {  	[smem:$0x3F9F] =	sst s10  }
0x38: {  	s10 =	sld [smem:$0x3FA0]  }
0x39: {  	_ = 	snop;
	(pc) =	sbr.ind lr, $3  }
0x3a: {  	_ = 	snop  }
0x3b: {  	_ = 	snop  }
0x3c: {  	p2 =	seq.s32 s10, $0x1;
	s10 =	sld [smem:$0x3F9F]  }
0x3d: {  	_ =	shalt  }
0x3e: {  	_ =	shalt  }
0x3f: {  	_ =	shalt  }
0x40: {  	_ =	shalt  }
0x41: {  	_ =	shalt  }
0x42: {  	_ =	shalt  }
0x43: {  	_ =	shalt  }
0x44: {  	_ =	shalt  }
0x45: {  	_ =	shalt  }
0x46: {  	_ =	shalt  }
0x47: {  	_ =	shalt  }
0x48: {  	_ =	shalt  }
0x49: {  	_ =	shalt  }
0x4a: {  	_ =	shalt  }
0x4b: {  	_ =	shalt  }
0x4c: {  	_ =	shalt  }
0x4d: {  	_ =	shalt  }
0x4e: {  	_ =	shalt  }
0x4f: {  	_ =	shalt  }
0x50: {  	_ =	shalt  }
0x51: {  	_ =	shalt  }
0x52: {  	_ =	shalt  }
0x53: {  	_ =	shalt  }
0x54: {  	_ =	shalt  }
0x55: {  	_ =	shalt  }
0x56: {  	_ =	shalt  }
0x57: {  	_ =	shalt  }
0x58: {  	_ =	shalt  }
0x59: {  	_ =	shalt  }
0x5a: {  	_ =	shalt  }
0x5b: {  	_ =	shalt  }
0x5c: {  	_ =	shalt  }
0x5d: {  	_ =	shalt  }
0x5e: {  	_ =	shalt  }
0x5f: {  	_ =	shalt  }
0x60: {  	_ =	shalt  }
0x61: {  	_ =	shalt  }
0x62: {  	_ =	shalt  }
0x63: {  	_ =	shalt  }
0x64: {  	_ =	shalt  }
0x65: {  	_ =	shalt  }
0x66: {  	_ =	shalt  }
0x67: {  	_ =	shalt  }
0x68: {  	_ =	shalt  }
0x69: {  	_ =	shalt  }
0x6a: {  	_ =	shalt  }
0x6b: {  	_ =	shalt  }
0x6c: {  	_ =	shalt  }
0x6d: {  	_ =	shalt  }
0x6e: {  	_ =	shalt  }
0x6f: {  	_ =	shalt  }
0x70: {  	_ =	shalt  }
0x71: {  	_ =	shalt  }
0x72: {  	_ =	shalt  }
0x73: {  	_ =	shalt  }
0x74: {  	_ =	shalt  }
0x75: {  	_ =	shalt  }
0x76: {  	_ =	shalt  }
0x77: {  	_ =	shalt  }
0x78: {  	_ =	shalt  }
0x79: {  	_ =	shalt  }
0x7a: {  	_ =	shalt  }
0x7b: {  	_ =	shalt  }
0x7c: {  	_ =	shalt  }
0x7d: {  	_ =	shalt  }
0x7e: {  	_ =	shalt  }
0x7f: {  	_ =	shalt  }
0x80: {  	_ =	shalt  }
0x81: {  	_ =	shalt  }
0x82: {  	_ =	shalt  }
0x83: {  	_ =	shalt  }
0x84: {  	_ =	shalt  }
0x85: {  	_ =	shalt  }
0x86: {  	_ =	shalt  }
0x87: {  	_ =	shalt  }
.Lfunc_end0:
.L_simem_size_0:
called_computation_lowered:
.L_overlay_start_0:
0x88: {  	s2 =	sld [smem:$0x3FD9]  }
0x89: {  	s3 =	sld [smem:$0x3FFE];
	_ =	sdelay $0x1  }
0x8a: {  	s1 =	srdreg.scid  }
0x8b: {  	s0 =	sand.u32 $0x1, s1  }
0x8c: {  	s17 =	sshll.u32 s0, $0xA;
	s2 =	sadd.s32 s3, s2  }
0x8d: {  	s2 =	sadd.s32 s2, s17  }
0x8e: {  	[smem:$0x3FAB] =	sst s2  }
0x8f: {  	_ = 	snop  }
0x90: {  	s2 =	sld [smem:$0x3FC9]  }
0x91: {  	s18 =	sld [smem:$0x3FD0];
	(tm) =	ssettm $0x1  }
0x92: {  	s4 =	sld [smem:$0x3FFB];
	_ =	sdelay $0x3  }
0x93: {  	_ =	strace s4  }
0x94: {  	s4 =	sld [smem:$0x3FFC];
	_ =	sdelay $0x3  }
0x95: {  	_ =	strace s4  }
0x96: {  	s4 =	sld [smem:$0x3FFD];
	_ =	sdelay $0x3  }
0x97: {  	_ =	strace s4  }
0x98: {  	_ =	strace $0x8FFFFFFF  }
0x99: {  	s19 =	sld [smem:$0x3FDB];
	_ =	sdelay $0x1  }
0x9a: {  	s5 =	simm.s32 $_scs_section_size  }
0x9b: {  	s6 =	simm.s32 $_size__tile_overlayer_lowered;
	s7 =	simm.s32 $_tile_overlayer_lowered  }
0x9c: {  	s22 =	simm.s32 $0x1BFF;
	s21 =	sshll.u32 s7, $0x1;
	s4 =	sadd.s32 s5, s19  }
0x9d: {  	s8 =	simm.s32 $0x0;
	s20 =	sshll.u32 s6, $0x1;
	s6 =	sadd.s32 s21, s4  }
0x9e: {  	[timem:s8], [sflag:s22] =	dma.local [hbm:s6], s20  }
0x9f: {  	_ =	swait.ge [sflag:s22], s20  }
0xa0: {  	s5 =	ssub.s32 $0x0, s20;
	[sflag:s22] =	ssyncset.done $0x0  }
0xa1: {  	[sflag:s22] =	ssyncadd.s32 s5;
	_ =	sdelay $0x1  }
0xa2: {  	s23 =	simm.s32 $0x1B8B  }
0xa3: {  	_ =	swait.ge [sflag:s23], $0x1  }
0xa4: {  	[sflag:s23] =	ssyncset.done $0x0  }
0xa5: {  	s25 =	simm.s32 $0x1B8E;
	s24 =	sld [smem:$0x3FFE];
	[sflag:s23] =	ssyncadd.s32 $0xFFFFFFFF  }
0xa6: {  	s26 =	simm.s32 $execute0_lowered;
	[smem:$0x3FD2] =	sst s25  }
0xa7: {  	s6 =	sshll.u32 s26, $0x1;
	_ =	strace $0x80000046;
	[dreg:$0x1] =	wrdreg $0xFFFFFFFF  }
0xa8: {  	s28 =	simm.s32 $_size_execute0_lowered;
	s4 =	sadd.s32 s4, s6;
	[dreg:$0x0] =	wrdreg $0x0  }
0xa9: {  	s6 =	sshll.u32 s28, $0x1;
	[dreg:$0x2] =	wrdreg s4  }
0xaa: {  	[dreg:$0x3] =	wrdreg s6  }
0xab: {  	[dreg:$0x4] =	wrdreg $0xC0  }
0xac: {  	_ =	task [dreg:s8], $0x5FFFF  }
0xad: {  	[dreg:$0x1] =	wrdreg $0xFFFFFFFF  }
0xae: {  	[dreg:$0x0] =	wrdreg $0x60  }
0xaf: {  	[dreg:$0x2] =	wrdreg s2  }
0xb0: {  	[dreg:$0x3] =	wrdreg s18  }
0xb1: {  	[dreg:$0x4] =	wrdreg s24  }
0xb2: {  	[dreg:$0x5] =	wrdreg $0x9  }
0xb3: {  	_ =	task.clear_ibuf [dreg:s8], $0x6FFFF;
	_ =	strace $0x90000046  }
0xb4: {  	s29 =	simm.s32 $0x9;
	_ =	strace $0x80000048  }
0xb5: {  	_ =	swait.ge [sflag:s29], $0x1  }
0xb6: {  	[sflag:s29] =	ssyncadd.s32 $0xFFFFFFFF  }
0xb7: {  	_ =	strace $0x90000048  }
0xb8: {  	_ =	sfence  }
0xb9: {  	s30 =	sld [smem:$0x0];
	_ =	sdelay $0x2  }
0xba: {  	s31 =	sshll.u32 s1, $0xD;
	s1 =	sshrl.u32 s1, $0x2  }
0xbb: {  	s3 =	sand.u32 $0x4000, s31;
	s1 =	sadd.s32 s1, s30  }
0xbc: {  	s0 =	sor.u32 s3, s0;
	s1 =	sshll.u32 s1, $0x11  }
0xbd: {  	s0 =	sor.u32 s1, s0  }
0xbe: {  	s0 =	sadd.s32 $0x8F2B, s0  }
0xbf: {  	[sflag:s0] =	ssyncadd.remote.s32 $0x1  }
0xc0: {  	_ =	sfence.sel $0xFFFF  }
0xc1: {  	[dreg:$0x0] =	wrdreg $0xFFFFFFFF;
	(pc) =	sbr.abs _section_cstart, $3  }
0xc2: {  	[dreg:$0x1] =	wrdreg $0xFFFFFFFF  }
0xc3: {  	_ =	task.clear_ibuf [dreg:s8], $0x2FFFF;
	_ =	strace $0x9FFFFFFF  }
0xc4: {  	(tm) =	ssettm $0x7FFFFFFF  }
0xc5: {  	_ =	shalt  }
tec
execute0_lowered:
.L_overlay_start_1:
0x0: {  	(tag) =	ssettag $0x1  }
0x1: {  	s12 =	rddreg [dreg:$0x0]  }
0x2: {  	s0 =	rddreg [dreg:$0x1]  }
0x3: {  	s1 =	srdreg.scid;
	s2 =	stileid.u32  }
0x4: {  	s3 =	rddreg [dreg:$0x2];
	s23 =	simm.s32 $0x3;
	s22 =	simm.s32 $0x78  }
0x5: {  	s13 =	simm.s32 $0x400;
	s24 =	simm.s32 $0x80;
	s14 =	simm.s32 $0x4000  }
0x6: {  	s25 =	simm.s32 $0x100;
	s15 =	simm.s32 $0x7C00;
	s26 =	simm.s32 $0x180  }
0x7: {  	s16 =	simm.s32 $0xB800;
	s28 =	simm.s32 $0x200;
	s17 =	simm.s32 $0xF400  }
0x8: {  	s29 =	simm.s32 $0x280;
	s18 =	simm.s32 $0x13000;
	p0 =	por $0x0, $0x0  }
0x9: {  	s30 =	simm.s32 $0x300;
	s19 =	simm.s32 $0x16C00;
	s31 =	simm.s32 $0x380  }
0xa: {  	s20 =	simm.s32 $0x1A800;
	s1 =	sand.u32 $0x1, s1;
	s4 =	sshll.u32 s2, $0x1  }
0xb: {  	s2 =	simm.s32 $0x0;
	s4 =	sor.u32 s1, s4;
	s1 =	ssub.s32 $0x2, s1  }
0xc: {  	s3 =	sadd.s32 $0x5E00, s3;
	[smem:$0x7FF] =	sst s2;
	s6 =	sshrl.u32 s1, $0x1  }
0xd: {  	s5 =	smul.u32 $0x1E000, s4;
	_ =	strace $0x80000047;
	s1 =	ssub.s32 s1, s6  }
0xe: {  	s7 =	sshll.u32 s4, $0x7;
	s4 =	smul.u32 $0x3C00, s4;
	s21 =	smax.u32 s1, $0x1  }
0xf: {  	s0 =	sadd.s32 s0, s7;
	s5 =	sshrl.u32 s5, $0x3;
	p1 =	sne.s32 s21, $0x1  }
.Ltmp0:
0x10: {  	[dreg:$0x4] =	wrdreg s0;
	s4 =	sadd.s32 s3, s4;
	(pc) =	sbr.rel @!p1 .LBB2_3-.Ltmp0, $4  }
0x11: {  	s11 =	sadd.s32 s3, s5;
	s1 =	sadd.s32 $0xFFFFFFFF, s21;
	s21 =	simm.s32 $0x1  }
0x12: {  	s3 =	simm.s32 $0x2;
	s0 =	rddreg [dreg:$0x4];
	s5 =	sadd.s32 $0x780, s11  }
0x13: {  	s6 =	sadd.s32 $0xF00, s11;
	s7 =	sadd.s32 $0x1680, s11;
	s8 =	sadd.s32 $0x1E00, s11  }
0x14: {  	s9 =	sadd.s32 $0x2580, s11;
	s10 =	sadd.s32 $0x2D00, s11;
	s11 =	sadd.s32 $0x3480, s11  }
0x15: {  	[tilespmem:s2], [sflag:$0x3] =	stream.linear.gather [hbm4b:s0+s2], $0x400, $0x38;
	[tilespmem:$0x1E400] =	vst v63  }
0x16: {  	_ =	swait.ge [sflag:s23], $0x400  }
0x17: {  	[sflag:s23] =	ssyncset.done $0x0  }
0x18: {  	[sflag:s23] =	ssyncadd.s32 $0xFFFFFC00  }
0x19: {  	[tilespmem:s13], [sflag:$0x1] =	stream.indirect.gather [hbm4b:s12+s22], $0x80, s2, s22, $0xb8;
	[tilespmem:$0x1E400] =	vst v63  }
0x1a: {  	_ = 	snop  }
0x1b: {  	[tilespmem:s14], [sflag:$0x1] =	stream.indirect.gather [hbm4b:s12+s22], $0x80, s24, s22, $0xb8;
	[tilespmem:$0x1E400] =	vst v63  }
0x1c: {  	_ = 	snop  }
0x1d: {  	[tilespmem:s15], [sflag:$0x1] =	stream.indirect.gather [hbm4b:s12+s22], $0x80, s25, s22, $0xb8;
	[tilespmem:$0x1E400] =	vst v63  }
0x1e: {  	_ = 	snop  }
0x1f: {  	[tilespmem:s16], [sflag:$0x1] =	stream.indirect.gather [hbm4b:s12+s22], $0x80, s26, s22, $0xb8;
	[tilespmem:$0x1E400] =	vst v63  }
0x20: {  	_ = 	snop  }
0x21: {  	[tilespmem:s17], [sflag:$0x1] =	stream.indirect.gather [hbm4b:s12+s22], $0x80, s28, s22, $0xb8;
	[tilespmem:$0x1E400] =	vst v63  }
0x22: {  	_ = 	snop  }
0x23: {  	[tilespmem:s18], [sflag:$0x1] =	stream.indirect.gather [hbm4b:s12+s22], $0x80, s29, s22, $0xb8;
	[tilespmem:$0x1E400] =	vst v63  }
0x24: {  	_ = 	snop  }
0x25: {  	[tilespmem:s19], [sflag:$0x1] =	stream.indirect.gather [hbm4b:s12+s22], $0x80, s30, s22, $0xb8;
	[tilespmem:$0x1E400] =	vst v63  }
0x26: {  	_ = 	snop  }
0x27: {  	[tilespmem:s20], [sflag:$0x1] =	stream.indirect.gather [hbm4b:s12+s22], $0x80, s31, s22, $0xb8;
	[tilespmem:$0x1E400] =	vst v63  }
0x28: {  	_ =	swait.ge [sflag:s21], $0x3C00  }
0x29: {  	[sflag:s21] =	ssyncset.done $0x0  }
0x2a: {  	[sflag:s21] =	ssyncadd.s32 $0xFFFFC400  }
0x2b: {  	_ =	swait.ge [sflag:s21], $0x3C00  }
0x2c: {  	[sflag:s21] =	ssyncset.done $0x0  }
0x2d: {  	[sflag:s21] =	ssyncadd.s32 $0xFFFFC400  }
0x2e: {  	_ =	swait.ge [sflag:s21], $0x3C00  }
0x2f: {  	[sflag:s21] =	ssyncset.done $0x0  }
0x30: {  	[sflag:s21] =	ssyncadd.s32 $0xFFFFC400  }
0x31: {  	_ =	swait.ge [sflag:s21], $0x3C00  }
0x32: {  	[sflag:s21] =	ssyncset.done $0x0  }
0x33: {  	[sflag:s21] =	ssyncadd.s32 $0xFFFFC400  }
0x34: {  	_ =	swait.ge [sflag:s21], $0x3C00  }
0x35: {  	[sflag:s21] =	ssyncset.done $0x0  }
0x36: {  	[sflag:s21] =	ssyncadd.s32 $0xFFFFC400  }
0x37: {  	_ =	swait.ge [sflag:s21], $0x3C00  }
0x38: {  	[sflag:s21] =	ssyncset.done $0x0  }
0x39: {  	[sflag:s21] =	ssyncadd.s32 $0xFFFFC400  }
0x3a: {  	_ =	swait.ge [sflag:s21], $0x3C00  }
0x3b: {  	[sflag:s21] =	ssyncset.done $0x0  }
0x3c: {  	[sflag:s21] =	ssyncadd.s32 $0xFFFFC400  }
0x3d: {  	_ =	swait.ge [sflag:s21], $0x3C00  }
0x3e: {  	[sflag:s21] =	ssyncset.done $0x0  }
0x3f: {  	[sflag:s21] =	ssyncadd.s32 $0xFFFFC400  }
0x40: {  	[hbm4b:s4+s2] =	stream.linear.scatter [tilespmem:s13], [sflag:$0x2], $0x3C00, $0x38;
	[tilespmem:$0x1E400] =	vst v63  }
0x41: {  	_ = 	snop  }
0x42: {  	[hbm4b:s5+s2] =	stream.linear.scatter [tilespmem:s14], [sflag:$0x2], $0x3C00, $0x38;
	[tilespmem:$0x1E400] =	vst v63  }
0x43: {  	_ = 	snop  }
0x44: {  	[hbm4b:s6+s2] =	stream.linear.scatter [tilespmem:s15], [sflag:$0x2], $0x3C00, $0x38;
	[tilespmem:$0x1E400] =	vst v63  }
0x45: {  	_ = 	snop  }
0x46: {  	[hbm4b:s7+s2] =	stream.linear.scatter [tilespmem:s16], [sflag:$0x2], $0x3C00, $0x38;
	[tilespmem:$0x1E400] =	vst v63  }
0x47: {  	_ = 	snop  }
0x48: {  	[hbm4b:s8+s2] =	stream.linear.scatter [tilespmem:s17], [sflag:$0x2], $0x3C00, $0x38;
	[tilespmem:$0x1E400] =	vst v63  }
0x49: {  	_ = 	snop  }
0x4a: {  	[hbm4b:s9+s2] =	stream.linear.scatter [tilespmem:s18], [sflag:$0x2], $0x3C00, $0x38;
	[tilespmem:$0x1E400] =	vst v63  }
0x4b: {  	_ = 	snop  }
0x4c: {  	[hbm4b:s10+s2] =	stream.linear.scatter [tilespmem:s19], [sflag:$0x2], $0x3C00, $0x38;
	[tilespmem:$0x1E400] =	vst v63  }
0x4d: {  	_ = 	snop  }
0x4e: {  	[hbm4b:s11+s2] =	stream.linear.scatter [tilespmem:s20], [sflag:$0x2], $0x3C00, $0x38;
	[tilespmem:$0x1E400] =	vst v63  }
0x4f: {  	_ =	swait.ge [sflag:s3], $0x3C00  }
0x50: {  	[sflag:s3] =	ssyncset.done $0x0  }
0x51: {  	[sflag:s3] =	ssyncadd.s32 $0xFFFFC400  }
0x52: {  	_ =	swait.ge [sflag:s3], $0x3C00  }
0x53: {  	[sflag:s3] =	ssyncset.done $0x0  }
0x54: {  	[sflag:s3] =	ssyncadd.s32 $0xFFFFC400  }
0x55: {  	_ =	swait.ge [sflag:s3], $0x3C00  }
0x56: {  	[sflag:s3] =	ssyncset.done $0x0  }
0x57: {  	[sflag:s3] =	ssyncadd.s32 $0xFFFFC400  }
0x58: {  	_ =	swait.ge [sflag:s3], $0x3C00  }
0x59: {  	[sflag:s3] =	ssyncset.done $0x0  }
0x5a: {  	[sflag:s3] =	ssyncadd.s32 $0xFFFFC400  }
0x5b: {  	_ =	swait.ge [sflag:s3], $0x3C00  }
0x5c: {  	[sflag:s3] =	ssyncset.done $0x0  }
0x5d: {  	[sflag:s3] =	ssyncadd.s32 $0xFFFFC400  }
0x5e: {  	_ =	swait.ge [sflag:s3], $0x3C00  }
0x5f: {  	[sflag:s3] =	ssyncset.done $0x0  }
0x60: {  	p1 =	sne.s32 s1, $0x1;
	[sflag:s3] =	ssyncadd.s32 $0xFFFFC400  }
.Ltmp1:
0x61: {  	_ =	swait.ge [sflag:s3], $0x3C00;
	(pc) =	sbr.rel @!p1 .LBB2_3-.Ltmp1, $4  }
0x62: {  	[sflag:s3] =	ssyncset.done $0x0  }
0x63: {  	[sflag:s3] =	ssyncadd.s32 $0xFFFFC400  }
0x64: {  	s1 =	sadd.s32 $0xFFFFFFFF, s1;
	_ =	swait.ge [sflag:s3], $0x3C00  }
0x65: {  	p0 =	por $0x1, $0x1;
	s0 =	rddreg [dreg:$0x4];
	[sflag:s3] =	ssyncset.done $0x0  }
.LBB2_2:
0x66: {  	[sflag:s3] =	ssyncadd.s32 $0xFFFFC400  }
0x67: {  	[tilespmem:s2], [sflag:$0x3] =	stream.linear.gather [hbm4b:s0+s2], $0x400, $0x38;
	[tilespmem:$0x1E400] =	vst v63  }
0x68: {  	_ =	swait.ge [sflag:s23], $0x400  }
0x69: {  	[sflag:s23] =	ssyncset.done $0x0  }
0x6a: {  	[sflag:s23] =	ssyncadd.s32 $0xFFFFFC00  }
0x6b: {  	[tilespmem:s13], [sflag:$0x1] =	stream.indirect.gather [hbm4b:s12+s22], $0x80, s2, s22, $0xb8;
	[tilespmem:$0x1E400] =	vst v63  }
0x6c: {  	_ = 	snop  }
0x6d: {  	[tilespmem:s14], [sflag:$0x1] =	stream.indirect.gather [hbm4b:s12+s22], $0x80, s24, s22, $0xb8;
	[tilespmem:$0x1E400] =	vst v63  }
0x6e: {  	_ = 	snop  }
0x6f: {  	[tilespmem:s15], [sflag:$0x1] =	stream.indirect.gather [hbm4b:s12+s22], $0x80, s25, s22, $0xb8;
	[tilespmem:$0x1E400] =	vst v63  }
0x70: {  	_ = 	snop  }
0x71: {  	[tilespmem:s16], [sflag:$0x1] =	stream.indirect.gather [hbm4b:s12+s22], $0x80, s26, s22, $0xb8;
	[tilespmem:$0x1E400] =	vst v63  }
0x72: {  	_ = 	snop  }
0x73: {  	[tilespmem:s17], [sflag:$0x1] =	stream.indirect.gather [hbm4b:s12+s22], $0x80, s28, s22, $0xb8;
	[tilespmem:$0x1E400] =	vst v63  }
0x74: {  	_ = 	snop  }
0x75: {  	[tilespmem:s18], [sflag:$0x1] =	stream.indirect.gather [hbm4b:s12+s22], $0x80, s29, s22, $0xb8;
	[tilespmem:$0x1E400] =	vst v63  }
0x76: {  	_ = 	snop  }
0x77: {  	[tilespmem:s19], [sflag:$0x1] =	stream.indirect.gather [hbm4b:s12+s22], $0x80, s30, s22, $0xb8;
	[tilespmem:$0x1E400] =	vst v63  }
0x78: {  	_ = 	snop  }
0x79: {  	[tilespmem:s20], [sflag:$0x1] =	stream.indirect.gather [hbm4b:s12+s22], $0x80, s31, s22, $0xb8;
	[tilespmem:$0x1E400] =	vst v63  }
0x7a: {  	_ =	swait.ge [sflag:s21], $0x3C00  }
0x7b: {  	[sflag:s21] =	ssyncset.done $0x0  }
0x7c: {  	[sflag:s21] =	ssyncadd.s32 $0xFFFFC400  }
0x7d: {  	_ =	swait.ge [sflag:s21], $0x3C00  }
0x7e: {  	[sflag:s21] =	ssyncset.done $0x0  }
0x7f: {  	[sflag:s21] =	ssyncadd.s32 $0xFFFFC400  }
0x80: {  	_ =	swait.ge [sflag:s21], $0x3C00  }
0x81: {  	[sflag:s21] =	ssyncset.done $0x0  }
0x82: {  	[sflag:s21] =	ssyncadd.s32 $0xFFFFC400  }
0x83: {  	_ =	swait.ge [sflag:s21], $0x3C00  }
0x84: {  	[sflag:s21] =	ssyncset.done $0x0  }
0x85: {  	[sflag:s21] =	ssyncadd.s32 $0xFFFFC400  }
0x86: {  	_ =	swait.ge [sflag:s21], $0x3C00  }
0x87: {  	[sflag:s21] =	ssyncset.done $0x0  }
0x88: {  	[sflag:s21] =	ssyncadd.s32 $0xFFFFC400  }
0x89: {  	_ =	swait.ge [sflag:s21], $0x3C00  }
0x8a: {  	[sflag:s21] =	ssyncset.done $0x0  }
0x8b: {  	[sflag:s21] =	ssyncadd.s32 $0xFFFFC400  }
0x8c: {  	_ =	swait.ge [sflag:s21], $0x3C00  }
0x8d: {  	[sflag:s21] =	ssyncset.done $0x0  }
0x8e: {  	[sflag:s21] =	ssyncadd.s32 $0xFFFFC400  }
0x8f: {  	_ =	swait.ge [sflag:s21], $0x3C00  }
0x90: {  	[sflag:s21] =	ssyncset.done $0x0  }
0x91: {  	[sflag:s21] =	ssyncadd.s32 $0xFFFFC400  }
0x92: {  	[hbm4b:s4+s2] =	stream.linear.scatter [tilespmem:s13], [sflag:$0x2], $0x3C00, $0x38;
	[tilespmem:$0x1E400] =	vst v63  }
0x93: {  	_ = 	snop  }
0x94: {  	[hbm4b:s5+s2] =	stream.linear.scatter [tilespmem:s14], [sflag:$0x2], $0x3C00, $0x38;
	[tilespmem:$0x1E400] =	vst v63  }
0x95: {  	_ = 	snop  }
0x96: {  	[hbm4b:s6+s2] =	stream.linear.scatter [tilespmem:s15], [sflag:$0x2], $0x3C00, $0x38;
	[tilespmem:$0x1E400] =	vst v63  }
0x97: {  	_ = 	snop  }
0x98: {  	[hbm4b:s7+s2] =	stream.linear.scatter [tilespmem:s16], [sflag:$0x2], $0x3C00, $0x38;
	[tilespmem:$0x1E400] =	vst v63  }
0x99: {  	_ = 	snop  }
0x9a: {  	[hbm4b:s8+s2] =	stream.linear.scatter [tilespmem:s17], [sflag:$0x2], $0x3C00, $0x38;
	[tilespmem:$0x1E400] =	vst v63  }
0x9b: {  	_ = 	snop  }
0x9c: {  	[hbm4b:s9+s2] =	stream.linear.scatter [tilespmem:s18], [sflag:$0x2], $0x3C00, $0x38;
	[tilespmem:$0x1E400] =	vst v63  }
0x9d: {  	_ = 	snop  }
0x9e: {  	[hbm4b:s10+s2] =	stream.linear.scatter [tilespmem:s19], [sflag:$0x2], $0x3C00, $0x38;
	[tilespmem:$0x1E400] =	vst v63  }
0x9f: {  	_ = 	snop  }
0xa0: {  	[hbm4b:s11+s2] =	stream.linear.scatter [tilespmem:s20], [sflag:$0x2], $0x3C00, $0x38;
	[tilespmem:$0x1E400] =	vst v63  }
0xa1: {  	_ =	swait.ge [sflag:s3], $0x3C00  }
0xa2: {  	[sflag:s3] =	ssyncset.done $0x0  }
0xa3: {  	[sflag:s3] =	ssyncadd.s32 $0xFFFFC400  }
0xa4: {  	_ =	swait.ge [sflag:s3], $0x3C00  }
0xa5: {  	[sflag:s3] =	ssyncset.done $0x0  }
0xa6: {  	[sflag:s3] =	ssyncadd.s32 $0xFFFFC400  }
0xa7: {  	_ =	swait.ge [sflag:s3], $0x3C00  }
0xa8: {  	[sflag:s3] =	ssyncset.done $0x0  }
0xa9: {  	[sflag:s3] =	ssyncadd.s32 $0xFFFFC400  }
0xaa: {  	_ =	swait.ge [sflag:s3], $0x3C00  }
0xab: {  	[sflag:s3] =	ssyncset.done $0x0  }
0xac: {  	[sflag:s3] =	ssyncadd.s32 $0xFFFFC400  }
0xad: {  	_ =	swait.ge [sflag:s3], $0x3C00  }
0xae: {  	[sflag:s3] =	ssyncset.done $0x0  }
0xaf: {  	[sflag:s3] =	ssyncadd.s32 $0xFFFFC400  }
0xb0: {  	_ =	swait.ge [sflag:s3], $0x3C00  }
0xb1: {  	[sflag:s3] =	ssyncset.done $0x0  }
0xb2: {  	p1 =	sne.s32 s1, $0x1;
	[sflag:s3] =	ssyncadd.s32 $0xFFFFC400  }
.Ltmp2:
0xb3: {  	_ =	swait.ge [sflag:s3], $0x3C00;
	(pc) =	sbr.rel @p1 .LBB2_2-.Ltmp2, $4  }
0xb4: {  	[sflag:s3] =	ssyncset.done $0x0  }
0xb5: {  	[sflag:s3] =	ssyncadd.s32 $0xFFFFC400  }
0xb6: {  	_ =	swait.ge [sflag:s3], $0x3C00  }
0xb7: {  	s1 =	sadd.s32 $0xFFFFFFFF, s1;
	s0 =	rddreg [dreg:$0x4];
	[sflag:s3] =	ssyncset.done $0x0  }
.LBB2_3:
0xb8: {  	[sflag:s3] =	ssyncadd.s32 @p0 $0xFFFFC400  }
0xb9: {  	[tilespmem:s2], [sflag:$0x3] =	stream.linear.gather [hbm4b:s0+s2], $0x400, $0x38;
	[tilespmem:$0x1E400] =	vst v63  }
0xba: {  	_ =	swait.ge [sflag:s23], $0x400  }
0xbb: {  	[sflag:s23] =	ssyncset.done $0x0  }
0xbc: {  	[sflag:s23] =	ssyncadd.s32 $0xFFFFFC00  }
0xbd: {  	[tilespmem:s13], [sflag:$0x1] =	stream.indirect.gather [hbm4b:s12+s22], $0x80, s2, s22, $0xb8;
	[tilespmem:$0x1E400] =	vst v63  }
0xbe: {  	_ = 	snop  }
0xbf: {  	[tilespmem:s14], [sflag:$0x1] =	stream.indirect.gather [hbm4b:s12+s22], $0x80, s24, s22, $0xb8;
	[tilespmem:$0x1E400] =	vst v63  }
0xc0: {  	_ = 	snop  }
0xc1: {  	[tilespmem:s15], [sflag:$0x1] =	stream.indirect.gather [hbm4b:s12+s22], $0x80, s25, s22, $0xb8;
	[tilespmem:$0x1E400] =	vst v63  }
0xc2: {  	_ = 	snop  }
0xc3: {  	[tilespmem:s16], [sflag:$0x1] =	stream.indirect.gather [hbm4b:s12+s22], $0x80, s26, s22, $0xb8;
	[tilespmem:$0x1E400] =	vst v63  }
0xc4: {  	_ = 	snop  }
0xc5: {  	[tilespmem:s17], [sflag:$0x1] =	stream.indirect.gather [hbm4b:s12+s22], $0x80, s28, s22, $0xb8;
	[tilespmem:$0x1E400] =	vst v63  }
0xc6: {  	_ = 	snop  }
0xc7: {  	[tilespmem:s18], [sflag:$0x1] =	stream.indirect.gather [hbm4b:s12+s22], $0x80, s29, s22, $0xb8;
	[tilespmem:$0x1E400] =	vst v63  }
0xc8: {  	_ = 	snop  }
0xc9: {  	[tilespmem:s19], [sflag:$0x1] =	stream.indirect.gather [hbm4b:s12+s22], $0x80, s30, s22, $0xb8;
	[tilespmem:$0x1E400] =	vst v63  }
0xca: {  	_ = 	snop  }
0xcb: {  	[tilespmem:s20], [sflag:$0x1] =	stream.indirect.gather [hbm4b:s12+s22], $0x80, s31, s22, $0xb8;
	[tilespmem:$0x1E400] =	vst v63  }
0xcc: {  	_ =	swait.ge [sflag:s21], $0x3C00  }
0xcd: {  	[sflag:s21] =	ssyncset.done $0x0  }
0xce: {  	[sflag:s21] =	ssyncadd.s32 $0xFFFFC400  }
0xcf: {  	_ =	swait.ge [sflag:s21], $0x3C00  }
0xd0: {  	[sflag:s21] =	ssyncset.done $0x0  }
0xd1: {  	[sflag:s21] =	ssyncadd.s32 $0xFFFFC400  }
0xd2: {  	_ =	swait.ge [sflag:s21], $0x3C00  }
0xd3: {  	[sflag:s21] =	ssyncset.done $0x0  }
0xd4: {  	[sflag:s21] =	ssyncadd.s32 $0xFFFFC400  }
0xd5: {  	_ =	swait.ge [sflag:s21], $0x3C00  }
0xd6: {  	[sflag:s21] =	ssyncset.done $0x0  }
0xd7: {  	[sflag:s21] =	ssyncadd.s32 $0xFFFFC400  }
0xd8: {  	_ =	swait.ge [sflag:s21], $0x3C00  }
0xd9: {  	[sflag:s21] =	ssyncset.done $0x0  }
0xda: {  	[sflag:s21] =	ssyncadd.s32 $0xFFFFC400  }
0xdb: {  	_ =	swait.ge [sflag:s21], $0x3C00  }
0xdc: {  	[sflag:s21] =	ssyncset.done $0x0  }
0xdd: {  	[sflag:s21] =	ssyncadd.s32 $0xFFFFC400  }
0xde: {  	_ =	swait.ge [sflag:s21], $0x3C00  }
0xdf: {  	[sflag:s21] =	ssyncset.done $0x0  }
0xe0: {  	[sflag:s21] =	ssyncadd.s32 $0xFFFFC400  }
0xe1: {  	_ =	swait.ge [sflag:s21], $0x3C00  }
0xe2: {  	[sflag:s21] =	ssyncset.done $0x0  }
0xe3: {  	[sflag:s21] =	ssyncadd.s32 $0xFFFFC400  }
0xe4: {  	[hbm4b:s4+s2] =	stream.linear.scatter [tilespmem:s13], [sflag:$0x2], $0x3C00, $0x38;
	[tilespmem:$0x1E400] =	vst v63  }
0xe5: {  	_ = 	snop  }
0xe6: {  	[hbm4b:s5+s2] =	stream.linear.scatter [tilespmem:s14], [sflag:$0x2], $0x3C00, $0x38;
	[tilespmem:$0x1E400] =	vst v63  }
0xe7: {  	_ = 	snop  }
0xe8: {  	[hbm4b:s6+s2] =	stream.linear.scatter [tilespmem:s15], [sflag:$0x2], $0x3C00, $0x38;
	[tilespmem:$0x1E400] =	vst v63  }
0xe9: {  	_ = 	snop  }
0xea: {  	[hbm4b:s7+s2] =	stream.linear.scatter [tilespmem:s16], [sflag:$0x2], $0x3C00, $0x38;
	[tilespmem:$0x1E400] =	vst v63  }
0xeb: {  	_ = 	snop  }
0xec: {  	[hbm4b:s8+s2] =	stream.linear.scatter [tilespmem:s17], [sflag:$0x2], $0x3C00, $0x38;
	[tilespmem:$0x1E400] =	vst v63  }
0xed: {  	_ = 	snop  }
0xee: {  	[hbm4b:s9+s2] =	stream.linear.scatter [tilespmem:s18], [sflag:$0x2], $0x3C00, $0x38;
	[tilespmem:$0x1E400] =	vst v63  }
0xef: {  	_ = 	snop  }
0xf0: {  	[hbm4b:s10+s2] =	stream.linear.scatter [tilespmem:s19], [sflag:$0x2], $0x3C00, $0x38;
	[tilespmem:$0x1E400] =	vst v63  }
0xf1: {  	_ = 	snop  }
0xf2: {  	[hbm4b:s11+s2] =	stream.linear.scatter [tilespmem:s20], [sflag:$0x2], $0x3C00, $0x38;
	[tilespmem:$0x1E400] =	vst v63  }
0xf3: {  	_ =	swait.ge [sflag:s3], $0x3C00  }
0xf4: {  	[sflag:s3] =	ssyncset.done $0x0  }
0xf5: {  	[sflag:s3] =	ssyncadd.s32 $0xFFFFC400  }
0xf6: {  	_ =	swait.ge [sflag:s3], $0x3C00  }
0xf7: {  	[sflag:s3] =	ssyncset.done $0x0  }
0xf8: {  	[sflag:s3] =	ssyncadd.s32 $0xFFFFC400  }
0xf9: {  	_ =	swait.ge [sflag:s3], $0x3C00  }
0xfa: {  	[sflag:s3] =	ssyncset.done $0x0  }
0xfb: {  	[sflag:s3] =	ssyncadd.s32 $0xFFFFC400  }
0xfc: {  	_ =	swait.ge [sflag:s3], $0x3C00  }
0xfd: {  	[sflag:s3] =	ssyncset.done $0x0  }
0xfe: {  	[sflag:s3] =	ssyncadd.s32 $0xFFFFC400  }
0xff: {  	_ =	swait.ge [sflag:s3], $0x3C00  }
0x100: {  	[sflag:s3] =	ssyncset.done $0x0  }
0x101: {  	[sflag:s3] =	ssyncadd.s32 $0xFFFFC400  }
0x102: {  	_ =	swait.ge [sflag:s3], $0x3C00  }
0x103: {  	[sflag:s3] =	ssyncset.done $0x0  }
0x104: {  	[sflag:s3] =	ssyncadd.s32 $0xFFFFC400  }
0x105: {  	_ =	swait.ge [sflag:s3], $0x3C00  }
0x106: {  	[sflag:s3] =	ssyncset.done $0x0  }
0x107: {  	[sflag:s3] =	ssyncadd.s32 $0xFFFFC400  }
0x108: {  	_ =	swait.ge [sflag:s3], $0x3C00  }
0x109: {  	[sflag:s3] =	ssyncset.done $0x0  }
0x10a: {  	[sflag:s3] =	ssyncadd.s32 $0xFFFFC400  }
0x10b: {  	_ =	sfence.sel $0x180000  }
0x10c: {  	[bflag:$0x0] =	sbarrier.arrive $0xFFFF  }
0x10d: {  	_ =	strace $0x90000047  }
0x10e: {  	s31 =	stileid.u32;
	[bflag:$0x2] =	sbarrier.arrive $0xFFFF  }
0x10f: {  	p0 =	sne.s32 s31, $0x0;
	s0 =	rddreg [dreg:$0x3]  }
0x110: {  	s0 =	sadd.s32 @!p0 $0x100000, s0  }
0x111: {  	[sflag:s0] =	ssyncadd.tile.s32 @!p0 $0x1;
	_ =	shalt  }
.Lfunc_end2:
_tile_overlayer_lowered:
.L_overlay_start_2:
0x112: {  	(tag) =	ssettag $0x2  }
0x113: {  	s0 =	rddreg [dreg:$0x0];
	s2 =	stileid.u32  }
0x114: {  	s1 =	rddreg [dreg:$0x1];
	p0 =	sne.s32 s2, $0x0  }
0x115: {  	s3 =	rddreg [dreg:$0x2];
	[bflag:$0x3] =	sbarrier.arrive $0xFFFF;
	s2 =	simm.s32 @!p0 $0x1C03  }
0x116: {  	[timem:s3], [sflag:s2] =	dma.local @!p0 [hbm:s0], s1  }
0x117: {  	s0 =	simm.s32 @!p0 $0x3  }
0x118: {  	_ =	swait.ge @!p0 [sflag:s0], s1  }
0x119: {  	s1 =	ssub.s32 @!p0 $0x0, s1;
	[sflag:s0] =	ssyncset.done @!p0 $0x0  }
0x11a: {  	[sflag:s0] =	ssyncadd.s32 @!p0 s1  }
0x11b: {  	[bflag:$0x3] =	sbarrier.arrive $0xFFFF  }
0x11c: {  	_ =	shalt  }

</sc_bundles>
